<compile_context>
chip_gen: v7x
topology: tpu7x:2x2x1
jax: 0.10.2.dev20260603
libtpu: 0.0.44.dev20260713+nightly
codegen_flags: <defaults>
</compile_context>

<pallas_src>
import functools

import jax
import jax.numpy as jnp
from jax import lax
from jax.experimental import pallas as pl
from jax.experimental.pallas import tpu as pltpu
from jax.experimental.pallas import tpu_sc as plsc

_SPREAD = 1.0e-4
_LAMBDA_TC = 0.5
_LAMBDA_CVAR = 0.1
_TARGET_VOL = 0.001
_QUANTILE = 0.1
_LAMBDA_L2 = 0.02

_N = 16384
_M = 200
_TOT = _N * _M
_K = max(1, int(_QUANTILE * _TOT))

_NW = 32
_RPW = _N // _NW
_EPW = _RPW * _M
_B = 4096

_F32MAX = 3.4e38


def _rsqrt_sc(x):
    i = lax.bitcast_convert_type(x, jnp.int32)
    i = jnp.int32(0x5F3759DF) - lax.shift_right_logical(i, 1)
    y = lax.bitcast_convert_type(i, jnp.float32)
    for _ in range(3):
        y = y * (1.5 - 0.5 * x * y * y)
    return y


def _sc_body(tflat_hbm, sig_hbm, prev_hbm, cnt_hbm, sum_hbm, st_hbm,
             data_v, sig_v, prev_v, pos_v, cnt_v, sum_v, st_v,
             semA, semB):
    wid = lax.axis_index("c") * 16 + lax.axis_index("s")

    _H = _EPW // 2
    cpA = pltpu.async_copy(tflat_hbm.at[pl.ds(wid * _EPW, _H)],
                           data_v.at[pl.ds(0, _H)], semA)
    cpB = pltpu.async_copy(tflat_hbm.at[pl.ds(wid * _EPW + _H, _H)],
                           data_v.at[pl.ds(_H, _H)], semB)
    pltpu.sync_copy(sig_hbm.at[pl.ds(wid * _RPW, _RPW)],
                    sig_v.at[pl.ds(0, _RPW)])
    pltpu.sync_copy(prev_hbm.at[pl.ds(wid * _RPW, _RPW)],
                    prev_v.at[pl.ds(0, _RPW)])

    lane = lax.iota(jnp.int32, 16)
    lane_lt8 = lane < 8
    zz = jnp.zeros((16,), jnp.float32)

    @plsc.parallel_loop(0, _B // 16, step=1, unroll=8)
    def _zero(i):
        cnt_v[pl.ds(i * 16, 16)] = zz
        sum_v[pl.ds(i * 16, 16)] = zz

    init = (zz, jnp.full((16,), _F32MAX, jnp.float32),
            jnp.full((16,), -_F32MAX, jnp.float32))
    cpA.wait()

    def _pair_body(r, c):
        acc_pnl, acc_mn, acc_mx = c
        base = r * (2 * _M)
        v = [data_v[pl.ds(base + k * 16, 16)] for k in range(25)]
        half0 = lambda x, fill: jnp.where(lane_lt8, x, fill)
        half1 = lambda x, fill: jnp.where(lane_lt8, fill, x)

        s0v = v[0]
        q0v = v[0] * v[0]
        mn0v = v[0]
        mx0v = v[0]
        for k in range(1, 12):
            s0v = s0v + v[k]
            q0v = q0v + v[k] * v[k]
            mn0v = jnp.minimum(mn0v, v[k])
            mx0v = jnp.maximum(mx0v, v[k])
        s0v = s0v + half0(v[12], 0.0)
        q0v = q0v + half0(v[12] * v[12], 0.0)
        mn0v = jnp.minimum(mn0v, half0(v[12], _F32MAX))
        mx0v = jnp.maximum(mx0v, half0(v[12], -_F32MAX))

        s1v = v[13]
        q1v = v[13] * v[13]
        mn1v = v[13]
        mx1v = v[13]
        for k in range(14, 25):
            s1v = s1v + v[k]
            q1v = q1v + v[k] * v[k]
            mn1v = jnp.minimum(mn1v, v[k])
            mx1v = jnp.maximum(mx1v, v[k])
        s1v = s1v + half1(v[12], 0.0)
        q1v = q1v + half1(v[12] * v[12], 0.0)
        mn1v = jnp.minimum(mn1v, half1(v[12], _F32MAX))
        mx1v = jnp.maximum(mx1v, half1(v[12], -_F32MAX))

        sgp = sig_v[pl.ds(2 * r, 16)]
        for (sv, qv, mnv, mxv, li) in ((s0v, q0v, mn0v, mx0v, 0),
                                       (s1v, q1v, mn1v, mx1v, 1)):
            s = jnp.full((16,), jnp.sum(sv), jnp.float32)
            q = jnp.full((16,), jnp.sum(qv), jnp.float32)
            var = (q - s * s * (1.0 / _M)) * (1.0 / (_M - 1))
            var = jnp.maximum(var, 1e-16)
            y = _rsqrt_sc(var)
            vol = jnp.maximum(var * y, 1e-8)
            scale = jnp.clip(_TARGET_VOL / vol, 0.1, 3.0)
            sg = jnp.full((16,), sgp[li], jnp.float32)
            pos = sg * scale
            pos_v[pl.ds((2 * r + li) * 16, 16)] = pos
            acc_pnl = acc_pnl + pos * s
            acc_mn = jnp.minimum(acc_mn,
                                 jnp.minimum(pos * mnv, pos * mxv))
            acc_mx = jnp.maximum(acc_mx,
                                 jnp.maximum(pos * mnv, pos * mxv))
        return (acc_pnl, acc_mn, acc_mx)

    mid = plsc.parallel_loop(0, _RPW // 4, step=1, unroll=2,
                             carry=init)(_pair_body)
    cpB.wait()
    acc_pnl, acc_mn, acc_mx = plsc.parallel_loop(
        _RPW // 4, _RPW // 2, step=1, unroll=2, carry=mid)(_pair_body)

    init2 = (zz, zz)

    @plsc.parallel_loop(0, _RPW // 16, step=1, unroll=4, carry=init2)
    def _sig(i, c):
        a, l = c
        sv = sig_v[pl.ds(i * 16, 16)]
        pv = prev_v[pl.ds(i * 16, 16)]
        return (a + jnp.abs(sv - pv), l + sv * sv)

    acc_abs, acc_l2 = _sig

    mn_t = jnp.full((16,), jnp.min(acc_mn), jnp.float32)
    mx_t = jnp.full((16,), jnp.max(acc_mx), jnp.float32)
    invw = float(_B) / jnp.maximum(mx_t - mn_t, 1e-30)
    onev = jnp.full((16,), 1.0, jnp.float32)
    bmax = jnp.full((16,), _B - 1, jnp.int32)
    bmin = jnp.full((16,), 0, jnp.int32)

    @plsc.parallel_loop(0, _RPW // 2, step=1, unroll=2)
    def _hist(r):
        p0 = pos_v[pl.ds((2 * r) * 16, 16)]
        p1 = pos_v[pl.ds((2 * r + 1) * 16, 16)]
        pm = jnp.where(lane_lt8, p0, p1)
        base = r * (2 * _M)
        for k in range(25):
            pv = p0 if k < 12 else (pm if k == 12 else p1)
            x = data_v[pl.ds(base + k * 16, 16)]
            bar = pv * x
            b = ((bar - mn_t) * invw).astype(jnp.int32)
            b = jnp.minimum(jnp.maximum(b, bmin), bmax)
            plsc.addupdate_scatter(cnt_v, [b], onev)
            plsc.addupdate_scatter(sum_v, [b], bar)

    st_v[pl.ds(0, 16)] = acc_pnl
    st_v[pl.ds(16, 16)] = acc_abs
    st_v[pl.ds(32, 16)] = acc_l2
    st_v[pl.ds(48, 16)] = mn_t
    st_v[pl.ds(64, 16)] = mx_t
    st_v[pl.ds(80, 16)] = zz
    st_v[pl.ds(96, 16)] = zz
    st_v[pl.ds(112, 16)] = zz

    pltpu.sync_copy(cnt_v, cnt_hbm.at[wid])
    pltpu.sync_copy(sum_v, sum_hbm.at[wid])
    pltpu.sync_copy(st_v, st_hbm.at[wid])


_sc_call = functools.partial(
    pl.kernel,
    mesh=plsc.VectorSubcoreMesh(core_axis_name="c", subcore_axis_name="s"),
    out_type=[
        jax.ShapeDtypeStruct((_NW, _B), jnp.float32),
        jax.ShapeDtypeStruct((_NW, _B), jnp.float32),
        jax.ShapeDtypeStruct((_NW, 128), jnp.float32),
    ],
    scratch_types=[
        pltpu.VMEM((_EPW,), jnp.float32),
        pltpu.VMEM((_RPW + 16,), jnp.float32),
        pltpu.VMEM((_RPW + 16,), jnp.float32),
        pltpu.VMEM((_RPW * 16,), jnp.float32),
        pltpu.VMEM((_B,), jnp.float32),
        pltpu.VMEM((_B,), jnp.float32),
        pltpu.VMEM((128,), jnp.float32),
        pltpu.SemaphoreType.DMA,
        pltpu.SemaphoreType.DMA,
    ],
    compiler_params=pltpu.CompilerParams(needs_layout_passes=False),
)(_sc_body)


def _merge_body(cnt_ref, sum_ref, st_ref, out_ref):
    cnt = cnt_ref[...]
    sm = sum_ref[...]
    st = st_ref[...]
    lane = lax.broadcasted_iota(jnp.int32, (_NW, 128), 1)
    col0 = (lane == 0).astype(jnp.float32)
    pnl_sum = jnp.sum(jnp.where(lane == 0, st, 0.0))
    abs_sum = jnp.sum(jnp.where((lane >= 16) & (lane < 32), st, 0.0))
    sq_sum = jnp.sum(jnp.where((lane >= 32) & (lane < 48), st, 0.0))
    mn_w = jnp.sum(jnp.where(lane == 48, st, 0.0), axis=1, keepdims=True)
    mx_w = jnp.sum(jnp.where(lane == 64, st, 0.0), axis=1, keepdims=True)
    w_w = (mx_w - mn_w) * (1.0 / _B)

    j = lax.broadcasted_iota(jnp.int32, (_NW, _B), 1).astype(jnp.float32)
    upper = mn_w + (j + 1.0) * w_w
    lower = mn_w + j * w_w

    kf = jnp.float32(_K)

    lo = jnp.min(mn_w)
    hi = jnp.max(mx_w) + 1e-30

    def level(tl, th):
        step = (th - tl) * (1.0 / 16.0)
        best = tl
        for i in range(1, 17):
            t = tl + step * jnp.float32(i)
            cf = jnp.sum(jnp.where(upper <= t, cnt, 0.0))
            best = jnp.where(cf <= kf, t, best)
        return best, best + step

    t1, t1h = level(lo, hi)
    t2, _ = level(t1, t1h)

    fully = (upper <= t2).astype(jnp.float32)
    strad = jnp.logical_and(lower < t2, upper > t2).astype(jnp.float32)
    c_b = jnp.sum(cnt * fully)
    s_b = jnp.sum(sm * fully)
    sc_cnt = jnp.sum(cnt * strad)
    sc_sum = jnp.sum(sm * strad)
    t_hat = sc_sum / jnp.maximum(sc_cnt, 1.0)
    s_k = s_b + (kf - c_b) * t_hat

    turnover = abs_sum * (1.0 / _N)
    tc_cost = _LAMBDA_TC * turnover * _SPREAD
    cvar = -(s_k * (1.0 / _K))
    loss = (-(pnl_sum * (1.0 / _N)) + tc_cost + _LAMBDA_CVAR * cvar
            + _LAMBDA_L2 * (sq_sum * (1.0 / _N)))
    del col0
    out_ref[...] = jnp.full((1, 1), loss, jnp.float32)


_merge_call = pl.pallas_call(
    _merge_body,
    in_specs=[
        pl.BlockSpec((_NW, _B), lambda: (0, 0)),
        pl.BlockSpec((_NW, _B), lambda: (0, 0)),
        pl.BlockSpec((_NW, 128), lambda: (0, 0)),
    ],
    out_specs=pl.BlockSpec((1, 1), lambda: (0, 0)),
    out_shape=jax.ShapeDtypeStruct((1, 1), jnp.float32),
)


def kernel(signal, targets, prev_sig):
    cnt, sm, st = _sc_call(targets.reshape(-1), signal.reshape(-1), prev_sig)
    out = _merge_call(cnt, sm, st)
    return out[0, 0]

# --- scband reference (transcript-rebuilt; emitter-appended) ---
"""Pipeline reference for scband-real-pn-lloss-2534030704730 (READ-ONLY COPY).

The authoritative reference and input builder live on the scoring server;
editing this copy changes nothing except your own understanding.
"""

import jax, jax.numpy as jnp
import numpy as np

SPREAD = 1.0 * 1e-4
LAMBDA_TC = 0.5
LAMBDA_CVAR = 0.1
TARGET_VOL = 0.001
QUANTILE = 0.1
LAMBDA_L2 = 0.02


def setup_inputs(seed: int = 0) -> dict:
    key = jax.random.key(seed)
    k1, k2, k3 = jax.random.split(key, 3)
    signal = jax.random.normal(k1, (16384, 1), dtype=jnp.float32)
    targets = jax.random.normal(k2, (16384, 200), dtype=jnp.float32) * 0.001
    prev_sig = jax.random.normal(k3, (16384,), dtype=jnp.float32)
    return {"signal": signal, "targets": targets, "prev_sig": prev_sig}


def reference(signal, targets, prev_sig):
    sig = jnp.squeeze(signal, -1)
    # torch .std(dim=1) is unbiased (ddof=1)
    realized_vol = jnp.clip(jnp.std(targets, axis=1, ddof=1), 1e-08, None)
    scale = jnp.clip(TARGET_VOL / realized_vol, 0.1, 3.0)
    pos = sig * scale
    r_net = jnp.sum(targets, axis=1)
    pnl = pos * r_net
    turnover = jnp.mean(jnp.abs(sig - prev_sig))
    tc_cost = LAMBDA_TC * turnover * SPREAD
    pos_expanded = pos[:, None] * jnp.ones_like(targets)
    bar_pnl = (pos_expanded * targets).reshape(-1)
    k = max(1, int(QUANTILE * bar_pnl.size))
    # torch.topk(largest=False) -> negate, take top_k, negate back
    worst_k = -jax.lax.top_k(-bar_pnl, k)[0]
    cvar = -jnp.mean(worst_k)
    cvar_pen = LAMBDA_CVAR * cvar
    l2_pen = LAMBDA_L2 * jnp.mean(sig ** 2)
    return -jnp.mean(pnl) + tc_cost + cvar_pen + l2_pen

if __name__ == "__main__":
    import jax
    _d = setup_inputs()
    print(jax.jit(kernel)(*tuple(_d.values())))

</pallas_src>

<mosaic_0001>
#map = affine_map<(d0, d1) -> (0)>
#map1 = affine_map<(d0, d1) -> (0, 0)>
module attributes {stable_mosaic.version = 14 : i64} {
  func.func @_sc_body(%arg0: i32, %arg1: i32, %arg2: memref<3276800xf32, #tpu.memory_space<hbm>>, %arg3: memref<16384xf32, #tpu.memory_space<hbm>>, %arg4: memref<16384xf32, #tpu.memory_space<hbm>>, %arg5: memref<32x4096xf32, #tpu.memory_space<hbm>>, %arg6: memref<32x4096xf32, #tpu.memory_space<hbm>>, %arg7: memref<32x128xf32, #tpu.memory_space<hbm>>, %arg8: memref<102400xf32, #tpu.memory_space<vmem>>, %arg9: memref<528xf32, #tpu.memory_space<vmem>>, %arg10: memref<528xf32, #tpu.memory_space<vmem>>, %arg11: memref<8192xf32, #tpu.memory_space<vmem>>, %arg12: memref<4096xf32, #tpu.memory_space<vmem>>, %arg13: memref<4096xf32, #tpu.memory_space<vmem>>, %arg14: memref<128xf32, #tpu.memory_space<vmem>>, %arg15: memref<!tpu.dma_semaphore, #tpu.memory_space<semaphore_mem>>, %arg16: memref<!tpu.dma_semaphore, #tpu.memory_space<semaphore_mem>>) attributes {dimension_semantics = [#tpu.dimension_semantics<core_parallel>, #tpu.dimension_semantics<subcore_parallel>], iteration_bounds = array<i64: 2, 16>, scalar_prefetch = 0 : i64, scratch_operands = 9 : i64, tpu.core_type = #tpu.core_type<sc_vector_subcore>, window_params = [{transform_indices = #map}, {transform_indices = #map}, {transform_indices = #map}, {transform_indices = #map1}, {transform_indices = #map1}, {transform_indices = #map1}]} {
    %mul3A = arith.constant 16 : i32
    %mul3A_0 = arith.muli %arg0, %mul3A : i32
    %add3A = arith.addi %mul3A_0, %arg1 : i32
    %mul3A_1 = arith.constant 102400 : i32
    %mul3A_2 = arith.muli %add3A, %mul3A_1 : i32
    %dma_start3A = arith.constant 0 : i32
    %dma_start3A_3 = tpu.memref_slice %arg8[%dma_start3A] : memref<102400xf32, #tpu.memory_space<vmem>> -> memref<51200xf32, #tpu.memory_space<vmem>>
    %dma_start3A_4 = tpu.memref_slice %arg2[%mul3A_2] : memref<3276800xf32, #tpu.memory_space<hbm>> -> memref<51200xf32, #tpu.memory_space<hbm>>
    %dma_start3A_5 = arith.constant 0 : i32
    %dma_start3A_6 = tpu.memref_slice %arg8[%dma_start3A_5] : memref<102400xf32, #tpu.memory_space<vmem>> -> memref<51200xf32, #tpu.memory_space<vmem>>
    %dma_start3A_7 = tpu.memref_slice %arg2[%mul3A_2] : memref<3276800xf32, #tpu.memory_space<hbm>> -> memref<51200xf32, #tpu.memory_space<hbm>>
    tpu.enqueue_dma source(%dma_start3A_7 : memref<51200xf32, #tpu.memory_space<hbm>>) target(%dma_start3A_6 : memref<51200xf32, #tpu.memory_space<vmem>>) target_semaphore(%arg15 : memref<!tpu.dma_semaphore, #tpu.memory_space<semaphore_mem>>)
    %mul3A_8 = arith.constant 102400 : i32
    %mul3A_9 = arith.muli %add3A, %mul3A_8 : i32
    %add3A_10 = arith.constant 51200 : i32
    %add3A_11 = arith.addi %mul3A_9, %add3A_10 : i32
    %dma_start3A_12 = arith.constant 51200 : i32
    %dma_start3A_13 = tpu.memref_slice %arg8[%dma_start3A_12] : memref<102400xf32, #tpu.memory_space<vmem>> -> memref<51200xf32, #tpu.memory_space<vmem>>
    %dma_start3A_14 = tpu.memref_slice %arg2[%add3A_11] : memref<3276800xf32, #tpu.memory_space<hbm>> -> memref<51200xf32, #tpu.memory_space<hbm>>
    %dma_start3A_15 = arith.constant 51200 : i32
    %dma_start3A_16 = tpu.memref_slice %arg8[%dma_start3A_15] : memref<102400xf32, #tpu.memory_space<vmem>> -> memref<51200xf32, #tpu.memory_space<vmem>>
    %dma_start3A_17 = tpu.memref_slice %arg2[%add3A_11] : memref<3276800xf32, #tpu.memory_space<hbm>> -> memref<51200xf32, #tpu.memory_space<hbm>>
    tpu.enqueue_dma source(%dma_start3A_17 : memref<51200xf32, #tpu.memory_space<hbm>>) target(%dma_start3A_16 : memref<51200xf32, #tpu.memory_space<vmem>>) target_semaphore(%arg16 : memref<!tpu.dma_semaphore, #tpu.memory_space<semaphore_mem>>)
    %mul3A_18 = arith.constant 512 : i32
    %mul3A_19 = arith.muli %add3A, %mul3A_18 : i32
    "tpu.region"() ({
      %run_scoped3A = tpu.sem_alloc : memref<!tpu.dma_semaphore, #tpu.memory_space<semaphore_mem>>
      %dma_start3A_90 = arith.constant 0 : i32
      %dma_start3A_91 = tpu.memref_slice %arg9[%dma_start3A_90] : memref<528xf32, #tpu.memory_space<vmem>> -> memref<512xf32, #tpu.memory_space<vmem>>
      %dma_start3A_92 = tpu.memref_slice %arg3[%mul3A_19] : memref<16384xf32, #tpu.memory_space<hbm>> -> memref<512xf32, #tpu.memory_space<hbm>>
      %dma_start3A_93 = arith.constant 0 : i32
      %dma_start3A_94 = tpu.memref_slice %arg9[%dma_start3A_93] : memref<528xf32, #tpu.memory_space<vmem>> -> memref<512xf32, #tpu.memory_space<vmem>>
      %dma_start3A_95 = tpu.memref_slice %arg3[%mul3A_19] : memref<16384xf32, #tpu.memory_space<hbm>> -> memref<512xf32, #tpu.memory_space<hbm>>
      tpu.enqueue_dma source(%dma_start3A_95 : memref<512xf32, #tpu.memory_space<hbm>>) target(%dma_start3A_94 : memref<512xf32, #tpu.memory_space<vmem>>) target_semaphore(%run_scoped3A : memref<!tpu.dma_semaphore, #tpu.memory_space<semaphore_mem>>)
      %dma_wait3A_96 = arith.constant 0 : i32
      %dma_wait3A_97 = tpu.memref_slice %arg9[%dma_wait3A_96] : memref<528xf32, #tpu.memory_space<vmem>> -> memref<512xf32, #tpu.memory_space<vmem>>
      %dma_wait3A_98 = tpu.memref_slice %arg3[%mul3A_19] : memref<16384xf32, #tpu.memory_space<hbm>> -> memref<512xf32, #tpu.memory_space<hbm>>
      %dma_wait3A_99 = arith.constant 0 : i32
      %dma_wait3A_100 = tpu.memref_slice %arg9[%dma_wait3A_99] : memref<528xf32, #tpu.memory_space<vmem>> -> memref<512xf32, #tpu.memory_space<vmem>>
      %dma_wait3A_101 = tpu.memref_slice %arg3[%mul3A_19] : memref<16384xf32, #tpu.memory_space<hbm>> -> memref<512xf32, #tpu.memory_space<hbm>>
      tpu.wait_dma2 semaphore(%run_scoped3A : memref<!tpu.dma_semaphore, #tpu.memory_space<semaphore_mem>>) src(%dma_wait3A_101 : memref<512xf32, #tpu.memory_space<hbm>>) dst(%dma_wait3A_100 : memref<512xf32, #tpu.memory_space<vmem>>)
      tpu.yield
    }) : () -> ()
    %mul3A_20 = arith.constant 512 : i32
    %mul3A_21 = arith.muli %add3A, %mul3A_20 : i32
    "tpu.region"() ({
      %run_scoped3A = tpu.sem_alloc : memref<!tpu.dma_semaphore, #tpu.memory_space<semaphore_mem>>
      %dma_start3A_90 = arith.constant 0 : i32
      %dma_start3A_91 = tpu.memref_slice %arg10[%dma_start3A_90] : memref<528xf32, #tpu.memory_space<vmem>> -> memref<512xf32, #tpu.memory_space<vmem>>
      %dma_start3A_92 = tpu.memref_slice %arg4[%mul3A_21] : memref<16384xf32, #tpu.memory_space<hbm>> -> memref<512xf32, #tpu.memory_space<hbm>>
      %dma_start3A_93 = arith.constant 0 : i32
      %dma_start3A_94 = tpu.memref_slice %arg10[%dma_start3A_93] : memref<528xf32, #tpu.memory_space<vmem>> -> memref<512xf32, #tpu.memory_space<vmem>>
      %dma_start3A_95 = tpu.memref_slice %arg4[%mul3A_21] : memref<16384xf32, #tpu.memory_space<hbm>> -> memref<512xf32, #tpu.memory_space<hbm>>
      tpu.enqueue_dma source(%dma_start3A_95 : memref<512xf32, #tpu.memory_space<hbm>>) target(%dma_start3A_94 : memref<512xf32, #tpu.memory_space<vmem>>) target_semaphore(%run_scoped3A : memref<!tpu.dma_semaphore, #tpu.memory_space<semaphore_mem>>)
      %dma_wait3A_96 = arith.constant 0 : i32
      %dma_wait3A_97 = tpu.memref_slice %arg10[%dma_wait3A_96] : memref<528xf32, #tpu.memory_space<vmem>> -> memref<512xf32, #tpu.memory_space<vmem>>
      %dma_wait3A_98 = tpu.memref_slice %arg4[%mul3A_21] : memref<16384xf32, #tpu.memory_space<hbm>> -> memref<512xf32, #tpu.memory_space<hbm>>
      %dma_wait3A_99 = arith.constant 0 : i32
      %dma_wait3A_100 = tpu.memref_slice %arg10[%dma_wait3A_99] : memref<528xf32, #tpu.memory_space<vmem>> -> memref<512xf32, #tpu.memory_space<vmem>>
      %dma_wait3A_101 = tpu.memref_slice %arg4[%mul3A_21] : memref<16384xf32, #tpu.memory_space<hbm>> -> memref<512xf32, #tpu.memory_space<hbm>>
      tpu.wait_dma2 semaphore(%run_scoped3A : memref<!tpu.dma_semaphore, #tpu.memory_space<semaphore_mem>>) src(%dma_wait3A_101 : memref<512xf32, #tpu.memory_space<hbm>>) dst(%dma_wait3A_100 : memref<512xf32, #tpu.memory_space<vmem>>)
      tpu.yield
    }) : () -> ()
    %iota3A = tpu.iota {dimensions = array<i32: 0>} : vector<16xi32>
    %lt3A = arith.constant 8 : i32
    %lt3A_22 = vector.broadcast %lt3A : i32 to vector<16xi32>
    %lt3A_23 = arith.cmpi slt, %iota3A, %lt3A_22 : vector<16xi32>
    %broadcast_in_dim3A = arith.constant 0.000000e+00 : f32
    %broadcast_in_dim3A_24 = vector.broadcast %broadcast_in_dim3A : f32 to vector<16xf32>
    %parallel_loop3A = arith.constant 0 : i32
    %parallel_loop3A_25 = arith.constant 256 : i32
    %parallel_loop3A_26 = arith.constant 1 : i32
    scf.for %parallel_loop3A_90 = %parallel_loop3A to %parallel_loop3A_25 step %parallel_loop3A_26  : i32 {
      %parallel_loop3A_91 = arith.constant 16 : i32
      %parallel_loop3A_92 = arith.muli %parallel_loop3A_90, %parallel_loop3A_91 : i32
      %parallel_loop3A_93 = arith.index_cast %parallel_loop3A_92 : i32 to index
      %parallel_loop3A_94 = tpu.vector_load %arg12[%parallel_loop3A_93] {strides = array<i32>} : memref<4096xf32, #tpu.memory_space<vmem>>, vector<16xf32>,
      tpu.vector_store %arg12[%parallel_loop3A_93], %broadcast_in_dim3A_24 {strides = array<i32>} : memref<4096xf32, #tpu.memory_space<vmem>>, vector<16xf32>,
      %parallel_loop3A_95 = arith.constant 16 : i32
      %parallel_loop3A_96 = arith.muli %parallel_loop3A_90, %parallel_loop3A_95 : i32
      %parallel_loop3A_97 = arith.index_cast %parallel_loop3A_96 : i32 to index
      %parallel_loop3A_98 = tpu.vector_load %arg13[%parallel_loop3A_97] {strides = array<i32>} : memref<4096xf32, #tpu.memory_space<vmem>>, vector<16xf32>,
      tpu.vector_store %arg13[%parallel_loop3A_97], %broadcast_in_dim3A_24 {strides = array<i32>} : memref<4096xf32, #tpu.memory_space<vmem>>, vector<16xf32>,
    } {sc.loop_unroll_factor = 8 : i64, sc.parallel_access}
    %broadcast_in_dim3A_27 = arith.constant 3.400000e+38 : f32
    %broadcast_in_dim3A_28 = vector.broadcast %broadcast_in_dim3A_27 : f32 to vector<16xf32>
    %broadcast_in_dim3A_29 = arith.constant -3.400000e+38 : f32
    %broadcast_in_dim3A_30 = vector.broadcast %broadcast_in_dim3A_29 : f32 to vector<16xf32>
    %dma_wait3A = arith.constant 0 : i32
    %dma_wait3A_31 = tpu.memref_slice %arg8[%dma_wait3A] : memref<102400xf32, #tpu.memory_space<vmem>> -> memref<51200xf32, #tpu.memory_space<vmem>>
    %dma_wait3A_32 = tpu.memref_slice %arg2[%mul3A_2] : memref<3276800xf32, #tpu.memory_space<hbm>> -> memref<51200xf32, #tpu.memory_space<hbm>>
    %dma_wait3A_33 = arith.constant 0 : i32
    %dma_wait3A_34 = tpu.memref_slice %arg8[%dma_wait3A_33] : memref<102400xf32, #tpu.memory_space<vmem>> -> memref<51200xf32, #tpu.memory_space<vmem>>
    %dma_wait3A_35 = tpu.memref_slice %arg2[%mul3A_2] : memref<3276800xf32, #tpu.memory_space<hbm>> -> memref<51200xf32, #tpu.memory_space<hbm>>
    tpu.wait_dma2 semaphore(%arg15 : memref<!tpu.dma_semaphore, #tpu.memory_space<semaphore_mem>>) src(%dma_wait3A_35 : memref<51200xf32, #tpu.memory_space<hbm>>) dst(%dma_wait3A_34 : memref<51200xf32, #tpu.memory_space<vmem>>)
    %parallel_loop3A_36 = arith.constant 0 : i32
    %parallel_loop3A_37 = arith.constant 128 : i32
    %parallel_loop3A_38 = arith.constant 1 : i32
    %parallel_loop3A_39:3 = scf.for %parallel_loop3A_90 = %parallel_loop3A_36 to %parallel_loop3A_37 step %parallel_loop3A_38 iter_args(%parallel_loop3A_91 = %broadcast_in_dim3A_24, %parallel_loop3A_92 = %broadcast_in_dim3A_28, %parallel_loop3A_93 = %broadcast_in_dim3A_30) -> (vector<16xf32>, vector<16xf32>, vector<16xf32>)  : i32 {
      %parallel_loop3A_94 = arith.constant 400 : i32
      %parallel_loop3A_95 = arith.muli %parallel_loop3A_90, %parallel_loop3A_94 : i32
      %parallel_loop3A_96 = arith.constant 0 : i32
      %parallel_loop3A_97 = arith.addi %parallel_loop3A_95, %parallel_loop3A_96 : i32
      %parallel_loop3A_98 = arith.index_cast %parallel_loop3A_97 : i32 to index
      %parallel_loop3A_99 = tpu.vector_load %arg8[%parallel_loop3A_98] {strides = array<i32>} : memref<102400xf32, #tpu.memory_space<vmem>>, vector<16xf32>,
      %parallel_loop3A_100 = arith.constant 16 : i32
      %parallel_loop3A_101 = arith.addi %parallel_loop3A_95, %parallel_loop3A_100 : i32
      %parallel_loop3A_102 = arith.index_cast %parallel_loop3A_101 : i32 to index
      %parallel_loop3A_103 = tpu.vector_load %arg8[%parallel_loop3A_102] {strides = array<i32>} : memref<102400xf32, #tpu.memory_space<vmem>>, vector<16xf32>,
      %parallel_loop3A_104 = arith.constant 32 : i32
      %parallel_loop3A_105 = arith.addi %parallel_loop3A_95, %parallel_loop3A_104 : i32
      %parallel_loop3A_106 = arith.index_cast %parallel_loop3A_105 : i32 to index
      %parallel_loop3A_107 = tpu.vector_load %arg8[%parallel_loop3A_106] {strides = array<i32>} : memref<102400xf32, #tpu.memory_space<vmem>>, vector<16xf32>,
      %parallel_loop3A_108 = arith.constant 48 : i32
      %parallel_loop3A_109 = arith.addi %parallel_loop3A_95, %parallel_loop3A_108 : i32
      %parallel_loop3A_110 = arith.index_cast %parallel_loop3A_109 : i32 to index
      %parallel_loop3A_111 = tpu.vector_load %arg8[%parallel_loop3A_110] {strides = array<i32>} : memref<102400xf32, #tpu.memory_space<vmem>>, vector<16xf32>,
      %parallel_loop3A_112 = arith.constant 64 : i32
      %parallel_loop3A_113 = arith.addi %parallel_loop3A_95, %parallel_loop3A_112 : i32
      %parallel_loop3A_114 = arith.index_cast %parallel_loop3A_113 : i32 to index
      %parallel_loop3A_115 = tpu.vector_load %arg8[%parallel_loop3A_114] {strides = array<i32>} : memref<102400xf32, #tpu.memory_space<vmem>>, vector<16xf32>,
      %parallel_loop3A_116 = arith.constant 80 : i32
      %parallel_loop3A_117 = arith.addi %parallel_loop3A_95, %parallel_loop3A_116 : i32
      %parallel_loop3A_118 = arith.index_cast %parallel_loop3A_117 : i32 to index
      %parallel_loop3A_119 = tpu.vector_load %arg8[%parallel_loop3A_118] {strides = array<i32>} : memref<102400xf32, #tpu.memory_space<vmem>>, vector<16xf32>,
      %parallel_loop3A_120 = arith.constant 96 : i32
      %parallel_loop3A_121 = arith.addi %parallel_loop3A_95, %parallel_loop3A_120 : i32
      %parallel_loop3A_122 = arith.index_cast %parallel_loop3A_121 : i32 to index
      %parallel_loop3A_123 = tpu.vector_load %arg8[%parallel_loop3A_122] {strides = array<i32>} : memref<102400xf32, #tpu.memory_space<vmem>>, vector<16xf32>,
      %parallel_loop3A_124 = arith.constant 112 : i32
      %parallel_loop3A_125 = arith.addi %parallel_loop3A_95, %parallel_loop3A_124 : i32
      %parallel_loop3A_126 = arith.index_cast %parallel_loop3A_125 : i32 to index
      %parallel_loop3A_127 = tpu.vector_load %arg8[%parallel_loop3A_126] {strides = array<i32>} : memref<102400xf32, #tpu.memory_space<vmem>>, vector<16xf32>,
      %parallel_loop3A_128 = arith.constant 128 : i32
      %parallel_loop3A_129 = arith.addi %parallel_loop3A_95, %parallel_loop3A_128 : i32
      %parallel_loop3A_130 = arith.index_cast %parallel_loop3A_129 : i32 to index
      %parallel_loop3A_131 = tpu.vector_load %arg8[%parallel_loop3A_130] {strides = array<i32>} : memref<102400xf32, #tpu.memory_space<vmem>>, vector<16xf32>,
      %parallel_loop3A_132 = arith.constant 144 : i32
      %parallel_loop3A_133 = arith.addi %parallel_loop3A_95, %parallel_loop3A_132 : i32
      %parallel_loop3A_134 = arith.index_cast %parallel_loop3A_133 : i32 to index
      %parallel_loop3A_135 = tpu.vector_load %arg8[%parallel_loop3A_134] {strides = array<i32>} : memref<102400xf32, #tpu.memory_space<vmem>>, vector<16xf32>,
      %parallel_loop3A_136 = arith.constant 160 : i32
      %parallel_loop3A_137 = arith.addi %parallel_loop3A_95, %parallel_loop3A_136 : i32
      %parallel_loop3A_138 = arith.index_cast %parallel_loop3A_137 : i32 to index
      %parallel_loop3A_139 = tpu.vector_load %arg8[%parallel_loop3A_138] {strides = array<i32>} : memref<102400xf32, #tpu.memory_space<vmem>>, vector<16xf32>,
      %parallel_loop3A_140 = arith.constant 176 : i32
      %parallel_loop3A_141 = arith.addi %parallel_loop3A_95, %parallel_loop3A_140 : i32
      %parallel_loop3A_142 = arith.index_cast %parallel_loop3A_141 : i32 to index
      %parallel_loop3A_143 = tpu.vector_load %arg8[%parallel_loop3A_142] {strides = array<i32>} : memref<102400xf32, #tpu.memory_space<vmem>>, vector<16xf32>,
      %parallel_loop3A_144 = arith.constant 192 : i32
      %parallel_loop3A_145 = arith.addi %parallel_loop3A_95, %parallel_loop3A_144 : i32
      %parallel_loop3A_146 = arith.index_cast %parallel_loop3A_145 : i32 to index
      %parallel_loop3A_147 = tpu.vector_load %arg8[%parallel_loop3A_146] {strides = array<i32>} : memref<102400xf32, #tpu.memory_space<vmem>>, vector<16xf32>,
      %parallel_loop3A_148 = arith.constant 208 : i32
      %parallel_loop3A_149 = arith.addi %parallel_loop3A_95, %parallel_loop3A_148 : i32
      %parallel_loop3A_150 = arith.index_cast %parallel_loop3A_149 : i32 to index
      %parallel_loop3A_151 = tpu.vector_load %arg8[%parallel_loop3A_150] {strides = array<i32>} : memref<102400xf32, #tpu.memory_space<vmem>>, vector<16xf32>,
      %parallel_loop3A_152 = arith.constant 224 : i32
      %parallel_loop3A_153 = arith.addi %parallel_loop3A_95, %parallel_loop3A_152 : i32
      %parallel_loop3A_154 = arith.index_cast %parallel_loop3A_153 : i32 to index
      %parallel_loop3A_155 = tpu.vector_load %arg8[%parallel_loop3A_154] {strides = array<i32>} : memref<102400xf32, #tpu.memory_space<vmem>>, vector<16xf32>,
      %parallel_loop3A_156 = arith.constant 240 : i32
      %parallel_loop3A_157 = arith.addi %parallel_loop3A_95, %parallel_loop3A_156 : i32
      %parallel_loop3A_158 = arith.index_cast %parallel_loop3A_157 : i32 to index
      %parallel_loop3A_159 = tpu.vector_load %arg8[%parallel_loop3A_158] {strides = array<i32>} : memref<102400xf32, #tpu.memory_space<vmem>>, vector<16xf32>,
      %parallel_loop3A_160 = arith.constant 256 : i32
      %parallel_loop3A_161 = arith.addi %parallel_loop3A_95, %parallel_loop3A_160 : i32
      %parallel_loop3A_162 = arith.index_cast %parallel_loop3A_161 : i32 to index
      %parallel_loop3A_163 = tpu.vector_load %arg8[%parallel_loop3A_162] {strides = array<i32>} : memref<102400xf32, #tpu.memory_space<vmem>>, vector<16xf32>,
      %parallel_loop3A_164 = arith.constant 272 : i32
      %parallel_loop3A_165 = arith.addi %parallel_loop3A_95, %parallel_loop3A_164 : i32
      %parallel_loop3A_166 = arith.index_cast %parallel_loop3A_165 : i32 to index
      %parallel_loop3A_167 = tpu.vector_load %arg8[%parallel_loop3A_166] {strides = array<i32>} : memref<102400xf32, #tpu.memory_space<vmem>>, vector<16xf32>,
      %parallel_loop3A_168 = arith.constant 288 : i32
      %parallel_loop3A_169 = arith.addi %parallel_loop3A_95, %parallel_loop3A_168 : i32
      %parallel_loop3A_170 = arith.index_cast %parallel_loop3A_169 : i32 to index
      %parallel_loop3A_171 = tpu.vector_load %arg8[%parallel_loop3A_170] {strides = array<i32>} : memref<102400xf32, #tpu.memory_space<vmem>>, vector<16xf32>,
      %parallel_loop3A_172 = arith.constant 304 : i32
      %parallel_loop3A_173 = arith.addi %parallel_loop3A_95, %parallel_loop3A_172 : i32
      %parallel_loop3A_174 = arith.index_cast %parallel_loop3A_173 : i32 to index
      %parallel_loop3A_175 = tpu.vector_load %arg8[%parallel_loop3A_174] {strides = array<i32>} : memref<102400xf32, #tpu.memory_space<vmem>>, vector<16xf32>,
      %parallel_loop3A_176 = arith.constant 320 : i32
      %parallel_loop3A_177 = arith.addi %parallel_loop3A_95, %parallel_loop3A_176 : i32
      %parallel_loop3A_178 = arith.index_cast %parallel_loop3A_177 : i32 to index
      %parallel_loop3A_179 = tpu.vector_load %arg8[%parallel_loop3A_178] {strides = array<i32>} : memref<102400xf32, #tpu.memory_space<vmem>>, vector<16xf32>,
      %parallel_loop3A_180 = arith.constant 336 : i32
      %parallel_loop3A_181 = arith.addi %parallel_loop3A_95, %parallel_loop3A_180 : i32
      %parallel_loop3A_182 = arith.index_cast %parallel_loop3A_181 : i32 to index
      %parallel_loop3A_183 = tpu.vector_load %arg8[%parallel_loop3A_182] {strides = array<i32>} : memref<102400xf32, #tpu.memory_space<vmem>>, vector<16xf32>,
      %parallel_loop3A_184 = arith.constant 352 : i32
      %parallel_loop3A_185 = arith.addi %parallel_loop3A_95, %parallel_loop3A_184 : i32
      %parallel_loop3A_186 = arith.index_cast %parallel_loop3A_185 : i32 to index
      %parallel_loop3A_187 = tpu.vector_load %arg8[%parallel_loop3A_186] {strides = array<i32>} : memref<102400xf32, #tpu.memory_space<vmem>>, vector<16xf32>,
      %parallel_loop3A_188 = arith.constant 368 : i32
      %parallel_loop3A_189 = arith.addi %parallel_loop3A_95, %parallel_loop3A_188 : i32
      %parallel_loop3A_190 = arith.index_cast %parallel_loop3A_189 : i32 to index
      %parallel_loop3A_191 = tpu.vector_load %arg8[%parallel_loop3A_190] {strides = array<i32>} : memref<102400xf32, #tpu.memory_space<vmem>>, vector<16xf32>,
      %parallel_loop3A_192 = arith.constant 384 : i32
      %parallel_loop3A_193 = arith.addi %parallel_loop3A_95, %parallel_loop3A_192 : i32
      %parallel_loop3A_194 = arith.index_cast %parallel_loop3A_193 : i32 to index
      %parallel_loop3A_195 = tpu.vector_load %arg8[%parallel_loop3A_194] {strides = array<i32>} : memref<102400xf32, #tpu.memory_space<vmem>>, vector<16xf32>,
      %parallel_loop3A_196 = arith.mulf %parallel_loop3A_99, %parallel_loop3A_99 : vector<16xf32>
      %parallel_loop3A_197 = arith.addf %parallel_loop3A_99, %parallel_loop3A_103 : vector<16xf32>
      %parallel_loop3A_198 = arith.mulf %parallel_loop3A_103, %parallel_loop3A_103 : vector<16xf32>
      %parallel_loop3A_199 = arith.addf %parallel_loop3A_196, %parallel_loop3A_198 : vector<16xf32>
      %parallel_loop3A_200 = arith.minimumf %parallel_loop3A_99, %parallel_loop3A_103 : vector<16xf32>
      %parallel_loop3A_201 = arith.maximumf %parallel_loop3A_99, %parallel_loop3A_103 : vector<16xf32>
      %parallel_loop3A_202 = arith.addf %parallel_loop3A_197, %parallel_loop3A_107 : vector<16xf32>
      %parallel_loop3A_203 = arith.mulf %parallel_loop3A_107, %parallel_loop3A_107 : vector<16xf32>
      %parallel_loop3A_204 = arith.addf %parallel_loop3A_199, %parallel_loop3A_203 : vector<16xf32>
      %parallel_loop3A_205 = arith.minimumf %parallel_loop3A_200, %parallel_loop3A_107 : vector<16xf32>
      %parallel_loop3A_206 = arith.maximumf %parallel_loop3A_201, %parallel_loop3A_107 : vector<16xf32>
      %parallel_loop3A_207 = arith.addf %parallel_loop3A_202, %parallel_loop3A_111 : vector<16xf32>
      %parallel_loop3A_208 = arith.mulf %parallel_loop3A_111, %parallel_loop3A_111 : vector<16xf32>
      %parallel_loop3A_209 = arith.addf %parallel_loop3A_204, %parallel_loop3A_208 : vector<16xf32>
      %parallel_loop3A_210 = arith.minimumf %parallel_loop3A_205, %parallel_loop3A_111 : vector<16xf32>
      %parallel_loop3A_211 = arith.maximumf %parallel_loop3A_206, %parallel_loop3A_111 : vector<16xf32>
      %parallel_loop3A_212 = arith.addf %parallel_loop3A_207, %parallel_loop3A_115 : vector<16xf32>
      %parallel_loop3A_213 = arith.mulf %parallel_loop3A_115, %parallel_loop3A_115 : vector<16xf32>
      %parallel_loop3A_214 = arith.addf %parallel_loop3A_209, %parallel_loop3A_213 : vector<16xf32>
      %parallel_loop3A_215 = arith.minimumf %parallel_loop3A_210, %parallel_loop3A_115 : vector<16xf32>
      %parallel_loop3A_216 = arith.maximumf %parallel_loop3A_211, %parallel_loop3A_115 : vector<16xf32>
      %parallel_loop3A_217 = arith.addf %parallel_loop3A_212, %parallel_loop3A_119 : vector<16xf32>
      %parallel_loop3A_218 = arith.mulf %parallel_loop3A_119, %parallel_loop3A_119 : vector<16xf32>
      %parallel_loop3A_219 = arith.addf %parallel_loop3A_214, %parallel_loop3A_218 : vector<16xf32>
      %parallel_loop3A_220 = arith.minimumf %parallel_loop3A_215, %parallel_loop3A_119 : vector<16xf32>
      %parallel_loop3A_221 = arith.maximumf %parallel_loop3A_216, %parallel_loop3A_119 : vector<16xf32>
      %parallel_loop3A_222 = arith.addf %parallel_loop3A_217, %parallel_loop3A_123 : vector<16xf32>
      %parallel_loop3A_223 = arith.mulf %parallel_loop3A_123, %parallel_loop3A_123 : vector<16xf32>
      %parallel_loop3A_224 = arith.addf %parallel_loop3A_219, %parallel_loop3A_223 : vector<16xf32>
      %parallel_loop3A_225 = arith.minimumf %parallel_loop3A_220, %parallel_loop3A_123 : vector<16xf32>
      %parallel_loop3A_226 = arith.maximumf %parallel_loop3A_221, %parallel_loop3A_123 : vector<16xf32>
      %parallel_loop3A_227 = arith.addf %parallel_loop3A_222, %parallel_loop3A_127 : vector<16xf32>
      %parallel_loop3A_228 = arith.mulf %parallel_loop3A_127, %parallel_loop3A_127 : vector<16xf32>
      %parallel_loop3A_229 = arith.addf %parallel_loop3A_224, %parallel_loop3A_228 : vector<16xf32>
      %parallel_loop3A_230 = arith.minimumf %parallel_loop3A_225, %parallel_loop3A_127 : vector<16xf32>
      %parallel_loop3A_231 = arith.maximumf %parallel_loop3A_226, %parallel_loop3A_127 : vector<16xf32>
      %parallel_loop3A_232 = arith.addf %parallel_loop3A_227, %parallel_loop3A_131 : vector<16xf32>
      %parallel_loop3A_233 = arith.mulf %parallel_loop3A_131, %parallel_loop3A_131 : vector<16xf32>
      %parallel_loop3A_234 = arith.addf %parallel_loop3A_229, %parallel_loop3A_233 : vector<16xf32>
      %parallel_loop3A_235 = arith.minimumf %parallel_loop3A_230, %parallel_loop3A_131 : vector<16xf32>
      %parallel_loop3A_236 = arith.maximumf %parallel_loop3A_231, %parallel_loop3A_131 : vector<16xf32>
      %parallel_loop3A_237 = arith.addf %parallel_loop3A_232, %parallel_loop3A_135 : vector<16xf32>
      %parallel_loop3A_238 = arith.mulf %parallel_loop3A_135, %parallel_loop3A_135 : vector<16xf32>
      %parallel_loop3A_239 = arith.addf %parallel_loop3A_234, %parallel_loop3A_238 : vector<16xf32>
      %parallel_loop3A_240 = arith.minimumf %parallel_loop3A_235, %parallel_loop3A_135 : vector<16xf32>
      %parallel_loop3A_241 = arith.maximumf %parallel_loop3A_236, %parallel_loop3A_135 : vector<16xf32>
      %parallel_loop3A_242 = arith.addf %parallel_loop3A_237, %parallel_loop3A_139 : vector<16xf32>
      %parallel_loop3A_243 = arith.mulf %parallel_loop3A_139, %parallel_loop3A_139 : vector<16xf32>
      %parallel_loop3A_244 = arith.addf %parallel_loop3A_239, %parallel_loop3A_243 : vector<16xf32>
      %parallel_loop3A_245 = arith.minimumf %parallel_loop3A_240, %parallel_loop3A_139 : vector<16xf32>
      %parallel_loop3A_246 = arith.maximumf %parallel_loop3A_241, %parallel_loop3A_139 : vector<16xf32>
      %parallel_loop3A_247 = arith.addf %parallel_loop3A_242, %parallel_loop3A_143 : vector<16xf32>
      %parallel_loop3A_248 = arith.mulf %parallel_loop3A_143, %parallel_loop3A_143 : vector<16xf32>
      %parallel_loop3A_249 = arith.addf %parallel_loop3A_244, %parallel_loop3A_248 : vector<16xf32>
      %parallel_loop3A_250 = arith.minimumf %parallel_loop3A_245, %parallel_loop3A_143 : vector<16xf32>
      %parallel_loop3A_251 = arith.maximumf %parallel_loop3A_246, %parallel_loop3A_143 : vector<16xf32>
      %parallel_loop3A_252 = arith.constant 0.000000e+00 : f32
      %parallel_loop3A_253 = vector.broadcast %parallel_loop3A_252 : f32 to vector<16xf32>
      %parallel_loop3A_254 = arith.select %lt3A_23, %parallel_loop3A_147, %parallel_loop3A_253 : vector<16xi1>, vector<16xf32>
      %parallel_loop3A_255 = arith.addf %parallel_loop3A_247, %parallel_loop3A_254 : vector<16xf32>
      %parallel_loop3A_256 = arith.mulf %parallel_loop3A_147, %parallel_loop3A_147 : vector<16xf32>
      %parallel_loop3A_257 = arith.constant 0.000000e+00 : f32
      %parallel_loop3A_258 = vector.broadcast %parallel_loop3A_257 : f32 to vector<16xf32>
      %parallel_loop3A_259 = arith.select %lt3A_23, %parallel_loop3A_256, %parallel_loop3A_258 : vector<16xi1>, vector<16xf32>
      %parallel_loop3A_260 = arith.addf %parallel_loop3A_249, %parallel_loop3A_259 : vector<16xf32>
      %parallel_loop3A_261 = arith.constant 3.400000e+38 : f32
      %parallel_loop3A_262 = vector.broadcast %parallel_loop3A_261 : f32 to vector<16xf32>
      %parallel_loop3A_263 = arith.select %lt3A_23, %parallel_loop3A_147, %parallel_loop3A_262 : vector<16xi1>, vector<16xf32>
      %parallel_loop3A_264 = arith.minimumf %parallel_loop3A_250, %parallel_loop3A_263 : vector<16xf32>
      %parallel_loop3A_265 = arith.constant -3.400000e+38 : f32
      %parallel_loop3A_266 = vector.broadcast %parallel_loop3A_265 : f32 to vector<16xf32>
      %parallel_loop3A_267 = arith.select %lt3A_23, %parallel_loop3A_147, %parallel_loop3A_266 : vector<16xi1>, vector<16xf32>
      %parallel_loop3A_268 = arith.maximumf %parallel_loop3A_251, %parallel_loop3A_267 : vector<16xf32>
      %parallel_loop3A_269 = arith.mulf %parallel_loop3A_151, %parallel_loop3A_151 : vector<16xf32>
      %parallel_loop3A_270 = arith.addf %parallel_loop3A_151, %parallel_loop3A_155 : vector<16xf32>
      %parallel_loop3A_271 = arith.mulf %parallel_loop3A_155, %parallel_loop3A_155 : vector<16xf32>
      %parallel_loop3A_272 = arith.addf %parallel_loop3A_269, %parallel_loop3A_271 : vector<16xf32>
      %parallel_loop3A_273 = arith.minimumf %parallel_loop3A_151, %parallel_loop3A_155 : vector<16xf32>
      %parallel_loop3A_274 = arith.maximumf %parallel_loop3A_151, %parallel_loop3A_155 : vector<16xf32>
      %parallel_loop3A_275 = arith.addf %parallel_loop3A_270, %parallel_loop3A_159 : vector<16xf32>
      %parallel_loop3A_276 = arith.mulf %parallel_loop3A_159, %parallel_loop3A_159 : vector<16xf32>
      %parallel_loop3A_277 = arith.addf %parallel_loop3A_272, %parallel_loop3A_276 : vector<16xf32>
      %parallel_loop3A_278 = arith.minimumf %parallel_loop3A_273, %parallel_loop3A_159 : vector<16xf32>
      %parallel_loop3A_279 = arith.maximumf %parallel_loop3A_274, %parallel_loop3A_159 : vector<16xf32>
      %parallel_loop3A_280 = arith.addf %parallel_loop3A_275, %parallel_loop3A_163 : vector<16xf32>
      %parallel_loop3A_281 = arith.mulf %parallel_loop3A_163, %parallel_loop3A_163 : vector<16xf32>
      %parallel_loop3A_282 = arith.addf %parallel_loop3A_277, %parallel_loop3A_281 : vector<16xf32>
      %parallel_loop3A_283 = arith.minimumf %parallel_loop3A_278, %parallel_loop3A_163 : vector<16xf32>
      %parallel_loop3A_284 = arith.maximumf %parallel_loop3A_279, %parallel_loop3A_163 : vector<16xf32>
      %parallel_loop3A_285 = arith.addf %parallel_loop3A_280, %parallel_loop3A_167 : vector<16xf32>
      %parallel_loop3A_286 = arith.mulf %parallel_loop3A_167, %parallel_loop3A_167 : vector<16xf32>
      %parallel_loop3A_287 = arith.addf %parallel_loop3A_282, %parallel_loop3A_286 : vector<16xf32>
      %parallel_loop3A_288 = arith.minimumf %parallel_loop3A_283, %parallel_loop3A_167 : vector<16xf32>
      %parallel_loop3A_289 = arith.maximumf %parallel_loop3A_284, %parallel_loop3A_167 : vector<16xf32>
      %parallel_loop3A_290 = arith.addf %parallel_loop3A_285, %parallel_loop3A_171 : vector<16xf32>
      %parallel_loop3A_291 = arith.mulf %parallel_loop3A_171, %parallel_loop3A_171 : vector<16xf32>
      %parallel_loop3A_292 = arith.addf %parallel_loop3A_287, %parallel_loop3A_291 : vector<16xf32>
      %parallel_loop3A_293 = arith.minimumf %parallel_loop3A_288, %parallel_loop3A_171 : vector<16xf32>
      %parallel_loop3A_294 = arith.maximumf %parallel_loop3A_289, %parallel_loop3A_171 : vector<16xf32>
      %parallel_loop3A_295 = arith.addf %parallel_loop3A_290, %parallel_loop3A_175 : vector<16xf32>
      %parallel_loop3A_296 = arith.mulf %parallel_loop3A_175, %parallel_loop3A_175 : vector<16xf32>
      %parallel_loop3A_297 = arith.addf %parallel_loop3A_292, %parallel_loop3A_296 : vector<16xf32>
      %parallel_loop3A_298 = arith.minimumf %parallel_loop3A_293, %parallel_loop3A_175 : vector<16xf32>
      %parallel_loop3A_299 = arith.maximumf %parallel_loop3A_294, %parallel_loop3A_175 : vector<16xf32>
      %parallel_loop3A_300 = arith.addf %parallel_loop3A_295, %parallel_loop3A_179 : vector<16xf32>
      %parallel_loop3A_301 = arith.mulf %parallel_loop3A_179, %parallel_loop3A_179 : vector<16xf32>
      %parallel_loop3A_302 = arith.addf %parallel_loop3A_297, %parallel_loop3A_301 : vector<16xf32>
      %parallel_loop3A_303 = arith.minimumf %parallel_loop3A_298, %parallel_loop3A_179 : vector<16xf32>
      %parallel_loop3A_304 = arith.maximumf %parallel_loop3A_299, %parallel_loop3A_179 : vector<16xf32>
      %parallel_loop3A_305 = arith.addf %parallel_loop3A_300, %parallel_loop3A_183 : vector<16xf32>
      %parallel_loop3A_306 = arith.mulf %parallel_loop3A_183, %parallel_loop3A_183 : vector<16xf32>
      %parallel_loop3A_307 = arith.addf %parallel_loop3A_302, %parallel_loop3A_306 : vector<16xf32>
      %parallel_loop3A_308 = arith.minimumf %parallel_loop3A_303, %parallel_loop3A_183 : vector<16xf32>
      %parallel_loop3A_309 = arith.maximumf %parallel_loop3A_304, %parallel_loop3A_183 : vector<16xf32>
      %parallel_loop3A_310 = arith.addf %parallel_loop3A_305, %parallel_loop3A_187 : vector<16xf32>
      %parallel_loop3A_311 = arith.mulf %parallel_loop3A_187, %parallel_loop3A_187 : vector<16xf32>
      %parallel_loop3A_312 = arith.addf %parallel_loop3A_307, %parallel_loop3A_311 : vector<16xf32>
      %parallel_loop3A_313 = arith.minimumf %parallel_loop3A_308, %parallel_loop3A_187 : vector<16xf32>
      %parallel_loop3A_314 = arith.maximumf %parallel_loop3A_309, %parallel_loop3A_187 : vector<16xf32>
      %parallel_loop3A_315 = arith.addf %parallel_loop3A_310, %parallel_loop3A_191 : vector<16xf32>
      %parallel_loop3A_316 = arith.mulf %parallel_loop3A_191, %parallel_loop3A_191 : vector<16xf32>
      %parallel_loop3A_317 = arith.addf %parallel_loop3A_312, %parallel_loop3A_316 : vector<16xf32>
      %parallel_loop3A_318 = arith.minimumf %parallel_loop3A_313, %parallel_loop3A_191 : vector<16xf32>
      %parallel_loop3A_319 = arith.maximumf %parallel_loop3A_314, %parallel_loop3A_191 : vector<16xf32>
      %parallel_loop3A_320 = arith.addf %parallel_loop3A_315, %parallel_loop3A_195 : vector<16xf32>
      %parallel_loop3A_321 = arith.mulf %parallel_loop3A_195, %parallel_loop3A_195 : vector<16xf32>
      %parallel_loop3A_322 = arith.addf %parallel_loop3A_317, %parallel_loop3A_321 : vector<16xf32>
      %parallel_loop3A_323 = arith.minimumf %parallel_loop3A_318, %parallel_loop3A_195 : vector<16xf32>
      %parallel_loop3A_324 = arith.maximumf %parallel_loop3A_319, %parallel_loop3A_195 : vector<16xf32>
      %parallel_loop3A_325 = arith.constant 0.000000e+00 : f32
      %parallel_loop3A_326 = vector.broadcast %parallel_loop3A_325 : f32 to vector<16xf32>
      %parallel_loop3A_327 = arith.select %lt3A_23, %parallel_loop3A_326, %parallel_loop3A_147 : vector<16xi1>, vector<16xf32>
      %parallel_loop3A_328 = arith.addf %parallel_loop3A_320, %parallel_loop3A_327 : vector<16xf32>
      %parallel_loop3A_329 = arith.mulf %parallel_loop3A_147, %parallel_loop3A_147 : vector<16xf32>
      %parallel_loop3A_330 = arith.constant 0.000000e+00 : f32
      %parallel_loop3A_331 = vector.broadcast %parallel_loop3A_330 : f32 to vector<16xf32>
      %parallel_loop3A_332 = arith.select %lt3A_23, %parallel_loop3A_331, %parallel_loop3A_329 : vector<16xi1>, vector<16xf32>
      %parallel_loop3A_333 = arith.addf %parallel_loop3A_322, %parallel_loop3A_332 : vector<16xf32>
      %parallel_loop3A_334 = arith.constant 3.400000e+38 : f32
      %parallel_loop3A_335 = vector.broadcast %parallel_loop3A_334 : f32 to vector<16xf32>
      %parallel_loop3A_336 = arith.select %lt3A_23, %parallel_loop3A_335, %parallel_loop3A_147 : vector<16xi1>, vector<16xf32>
      %parallel_loop3A_337 = arith.minimumf %parallel_loop3A_323, %parallel_loop3A_336 : vector<16xf32>
      %parallel_loop3A_338 = arith.constant -3.400000e+38 : f32
      %parallel_loop3A_339 = vector.broadcast %parallel_loop3A_338 : f32 to vector<16xf32>
      %parallel_loop3A_340 = arith.select %lt3A_23, %parallel_loop3A_339, %parallel_loop3A_147 : vector<16xi1>, vector<16xf32>
      %parallel_loop3A_341 = arith.maximumf %parallel_loop3A_324, %parallel_loop3A_340 : vector<16xf32>
      %parallel_loop3A_342 = arith.constant 2 : i32
      %parallel_loop3A_343 = arith.muli %parallel_loop3A_342, %parallel_loop3A_90 : i32
      %parallel_loop3A_344 = arith.index_cast %parallel_loop3A_343 : i32 to index
      %parallel_loop3A_345 = tpu.vector_load %arg9[%parallel_loop3A_344] {strides = array<i32>} : memref<528xf32, #tpu.memory_space<vmem>>, vector<16xf32>,
      %parallel_loop3A_346 = arith.constant true
      %parallel_loop3A_347 = vector.broadcast %parallel_loop3A_346 : i1 to vector<16xi1>
      %parallel_loop3A_348 = tpu.scan <sum>, %parallel_loop3A_255 masked %parallel_loop3A_347 : vector<16xf32>, vector<16xi1> -> vector<16xf32>
      %parallel_loop3A_349 = vector.extract %parallel_loop3A_348[15] : f32 from vector<16xf32>
      %parallel_loop3A_350 = vector.broadcast %parallel_loop3A_349 : f32 to vector<16xf32>
      %parallel_loop3A_351 = arith.constant true
      %parallel_loop3A_352 = vector.broadcast %parallel_loop3A_351 : i1 to vector<16xi1>
      %parallel_loop3A_353 = tpu.scan <sum>, %parallel_loop3A_260 masked %parallel_loop3A_352 : vector<16xf32>, vector<16xi1> -> vector<16xf32>
      %parallel_loop3A_354 = vector.extract %parallel_loop3A_353[15] : f32 from vector<16xf32>
      %parallel_loop3A_355 = vector.broadcast %parallel_loop3A_354 : f32 to vector<16xf32>
      %parallel_loop3A_356 = arith.mulf %parallel_loop3A_350, %parallel_loop3A_350 : vector<16xf32>
      %parallel_loop3A_357 = arith.constant 5.000000e-03 : f32
      %parallel_loop3A_358 = vector.broadcast %parallel_loop3A_357 : f32 to vector<16xf32>
      %parallel_loop3A_359 = arith.mulf %parallel_loop3A_356, %parallel_loop3A_358 : vector<16xf32>
      %parallel_loop3A_360 = arith.subf %parallel_loop3A_355, %parallel_loop3A_359 : vector<16xf32>
      %parallel_loop3A_361 = arith.constant 0.00502512557 : f32
      %parallel_loop3A_362 = vector.broadcast %parallel_loop3A_361 : f32 to vector<16xf32>
      %parallel_loop3A_363 = arith.mulf %parallel_loop3A_360, %parallel_loop3A_362 : vector<16xf32>
      %parallel_loop3A_364 = arith.constant 1.000000e-16 : f32
      %parallel_loop3A_365 = vector.broadcast %parallel_loop3A_364 : f32 to vector<16xf32>
      %parallel_loop3A_366 = arith.maximumf %parallel_loop3A_363, %parallel_loop3A_365 : vector<16xf32>
      %parallel_loop3A_367 = tpu.bitcast %parallel_loop3A_366 : vector<16xf32> -> vector<16xi32>
      %parallel_loop3A_368 = arith.constant 1 : i32
      %parallel_loop3A_369 = vector.broadcast %parallel_loop3A_368 : i32 to vector<16xi32>
      %parallel_loop3A_370 = arith.shrui %parallel_loop3A_367, %parallel_loop3A_369 : vector<16xi32>
      %parallel_loop3A_371 = arith.constant 1597463007 : i32
      %parallel_loop3A_372 = vector.broadcast %parallel_loop3A_371 : i32 to vector<16xi32>
      %parallel_loop3A_373 = arith.subi %parallel_loop3A_372, %parallel_loop3A_370 : vector<16xi32>
      %parallel_loop3A_374 = tpu.bitcast %parallel_loop3A_373 : vector<16xi32> -> vector<16xf32>
      %parallel_loop3A_375 = arith.constant 5.000000e-01 : f32
      %parallel_loop3A_376 = vector.broadcast %parallel_loop3A_375 : f32 to vector<16xf32>
      %parallel_loop3A_377 = arith.mulf %parallel_loop3A_376, %parallel_loop3A_366 : vector<16xf32>
      %parallel_loop3A_378 = arith.mulf %parallel_loop3A_377, %parallel_loop3A_374 : vector<16xf32>
      %parallel_loop3A_379 = arith.mulf %parallel_loop3A_378, %parallel_loop3A_374 : vector<16xf32>
      %parallel_loop3A_380 = arith.constant 1.500000e+00 : f32
      %parallel_loop3A_381 = vector.broadcast %parallel_loop3A_380 : f32 to vector<16xf32>
      %parallel_loop3A_382 = arith.subf %parallel_loop3A_381, %parallel_loop3A_379 : vector<16xf32>
      %parallel_loop3A_383 = arith.mulf %parallel_loop3A_374, %parallel_loop3A_382 : vector<16xf32>
      %parallel_loop3A_384 = arith.constant 5.000000e-01 : f32
      %parallel_loop3A_385 = vector.broadcast %parallel_loop3A_384 : f32 to vector<16xf32>
      %parallel_loop3A_386 = arith.mulf %parallel_loop3A_385, %parallel_loop3A_366 : vector<16xf32>
      %parallel_loop3A_387 = arith.mulf %parallel_loop3A_386, %parallel_loop3A_383 : vector<16xf32>
      %parallel_loop3A_388 = arith.mulf %parallel_loop3A_387, %parallel_loop3A_383 : vector<16xf32>
      %parallel_loop3A_389 = arith.constant 1.500000e+00 : f32
      %parallel_loop3A_390 = vector.broadcast %parallel_loop3A_389 : f32 to vector<16xf32>
      %parallel_loop3A_391 = arith.subf %parallel_loop3A_390, %parallel_loop3A_388 : vector<16xf32>
      %parallel_loop3A_392 = arith.mulf %parallel_loop3A_383, %parallel_loop3A_391 : vector<16xf32>
      %parallel_loop3A_393 = arith.constant 5.000000e-01 : f32
      %parallel_loop3A_394 = vector.broadcast %parallel_loop3A_393 : f32 to vector<16xf32>
      %parallel_loop3A_395 = arith.mulf %parallel_loop3A_394, %parallel_loop3A_366 : vector<16xf32>
      %parallel_loop3A_396 = arith.mulf %parallel_loop3A_395, %parallel_loop3A_392 : vector<16xf32>
      %parallel_loop3A_397 = arith.mulf %parallel_loop3A_396, %parallel_loop3A_392 : vector<16xf32>
      %parallel_loop3A_398 = arith.constant 1.500000e+00 : f32
      %parallel_loop3A_399 = vector.broadcast %parallel_loop3A_398 : f32 to vector<16xf32>
      %parallel_loop3A_400 = arith.subf %parallel_loop3A_399, %parallel_loop3A_397 : vector<16xf32>
      %parallel_loop3A_401 = arith.mulf %parallel_loop3A_392, %parallel_loop3A_400 : vector<16xf32>
      %parallel_loop3A_402 = arith.mulf %parallel_loop3A_366, %parallel_loop3A_401 : vector<16xf32>
      %parallel_loop3A_403 = arith.constant 9.99999993E-9 : f32
      %parallel_loop3A_404 = vector.broadcast %parallel_loop3A_403 : f32 to vector<16xf32>
      %parallel_loop3A_405 = arith.maximumf %parallel_loop3A_402, %parallel_loop3A_404 : vector<16xf32>
      %parallel_loop3A_406 = arith.constant 1.000000e-03 : f32
      %parallel_loop3A_407 = vector.broadcast %parallel_loop3A_406 : f32 to vector<16xf32>
      %parallel_loop3A_408 = arith.divf %parallel_loop3A_407, %parallel_loop3A_405 : vector<16xf32>
      %parallel_loop3A_409 = arith.constant 1.000000e-01 : f32
      %parallel_loop3A_410 = arith.constant 3.000000e+00 : f32
      %parallel_loop3A_411 = vector.broadcast %parallel_loop3A_409 : f32 to vector<16xf32>
      %parallel_loop3A_412 = arith.maximumf %parallel_loop3A_411, %parallel_loop3A_408 : vector<16xf32>
      %parallel_loop3A_413 = vector.broadcast %parallel_loop3A_410 : f32 to vector<16xf32>
      %parallel_loop3A_414 = arith.minimumf %parallel_loop3A_413, %parallel_loop3A_412 : vector<16xf32>
      %parallel_loop3A_415 = vector.extract_strided_slice %parallel_loop3A_345 {offsets = [0], sizes = [1], strides = [1]} : vector<16xf32> to vector<1xf32>
      %parallel_loop3A_416 = vector.extract %parallel_loop3A_415[0] : f32 from vector<1xf32>
      %parallel_loop3A_417 = vector.broadcast %parallel_loop3A_416 : f32 to vector<16xf32>
      %parallel_loop3A_418 = arith.mulf %parallel_loop3A_417, %parallel_loop3A_414 : vector<16xf32>
      %parallel_loop3A_419 = arith.constant 2 : i32
      %parallel_loop3A_420 = arith.muli %parallel_loop3A_419, %parallel_loop3A_90 : i32
      %parallel_loop3A_421 = arith.constant 0 : i32
      %parallel_loop3A_422 = arith.addi %parallel_loop3A_420, %parallel_loop3A_421 : i32
      %parallel_loop3A_423 = arith.constant 16 : i32
      %parallel_loop3A_424 = arith.muli %parallel_loop3A_422, %parallel_loop3A_423 : i32
      %parallel_loop3A_425 = arith.index_cast %parallel_loop3A_424 : i32 to index
      %parallel_loop3A_426 = tpu.vector_load %arg11[%parallel_loop3A_425] {strides = array<i32>} : memref<8192xf32, #tpu.memory_space<vmem>>, vector<16xf32>,
      tpu.vector_store %arg11[%parallel_loop3A_425], %parallel_loop3A_418 {strides = array<i32>} : memref<8192xf32, #tpu.memory_space<vmem>>, vector<16xf32>,
      %parallel_loop3A_427 = arith.mulf %parallel_loop3A_418, %parallel_loop3A_350 : vector<16xf32>
      %parallel_loop3A_428 = arith.addf %parallel_loop3A_91, %parallel_loop3A_427 : vector<16xf32>
      %parallel_loop3A_429 = arith.mulf %parallel_loop3A_418, %parallel_loop3A_264 : vector<16xf32>
      %parallel_loop3A_430 = arith.mulf %parallel_loop3A_418, %parallel_loop3A_268 : vector<16xf32>
      %parallel_loop3A_431 = arith.minimumf %parallel_loop3A_429, %parallel_loop3A_430 : vector<16xf32>
      %parallel_loop3A_432 = arith.minimumf %parallel_loop3A_92, %parallel_loop3A_431 : vector<16xf32>
      %parallel_loop3A_433 = arith.mulf %parallel_loop3A_418, %parallel_loop3A_264 : vector<16xf32>
      %parallel_loop3A_434 = arith.mulf %parallel_loop3A_418, %parallel_loop3A_268 : vector<16xf32>
      %parallel_loop3A_435 = arith.maximumf %parallel_loop3A_433, %parallel_loop3A_434 : vector<16xf32>
      %parallel_loop3A_436 = arith.maximumf %parallel_loop3A_93, %parallel_loop3A_435 : vector<16xf32>
      %parallel_loop3A_437 = arith.constant true
      %parallel_loop3A_438 = vector.broadcast %parallel_loop3A_437 : i1 to vector<16xi1>
      %parallel_loop3A_439 = tpu.scan <sum>, %parallel_loop3A_328 masked %parallel_loop3A_438 : vector<16xf32>, vector<16xi1> -> vector<16xf32>
      %parallel_loop3A_440 = vector.extract %parallel_loop3A_439[15] : f32 from vector<16xf32>
      %parallel_loop3A_441 = vector.broadcast %parallel_loop3A_440 : f32 to vector<16xf32>
      %parallel_loop3A_442 = arith.constant true
      %parallel_loop3A_443 = vector.broadcast %parallel_loop3A_442 : i1 to vector<16xi1>
      %parallel_loop3A_444 = tpu.scan <sum>, %parallel_loop3A_333 masked %parallel_loop3A_443 : vector<16xf32>, vector<16xi1> -> vector<16xf32>
      %parallel_loop3A_445 = vector.extract %parallel_loop3A_444[15] : f32 from vector<16xf32>
      %parallel_loop3A_446 = vector.broadcast %parallel_loop3A_445 : f32 to vector<16xf32>
      %parallel_loop3A_447 = arith.mulf %parallel_loop3A_441, %parallel_loop3A_441 : vector<16xf32>
      %parallel_loop3A_448 = arith.constant 5.000000e-03 : f32
      %parallel_loop3A_449 = vector.broadcast %parallel_loop3A_448 : f32 to vector<16xf32>
      %parallel_loop3A_450 = arith.mulf %parallel_loop3A_447, %parallel_loop3A_449 : vector<16xf32>
      %parallel_loop3A_451 = arith.subf %parallel_loop3A_446, %parallel_loop3A_450 : vector<16xf32>
      %parallel_loop3A_452 = arith.constant 0.00502512557 : f32
      %parallel_loop3A_453 = vector.broadcast %parallel_loop3A_452 : f32 to vector<16xf32>
      %parallel_loop3A_454 = arith.mulf %parallel_loop3A_451, %parallel_loop3A_453 : vector<16xf32>
      %parallel_loop3A_455 = arith.constant 1.000000e-16 : f32
      %parallel_loop3A_456 = vector.broadcast %parallel_loop3A_455 : f32 to vector<16xf32>
      %parallel_loop3A_457 = arith.maximumf %parallel_loop3A_454, %parallel_loop3A_456 : vector<16xf32>
      %parallel_loop3A_458 = tpu.bitcast %parallel_loop3A_457 : vector<16xf32> -> vector<16xi32>
      %parallel_loop3A_459 = arith.constant 1 : i32
      %parallel_loop3A_460 = vector.broadcast %parallel_loop3A_459 : i32 to vector<16xi32>
      %parallel_loop3A_461 = arith.shrui %parallel_loop3A_458, %parallel_loop3A_460 : vector<16xi32>
      %parallel_loop3A_462 = arith.constant 1597463007 : i32
      %parallel_loop3A_463 = vector.broadcast %parallel_loop3A_462 : i32 to vector<16xi32>
      %parallel_loop3A_464 = arith.subi %parallel_loop3A_463, %parallel_loop3A_461 : vector<16xi32>
      %parallel_loop3A_465 = tpu.bitcast %parallel_loop3A_464 : vector<16xi32> -> vector<16xf32>
      %parallel_loop3A_466 = arith.constant 5.000000e-01 : f32
      %parallel_loop3A_467 = vector.broadcast %parallel_loop3A_466 : f32 to vector<16xf32>
      %parallel_loop3A_468 = arith.mulf %parallel_loop3A_467, %parallel_loop3A_457 : vector<16xf32>
      %parallel_loop3A_469 = arith.mulf %parallel_loop3A_468, %parallel_loop3A_465 : vector<16xf32>
      %parallel_loop3A_470 = arith.mulf %parallel_loop3A_469, %parallel_loop3A_465 : vector<16xf32>
      %parallel_loop3A_471 = arith.constant 1.500000e+00 : f32
      %parallel_loop3A_472 = vector.broadcast %parallel_loop3A_471 : f32 to vector<16xf32>
      %parallel_loop3A_473 = arith.subf %parallel_loop3A_472, %parallel_loop3A_470 : vector<16xf32>
      %parallel_loop3A_474 = arith.mulf %parallel_loop3A_465, %parallel_loop3A_473 : vector<16xf32>
      %parallel_loop3A_475 = arith.constant 5.000000e-01 : f32
      %parallel_loop3A_476 = vector.broadcast %parallel_loop3A_475 : f32 to vector<16xf32>
      %parallel_loop3A_477 = arith.mulf %parallel_loop3A_476, %parallel_loop3A_457 : vector<16xf32>
      %parallel_loop3A_478 = arith.mulf %parallel_loop3A_477, %parallel_loop3A_474 : vector<16xf32>
      %parallel_loop3A_479 = arith.mulf %parallel_loop3A_478, %parallel_loop3A_474 : vector<16xf32>
      %parallel_loop3A_480 = arith.constant 1.500000e+00 : f32
      %parallel_loop3A_481 = vector.broadcast %parallel_loop3A_480 : f32 to vector<16xf32>
      %parallel_loop3A_482 = arith.subf %parallel_loop3A_481, %parallel_loop3A_479 : vector<16xf32>
      %parallel_loop3A_483 = arith.mulf %parallel_loop3A_474, %parallel_loop3A_482 : vector<16xf32>
      %parallel_loop3A_484 = arith.constant 5.000000e-01 : f32
      %parallel_loop3A_485 = vector.broadcast %parallel_loop3A_484 : f32 to vector<16xf32>
      %parallel_loop3A_486 = arith.mulf %parallel_loop3A_485, %parallel_loop3A_457 : vector<16xf32>
      %parallel_loop3A_487 = arith.mulf %parallel_loop3A_486, %parallel_loop3A_483 : vector<16xf32>
      %parallel_loop3A_488 = arith.mulf %parallel_loop3A_487, %parallel_loop3A_483 : vector<16xf32>
      %parallel_loop3A_489 = arith.constant 1.500000e+00 : f32
      %parallel_loop3A_490 = vector.broadcast %parallel_loop3A_489 : f32 to vector<16xf32>
      %parallel_loop3A_491 = arith.subf %parallel_loop3A_490, %parallel_loop3A_488 : vector<16xf32>
      %parallel_loop3A_492 = arith.mulf %parallel_loop3A_483, %parallel_loop3A_491 : vector<16xf32>
      %parallel_loop3A_493 = arith.mulf %parallel_loop3A_457, %parallel_loop3A_492 : vector<16xf32>
      %parallel_loop3A_494 = arith.constant 9.99999993E-9 : f32
      %parallel_loop3A_495 = vector.broadcast %parallel_loop3A_494 : f32 to vector<16xf32>
      %parallel_loop3A_496 = arith.maximumf %parallel_loop3A_493, %parallel_loop3A_495 : vector<16xf32>
      %parallel_loop3A_497 = arith.constant 1.000000e-03 : f32
      %parallel_loop3A_498 = vector.broadcast %parallel_loop3A_497 : f32 to vector<16xf32>
      %parallel_loop3A_499 = arith.divf %parallel_loop3A_498, %parallel_loop3A_496 : vector<16xf32>
      %parallel_loop3A_500 = arith.constant 1.000000e-01 : f32
      %parallel_loop3A_501 = arith.constant 3.000000e+00 : f32
      %parallel_loop3A_502 = vector.broadcast %parallel_loop3A_500 : f32 to vector<16xf32>
      %parallel_loop3A_503 = arith.maximumf %parallel_loop3A_502, %parallel_loop3A_499 : vector<16xf32>
      %parallel_loop3A_504 = vector.broadcast %parallel_loop3A_501 : f32 to vector<16xf32>
      %parallel_loop3A_505 = arith.minimumf %parallel_loop3A_504, %parallel_loop3A_503 : vector<16xf32>
      %parallel_loop3A_506 = vector.extract_strided_slice %parallel_loop3A_345 {offsets = [1], sizes = [1], strides = [1]} : vector<16xf32> to vector<1xf32>
      %parallel_loop3A_507 = vector.extract %parallel_loop3A_506[0] : f32 from vector<1xf32>
      %parallel_loop3A_508 = vector.broadcast %parallel_loop3A_507 : f32 to vector<16xf32>
      %parallel_loop3A_509 = arith.mulf %parallel_loop3A_508, %parallel_loop3A_505 : vector<16xf32>
      %parallel_loop3A_510 = arith.constant 2 : i32
      %parallel_loop3A_511 = arith.muli %parallel_loop3A_510, %parallel_loop3A_90 : i32
      %parallel_loop3A_512 = arith.constant 1 : i32
      %parallel_loop3A_513 = arith.addi %parallel_loop3A_511, %parallel_loop3A_512 : i32
      %parallel_loop3A_514 = arith.constant 16 : i32
      %parallel_loop3A_515 = arith.muli %parallel_loop3A_513, %parallel_loop3A_514 : i32
      %parallel_loop3A_516 = arith.index_cast %parallel_loop3A_515 : i32 to index
      %parallel_loop3A_517 = tpu.vector_load %arg11[%parallel_loop3A_516] {strides = array<i32>} : memref<8192xf32, #tpu.memory_space<vmem>>, vector<16xf32>,
      tpu.vector_store %arg11[%parallel_loop3A_516], %parallel_loop3A_509 {strides = array<i32>} : memref<8192xf32, #tpu.memory_space<vmem>>, vector<16xf32>,
      %parallel_loop3A_518 = arith.mulf %parallel_loop3A_509, %parallel_loop3A_441 : vector<16xf32>
      %parallel_loop3A_519 = arith.addf %parallel_loop3A_428, %parallel_loop3A_518 : vector<16xf32>
      %parallel_loop3A_520 = arith.mulf %parallel_loop3A_509, %parallel_loop3A_337 : vector<16xf32>
      %parallel_loop3A_521 = arith.mulf %parallel_loop3A_509, %parallel_loop3A_341 : vector<16xf32>
      %parallel_loop3A_522 = arith.minimumf %parallel_loop3A_520, %parallel_loop3A_521 : vector<16xf32>
      %parallel_loop3A_523 = arith.minimumf %parallel_loop3A_432, %parallel_loop3A_522 : vector<16xf32>
      %parallel_loop3A_524 = arith.mulf %parallel_loop3A_509, %parallel_loop3A_337 : vector<16xf32>
      %parallel_loop3A_525 = arith.mulf %parallel_loop3A_509, %parallel_loop3A_341 : vector<16xf32>
      %parallel_loop3A_526 = arith.maximumf %parallel_loop3A_524, %parallel_loop3A_525 : vector<16xf32>
      %parallel_loop3A_527 = arith.maximumf %parallel_loop3A_436, %parallel_loop3A_526 : vector<16xf32>
      scf.yield %parallel_loop3A_519, %parallel_loop3A_523, %parallel_loop3A_527 : vector<16xf32>, vector<16xf32>, vector<16xf32>
    } {sc.loop_unroll_factor = 2 : i64, sc.parallel_access}
    %dma_wait3A_40 = arith.constant 51200 : i32
    %dma_wait3A_41 = tpu.memref_slice %arg8[%dma_wait3A_40] : memref<102400xf32, #tpu.memory_space<vmem>> -> memref<51200xf32, #tpu.memory_space<vmem>>
    %dma_wait3A_42 = tpu.memref_slice %arg2[%add3A_11] : memref<3276800xf32, #tpu.memory_space<hbm>> -> memref<51200xf32, #tpu.memory_space<hbm>>
    %dma_wait3A_43 = arith.constant 51200 : i32
    %dma_wait3A_44 = tpu.memref_slice %arg8[%dma_wait3A_43] : memref<102400xf32, #tpu.memory_space<vmem>> -> memref<51200xf32, #tpu.memory_space<vmem>>
    %dma_wait3A_45 = tpu.memref_slice %arg2[%add3A_11] : memref<3276800xf32, #tpu.memory_space<hbm>> -> memref<51200xf32, #tpu.memory_space<hbm>>
    tpu.wait_dma2 semaphore(%arg16 : memref<!tpu.dma_semaphore, #tpu.memory_space<semaphore_mem>>) src(%dma_wait3A_45 : memref<51200xf32, #tpu.memory_space<hbm>>) dst(%dma_wait3A_44 : memref<51200xf32, #tpu.memory_space<vmem>>)
    %parallel_loop3A_46 = arith.constant 128 : i32
    %parallel_loop3A_47 = arith.constant 256 : i32
    %parallel_loop3A_48 = arith.constant 1 : i32
    %parallel_loop3A_49:3 = scf.for %parallel_loop3A_90 = %parallel_loop3A_46 to %parallel_loop3A_47 step %parallel_loop3A_48 iter_args(%parallel_loop3A_91 = %parallel_loop3A_39#0, %parallel_loop3A_92 = %parallel_loop3A_39#1, %parallel_loop3A_93 = %parallel_loop3A_39#2) -> (vector<16xf32>, vector<16xf32>, vector<16xf32>)  : i32 {
      %parallel_loop3A_94 = arith.constant 400 : i32
      %parallel_loop3A_95 = arith.muli %parallel_loop3A_90, %parallel_loop3A_94 : i32
      %parallel_loop3A_96 = arith.constant 0 : i32
      %parallel_loop3A_97 = arith.addi %parallel_loop3A_95, %parallel_loop3A_96 : i32
      %parallel_loop3A_98 = arith.index_cast %parallel_loop3A_97 : i32 to index
      %parallel_loop3A_99 = tpu.vector_load %arg8[%parallel_loop3A_98] {strides = array<i32>} : memref<102400xf32, #tpu.memory_space<vmem>>, vector<16xf32>,
      %parallel_loop3A_100 = arith.constant 16 : i32
      %parallel_loop3A_101 = arith.addi %parallel_loop3A_95, %parallel_loop3A_100 : i32
      %parallel_loop3A_102 = arith.index_cast %parallel_loop3A_101 : i32 to index
      %parallel_loop3A_103 = tpu.vector_load %arg8[%parallel_loop3A_102] {strides = array<i32>} : memref<102400xf32, #tpu.memory_space<vmem>>, vector<16xf32>,
      %parallel_loop3A_104 = arith.constant 32 : i32
      %parallel_loop3A_105 = arith.addi %parallel_loop3A_95, %parallel_loop3A_104 : i32
      %parallel_loop3A_106 = arith.index_cast %parallel_loop3A_105 : i32 to index
      %parallel_loop3A_107 = tpu.vector_load %arg8[%parallel_loop3A_106] {strides = array<i32>} : memref<102400xf32, #tpu.memory_space<vmem>>, vector<16xf32>,
      %parallel_loop3A_108 = arith.constant 48 : i32
      %parallel_loop3A_109 = arith.addi %parallel_loop3A_95, %parallel_loop3A_108 : i32
      %parallel_loop3A_110 = arith.index_cast %parallel_loop3A_109 : i32 to index
      %parallel_loop3A_111 = tpu.vector_load %arg8[%parallel_loop3A_110] {strides = array<i32>} : memref<102400xf32, #tpu.memory_space<vmem>>, vector<16xf32>,
      %parallel_loop3A_112 = arith.constant 64 : i32
      %parallel_loop3A_113 = arith.addi %parallel_loop3A_95, %parallel_loop3A_112 : i32
      %parallel_loop3A_114 = arith.index_cast %parallel_loop3A_113 : i32 to index
      %parallel_loop3A_115 = tpu.vector_load %arg8[%parallel_loop3A_114] {strides = array<i32>} : memref<102400xf32, #tpu.memory_space<vmem>>, vector<16xf32>,
      %parallel_loop3A_116 = arith.constant 80 : i32
      %parallel_loop3A_117 = arith.addi %parallel_loop3A_95, %parallel_loop3A_116 : i32
      %parallel_loop3A_118 = arith.index_cast %parallel_loop3A_117 : i32 to index
      %parallel_loop3A_119 = tpu.vector_load %arg8[%parallel_loop3A_118] {strides = array<i32>} : memref<102400xf32, #tpu.memory_space<vmem>>, vector<16xf32>,
      %parallel_loop3A_120 = arith.constant 96 : i32
      %parallel_loop3A_121 = arith.addi %parallel_loop3A_95, %parallel_loop3A_120 : i32
      %parallel_loop3A_122 = arith.index_cast %parallel_loop3A_121 : i32 to index
      %parallel_loop3A_123 = tpu.vector_load %arg8[%parallel_loop3A_122] {strides = array<i32>} : memref<102400xf32, #tpu.memory_space<vmem>>, vector<16xf32>,
      %parallel_loop3A_124 = arith.constant 112 : i32
      %parallel_loop3A_125 = arith.addi %parallel_loop3A_95, %parallel_loop3A_124 : i32
      %parallel_loop3A_126 = arith.index_cast %parallel_loop3A_125 : i32 to index
      %parallel_loop3A_127 = tpu.vector_load %arg8[%parallel_loop3A_126] {strides = array<i32>} : memref<102400xf32, #tpu.memory_space<vmem>>, vector<16xf32>,
      %parallel_loop3A_128 = arith.constant 128 : i32
      %parallel_loop3A_129 = arith.addi %parallel_loop3A_95, %parallel_loop3A_128 : i32
      %parallel_loop3A_130 = arith.index_cast %parallel_loop3A_129 : i32 to index
      %parallel_loop3A_131 = tpu.vector_load %arg8[%parallel_loop3A_130] {strides = array<i32>} : memref<102400xf32, #tpu.memory_space<vmem>>, vector<16xf32>,
      %parallel_loop3A_132 = arith.constant 144 : i32
      %parallel_loop3A_133 = arith.addi %parallel_loop3A_95, %parallel_loop3A_132 : i32
      %parallel_loop3A_134 = arith.index_cast %parallel_loop3A_133 : i32 to index
      %parallel_loop3A_135 = tpu.vector_load %arg8[%parallel_loop3A_134] {strides = array<i32>} : memref<102400xf32, #tpu.memory_space<vmem>>, vector<16xf32>,
      %parallel_loop3A_136 = arith.constant 160 : i32
      %parallel_loop3A_137 = arith.addi %parallel_loop3A_95, %parallel_loop3A_136 : i32
      %parallel_loop3A_138 = arith.index_cast %parallel_loop3A_137 : i32 to index
      %parallel_loop3A_139 = tpu.vector_load %arg8[%parallel_loop3A_138] {strides = array<i32>} : memref<102400xf32, #tpu.memory_space<vmem>>, vector<16xf32>,
      %parallel_loop3A_140 = arith.constant 176 : i32
      %parallel_loop3A_141 = arith.addi %parallel_loop3A_95, %parallel_loop3A_140 : i32
      %parallel_loop3A_142 = arith.index_cast %parallel_loop3A_141 : i32 to index
      %parallel_loop3A_143 = tpu.vector_load %arg8[%parallel_loop3A_142] {strides = array<i32>} : memref<102400xf32, #tpu.memory_space<vmem>>, vector<16xf32>,
      %parallel_loop3A_144 = arith.constant 192 : i32
      %parallel_loop3A_145 = arith.addi %parallel_loop3A_95, %parallel_loop3A_144 : i32
      %parallel_loop3A_146 = arith.index_cast %parallel_loop3A_145 : i32 to index
      %parallel_loop3A_147 = tpu.vector_load %arg8[%parallel_loop3A_146] {strides = array<i32>} : memref<102400xf32, #tpu.memory_space<vmem>>, vector<16xf32>,
      %parallel_loop3A_148 = arith.constant 208 : i32
      %parallel_loop3A_149 = arith.addi %parallel_loop3A_95, %parallel_loop3A_148 : i32
      %parallel_loop3A_150 = arith.index_cast %parallel_loop3A_149 : i32 to index
      %parallel_loop3A_151 = tpu.vector_load %arg8[%parallel_loop3A_150] {strides = array<i32>} : memref<102400xf32, #tpu.memory_space<vmem>>, vector<16xf32>,
      %parallel_loop3A_152 = arith.constant 224 : i32
      %parallel_loop3A_153 = arith.addi %parallel_loop3A_95, %parallel_loop3A_152 : i32
      %parallel_loop3A_154 = arith.index_cast %parallel_loop3A_153 : i32 to index
      %parallel_loop3A_155 = tpu.vector_load %arg8[%parallel_loop3A_154] {strides = array<i32>} : memref<102400xf32, #tpu.memory_space<vmem>>, vector<16xf32>,
      %parallel_loop3A_156 = arith.constant 240 : i32
      %parallel_loop3A_157 = arith.addi %parallel_loop3A_95, %parallel_loop3A_156 : i32
      %parallel_loop3A_158 = arith.index_cast %parallel_loop3A_157 : i32 to index
      %parallel_loop3A_159 = tpu.vector_load %arg8[%parallel_loop3A_158] {strides = array<i32>} : memref<102400xf32, #tpu.memory_space<vmem>>, vector<16xf32>,
      %parallel_loop3A_160 = arith.constant 256 : i32
      %parallel_loop3A_161 = arith.addi %parallel_loop3A_95, %parallel_loop3A_160 : i32
      %parallel_loop3A_162 = arith.index_cast %parallel_loop3A_161 : i32 to index
      %parallel_loop3A_163 = tpu.vector_load %arg8[%parallel_loop3A_162] {strides = array<i32>} : memref<102400xf32, #tpu.memory_space<vmem>>, vector<16xf32>,
      %parallel_loop3A_164 = arith.constant 272 : i32
      %parallel_loop3A_165 = arith.addi %parallel_loop3A_95, %parallel_loop3A_164 : i32
      %parallel_loop3A_166 = arith.index_cast %parallel_loop3A_165 : i32 to index
      %parallel_loop3A_167 = tpu.vector_load %arg8[%parallel_loop3A_166] {strides = array<i32>} : memref<102400xf32, #tpu.memory_space<vmem>>, vector<16xf32>,
      %parallel_loop3A_168 = arith.constant 288 : i32
      %parallel_loop3A_169 = arith.addi %parallel_loop3A_95, %parallel_loop3A_168 : i32
      %parallel_loop3A_170 = arith.index_cast %parallel_loop3A_169 : i32 to index
      %parallel_loop3A_171 = tpu.vector_load %arg8[%parallel_loop3A_170] {strides = array<i32>} : memref<102400xf32, #tpu.memory_space<vmem>>, vector<16xf32>,
      %parallel_loop3A_172 = arith.constant 304 : i32
      %parallel_loop3A_173 = arith.addi %parallel_loop3A_95, %parallel_loop3A_172 : i32
      %parallel_loop3A_174 = arith.index_cast %parallel_loop3A_173 : i32 to index
      %parallel_loop3A_175 = tpu.vector_load %arg8[%parallel_loop3A_174] {strides = array<i32>} : memref<102400xf32, #tpu.memory_space<vmem>>, vector<16xf32>,
      %parallel_loop3A_176 = arith.constant 320 : i32
      %parallel_loop3A_177 = arith.addi %parallel_loop3A_95, %parallel_loop3A_176 : i32
      %parallel_loop3A_178 = arith.index_cast %parallel_loop3A_177 : i32 to index
      %parallel_loop3A_179 = tpu.vector_load %arg8[%parallel_loop3A_178] {strides = array<i32>} : memref<102400xf32, #tpu.memory_space<vmem>>, vector<16xf32>,
      %parallel_loop3A_180 = arith.constant 336 : i32
      %parallel_loop3A_181 = arith.addi %parallel_loop3A_95, %parallel_loop3A_180 : i32
      %parallel_loop3A_182 = arith.index_cast %parallel_loop3A_181 : i32 to index
      %parallel_loop3A_183 = tpu.vector_load %arg8[%parallel_loop3A_182] {strides = array<i32>} : memref<102400xf32, #tpu.memory_space<vmem>>, vector<16xf32>,
      %parallel_loop3A_184 = arith.constant 352 : i32
      %parallel_loop3A_185 = arith.addi %parallel_loop3A_95, %parallel_loop3A_184 : i32
      %parallel_loop3A_186 = arith.index_cast %parallel_loop3A_185 : i32 to index
      %parallel_loop3A_187 = tpu.vector_load %arg8[%parallel_loop3A_186] {strides = array<i32>} : memref<102400xf32, #tpu.memory_space<vmem>>, vector<16xf32>,
      %parallel_loop3A_188 = arith.constant 368 : i32
      %parallel_loop3A_189 = arith.addi %parallel_loop3A_95, %parallel_loop3A_188 : i32
      %parallel_loop3A_190 = arith.index_cast %parallel_loop3A_189 : i32 to index
      %parallel_loop3A_191 = tpu.vector_load %arg8[%parallel_loop3A_190] {strides = array<i32>} : memref<102400xf32, #tpu.memory_space<vmem>>, vector<16xf32>,
      %parallel_loop3A_192 = arith.constant 384 : i32
      %parallel_loop3A_193 = arith.addi %parallel_loop3A_95, %parallel_loop3A_192 : i32
      %parallel_loop3A_194 = arith.index_cast %parallel_loop3A_193 : i32 to index
      %parallel_loop3A_195 = tpu.vector_load %arg8[%parallel_loop3A_194] {strides = array<i32>} : memref<102400xf32, #tpu.memory_space<vmem>>, vector<16xf32>,
      %parallel_loop3A_196 = arith.mulf %parallel_loop3A_99, %parallel_loop3A_99 : vector<16xf32>
      %parallel_loop3A_197 = arith.addf %parallel_loop3A_99, %parallel_loop3A_103 : vector<16xf32>
      %parallel_loop3A_198 = arith.mulf %parallel_loop3A_103, %parallel_loop3A_103 : vector<16xf32>
      %parallel_loop3A_199 = arith.addf %parallel_loop3A_196, %parallel_loop3A_198 : vector<16xf32>
      %parallel_loop3A_200 = arith.minimumf %parallel_loop3A_99, %parallel_loop3A_103 : vector<16xf32>
      %parallel_loop3A_201 = arith.maximumf %parallel_loop3A_99, %parallel_loop3A_103 : vector<16xf32>
      %parallel_loop3A_202 = arith.addf %parallel_loop3A_197, %parallel_loop3A_107 : vector<16xf32>
      %parallel_loop3A_203 = arith.mulf %parallel_loop3A_107, %parallel_loop3A_107 : vector<16xf32>
      %parallel_loop3A_204 = arith.addf %parallel_loop3A_199, %parallel_loop3A_203 : vector<16xf32>
      %parallel_loop3A_205 = arith.minimumf %parallel_loop3A_200, %parallel_loop3A_107 : vector<16xf32>
      %parallel_loop3A_206 = arith.maximumf %parallel_loop3A_201, %parallel_loop3A_107 : vector<16xf32>
      %parallel_loop3A_207 = arith.addf %parallel_loop3A_202, %parallel_loop3A_111 : vector<16xf32>
      %parallel_loop3A_208 = arith.mulf %parallel_loop3A_111, %parallel_loop3A_111 : vector<16xf32>
      %parallel_loop3A_209 = arith.addf %parallel_loop3A_204, %parallel_loop3A_208 : vector<16xf32>
      %parallel_loop3A_210 = arith.minimumf %parallel_loop3A_205, %parallel_loop3A_111 : vector<16xf32>
      %parallel_loop3A_211 = arith.maximumf %parallel_loop3A_206, %parallel_loop3A_111 : vector<16xf32>
      %parallel_loop3A_212 = arith.addf %parallel_loop3A_207, %parallel_loop3A_115 : vector<16xf32>
      %parallel_loop3A_213 = arith.mulf %parallel_loop3A_115, %parallel_loop3A_115 : vector<16xf32>
      %parallel_loop3A_214 = arith.addf %parallel_loop3A_209, %parallel_loop3A_213 : vector<16xf32>
      %parallel_loop3A_215 = arith.minimumf %parallel_loop3A_210, %parallel_loop3A_115 : vector<16xf32>
      %parallel_loop3A_216 = arith.maximumf %parallel_loop3A_211, %parallel_loop3A_115 : vector<16xf32>
      %parallel_loop3A_217 = arith.addf %parallel_loop3A_212, %parallel_loop3A_119 : vector<16xf32>
      %parallel_loop3A_218 = arith.mulf %parallel_loop3A_119, %parallel_loop3A_119 : vector<16xf32>
      %parallel_loop3A_219 = arith.addf %parallel_loop3A_214, %parallel_loop3A_218 : vector<16xf32>
      %parallel_loop3A_220 = arith.minimumf %parallel_loop3A_215, %parallel_loop3A_119 : vector<16xf32>
      %parallel_loop3A_221 = arith.maximumf %parallel_loop3A_216, %parallel_loop3A_119 : vector<16xf32>
      %parallel_loop3A_222 = arith.addf %parallel_loop3A_217, %parallel_loop3A_123 : vector<16xf32>
      %parallel_loop3A_223 = arith.mulf %parallel_loop3A_123, %parallel_loop3A_123 : vector<16xf32>
      %parallel_loop3A_224 = arith.addf %parallel_loop3A_219, %parallel_loop3A_223 : vector<16xf32>
      %parallel_loop3A_225 = arith.minimumf %parallel_loop3A_220, %parallel_loop3A_123 : vector<16xf32>
      %parallel_loop3A_226 = arith.maximumf %parallel_loop3A_221, %parallel_loop3A_123 : vector<16xf32>
      %parallel_loop3A_227 = arith.addf %parallel_loop3A_222, %parallel_loop3A_127 : vector<16xf32>
      %parallel_loop3A_228 = arith.mulf %parallel_loop3A_127, %parallel_loop3A_127 : vector<16xf32>
      %parallel_loop3A_229 = arith.addf %parallel_loop3A_224, %parallel_loop3A_228 : vector<16xf32>
      %parallel_loop3A_230 = arith.minimumf %parallel_loop3A_225, %parallel_loop3A_127 : vector<16xf32>
      %parallel_loop3A_231 = arith.maximumf %parallel_loop3A_226, %parallel_loop3A_127 : vector<16xf32>
      %parallel_loop3A_232 = arith.addf %parallel_loop3A_227, %parallel_loop3A_131 : vector<16xf32>
      %parallel_loop3A_233 = arith.mulf %parallel_loop3A_131, %parallel_loop3A_131 : vector<16xf32>
      %parallel_loop3A_234 = arith.addf %parallel_loop3A_229, %parallel_loop3A_233 : vector<16xf32>
      %parallel_loop3A_235 = arith.minimumf %parallel_loop3A_230, %parallel_loop3A_131 : vector<16xf32>
      %parallel_loop3A_236 = arith.maximumf %parallel_loop3A_231, %parallel_loop3A_131 : vector<16xf32>
      %parallel_loop3A_237 = arith.addf %parallel_loop3A_232, %parallel_loop3A_135 : vector<16xf32>
      %parallel_loop3A_238 = arith.mulf %parallel_loop3A_135, %parallel_loop3A_135 : vector<16xf32>
      %parallel_loop3A_239 = arith.addf %parallel_loop3A_234, %parallel_loop3A_238 : vector<16xf32>
      %parallel_loop3A_240 = arith.minimumf %parallel_loop3A_235, %parallel_loop3A_135 : vector<16xf32>
      %parallel_loop3A_241 = arith.maximumf %parallel_loop3A_236, %parallel_loop3A_135 : vector<16xf32>
      %parallel_loop3A_242 = arith.addf %parallel_loop3A_237, %parallel_loop3A_139 : vector<16xf32>
      %parallel_loop3A_243 = arith.mulf %parallel_loop3A_139, %parallel_loop3A_139 : vector<16xf32>
      %parallel_loop3A_244 = arith.addf %parallel_loop3A_239, %parallel_loop3A_243 : vector<16xf32>
      %parallel_loop3A_245 = arith.minimumf %parallel_loop3A_240, %parallel_loop3A_139 : vector<16xf32>
      %parallel_loop3A_246 = arith.maximumf %parallel_loop3A_241, %parallel_loop3A_139 : vector<16xf32>
      %parallel_loop3A_247 = arith.addf %parallel_loop3A_242, %parallel_loop3A_143 : vector<16xf32>
      %parallel_loop3A_248 = arith.mulf %parallel_loop3A_143, %parallel_loop3A_143 : vector<16xf32>
      %parallel_loop3A_249 = arith.addf %parallel_loop3A_244, %parallel_loop3A_248 : vector<16xf32>
      %parallel_loop3A_250 = arith.minimumf %parallel_loop3A_245, %parallel_loop3A_143 : vector<16xf32>
      %parallel_loop3A_251 = arith.maximumf %parallel_loop3A_246, %parallel_loop3A_143 : vector<16xf32>
      %parallel_loop3A_252 = arith.constant 0.000000e+00 : f32
      %parallel_loop3A_253 = vector.broadcast %parallel_loop3A_252 : f32 to vector<16xf32>
      %parallel_loop3A_254 = arith.select %lt3A_23, %parallel_loop3A_147, %parallel_loop3A_253 : vector<16xi1>, vector<16xf32>
      %parallel_loop3A_255 = arith.addf %parallel_loop3A_247, %parallel_loop3A_254 : vector<16xf32>
      %parallel_loop3A_256 = arith.mulf %parallel_loop3A_147, %parallel_loop3A_147 : vector<16xf32>
      %parallel_loop3A_257 = arith.constant 0.000000e+00 : f32
      %parallel_loop3A_258 = vector.broadcast %parallel_loop3A_257 : f32 to vector<16xf32>
      %parallel_loop3A_259 = arith.select %lt3A_23, %parallel_loop3A_256, %parallel_loop3A_258 : vector<16xi1>, vector<16xf32>
      %parallel_loop3A_260 = arith.addf %parallel_loop3A_249, %parallel_loop3A_259 : vector<16xf32>
      %parallel_loop3A_261 = arith.constant 3.400000e+38 : f32
      %parallel_loop3A_262 = vector.broadcast %parallel_loop3A_261 : f32 to vector<16xf32>
      %parallel_loop3A_263 = arith.select %lt3A_23, %parallel_loop3A_147, %parallel_loop3A_262 : vector<16xi1>, vector<16xf32>
      %parallel_loop3A_264 = arith.minimumf %parallel_loop3A_250, %parallel_loop3A_263 : vector<16xf32>
      %parallel_loop3A_265 = arith.constant -3.400000e+38 : f32
      %parallel_loop3A_266 = vector.broadcast %parallel_loop3A_265 : f32 to vector<16xf32>
      %parallel_loop3A_267 = arith.select %lt3A_23, %parallel_loop3A_147, %parallel_loop3A_266 : vector<16xi1>, vector<16xf32>
      %parallel_loop3A_268 = arith.maximumf %parallel_loop3A_251, %parallel_loop3A_267 : vector<16xf32>
      %parallel_loop3A_269 = arith.mulf %parallel_loop3A_151, %parallel_loop3A_151 : vector<16xf32>
      %parallel_loop3A_270 = arith.addf %parallel_loop3A_151, %parallel_loop3A_155 : vector<16xf32>
      %parallel_loop3A_271 = arith.mulf %parallel_loop3A_155, %parallel_loop3A_155 : vector<16xf32>
      %parallel_loop3A_272 = arith.addf %parallel_loop3A_269, %parallel_loop3A_271 : vector<16xf32>
      %parallel_loop3A_273 = arith.minimumf %parallel_loop3A_151, %parallel_loop3A_155 : vector<16xf32>
      %parallel_loop3A_274 = arith.maximumf %parallel_loop3A_151, %parallel_loop3A_155 : vector<16xf32>
      %parallel_loop3A_275 = arith.addf %parallel_loop3A_270, %parallel_loop3A_159 : vector<16xf32>
      %parallel_loop3A_276 = arith.mulf %parallel_loop3A_159, %parallel_loop3A_159 : vector<16xf32>
      %parallel_loop3A_277 = arith.addf %parallel_loop3A_272, %parallel_loop3A_276 : vector<16xf32>
      %parallel_loop3A_278 = arith.minimumf %parallel_loop3A_273, %parallel_loop3A_159 : vector<16xf32>
      %parallel_loop3A_279 = arith.maximumf %parallel_loop3A_274, %parallel_loop3A_159 : vector<16xf32>
      %parallel_loop3A_280 = arith.addf %parallel_loop3A_275, %parallel_loop3A_163 : vector<16xf32>
      %parallel_loop3A_281 = arith.mulf %parallel_loop3A_163, %parallel_loop3A_163 : vector<16xf32>
      %parallel_loop3A_282 = arith.addf %parallel_loop3A_277, %parallel_loop3A_281 : vector<16xf32>
      %parallel_loop3A_283 = arith.minimumf %parallel_loop3A_278, %parallel_loop3A_163 : vector<16xf32>
      %parallel_loop3A_284 = arith.maximumf %parallel_loop3A_279, %parallel_loop3A_163 : vector<16xf32>
      %parallel_loop3A_285 = arith.addf %parallel_loop3A_280, %parallel_loop3A_167 : vector<16xf32>
      %parallel_loop3A_286 = arith.mulf %parallel_loop3A_167, %parallel_loop3A_167 : vector<16xf32>
      %parallel_loop3A_287 = arith.addf %parallel_loop3A_282, %parallel_loop3A_286 : vector<16xf32>
      %parallel_loop3A_288 = arith.minimumf %parallel_loop3A_283, %parallel_loop3A_167 : vector<16xf32>
      %parallel_loop3A_289 = arith.maximumf %parallel_loop3A_284, %parallel_loop3A_167 : vector<16xf32>
      %parallel_loop3A_290 = arith.addf %parallel_loop3A_285, %parallel_loop3A_171 : vector<16xf32>
      %parallel_loop3A_291 = arith.mulf %parallel_loop3A_171, %parallel_loop3A_171 : vector<16xf32>
      %parallel_loop3A_292 = arith.addf %parallel_loop3A_287, %parallel_loop3A_291 : vector<16xf32>
      %parallel_loop3A_293 = arith.minimumf %parallel_loop3A_288, %parallel_loop3A_171 : vector<16xf32>
      %parallel_loop3A_294 = arith.maximumf %parallel_loop3A_289, %parallel_loop3A_171 : vector<16xf32>
      %parallel_loop3A_295 = arith.addf %parallel_loop3A_290, %parallel_loop3A_175 : vector<16xf32>
      %parallel_loop3A_296 = arith.mulf %parallel_loop3A_175, %parallel_loop3A_175 : vector<16xf32>
      %parallel_loop3A_297 = arith.addf %parallel_loop3A_292, %parallel_loop3A_296 : vector<16xf32>
      %parallel_loop3A_298 = arith.minimumf %parallel_loop3A_293, %parallel_loop3A_175 : vector<16xf32>
      %parallel_loop3A_299 = arith.maximumf %parallel_loop3A_294, %parallel_loop3A_175 : vector<16xf32>
      %parallel_loop3A_300 = arith.addf %parallel_loop3A_295, %parallel_loop3A_179 : vector<16xf32>
      %parallel_loop3A_301 = arith.mulf %parallel_loop3A_179, %parallel_loop3A_179 : vector<16xf32>
      %parallel_loop3A_302 = arith.addf %parallel_loop3A_297, %parallel_loop3A_301 : vector<16xf32>
      %parallel_loop3A_303 = arith.minimumf %parallel_loop3A_298, %parallel_loop3A_179 : vector<16xf32>
      %parallel_loop3A_304 = arith.maximumf %parallel_loop3A_299, %parallel_loop3A_179 : vector<16xf32>
      %parallel_loop3A_305 = arith.addf %parallel_loop3A_300, %parallel_loop3A_183 : vector<16xf32>
      %parallel_loop3A_306 = arith.mulf %parallel_loop3A_183, %parallel_loop3A_183 : vector<16xf32>
      %parallel_loop3A_307 = arith.addf %parallel_loop3A_302, %parallel_loop3A_306 : vector<16xf32>
      %parallel_loop3A_308 = arith.minimumf %parallel_loop3A_303, %parallel_loop3A_183 : vector<16xf32>
      %parallel_loop3A_309 = arith.maximumf %parallel_loop3A_304, %parallel_loop3A_183 : vector<16xf32>
      %parallel_loop3A_310 = arith.addf %parallel_loop3A_305, %parallel_loop3A_187 : vector<16xf32>
      %parallel_loop3A_311 = arith.mulf %parallel_loop3A_187, %parallel_loop3A_187 : vector<16xf32>
      %parallel_loop3A_312 = arith.addf %parallel_loop3A_307, %parallel_loop3A_311 : vector<16xf32>
      %parallel_loop3A_313 = arith.minimumf %parallel_loop3A_308, %parallel_loop3A_187 : vector<16xf32>
      %parallel_loop3A_314 = arith.maximumf %parallel_loop3A_309, %parallel_loop3A_187 : vector<16xf32>
      %parallel_loop3A_315 = arith.addf %parallel_loop3A_310, %parallel_loop3A_191 : vector<16xf32>
      %parallel_loop3A_316 = arith.mulf %parallel_loop3A_191, %parallel_loop3A_191 : vector<16xf32>
      %parallel_loop3A_317 = arith.addf %parallel_loop3A_312, %parallel_loop3A_316 : vector<16xf32>
      %parallel_loop3A_318 = arith.minimumf %parallel_loop3A_313, %parallel_loop3A_191 : vector<16xf32>
      %parallel_loop3A_319 = arith.maximumf %parallel_loop3A_314, %parallel_loop3A_191 : vector<16xf32>
      %parallel_loop3A_320 = arith.addf %parallel_loop3A_315, %parallel_loop3A_195 : vector<16xf32>
      %parallel_loop3A_321 = arith.mulf %parallel_loop3A_195, %parallel_loop3A_195 : vector<16xf32>
      %parallel_loop3A_322 = arith.addf %parallel_loop3A_317, %parallel_loop3A_321 : vector<16xf32>
      %parallel_loop3A_323 = arith.minimumf %parallel_loop3A_318, %parallel_loop3A_195 : vector<16xf32>
      %parallel_loop3A_324 = arith.maximumf %parallel_loop3A_319, %parallel_loop3A_195 : vector<16xf32>
      %parallel_loop3A_325 = arith.constant 0.000000e+00 : f32
      %parallel_loop3A_326 = vector.broadcast %parallel_loop3A_325 : f32 to vector<16xf32>
      %parallel_loop3A_327 = arith.select %lt3A_23, %parallel_loop3A_326, %parallel_loop3A_147 : vector<16xi1>, vector<16xf32>
      %parallel_loop3A_328 = arith.addf %parallel_loop3A_320, %parallel_loop3A_327 : vector<16xf32>
      %parallel_loop3A_329 = arith.mulf %parallel_loop3A_147, %parallel_loop3A_147 : vector<16xf32>
      %parallel_loop3A_330 = arith.constant 0.000000e+00 : f32
      %parallel_loop3A_331 = vector.broadcast %parallel_loop3A_330 : f32 to vector<16xf32>
      %parallel_loop3A_332 = arith.select %lt3A_23, %parallel_loop3A_331, %parallel_loop3A_329 : vector<16xi1>, vector<16xf32>
      %parallel_loop3A_333 = arith.addf %parallel_loop3A_322, %parallel_loop3A_332 : vector<16xf32>
      %parallel_loop3A_334 = arith.constant 3.400000e+38 : f32
      %parallel_loop3A_335 = vector.broadcast %parallel_loop3A_334 : f32 to vector<16xf32>
      %parallel_loop3A_336 = arith.select %lt3A_23, %parallel_loop3A_335, %parallel_loop3A_147 : vector<16xi1>, vector<16xf32>
      %parallel_loop3A_337 = arith.minimumf %parallel_loop3A_323, %parallel_loop3A_336 : vector<16xf32>
      %parallel_loop3A_338 = arith.constant -3.400000e+38 : f32
      %parallel_loop3A_339 = vector.broadcast %parallel_loop3A_338 : f32 to vector<16xf32>
      %parallel_loop3A_340 = arith.select %lt3A_23, %parallel_loop3A_339, %parallel_loop3A_147 : vector<16xi1>, vector<16xf32>
      %parallel_loop3A_341 = arith.maximumf %parallel_loop3A_324, %parallel_loop3A_340 : vector<16xf32>
      %parallel_loop3A_342 = arith.constant 2 : i32
      %parallel_loop3A_343 = arith.muli %parallel_loop3A_342, %parallel_loop3A_90 : i32
      %parallel_loop3A_344 = arith.index_cast %parallel_loop3A_343 : i32 to index
      %parallel_loop3A_345 = tpu.vector_load %arg9[%parallel_loop3A_344] {strides = array<i32>} : memref<528xf32, #tpu.memory_space<vmem>>, vector<16xf32>,
      %parallel_loop3A_346 = arith.constant true
      %parallel_loop3A_347 = vector.broadcast %parallel_loop3A_346 : i1 to vector<16xi1>
      %parallel_loop3A_348 = tpu.scan <sum>, %parallel_loop3A_255 masked %parallel_loop3A_347 : vector<16xf32>, vector<16xi1> -> vector<16xf32>
      %parallel_loop3A_349 = vector.extract %parallel_loop3A_348[15] : f32 from vector<16xf32>
      %parallel_loop3A_350 = vector.broadcast %parallel_loop3A_349 : f32 to vector<16xf32>
      %parallel_loop3A_351 = arith.constant true
      %parallel_loop3A_352 = vector.broadcast %parallel_loop3A_351 : i1 to vector<16xi1>
      %parallel_loop3A_353 = tpu.scan <sum>, %parallel_loop3A_260 masked %parallel_loop3A_352 : vector<16xf32>, vector<16xi1> -> vector<16xf32>
      %parallel_loop3A_354 = vector.extract %parallel_loop3A_353[15] : f32 from vector<16xf32>
      %parallel_loop3A_355 = vector.broadcast %parallel_loop3A_354 : f32 to vector<16xf32>
      %parallel_loop3A_356 = arith.mulf %parallel_loop3A_350, %parallel_loop3A_350 : vector<16xf32>
      %parallel_loop3A_357 = arith.constant 5.000000e-03 : f32
      %parallel_loop3A_358 = vector.broadcast %parallel_loop3A_357 : f32 to vector<16xf32>
      %parallel_loop3A_359 = arith.mulf %parallel_loop3A_356, %parallel_loop3A_358 : vector<16xf32>
      %parallel_loop3A_360 = arith.subf %parallel_loop3A_355, %parallel_loop3A_359 : vector<16xf32>
      %parallel_loop3A_361 = arith.constant 0.00502512557 : f32
      %parallel_loop3A_362 = vector.broadcast %parallel_loop3A_361 : f32 to vector<16xf32>
      %parallel_loop3A_363 = arith.mulf %parallel_loop3A_360, %parallel_loop3A_362 : vector<16xf32>
      %parallel_loop3A_364 = arith.constant 1.000000e-16 : f32
      %parallel_loop3A_365 = vector.broadcast %parallel_loop3A_364 : f32 to vector<16xf32>
      %parallel_loop3A_366 = arith.maximumf %parallel_loop3A_363, %parallel_loop3A_365 : vector<16xf32>
      %parallel_loop3A_367 = tpu.bitcast %parallel_loop3A_366 : vector<16xf32> -> vector<16xi32>
      %parallel_loop3A_368 = arith.constant 1 : i32
      %parallel_loop3A_369 = vector.broadcast %parallel_loop3A_368 : i32 to vector<16xi32>
      %parallel_loop3A_370 = arith.shrui %parallel_loop3A_367, %parallel_loop3A_369 : vector<16xi32>
      %parallel_loop3A_371 = arith.constant 1597463007 : i32
      %parallel_loop3A_372 = vector.broadcast %parallel_loop3A_371 : i32 to vector<16xi32>
      %parallel_loop3A_373 = arith.subi %parallel_loop3A_372, %parallel_loop3A_370 : vector<16xi32>
      %parallel_loop3A_374 = tpu.bitcast %parallel_loop3A_373 : vector<16xi32> -> vector<16xf32>
      %parallel_loop3A_375 = arith.constant 5.000000e-01 : f32
      %parallel_loop3A_376 = vector.broadcast %parallel_loop3A_375 : f32 to vector<16xf32>
      %parallel_loop3A_377 = arith.mulf %parallel_loop3A_376, %parallel_loop3A_366 : vector<16xf32>
      %parallel_loop3A_378 = arith.mulf %parallel_loop3A_377, %parallel_loop3A_374 : vector<16xf32>
      %parallel_loop3A_379 = arith.mulf %parallel_loop3A_378, %parallel_loop3A_374 : vector<16xf32>
      %parallel_loop3A_380 = arith.constant 1.500000e+00 : f32
      %parallel_loop3A_381 = vector.broadcast %parallel_loop3A_380 : f32 to vector<16xf32>
      %parallel_loop3A_382 = arith.subf %parallel_loop3A_381, %parallel_loop3A_379 : vector<16xf32>
      %parallel_loop3A_383 = arith.mulf %parallel_loop3A_374, %parallel_loop3A_382 : vector<16xf32>
      %parallel_loop3A_384 = arith.constant 5.000000e-01 : f32
      %parallel_loop3A_385 = vector.broadcast %parallel_loop3A_384 : f32 to vector<16xf32>
      %parallel_loop3A_386 = arith.mulf %parallel_loop3A_385, %parallel_loop3A_366 : vector<16xf32>
      %parallel_loop3A_387 = arith.mulf %parallel_loop3A_386, %parallel_loop3A_383 : vector<16xf32>
      %parallel_loop3A_388 = arith.mulf %parallel_loop3A_387, %parallel_loop3A_383 : vector<16xf32>
      %parallel_loop3A_389 = arith.constant 1.500000e+00 : f32
      %parallel_loop3A_390 = vector.broadcast %parallel_loop3A_389 : f32 to vector<16xf32>
      %parallel_loop3A_391 = arith.subf %parallel_loop3A_390, %parallel_loop3A_388 : vector<16xf32>
      %parallel_loop3A_392 = arith.mulf %parallel_loop3A_383, %parallel_loop3A_391 : vector<16xf32>
      %parallel_loop3A_393 = arith.constant 5.000000e-01 : f32
      %parallel_loop3A_394 = vector.broadcast %parallel_loop3A_393 : f32 to vector<16xf32>
      %parallel_loop3A_395 = arith.mulf %parallel_loop3A_394, %parallel_loop3A_366 : vector<16xf32>
      %parallel_loop3A_396 = arith.mulf %parallel_loop3A_395, %parallel_loop3A_392 : vector<16xf32>
      %parallel_loop3A_397 = arith.mulf %parallel_loop3A_396, %parallel_loop3A_392 : vector<16xf32>
      %parallel_loop3A_398 = arith.constant 1.500000e+00 : f32
      %parallel_loop3A_399 = vector.broadcast %parallel_loop3A_398 : f32 to vector<16xf32>
      %parallel_loop3A_400 = arith.subf %parallel_loop3A_399, %parallel_loop3A_397 : vector<16xf32>
      %parallel_loop3A_401 = arith.mulf %parallel_loop3A_392, %parallel_loop3A_400 : vector<16xf32>
      %parallel_loop3A_402 = arith.mulf %parallel_loop3A_366, %parallel_loop3A_401 : vector<16xf32>
      %parallel_loop3A_403 = arith.constant 9.99999993E-9 : f32
      %parallel_loop3A_404 = vector.broadcast %parallel_loop3A_403 : f32 to vector<16xf32>
      %parallel_loop3A_405 = arith.maximumf %parallel_loop3A_402, %parallel_loop3A_404 : vector<16xf32>
      %parallel_loop3A_406 = arith.constant 1.000000e-03 : f32
      %parallel_loop3A_407 = vector.broadcast %parallel_loop3A_406 : f32 to vector<16xf32>
      %parallel_loop3A_408 = arith.divf %parallel_loop3A_407, %parallel_loop3A_405 : vector<16xf32>
      %parallel_loop3A_409 = arith.constant 1.000000e-01 : f32
      %parallel_loop3A_410 = arith.constant 3.000000e+00 : f32
      %parallel_loop3A_411 = vector.broadcast %parallel_loop3A_409 : f32 to vector<16xf32>
      %parallel_loop3A_412 = arith.maximumf %parallel_loop3A_411, %parallel_loop3A_408 : vector<16xf32>
      %parallel_loop3A_413 = vector.broadcast %parallel_loop3A_410 : f32 to vector<16xf32>
      %parallel_loop3A_414 = arith.minimumf %parallel_loop3A_413, %parallel_loop3A_412 : vector<16xf32>
      %parallel_loop3A_415 = vector.extract_strided_slice %parallel_loop3A_345 {offsets = [0], sizes = [1], strides = [1]} : vector<16xf32> to vector<1xf32>
      %parallel_loop3A_416 = vector.extract %parallel_loop3A_415[0] : f32 from vector<1xf32>
      %parallel_loop3A_417 = vector.broadcast %parallel_loop3A_416 : f32 to vector<16xf32>
      %parallel_loop3A_418 = arith.mulf %parallel_loop3A_417, %parallel_loop3A_414 : vector<16xf32>
      %parallel_loop3A_419 = arith.constant 2 : i32
      %parallel_loop3A_420 = arith.muli %parallel_loop3A_419, %parallel_loop3A_90 : i32
      %parallel_loop3A_421 = arith.constant 0 : i32
      %parallel_loop3A_422 = arith.addi %parallel_loop3A_420, %parallel_loop3A_421 : i32
      %parallel_loop3A_423 = arith.constant 16 : i32
      %parallel_loop3A_424 = arith.muli %parallel_loop3A_422, %parallel_loop3A_423 : i32
      %parallel_loop3A_425 = arith.index_cast %parallel_loop3A_424 : i32 to index
      %parallel_loop3A_426 = tpu.vector_load %arg11[%parallel_loop3A_425] {strides = array<i32>} : memref<8192xf32, #tpu.memory_space<vmem>>, vector<16xf32>,
      tpu.vector_store %arg11[%parallel_loop3A_425], %parallel_loop3A_418 {strides = array<i32>} : memref<8192xf32, #tpu.memory_space<vmem>>, vector<16xf32>,
      %parallel_loop3A_427 = arith.mulf %parallel_loop3A_418, %parallel_loop3A_350 : vector<16xf32>
      %parallel_loop3A_428 = arith.addf %parallel_loop3A_91, %parallel_loop3A_427 : vector<16xf32>
      %parallel_loop3A_429 = arith.mulf %parallel_loop3A_418, %parallel_loop3A_264 : vector<16xf32>
      %parallel_loop3A_430 = arith.mulf %parallel_loop3A_418, %parallel_loop3A_268 : vector<16xf32>
      %parallel_loop3A_431 = arith.minimumf %parallel_loop3A_429, %parallel_loop3A_430 : vector<16xf32>
      %parallel_loop3A_432 = arith.minimumf %parallel_loop3A_92, %parallel_loop3A_431 : vector<16xf32>
      %parallel_loop3A_433 = arith.mulf %parallel_loop3A_418, %parallel_loop3A_264 : vector<16xf32>
      %parallel_loop3A_434 = arith.mulf %parallel_loop3A_418, %parallel_loop3A_268 : vector<16xf32>
      %parallel_loop3A_435 = arith.maximumf %parallel_loop3A_433, %parallel_loop3A_434 : vector<16xf32>
      %parallel_loop3A_436 = arith.maximumf %parallel_loop3A_93, %parallel_loop3A_435 : vector<16xf32>
      %parallel_loop3A_437 = arith.constant true
      %parallel_loop3A_438 = vector.broadcast %parallel_loop3A_437 : i1 to vector<16xi1>
      %parallel_loop3A_439 = tpu.scan <sum>, %parallel_loop3A_328 masked %parallel_loop3A_438 : vector<16xf32>, vector<16xi1> -> vector<16xf32>
      %parallel_loop3A_440 = vector.extract %parallel_loop3A_439[15] : f32 from vector<16xf32>
      %parallel_loop3A_441 = vector.broadcast %parallel_loop3A_440 : f32 to vector<16xf32>
      %parallel_loop3A_442 = arith.constant true
      %parallel_loop3A_443 = vector.broadcast %parallel_loop3A_442 : i1 to vector<16xi1>
      %parallel_loop3A_444 = tpu.scan <sum>, %parallel_loop3A_333 masked %parallel_loop3A_443 : vector<16xf32>, vector<16xi1> -> vector<16xf32>
      %parallel_loop3A_445 = vector.extract %parallel_loop3A_444[15] : f32 from vector<16xf32>
      %parallel_loop3A_446 = vector.broadcast %parallel_loop3A_445 : f32 to vector<16xf32>
      %parallel_loop3A_447 = arith.mulf %parallel_loop3A_441, %parallel_loop3A_441 : vector<16xf32>
      %parallel_loop3A_448 = arith.constant 5.000000e-03 : f32
      %parallel_loop3A_449 = vector.broadcast %parallel_loop3A_448 : f32 to vector<16xf32>
      %parallel_loop3A_450 = arith.mulf %parallel_loop3A_447, %parallel_loop3A_449 : vector<16xf32>
      %parallel_loop3A_451 = arith.subf %parallel_loop3A_446, %parallel_loop3A_450 : vector<16xf32>
      %parallel_loop3A_452 = arith.constant 0.00502512557 : f32
      %parallel_loop3A_453 = vector.broadcast %parallel_loop3A_452 : f32 to vector<16xf32>
      %parallel_loop3A_454 = arith.mulf %parallel_loop3A_451, %parallel_loop3A_453 : vector<16xf32>
      %parallel_loop3A_455 = arith.constant 1.000000e-16 : f32
      %parallel_loop3A_456 = vector.broadcast %parallel_loop3A_455 : f32 to vector<16xf32>
      %parallel_loop3A_457 = arith.maximumf %parallel_loop3A_454, %parallel_loop3A_456 : vector<16xf32>
      %parallel_loop3A_458 = tpu.bitcast %parallel_loop3A_457 : vector<16xf32> -> vector<16xi32>
      %parallel_loop3A_459 = arith.constant 1 : i32
      %parallel_loop3A_460 = vector.broadcast %parallel_loop3A_459 : i32 to vector<16xi32>
      %parallel_loop3A_461 = arith.shrui %parallel_loop3A_458, %parallel_loop3A_460 : vector<16xi32>
      %parallel_loop3A_462 = arith.constant 1597463007 : i32
      %parallel_loop3A_463 = vector.broadcast %parallel_loop3A_462 : i32 to vector<16xi32>
      %parallel_loop3A_464 = arith.subi %parallel_loop3A_463, %parallel_loop3A_461 : vector<16xi32>
      %parallel_loop3A_465 = tpu.bitcast %parallel_loop3A_464 : vector<16xi32> -> vector<16xf32>
      %parallel_loop3A_466 = arith.constant 5.000000e-01 : f32
      %parallel_loop3A_467 = vector.broadcast %parallel_loop3A_466 : f32 to vector<16xf32>
      %parallel_loop3A_468 = arith.mulf %parallel_loop3A_467, %parallel_loop3A_457 : vector<16xf32>
      %parallel_loop3A_469 = arith.mulf %parallel_loop3A_468, %parallel_loop3A_465 : vector<16xf32>
      %parallel_loop3A_470 = arith.mulf %parallel_loop3A_469, %parallel_loop3A_465 : vector<16xf32>
      %parallel_loop3A_471 = arith.constant 1.500000e+00 : f32
      %parallel_loop3A_472 = vector.broadcast %parallel_loop3A_471 : f32 to vector<16xf32>
      %parallel_loop3A_473 = arith.subf %parallel_loop3A_472, %parallel_loop3A_470 : vector<16xf32>
      %parallel_loop3A_474 = arith.mulf %parallel_loop3A_465, %parallel_loop3A_473 : vector<16xf32>
      %parallel_loop3A_475 = arith.constant 5.000000e-01 : f32
      %parallel_loop3A_476 = vector.broadcast %parallel_loop3A_475 : f32 to vector<16xf32>
      %parallel_loop3A_477 = arith.mulf %parallel_loop3A_476, %parallel_loop3A_457 : vector<16xf32>
      %parallel_loop3A_478 = arith.mulf %parallel_loop3A_477, %parallel_loop3A_474 : vector<16xf32>
      %parallel_loop3A_479 = arith.mulf %parallel_loop3A_478, %parallel_loop3A_474 : vector<16xf32>
      %parallel_loop3A_480 = arith.constant 1.500000e+00 : f32
      %parallel_loop3A_481 = vector.broadcast %parallel_loop3A_480 : f32 to vector<16xf32>
      %parallel_loop3A_482 = arith.subf %parallel_loop3A_481, %parallel_loop3A_479 : vector<16xf32>
      %parallel_loop3A_483 = arith.mulf %parallel_loop3A_474, %parallel_loop3A_482 : vector<16xf32>
      %parallel_loop3A_484 = arith.constant 5.000000e-01 : f32
      %parallel_loop3A_485 = vector.broadcast %parallel_loop3A_484 : f32 to vector<16xf32>
      %parallel_loop3A_486 = arith.mulf %parallel_loop3A_485, %parallel_loop3A_457 : vector<16xf32>
      %parallel_loop3A_487 = arith.mulf %parallel_loop3A_486, %parallel_loop3A_483 : vector<16xf32>
      %parallel_loop3A_488 = arith.mulf %parallel_loop3A_487, %parallel_loop3A_483 : vector<16xf32>
      %parallel_loop3A_489 = arith.constant 1.500000e+00 : f32
      %parallel_loop3A_490 = vector.broadcast %parallel_loop3A_489 : f32 to vector<16xf32>
      %parallel_loop3A_491 = arith.subf %parallel_loop3A_490, %parallel_loop3A_488 : vector<16xf32>
      %parallel_loop3A_492 = arith.mulf %parallel_loop3A_483, %parallel_loop3A_491 : vector<16xf32>
      %parallel_loop3A_493 = arith.mulf %parallel_loop3A_457, %parallel_loop3A_492 : vector<16xf32>
      %parallel_loop3A_494 = arith.constant 9.99999993E-9 : f32
      %parallel_loop3A_495 = vector.broadcast %parallel_loop3A_494 : f32 to vector<16xf32>
      %parallel_loop3A_496 = arith.maximumf %parallel_loop3A_493, %parallel_loop3A_495 : vector<16xf32>
      %parallel_loop3A_497 = arith.constant 1.000000e-03 : f32
      %parallel_loop3A_498 = vector.broadcast %parallel_loop3A_497 : f32 to vector<16xf32>
      %parallel_loop3A_499 = arith.divf %parallel_loop3A_498, %parallel_loop3A_496 : vector<16xf32>
      %parallel_loop3A_500 = arith.constant 1.000000e-01 : f32
      %parallel_loop3A_501 = arith.constant 3.000000e+00 : f32
      %parallel_loop3A_502 = vector.broadcast %parallel_loop3A_500 : f32 to vector<16xf32>
      %parallel_loop3A_503 = arith.maximumf %parallel_loop3A_502, %parallel_loop3A_499 : vector<16xf32>
      %parallel_loop3A_504 = vector.broadcast %parallel_loop3A_501 : f32 to vector<16xf32>
      %parallel_loop3A_505 = arith.minimumf %parallel_loop3A_504, %parallel_loop3A_503 : vector<16xf32>
      %parallel_loop3A_506 = vector.extract_strided_slice %parallel_loop3A_345 {offsets = [1], sizes = [1], strides = [1]} : vector<16xf32> to vector<1xf32>
      %parallel_loop3A_507 = vector.extract %parallel_loop3A_506[0] : f32 from vector<1xf32>
      %parallel_loop3A_508 = vector.broadcast %parallel_loop3A_507 : f32 to vector<16xf32>
      %parallel_loop3A_509 = arith.mulf %parallel_loop3A_508, %parallel_loop3A_505 : vector<16xf32>
      %parallel_loop3A_510 = arith.constant 2 : i32
      %parallel_loop3A_511 = arith.muli %parallel_loop3A_510, %parallel_loop3A_90 : i32
      %parallel_loop3A_512 = arith.constant 1 : i32
      %parallel_loop3A_513 = arith.addi %parallel_loop3A_511, %parallel_loop3A_512 : i32
      %parallel_loop3A_514 = arith.constant 16 : i32
      %parallel_loop3A_515 = arith.muli %parallel_loop3A_513, %parallel_loop3A_514 : i32
      %parallel_loop3A_516 = arith.index_cast %parallel_loop3A_515 : i32 to index
      %parallel_loop3A_517 = tpu.vector_load %arg11[%parallel_loop3A_516] {strides = array<i32>} : memref<8192xf32, #tpu.memory_space<vmem>>, vector<16xf32>,
      tpu.vector_store %arg11[%parallel_loop3A_516], %parallel_loop3A_509 {strides = array<i32>} : memref<8192xf32, #tpu.memory_space<vmem>>, vector<16xf32>,
      %parallel_loop3A_518 = arith.mulf %parallel_loop3A_509, %parallel_loop3A_441 : vector<16xf32>
      %parallel_loop3A_519 = arith.addf %parallel_loop3A_428, %parallel_loop3A_518 : vector<16xf32>
      %parallel_loop3A_520 = arith.mulf %parallel_loop3A_509, %parallel_loop3A_337 : vector<16xf32>
      %parallel_loop3A_521 = arith.mulf %parallel_loop3A_509, %parallel_loop3A_341 : vector<16xf32>
      %parallel_loop3A_522 = arith.minimumf %parallel_loop3A_520, %parallel_loop3A_521 : vector<16xf32>
      %parallel_loop3A_523 = arith.minimumf %parallel_loop3A_432, %parallel_loop3A_522 : vector<16xf32>
      %parallel_loop3A_524 = arith.mulf %parallel_loop3A_509, %parallel_loop3A_337 : vector<16xf32>
      %parallel_loop3A_525 = arith.mulf %parallel_loop3A_509, %parallel_loop3A_341 : vector<16xf32>
      %parallel_loop3A_526 = arith.maximumf %parallel_loop3A_524, %parallel_loop3A_525 : vector<16xf32>
      %parallel_loop3A_527 = arith.maximumf %parallel_loop3A_436, %parallel_loop3A_526 : vector<16xf32>
      scf.yield %parallel_loop3A_519, %parallel_loop3A_523, %parallel_loop3A_527 : vector<16xf32>, vector<16xf32>, vector<16xf32>
    } {sc.loop_unroll_factor = 2 : i64, sc.parallel_access}
    %parallel_loop3A_50 = arith.constant 0 : i32
    %parallel_loop3A_51 = arith.constant 32 : i32
    %parallel_loop3A_52 = arith.constant 1 : i32
    %parallel_loop3A_53:2 = scf.for %parallel_loop3A_90 = %parallel_loop3A_50 to %parallel_loop3A_51 step %parallel_loop3A_52 iter_args(%parallel_loop3A_91 = %broadcast_in_dim3A_24, %parallel_loop3A_92 = %broadcast_in_dim3A_24) -> (vector<16xf32>, vector<16xf32>)  : i32 {
      %parallel_loop3A_93 = arith.constant 16 : i32
      %parallel_loop3A_94 = arith.muli %parallel_loop3A_90, %parallel_loop3A_93 : i32
      %parallel_loop3A_95 = arith.index_cast %parallel_loop3A_94 : i32 to index
      %parallel_loop3A_96 = tpu.vector_load %arg9[%parallel_loop3A_95] {strides = array<i32>} : memref<528xf32, #tpu.memory_space<vmem>>, vector<16xf32>,
      %parallel_loop3A_97 = arith.constant 16 : i32
      %parallel_loop3A_98 = arith.muli %parallel_loop3A_90, %parallel_loop3A_97 : i32
      %parallel_loop3A_99 = arith.index_cast %parallel_loop3A_98 : i32 to index
      %parallel_loop3A_100 = tpu.vector_load %arg10[%parallel_loop3A_99] {strides = array<i32>} : memref<528xf32, #tpu.memory_space<vmem>>, vector<16xf32>,
      %parallel_loop3A_101 = arith.subf %parallel_loop3A_96, %parallel_loop3A_100 : vector<16xf32>
      %parallel_loop3A_102 = math.absf %parallel_loop3A_101 : vector<16xf32>
      %parallel_loop3A_103 = arith.addf %parallel_loop3A_91, %parallel_loop3A_102 : vector<16xf32>
      %parallel_loop3A_104 = arith.mulf %parallel_loop3A_96, %parallel_loop3A_96 : vector<16xf32>
      %parallel_loop3A_105 = arith.addf %parallel_loop3A_92, %parallel_loop3A_104 : vector<16xf32>
      scf.yield %parallel_loop3A_103, %parallel_loop3A_105 : vector<16xf32>, vector<16xf32>
    } {sc.loop_unroll_factor = 4 : i64, sc.parallel_access}
    %reduce_min3A = arith.constant true
    %reduce_min3A_54 = vector.broadcast %reduce_min3A : i1 to vector<16xi1>
    %reduce_min3A_55 = tpu.scan <min>, %parallel_loop3A_49#1 masked %reduce_min3A_54 : vector<16xf32>, vector<16xi1> -> vector<16xf32>
    %reduce_min3A_56 = vector.extract %reduce_min3A_55[15] : f32 from vector<16xf32>
    %broadcast_in_dim3A_57 = vector.broadcast %reduce_min3A_56 : f32 to vector<16xf32>
    %reduce_max3A = arith.constant true
    %reduce_max3A_58 = vector.broadcast %reduce_max3A : i1 to vector<16xi1>
    %reduce_max3A_59 = tpu.scan <max>, %parallel_loop3A_49#2 masked %reduce_max3A_58 : vector<16xf32>, vector<16xi1> -> vector<16xf32>
    %reduce_max3A_60 = vector.extract %reduce_max3A_59[15] : f32 from vector<16xf32>
    %broadcast_in_dim3A_61 = vector.broadcast %reduce_max3A_60 : f32 to vector<16xf32>
    %sub3A = arith.subf %broadcast_in_dim3A_61, %broadcast_in_dim3A_57 : vector<16xf32>
    %max3A = arith.constant 1.000000e-30 : f32
    %max3A_62 = vector.broadcast %max3A : f32 to vector<16xf32>
    %max3A_63 = arith.maximumf %sub3A, %max3A_62 : vector<16xf32>
    %div3A = arith.constant 4.096000e+03 : f32
    %div3A_64 = vector.broadcast %div3A : f32 to vector<16xf32>
    %div3A_65 = arith.divf %div3A_64, %max3A_63 : vector<16xf32>
    %broadcast_in_dim3A_66 = arith.constant 1.000000e+00 : f32
    %broadcast_in_dim3A_67 = vector.broadcast %broadcast_in_dim3A_66 : f32 to vector<16xf32>
    %broadcast_in_dim3A_68 = arith.constant 4095 : i32
    %broadcast_in_dim3A_69 = vector.broadcast %broadcast_in_dim3A_68 : i32 to vector<16xi32>
    %broadcast_in_dim3A_70 = arith.constant 0 : i32
    %broadcast_in_dim3A_71 = vector.broadcast %broadcast_in_dim3A_70 : i32 to vector<16xi32>
    %parallel_loop3A_72 = arith.constant 0 : i32
    %parallel_loop3A_73 = arith.constant 256 : i32
    %parallel_loop3A_74 = arith.constant 1 : i32
    scf.for %parallel_loop3A_90 = %parallel_loop3A_72 to %parallel_loop3A_73 step %parallel_loop3A_74  : i32 {
      %parallel_loop3A_91 = arith.constant 2 : i32
      %parallel_loop3A_92 = arith.muli %parallel_loop3A_91, %parallel_loop3A_90 : i32
      %parallel_loop3A_93 = arith.constant 16 : i32
      %parallel_loop3A_94 = arith.muli %parallel_loop3A_92, %parallel_loop3A_93 : i32
      %parallel_loop3A_95 = arith.index_cast %parallel_loop3A_94 : i32 to index
      %parallel_loop3A_96 = tpu.vector_load %arg11[%parallel_loop3A_95] {strides = array<i32>} : memref<8192xf32, #tpu.memory_space<vmem>>, vector<16xf32>,
      %parallel_loop3A_97 = arith.constant 2 : i32
      %parallel_loop3A_98 = arith.muli %parallel_loop3A_97, %parallel_loop3A_90 : i32
      %parallel_loop3A_99 = arith.constant 1 : i32
      %parallel_loop3A_100 = arith.addi %parallel_loop3A_98, %parallel_loop3A_99 : i32
      %parallel_loop3A_101 = arith.constant 16 : i32
      %parallel_loop3A_102 = arith.muli %parallel_loop3A_100, %parallel_loop3A_101 : i32
      %parallel_loop3A_103 = arith.index_cast %parallel_loop3A_102 : i32 to index
      %parallel_loop3A_104 = tpu.vector_load %arg11[%parallel_loop3A_103] {strides = array<i32>} : memref<8192xf32, #tpu.memory_space<vmem>>, vector<16xf32>,
      %parallel_loop3A_105 = arith.select %lt3A_23, %parallel_loop3A_96, %parallel_loop3A_104 : vector<16xi1>, vector<16xf32>
      %parallel_loop3A_106 = arith.constant 400 : i32
      %parallel_loop3A_107 = arith.muli %parallel_loop3A_90, %parallel_loop3A_106 : i32
      %parallel_loop3A_108 = arith.constant 0 : i32
      %parallel_loop3A_109 = arith.addi %parallel_loop3A_107, %parallel_loop3A_108 : i32
      %parallel_loop3A_110 = arith.index_cast %parallel_loop3A_109 : i32 to index
      %parallel_loop3A_111 = tpu.vector_load %arg8[%parallel_loop3A_110] {strides = array<i32>} : memref<102400xf32, #tpu.memory_space<vmem>>, vector<16xf32>,
      %parallel_loop3A_112 = arith.mulf %parallel_loop3A_96, %parallel_loop3A_111 : vector<16xf32>
      %parallel_loop3A_113 = arith.subf %parallel_loop3A_112, %broadcast_in_dim3A_57 : vector<16xf32>
      %parallel_loop3A_114 = arith.mulf %parallel_loop3A_113, %div3A_65 : vector<16xf32>
      %parallel_loop3A_115 = arith.fptosi %parallel_loop3A_114 : vector<16xf32> to vector<16xi32>
      %parallel_loop3A_116 = arith.maxsi %parallel_loop3A_115, %broadcast_in_dim3A_71 : vector<16xi32>
      %parallel_loop3A_117 = arith.minsi %parallel_loop3A_116, %broadcast_in_dim3A_69 : vector<16xi32>
      tpu.vector_store_idx %arg12[%parallel_loop3A_117], %broadcast_in_dim3A_67 {add = true} : memref<4096xf32, #tpu.memory_space<vmem>>[vector<16xi32>], vector<16xf32>,
      tpu.vector_store_idx %arg13[%parallel_loop3A_117], %parallel_loop3A_112 {add = true} : memref<4096xf32, #tpu.memory_space<vmem>>[vector<16xi32>], vector<16xf32>,
      %parallel_loop3A_118 = arith.constant 16 : i32
      %parallel_loop3A_119 = arith.addi %parallel_loop3A_107, %parallel_loop3A_118 : i32
      %parallel_loop3A_120 = arith.index_cast %parallel_loop3A_119 : i32 to index
      %parallel_loop3A_121 = tpu.vector_load %arg8[%parallel_loop3A_120] {strides = array<i32>} : memref<102400xf32, #tpu.memory_space<vmem>>, vector<16xf32>,
      %parallel_loop3A_122 = arith.mulf %parallel_loop3A_96, %parallel_loop3A_121 : vector<16xf32>
      %parallel_loop3A_123 = arith.subf %parallel_loop3A_122, %broadcast_in_dim3A_57 : vector<16xf32>
      %parallel_loop3A_124 = arith.mulf %parallel_loop3A_123, %div3A_65 : vector<16xf32>
      %parallel_loop3A_125 = arith.fptosi %parallel_loop3A_124 : vector<16xf32> to vector<16xi32>
      %parallel_loop3A_126 = arith.maxsi %parallel_loop3A_125, %broadcast_in_dim3A_71 : vector<16xi32>
      %parallel_loop3A_127 = arith.minsi %parallel_loop3A_126, %broadcast_in_dim3A_69 : vector<16xi32>
      tpu.vector_store_idx %arg12[%parallel_loop3A_127], %broadcast_in_dim3A_67 {add = true} : memref<4096xf32, #tpu.memory_space<vmem>>[vector<16xi32>], vector<16xf32>,
      tpu.vector_store_idx %arg13[%parallel_loop3A_127], %parallel_loop3A_122 {add = true} : memref<4096xf32, #tpu.memory_space<vmem>>[vector<16xi32>], vector<16xf32>,
      %parallel_loop3A_128 = arith.constant 32 : i32
      %parallel_loop3A_129 = arith.addi %parallel_loop3A_107, %parallel_loop3A_128 : i32
      %parallel_loop3A_130 = arith.index_cast %parallel_loop3A_129 : i32 to index
      %parallel_loop3A_131 = tpu.vector_load %arg8[%parallel_loop3A_130] {strides = array<i32>} : memref<102400xf32, #tpu.memory_space<vmem>>, vector<16xf32>,
      %parallel_loop3A_132 = arith.mulf %parallel_loop3A_96, %parallel_loop3A_131 : vector<16xf32>
      %parallel_loop3A_133 = arith.subf %parallel_loop3A_132, %broadcast_in_dim3A_57 : vector<16xf32>
      %parallel_loop3A_134 = arith.mulf %parallel_loop3A_133, %div3A_65 : vector<16xf32>
      %parallel_loop3A_135 = arith.fptosi %parallel_loop3A_134 : vector<16xf32> to vector<16xi32>
      %parallel_loop3A_136 = arith.maxsi %parallel_loop3A_135, %broadcast_in_dim3A_71 : vector<16xi32>
      %parallel_loop3A_137 = arith.minsi %parallel_loop3A_136, %broadcast_in_dim3A_69 : vector<16xi32>
      tpu.vector_store_idx %arg12[%parallel_loop3A_137], %broadcast_in_dim3A_67 {add = true} : memref<4096xf32, #tpu.memory_space<vmem>>[vector<16xi32>], vector<16xf32>,
      tpu.vector_store_idx %arg13[%parallel_loop3A_137], %parallel_loop3A_132 {add = true} : memref<4096xf32, #tpu.memory_space<vmem>>[vector<16xi32>], vector<16xf32>,
      %parallel_loop3A_138 = arith.constant 48 : i32
      %parallel_loop3A_139 = arith.addi %parallel_loop3A_107, %parallel_loop3A_138 : i32
      %parallel_loop3A_140 = arith.index_cast %parallel_loop3A_139 : i32 to index
      %parallel_loop3A_141 = tpu.vector_load %arg8[%parallel_loop3A_140] {strides = array<i32>} : memref<102400xf32, #tpu.memory_space<vmem>>, vector<16xf32>,
      %parallel_loop3A_142 = arith.mulf %parallel_loop3A_96, %parallel_loop3A_141 : vector<16xf32>
      %parallel_loop3A_143 = arith.subf %parallel_loop3A_142, %broadcast_in_dim3A_57 : vector<16xf32>
      %parallel_loop3A_144 = arith.mulf %parallel_loop3A_143, %div3A_65 : vector<16xf32>
      %parallel_loop3A_145 = arith.fptosi %parallel_loop3A_144 : vector<16xf32> to vector<16xi32>
      %parallel_loop3A_146 = arith.maxsi %parallel_loop3A_145, %broadcast_in_dim3A_71 : vector<16xi32>
      %parallel_loop3A_147 = arith.minsi %parallel_loop3A_146, %broadcast_in_dim3A_69 : vector<16xi32>
      tpu.vector_store_idx %arg12[%parallel_loop3A_147], %broadcast_in_dim3A_67 {add = true} : memref<4096xf32, #tpu.memory_space<vmem>>[vector<16xi32>], vector<16xf32>,
      tpu.vector_store_idx %arg13[%parallel_loop3A_147], %parallel_loop3A_142 {add = true} : memref<4096xf32, #tpu.memory_space<vmem>>[vector<16xi32>], vector<16xf32>,
      %parallel_loop3A_148 = arith.constant 64 : i32
      %parallel_loop3A_149 = arith.addi %parallel_loop3A_107, %parallel_loop3A_148 : i32
      %parallel_loop3A_150 = arith.index_cast %parallel_loop3A_149 : i32 to index
      %parallel_loop3A_151 = tpu.vector_load %arg8[%parallel_loop3A_150] {strides = array<i32>} : memref<102400xf32, #tpu.memory_space<vmem>>, vector<16xf32>,
      %parallel_loop3A_152 = arith.mulf %parallel_loop3A_96, %parallel_loop3A_151 : vector<16xf32>
      %parallel_loop3A_153 = arith.subf %parallel_loop3A_152, %broadcast_in_dim3A_57 : vector<16xf32>
      %parallel_loop3A_154 = arith.mulf %parallel_loop3A_153, %div3A_65 : vector<16xf32>
      %parallel_loop3A_155 = arith.fptosi %parallel_loop3A_154 : vector<16xf32> to vector<16xi32>
      %parallel_loop3A_156 = arith.maxsi %parallel_loop3A_155, %broadcast_in_dim3A_71 : vector<16xi32>
      %parallel_loop3A_157 = arith.minsi %parallel_loop3A_156, %broadcast_in_dim3A_69 : vector<16xi32>
      tpu.vector_store_idx %arg12[%parallel_loop3A_157], %broadcast_in_dim3A_67 {add = true} : memref<4096xf32, #tpu.memory_space<vmem>>[vector<16xi32>], vector<16xf32>,
      tpu.vector_store_idx %arg13[%parallel_loop3A_157], %parallel_loop3A_152 {add = true} : memref<4096xf32, #tpu.memory_space<vmem>>[vector<16xi32>], vector<16xf32>,
      %parallel_loop3A_158 = arith.constant 80 : i32
      %parallel_loop3A_159 = arith.addi %parallel_loop3A_107, %parallel_loop3A_158 : i32
      %parallel_loop3A_160 = arith.index_cast %parallel_loop3A_159 : i32 to index
      %parallel_loop3A_161 = tpu.vector_load %arg8[%parallel_loop3A_160] {strides = array<i32>} : memref<102400xf32, #tpu.memory_space<vmem>>, vector<16xf32>,
      %parallel_loop3A_162 = arith.mulf %parallel_loop3A_96, %parallel_loop3A_161 : vector<16xf32>
      %parallel_loop3A_163 = arith.subf %parallel_loop3A_162, %broadcast_in_dim3A_57 : vector<16xf32>
      %parallel_loop3A_164 = arith.mulf %parallel_loop3A_163, %div3A_65 : vector<16xf32>
      %parallel_loop3A_165 = arith.fptosi %parallel_loop3A_164 : vector<16xf32> to vector<16xi32>
      %parallel_loop3A_166 = arith.maxsi %parallel_loop3A_165, %broadcast_in_dim3A_71 : vector<16xi32>
      %parallel_loop3A_167 = arith.minsi %parallel_loop3A_166, %broadcast_in_dim3A_69 : vector<16xi32>
      tpu.vector_store_idx %arg12[%parallel_loop3A_167], %broadcast_in_dim3A_67 {add = true} : memref<4096xf32, #tpu.memory_space<vmem>>[vector<16xi32>], vector<16xf32>,
      tpu.vector_store_idx %arg13[%parallel_loop3A_167], %parallel_loop3A_162 {add = true} : memref<4096xf32, #tpu.memory_space<vmem>>[vector<16xi32>], vector<16xf32>,
      %parallel_loop3A_168 = arith.constant 96 : i32
      %parallel_loop3A_169 = arith.addi %parallel_loop3A_107, %parallel_loop3A_168 : i32
      %parallel_loop3A_170 = arith.index_cast %parallel_loop3A_169 : i32 to index
      %parallel_loop3A_171 = tpu.vector_load %arg8[%parallel_loop3A_170] {strides = array<i32>} : memref<102400xf32, #tpu.memory_space<vmem>>, vector<16xf32>,
      %parallel_loop3A_172 = arith.mulf %parallel_loop3A_96, %parallel_loop3A_171 : vector<16xf32>
      %parallel_loop3A_173 = arith.subf %parallel_loop3A_172, %broadcast_in_dim3A_57 : vector<16xf32>
      %parallel_loop3A_174 = arith.mulf %parallel_loop3A_173, %div3A_65 : vector<16xf32>
      %parallel_loop3A_175 = arith.fptosi %parallel_loop3A_174 : vector<16xf32> to vector<16xi32>
      %parallel_loop3A_176 = arith.maxsi %parallel_loop3A_175, %broadcast_in_dim3A_71 : vector<16xi32>
      %parallel_loop3A_177 = arith.minsi %parallel_loop3A_176, %broadcast_in_dim3A_69 : vector<16xi32>
      tpu.vector_store_idx %arg12[%parallel_loop3A_177], %broadcast_in_dim3A_67 {add = true} : memref<4096xf32, #tpu.memory_space<vmem>>[vector<16xi32>], vector<16xf32>,
      tpu.vector_store_idx %arg13[%parallel_loop3A_177], %parallel_loop3A_172 {add = true} : memref<4096xf32, #tpu.memory_space<vmem>>[vector<16xi32>], vector<16xf32>,
      %parallel_loop3A_178 = arith.constant 112 : i32
      %parallel_loop3A_179 = arith.addi %parallel_loop3A_107, %parallel_loop3A_178 : i32
      %parallel_loop3A_180 = arith.index_cast %parallel_loop3A_179 : i32 to index
      %parallel_loop3A_181 = tpu.vector_load %arg8[%parallel_loop3A_180] {strides = array<i32>} : memref<102400xf32, #tpu.memory_space<vmem>>, vector<16xf32>,
      %parallel_loop3A_182 = arith.mulf %parallel_loop3A_96, %parallel_loop3A_181 : vector<16xf32>
      %parallel_loop3A_183 = arith.subf %parallel_loop3A_182, %broadcast_in_dim3A_57 : vector<16xf32>
      %parallel_loop3A_184 = arith.mulf %parallel_loop3A_183, %div3A_65 : vector<16xf32>
      %parallel_loop3A_185 = arith.fptosi %parallel_loop3A_184 : vector<16xf32> to vector<16xi32>
      %parallel_loop3A_186 = arith.maxsi %parallel_loop3A_185, %broadcast_in_dim3A_71 : vector<16xi32>
      %parallel_loop3A_187 = arith.minsi %parallel_loop3A_186, %broadcast_in_dim3A_69 : vector<16xi32>
      tpu.vector_store_idx %arg12[%parallel_loop3A_187], %broadcast_in_dim3A_67 {add = true} : memref<4096xf32, #tpu.memory_space<vmem>>[vector<16xi32>], vector<16xf32>,
      tpu.vector_store_idx %arg13[%parallel_loop3A_187], %parallel_loop3A_182 {add = true} : memref<4096xf32, #tpu.memory_space<vmem>>[vector<16xi32>], vector<16xf32>,
      %parallel_loop3A_188 = arith.constant 128 : i32
      %parallel_loop3A_189 = arith.addi %parallel_loop3A_107, %parallel_loop3A_188 : i32
      %parallel_loop3A_190 = arith.index_cast %parallel_loop3A_189 : i32 to index
      %parallel_loop3A_191 = tpu.vector_load %arg8[%parallel_loop3A_190] {strides = array<i32>} : memref<102400xf32, #tpu.memory_space<vmem>>, vector<16xf32>,
      %parallel_loop3A_192 = arith.mulf %parallel_loop3A_96, %parallel_loop3A_191 : vector<16xf32>
      %parallel_loop3A_193 = arith.subf %parallel_loop3A_192, %broadcast_in_dim3A_57 : vector<16xf32>
      %parallel_loop3A_194 = arith.mulf %parallel_loop3A_193, %div3A_65 : vector<16xf32>
      %parallel_loop3A_195 = arith.fptosi %parallel_loop3A_194 : vector<16xf32> to vector<16xi32>
      %parallel_loop3A_196 = arith.maxsi %parallel_loop3A_195, %broadcast_in_dim3A_71 : vector<16xi32>
      %parallel_loop3A_197 = arith.minsi %parallel_loop3A_196, %broadcast_in_dim3A_69 : vector<16xi32>
      tpu.vector_store_idx %arg12[%parallel_loop3A_197], %broadcast_in_dim3A_67 {add = true} : memref<4096xf32, #tpu.memory_space<vmem>>[vector<16xi32>], vector<16xf32>,
      tpu.vector_store_idx %arg13[%parallel_loop3A_197], %parallel_loop3A_192 {add = true} : memref<4096xf32, #tpu.memory_space<vmem>>[vector<16xi32>], vector<16xf32>,
      %parallel_loop3A_198 = arith.constant 144 : i32
      %parallel_loop3A_199 = arith.addi %parallel_loop3A_107, %parallel_loop3A_198 : i32
      %parallel_loop3A_200 = arith.index_cast %parallel_loop3A_199 : i32 to index
      %parallel_loop3A_201 = tpu.vector_load %arg8[%parallel_loop3A_200] {strides = array<i32>} : memref<102400xf32, #tpu.memory_space<vmem>>, vector<16xf32>,
      %parallel_loop3A_202 = arith.mulf %parallel_loop3A_96, %parallel_loop3A_201 : vector<16xf32>
      %parallel_loop3A_203 = arith.subf %parallel_loop3A_202, %broadcast_in_dim3A_57 : vector<16xf32>
      %parallel_loop3A_204 = arith.mulf %parallel_loop3A_203, %div3A_65 : vector<16xf32>
      %parallel_loop3A_205 = arith.fptosi %parallel_loop3A_204 : vector<16xf32> to vector<16xi32>
      %parallel_loop3A_206 = arith.maxsi %parallel_loop3A_205, %broadcast_in_dim3A_71 : vector<16xi32>
      %parallel_loop3A_207 = arith.minsi %parallel_loop3A_206, %broadcast_in_dim3A_69 : vector<16xi32>
      tpu.vector_store_idx %arg12[%parallel_loop3A_207], %broadcast_in_dim3A_67 {add = true} : memref<4096xf32, #tpu.memory_space<vmem>>[vector<16xi32>], vector<16xf32>,
      tpu.vector_store_idx %arg13[%parallel_loop3A_207], %parallel_loop3A_202 {add = true} : memref<4096xf32, #tpu.memory_space<vmem>>[vector<16xi32>], vector<16xf32>,
      %parallel_loop3A_208 = arith.constant 160 : i32
      %parallel_loop3A_209 = arith.addi %parallel_loop3A_107, %parallel_loop3A_208 : i32
      %parallel_loop3A_210 = arith.index_cast %parallel_loop3A_209 : i32 to index
      %parallel_loop3A_211 = tpu.vector_load %arg8[%parallel_loop3A_210] {strides = array<i32>} : memref<102400xf32, #tpu.memory_space<vmem>>, vector<16xf32>,
      %parallel_loop3A_212 = arith.mulf %parallel_loop3A_96, %parallel_loop3A_211 : vector<16xf32>
      %parallel_loop3A_213 = arith.subf %parallel_loop3A_212, %broadcast_in_dim3A_57 : vector<16xf32>
      %parallel_loop3A_214 = arith.mulf %parallel_loop3A_213, %div3A_65 : vector<16xf32>
      %parallel_loop3A_215 = arith.fptosi %parallel_loop3A_214 : vector<16xf32> to vector<16xi32>
      %parallel_loop3A_216 = arith.maxsi %parallel_loop3A_215, %broadcast_in_dim3A_71 : vector<16xi32>
      %parallel_loop3A_217 = arith.minsi %parallel_loop3A_216, %broadcast_in_dim3A_69 : vector<16xi32>
      tpu.vector_store_idx %arg12[%parallel_loop3A_217], %broadcast_in_dim3A_67 {add = true} : memref<4096xf32, #tpu.memory_space<vmem>>[vector<16xi32>], vector<16xf32>,
      tpu.vector_store_idx %arg13[%parallel_loop3A_217], %parallel_loop3A_212 {add = true} : memref<4096xf32, #tpu.memory_space<vmem>>[vector<16xi32>], vector<16xf32>,
      %parallel_loop3A_218 = arith.constant 176 : i32
      %parallel_loop3A_219 = arith.addi %parallel_loop3A_107, %parallel_loop3A_218 : i32
      %parallel_loop3A_220 = arith.index_cast %parallel_loop3A_219 : i32 to index
      %parallel_loop3A_221 = tpu.vector_load %arg8[%parallel_loop3A_220] {strides = array<i32>} : memref<102400xf32, #tpu.memory_space<vmem>>, vector<16xf32>,
      %parallel_loop3A_222 = arith.mulf %parallel_loop3A_96, %parallel_loop3A_221 : vector<16xf32>
      %parallel_loop3A_223 = arith.subf %parallel_loop3A_222, %broadcast_in_dim3A_57 : vector<16xf32>
      %parallel_loop3A_224 = arith.mulf %parallel_loop3A_223, %div3A_65 : vector<16xf32>
      %parallel_loop3A_225 = arith.fptosi %parallel_loop3A_224 : vector<16xf32> to vector<16xi32>
      %parallel_loop3A_226 = arith.maxsi %parallel_loop3A_225, %broadcast_in_dim3A_71 : vector<16xi32>
      %parallel_loop3A_227 = arith.minsi %parallel_loop3A_226, %broadcast_in_dim3A_69 : vector<16xi32>
      tpu.vector_store_idx %arg12[%parallel_loop3A_227], %broadcast_in_dim3A_67 {add = true} : memref<4096xf32, #tpu.memory_space<vmem>>[vector<16xi32>], vector<16xf32>,
      tpu.vector_store_idx %arg13[%parallel_loop3A_227], %parallel_loop3A_222 {add = true} : memref<4096xf32, #tpu.memory_space<vmem>>[vector<16xi32>], vector<16xf32>,
      %parallel_loop3A_228 = arith.constant 192 : i32
      %parallel_loop3A_229 = arith.addi %parallel_loop3A_107, %parallel_loop3A_228 : i32
      %parallel_loop3A_230 = arith.index_cast %parallel_loop3A_229 : i32 to index
      %parallel_loop3A_231 = tpu.vector_load %arg8[%parallel_loop3A_230] {strides = array<i32>} : memref<102400xf32, #tpu.memory_space<vmem>>, vector<16xf32>,
      %parallel_loop3A_232 = arith.mulf %parallel_loop3A_105, %parallel_loop3A_231 : vector<16xf32>
      %parallel_loop3A_233 = arith.subf %parallel_loop3A_232, %broadcast_in_dim3A_57 : vector<16xf32>
      %parallel_loop3A_234 = arith.mulf %parallel_loop3A_233, %div3A_65 : vector<16xf32>
      %parallel_loop3A_235 = arith.fptosi %parallel_loop3A_234 : vector<16xf32> to vector<16xi32>
      %parallel_loop3A_236 = arith.maxsi %parallel_loop3A_235, %broadcast_in_dim3A_71 : vector<16xi32>
      %parallel_loop3A_237 = arith.minsi %parallel_loop3A_236, %broadcast_in_dim3A_69 : vector<16xi32>
      tpu.vector_store_idx %arg12[%parallel_loop3A_237], %broadcast_in_dim3A_67 {add = true} : memref<4096xf32, #tpu.memory_space<vmem>>[vector<16xi32>], vector<16xf32>,
      tpu.vector_store_idx %arg13[%parallel_loop3A_237], %parallel_loop3A_232 {add = true} : memref<4096xf32, #tpu.memory_space<vmem>>[vector<16xi32>], vector<16xf32>,
      %parallel_loop3A_238 = arith.constant 208 : i32
      %parallel_loop3A_239 = arith.addi %parallel_loop3A_107, %parallel_loop3A_238 : i32
      %parallel_loop3A_240 = arith.index_cast %parallel_loop3A_239 : i32 to index
      %parallel_loop3A_241 = tpu.vector_load %arg8[%parallel_loop3A_240] {strides = array<i32>} : memref<102400xf32, #tpu.memory_space<vmem>>, vector<16xf32>,
      %parallel_loop3A_242 = arith.mulf %parallel_loop3A_104, %parallel_loop3A_241 : vector<16xf32>
      %parallel_loop3A_243 = arith.subf %parallel_loop3A_242, %broadcast_in_dim3A_57 : vector<16xf32>
      %parallel_loop3A_244 = arith.mulf %parallel_loop3A_243, %div3A_65 : vector<16xf32>
      %parallel_loop3A_245 = arith.fptosi %parallel_loop3A_244 : vector<16xf32> to vector<16xi32>
      %parallel_loop3A_246 = arith.maxsi %parallel_loop3A_245, %broadcast_in_dim3A_71 : vector<16xi32>
      %parallel_loop3A_247 = arith.minsi %parallel_loop3A_246, %broadcast_in_dim3A_69 : vector<16xi32>
      tpu.vector_store_idx %arg12[%parallel_loop3A_247], %broadcast_in_dim3A_67 {add = true} : memref<4096xf32, #tpu.memory_space<vmem>>[vector<16xi32>], vector<16xf32>,
      tpu.vector_store_idx %arg13[%parallel_loop3A_247], %parallel_loop3A_242 {add = true} : memref<4096xf32, #tpu.memory_space<vmem>>[vector<16xi32>], vector<16xf32>,
      %parallel_loop3A_248 = arith.constant 224 : i32
      %parallel_loop3A_249 = arith.addi %parallel_loop3A_107, %parallel_loop3A_248 : i32
      %parallel_loop3A_250 = arith.index_cast %parallel_loop3A_249 : i32 to index
      %parallel_loop3A_251 = tpu.vector_load %arg8[%parallel_loop3A_250] {strides = array<i32>} : memref<102400xf32, #tpu.memory_space<vmem>>, vector<16xf32>,
      %parallel_loop3A_252 = arith.mulf %parallel_loop3A_104, %parallel_loop3A_251 : vector<16xf32>
      %parallel_loop3A_253 = arith.subf %parallel_loop3A_252, %broadcast_in_dim3A_57 : vector<16xf32>
      %parallel_loop3A_254 = arith.mulf %parallel_loop3A_253, %div3A_65 : vector<16xf32>
      %parallel_loop3A_255 = arith.fptosi %parallel_loop3A_254 : vector<16xf32> to vector<16xi32>
      %parallel_loop3A_256 = arith.maxsi %parallel_loop3A_255, %broadcast_in_dim3A_71 : vector<16xi32>
      %parallel_loop3A_257 = arith.minsi %parallel_loop3A_256, %broadcast_in_dim3A_69 : vector<16xi32>
      tpu.vector_store_idx %arg12[%parallel_loop3A_257], %broadcast_in_dim3A_67 {add = true} : memref<4096xf32, #tpu.memory_space<vmem>>[vector<16xi32>], vector<16xf32>,
      tpu.vector_store_idx %arg13[%parallel_loop3A_257], %parallel_loop3A_252 {add = true} : memref<4096xf32, #tpu.memory_space<vmem>>[vector<16xi32>], vector<16xf32>,
      %parallel_loop3A_258 = arith.constant 240 : i32
      %parallel_loop3A_259 = arith.addi %parallel_loop3A_107, %parallel_loop3A_258 : i32
      %parallel_loop3A_260 = arith.index_cast %parallel_loop3A_259 : i32 to index
      %parallel_loop3A_261 = tpu.vector_load %arg8[%parallel_loop3A_260] {strides = array<i32>} : memref<102400xf32, #tpu.memory_space<vmem>>, vector<16xf32>,
      %parallel_loop3A_262 = arith.mulf %parallel_loop3A_104, %parallel_loop3A_261 : vector<16xf32>
      %parallel_loop3A_263 = arith.subf %parallel_loop3A_262, %broadcast_in_dim3A_57 : vector<16xf32>
      %parallel_loop3A_264 = arith.mulf %parallel_loop3A_263, %div3A_65 : vector<16xf32>
      %parallel_loop3A_265 = arith.fptosi %parallel_loop3A_264 : vector<16xf32> to vector<16xi32>
      %parallel_loop3A_266 = arith.maxsi %parallel_loop3A_265, %broadcast_in_dim3A_71 : vector<16xi32>
      %parallel_loop3A_267 = arith.minsi %parallel_loop3A_266, %broadcast_in_dim3A_69 : vector<16xi32>
      tpu.vector_store_idx %arg12[%parallel_loop3A_267], %broadcast_in_dim3A_67 {add = true} : memref<4096xf32, #tpu.memory_space<vmem>>[vector<16xi32>], vector<16xf32>,
      tpu.vector_store_idx %arg13[%parallel_loop3A_267], %parallel_loop3A_262 {add = true} : memref<4096xf32, #tpu.memory_space<vmem>>[vector<16xi32>], vector<16xf32>,
      %parallel_loop3A_268 = arith.constant 256 : i32
      %parallel_loop3A_269 = arith.addi %parallel_loop3A_107, %parallel_loop3A_268 : i32
      %parallel_loop3A_270 = arith.index_cast %parallel_loop3A_269 : i32 to index
      %parallel_loop3A_271 = tpu.vector_load %arg8[%parallel_loop3A_270] {strides = array<i32>} : memref<102400xf32, #tpu.memory_space<vmem>>, vector<16xf32>,
      %parallel_loop3A_272 = arith.mulf %parallel_loop3A_104, %parallel_loop3A_271 : vector<16xf32>
      %parallel_loop3A_273 = arith.subf %parallel_loop3A_272, %broadcast_in_dim3A_57 : vector<16xf32>
      %parallel_loop3A_274 = arith.mulf %parallel_loop3A_273, %div3A_65 : vector<16xf32>
      %parallel_loop3A_275 = arith.fptosi %parallel_loop3A_274 : vector<16xf32> to vector<16xi32>
      %parallel_loop3A_276 = arith.maxsi %parallel_loop3A_275, %broadcast_in_dim3A_71 : vector<16xi32>
      %parallel_loop3A_277 = arith.minsi %parallel_loop3A_276, %broadcast_in_dim3A_69 : vector<16xi32>
      tpu.vector_store_idx %arg12[%parallel_loop3A_277], %broadcast_in_dim3A_67 {add = true} : memref<4096xf32, #tpu.memory_space<vmem>>[vector<16xi32>], vector<16xf32>,
      tpu.vector_store_idx %arg13[%parallel_loop3A_277], %parallel_loop3A_272 {add = true} : memref<4096xf32, #tpu.memory_space<vmem>>[vector<16xi32>], vector<16xf32>,
      %parallel_loop3A_278 = arith.constant 272 : i32
      %parallel_loop3A_279 = arith.addi %parallel_loop3A_107, %parallel_loop3A_278 : i32
      %parallel_loop3A_280 = arith.index_cast %parallel_loop3A_279 : i32 to index
      %parallel_loop3A_281 = tpu.vector_load %arg8[%parallel_loop3A_280] {strides = array<i32>} : memref<102400xf32, #tpu.memory_space<vmem>>, vector<16xf32>,
      %parallel_loop3A_282 = arith.mulf %parallel_loop3A_104, %parallel_loop3A_281 : vector<16xf32>
      %parallel_loop3A_283 = arith.subf %parallel_loop3A_282, %broadcast_in_dim3A_57 : vector<16xf32>
      %parallel_loop3A_284 = arith.mulf %parallel_loop3A_283, %div3A_65 : vector<16xf32>
      %parallel_loop3A_285 = arith.fptosi %parallel_loop3A_284 : vector<16xf32> to vector<16xi32>
      %parallel_loop3A_286 = arith.maxsi %parallel_loop3A_285, %broadcast_in_dim3A_71 : vector<16xi32>
      %parallel_loop3A_287 = arith.minsi %parallel_loop3A_286, %broadcast_in_dim3A_69 : vector<16xi32>
      tpu.vector_store_idx %arg12[%parallel_loop3A_287], %broadcast_in_dim3A_67 {add = true} : memref<4096xf32, #tpu.memory_space<vmem>>[vector<16xi32>], vector<16xf32>,
      tpu.vector_store_idx %arg13[%parallel_loop3A_287], %parallel_loop3A_282 {add = true} : memref<4096xf32, #tpu.memory_space<vmem>>[vector<16xi32>], vector<16xf32>,
      %parallel_loop3A_288 = arith.constant 288 : i32
      %parallel_loop3A_289 = arith.addi %parallel_loop3A_107, %parallel_loop3A_288 : i32
      %parallel_loop3A_290 = arith.index_cast %parallel_loop3A_289 : i32 to index
      %parallel_loop3A_291 = tpu.vector_load %arg8[%parallel_loop3A_290] {strides = array<i32>} : memref<102400xf32, #tpu.memory_space<vmem>>, vector<16xf32>,
      %parallel_loop3A_292 = arith.mulf %parallel_loop3A_104, %parallel_loop3A_291 : vector<16xf32>
      %parallel_loop3A_293 = arith.subf %parallel_loop3A_292, %broadcast_in_dim3A_57 : vector<16xf32>
      %parallel_loop3A_294 = arith.mulf %parallel_loop3A_293, %div3A_65 : vector<16xf32>
      %parallel_loop3A_295 = arith.fptosi %parallel_loop3A_294 : vector<16xf32> to vector<16xi32>
      %parallel_loop3A_296 = arith.maxsi %parallel_loop3A_295, %broadcast_in_dim3A_71 : vector<16xi32>
      %parallel_loop3A_297 = arith.minsi %parallel_loop3A_296, %broadcast_in_dim3A_69 : vector<16xi32>
      tpu.vector_store_idx %arg12[%parallel_loop3A_297], %broadcast_in_dim3A_67 {add = true} : memref<4096xf32, #tpu.memory_space<vmem>>[vector<16xi32>], vector<16xf32>,
      tpu.vector_store_idx %arg13[%parallel_loop3A_297], %parallel_loop3A_292 {add = true} : memref<4096xf32, #tpu.memory_space<vmem>>[vector<16xi32>], vector<16xf32>,
      %parallel_loop3A_298 = arith.constant 304 : i32
      %parallel_loop3A_299 = arith.addi %parallel_loop3A_107, %parallel_loop3A_298 : i32
      %parallel_loop3A_300 = arith.index_cast %parallel_loop3A_299 : i32 to index
      %parallel_loop3A_301 = tpu.vector_load %arg8[%parallel_loop3A_300] {strides = array<i32>} : memref<102400xf32, #tpu.memory_space<vmem>>, vector<16xf32>,
      %parallel_loop3A_302 = arith.mulf %parallel_loop3A_104, %parallel_loop3A_301 : vector<16xf32>
      %parallel_loop3A_303 = arith.subf %parallel_loop3A_302, %broadcast_in_dim3A_57 : vector<16xf32>
      %parallel_loop3A_304 = arith.mulf %parallel_loop3A_303, %div3A_65 : vector<16xf32>
      %parallel_loop3A_305 = arith.fptosi %parallel_loop3A_304 : vector<16xf32> to vector<16xi32>
      %parallel_loop3A_306 = arith.maxsi %parallel_loop3A_305, %broadcast_in_dim3A_71 : vector<16xi32>
      %parallel_loop3A_307 = arith.minsi %parallel_loop3A_306, %broadcast_in_dim3A_69 : vector<16xi32>
      tpu.vector_store_idx %arg12[%parallel_loop3A_307], %broadcast_in_dim3A_67 {add = true} : memref<4096xf32, #tpu.memory_space<vmem>>[vector<16xi32>], vector<16xf32>,
      tpu.vector_store_idx %arg13[%parallel_loop3A_307], %parallel_loop3A_302 {add = true} : memref<4096xf32, #tpu.memory_space<vmem>>[vector<16xi32>], vector<16xf32>,
      %parallel_loop3A_308 = arith.constant 320 : i32
      %parallel_loop3A_309 = arith.addi %parallel_loop3A_107, %parallel_loop3A_308 : i32
      %parallel_loop3A_310 = arith.index_cast %parallel_loop3A_309 : i32 to index
      %parallel_loop3A_311 = tpu.vector_load %arg8[%parallel_loop3A_310] {strides = array<i32>} : memref<102400xf32, #tpu.memory_space<vmem>>, vector<16xf32>,
      %parallel_loop3A_312 = arith.mulf %parallel_loop3A_104, %parallel_loop3A_311 : vector<16xf32>
      %parallel_loop3A_313 = arith.subf %parallel_loop3A_312, %broadcast_in_dim3A_57 : vector<16xf32>
      %parallel_loop3A_314 = arith.mulf %parallel_loop3A_313, %div3A_65 : vector<16xf32>
      %parallel_loop3A_315 = arith.fptosi %parallel_loop3A_314 : vector<16xf32> to vector<16xi32>
      %parallel_loop3A_316 = arith.maxsi %parallel_loop3A_315, %broadcast_in_dim3A_71 : vector<16xi32>
      %parallel_loop3A_317 = arith.minsi %parallel_loop3A_316, %broadcast_in_dim3A_69 : vector<16xi32>
      tpu.vector_store_idx %arg12[%parallel_loop3A_317], %broadcast_in_dim3A_67 {add = true} : memref<4096xf32, #tpu.memory_space<vmem>>[vector<16xi32>], vector<16xf32>,
      tpu.vector_store_idx %arg13[%parallel_loop3A_317], %parallel_loop3A_312 {add = true} : memref<4096xf32, #tpu.memory_space<vmem>>[vector<16xi32>], vector<16xf32>,
      %parallel_loop3A_318 = arith.constant 336 : i32
      %parallel_loop3A_319 = arith.addi %parallel_loop3A_107, %parallel_loop3A_318 : i32
      %parallel_loop3A_320 = arith.index_cast %parallel_loop3A_319 : i32 to index
      %parallel_loop3A_321 = tpu.vector_load %arg8[%parallel_loop3A_320] {strides = array<i32>} : memref<102400xf32, #tpu.memory_space<vmem>>, vector<16xf32>,
      %parallel_loop3A_322 = arith.mulf %parallel_loop3A_104, %parallel_loop3A_321 : vector<16xf32>
      %parallel_loop3A_323 = arith.subf %parallel_loop3A_322, %broadcast_in_dim3A_57 : vector<16xf32>
      %parallel_loop3A_324 = arith.mulf %parallel_loop3A_323, %div3A_65 : vector<16xf32>
      %parallel_loop3A_325 = arith.fptosi %parallel_loop3A_324 : vector<16xf32> to vector<16xi32>
      %parallel_loop3A_326 = arith.maxsi %parallel_loop3A_325, %broadcast_in_dim3A_71 : vector<16xi32>
      %parallel_loop3A_327 = arith.minsi %parallel_loop3A_326, %broadcast_in_dim3A_69 : vector<16xi32>
      tpu.vector_store_idx %arg12[%parallel_loop3A_327], %broadcast_in_dim3A_67 {add = true} : memref<4096xf32, #tpu.memory_space<vmem>>[vector<16xi32>], vector<16xf32>,
      tpu.vector_store_idx %arg13[%parallel_loop3A_327], %parallel_loop3A_322 {add = true} : memref<4096xf32, #tpu.memory_space<vmem>>[vector<16xi32>], vector<16xf32>,
      %parallel_loop3A_328 = arith.constant 352 : i32
      %parallel_loop3A_329 = arith.addi %parallel_loop3A_107, %parallel_loop3A_328 : i32
      %parallel_loop3A_330 = arith.index_cast %parallel_loop3A_329 : i32 to index
      %parallel_loop3A_331 = tpu.vector_load %arg8[%parallel_loop3A_330] {strides = array<i32>} : memref<102400xf32, #tpu.memory_space<vmem>>, vector<16xf32>,
      %parallel_loop3A_332 = arith.mulf %parallel_loop3A_104, %parallel_loop3A_331 : vector<16xf32>
      %parallel_loop3A_333 = arith.subf %parallel_loop3A_332, %broadcast_in_dim3A_57 : vector<16xf32>
      %parallel_loop3A_334 = arith.mulf %parallel_loop3A_333, %div3A_65 : vector<16xf32>
      %parallel_loop3A_335 = arith.fptosi %parallel_loop3A_334 : vector<16xf32> to vector<16xi32>
      %parallel_loop3A_336 = arith.maxsi %parallel_loop3A_335, %broadcast_in_dim3A_71 : vector<16xi32>
      %parallel_loop3A_337 = arith.minsi %parallel_loop3A_336, %broadcast_in_dim3A_69 : vector<16xi32>
      tpu.vector_store_idx %arg12[%parallel_loop3A_337], %broadcast_in_dim3A_67 {add = true} : memref<4096xf32, #tpu.memory_space<vmem>>[vector<16xi32>], vector<16xf32>,
      tpu.vector_store_idx %arg13[%parallel_loop3A_337], %parallel_loop3A_332 {add = true} : memref<4096xf32, #tpu.memory_space<vmem>>[vector<16xi32>], vector<16xf32>,
      %parallel_loop3A_338 = arith.constant 368 : i32
      %parallel_loop3A_339 = arith.addi %parallel_loop3A_107, %parallel_loop3A_338 : i32
      %parallel_loop3A_340 = arith.index_cast %parallel_loop3A_339 : i32 to index
      %parallel_loop3A_341 = tpu.vector_load %arg8[%parallel_loop3A_340] {strides = array<i32>} : memref<102400xf32, #tpu.memory_space<vmem>>, vector<16xf32>,
      %parallel_loop3A_342 = arith.mulf %parallel_loop3A_104, %parallel_loop3A_341 : vector<16xf32>
      %parallel_loop3A_343 = arith.subf %parallel_loop3A_342, %broadcast_in_dim3A_57 : vector<16xf32>
      %parallel_loop3A_344 = arith.mulf %parallel_loop3A_343, %div3A_65 : vector<16xf32>
      %parallel_loop3A_345 = arith.fptosi %parallel_loop3A_344 : vector<16xf32> to vector<16xi32>
      %parallel_loop3A_346 = arith.maxsi %parallel_loop3A_345, %broadcast_in_dim3A_71 : vector<16xi32>
      %parallel_loop3A_347 = arith.minsi %parallel_loop3A_346, %broadcast_in_dim3A_69 : vector<16xi32>
      tpu.vector_store_idx %arg12[%parallel_loop3A_347], %broadcast_in_dim3A_67 {add = true} : memref<4096xf32, #tpu.memory_space<vmem>>[vector<16xi32>], vector<16xf32>,
      tpu.vector_store_idx %arg13[%parallel_loop3A_347], %parallel_loop3A_342 {add = true} : memref<4096xf32, #tpu.memory_space<vmem>>[vector<16xi32>], vector<16xf32>,
      %parallel_loop3A_348 = arith.constant 384 : i32
      %parallel_loop3A_349 = arith.addi %parallel_loop3A_107, %parallel_loop3A_348 : i32
      %parallel_loop3A_350 = arith.index_cast %parallel_loop3A_349 : i32 to index
      %parallel_loop3A_351 = tpu.vector_load %arg8[%parallel_loop3A_350] {strides = array<i32>} : memref<102400xf32, #tpu.memory_space<vmem>>, vector<16xf32>,
      %parallel_loop3A_352 = arith.mulf %parallel_loop3A_104, %parallel_loop3A_351 : vector<16xf32>
      %parallel_loop3A_353 = arith.subf %parallel_loop3A_352, %broadcast_in_dim3A_57 : vector<16xf32>
      %parallel_loop3A_354 = arith.mulf %parallel_loop3A_353, %div3A_65 : vector<16xf32>
      %parallel_loop3A_355 = arith.fptosi %parallel_loop3A_354 : vector<16xf32> to vector<16xi32>
      %parallel_loop3A_356 = arith.maxsi %parallel_loop3A_355, %broadcast_in_dim3A_71 : vector<16xi32>
      %parallel_loop3A_357 = arith.minsi %parallel_loop3A_356, %broadcast_in_dim3A_69 : vector<16xi32>
      tpu.vector_store_idx %arg12[%parallel_loop3A_357], %broadcast_in_dim3A_67 {add = true} : memref<4096xf32, #tpu.memory_space<vmem>>[vector<16xi32>], vector<16xf32>,
      tpu.vector_store_idx %arg13[%parallel_loop3A_357], %parallel_loop3A_352 {add = true} : memref<4096xf32, #tpu.memory_space<vmem>>[vector<16xi32>], vector<16xf32>,
    } {sc.loop_unroll_factor = 2 : i64, sc.parallel_access}
    %swap3A = arith.constant 0 : index
    %swap3A_75 = tpu.vector_load %arg14[%swap3A] {strides = array<i32>} : memref<128xf32, #tpu.memory_space<vmem>>, vector<16xf32>,
    tpu.vector_store %arg14[%swap3A], %parallel_loop3A_49#0 {strides = array<i32>} : memref<128xf32, #tpu.memory_space<vmem>>, vector<16xf32>,
    %swap3A_76 = arith.constant 16 : index
    %swap3A_77 = tpu.vector_load %arg14[%swap3A_76] {strides = array<i32>} : memref<128xf32, #tpu.memory_space<vmem>>, vector<16xf32>,
    tpu.vector_store %arg14[%swap3A_76], %parallel_loop3A_53#0 {strides = array<i32>} : memref<128xf32, #tpu.memory_space<vmem>>, vector<16xf32>,
    %swap3A_78 = arith.constant 32 : index
    %swap3A_79 = tpu.vector_load %arg14[%swap3A_78] {strides = array<i32>} : memref<128xf32, #tpu.memory_space<vmem>>, vector<16xf32>,
    tpu.vector_store %arg14[%swap3A_78], %parallel_loop3A_53#1 {strides = array<i32>} : memref<128xf32, #tpu.memory_space<vmem>>, vector<16xf32>,
    %swap3A_80 = arith.constant 48 : index
    %swap3A_81 = tpu.vector_load %arg14[%swap3A_80] {strides = array<i32>} : memref<128xf32, #tpu.memory_space<vmem>>, vector<16xf32>,
    tpu.vector_store %arg14[%swap3A_80], %broadcast_in_dim3A_57 {strides = array<i32>} : memref<128xf32, #tpu.memory_space<vmem>>, vector<16xf32>,
    %swap3A_82 = arith.constant 64 : index
    %swap3A_83 = tpu.vector_load %arg14[%swap3A_82] {strides = array<i32>} : memref<128xf32, #tpu.memory_space<vmem>>, vector<16xf32>,
    tpu.vector_store %arg14[%swap3A_82], %broadcast_in_dim3A_61 {strides = array<i32>} : memref<128xf32, #tpu.memory_space<vmem>>, vector<16xf32>,
    %swap3A_84 = arith.constant 80 : index
    %swap3A_85 = tpu.vector_load %arg14[%swap3A_84] {strides = array<i32>} : memref<128xf32, #tpu.memory_space<vmem>>, vector<16xf32>,
    tpu.vector_store %arg14[%swap3A_84], %broadcast_in_dim3A_24 {strides = array<i32>} : memref<128xf32, #tpu.memory_space<vmem>>, vector<16xf32>,
    %swap3A_86 = arith.constant 96 : index
    %swap3A_87 = tpu.vector_load %arg14[%swap3A_86] {strides = array<i32>} : memref<128xf32, #tpu.memory_space<vmem>>, vector<16xf32>,
    tpu.vector_store %arg14[%swap3A_86], %broadcast_in_dim3A_24 {strides = array<i32>} : memref<128xf32, #tpu.memory_space<vmem>>, vector<16xf32>,
    %swap3A_88 = arith.constant 112 : index
    %swap3A_89 = tpu.vector_load %arg14[%swap3A_88] {strides = array<i32>} : memref<128xf32, #tpu.memory_space<vmem>>, vector<16xf32>,
    tpu.vector_store %arg14[%swap3A_88], %broadcast_in_dim3A_24 {strides = array<i32>} : memref<128xf32, #tpu.memory_space<vmem>>, vector<16xf32>,
    "tpu.region"() ({
      %run_scoped3A = tpu.sem_alloc : memref<!tpu.dma_semaphore, #tpu.memory_space<semaphore_mem>>
      %dma_start3A_90 = arith.constant 0 : i32
      %dma_start3A_91 = tpu.memref_slice %arg5[%add3A, %dma_start3A_90] : memref<32x4096xf32, #tpu.memory_space<hbm>> -> memref<1x4096xf32, #tpu.memory_space<hbm>>
      %dma_start3A_92 = tpu.memref_squeeze %dma_start3A_91 : memref<1x4096xf32, #tpu.memory_space<hbm>> -> memref<4096xf32, #tpu.memory_space<hbm>>
      %dma_start3A_93 = arith.constant 0 : i32
      %dma_start3A_94 = tpu.memref_slice %arg5[%add3A, %dma_start3A_93] : memref<32x4096xf32, #tpu.memory_space<hbm>> -> memref<1x4096xf32, #tpu.memory_space<hbm>>
      %dma_start3A_95 = tpu.memref_squeeze %dma_start3A_94 : memref<1x4096xf32, #tpu.memory_space<hbm>> -> memref<4096xf32, #tpu.memory_space<hbm>>
      tpu.enqueue_dma source(%arg12 : memref<4096xf32, #tpu.memory_space<vmem>>) target(%dma_start3A_95 : memref<4096xf32, #tpu.memory_space<hbm>>) target_semaphore(%run_scoped3A : memref<!tpu.dma_semaphore, #tpu.memory_space<semaphore_mem>>)
      %dma_wait3A_96 = arith.constant 0 : i32
      %dma_wait3A_97 = tpu.memref_slice %arg5[%add3A, %dma_wait3A_96] : memref<32x4096xf32, #tpu.memory_space<hbm>> -> memref<1x4096xf32, #tpu.memory_space<hbm>>
      %dma_wait3A_98 = tpu.memref_squeeze %dma_wait3A_97 : memref<1x4096xf32, #tpu.memory_space<hbm>> -> memref<4096xf32, #tpu.memory_space<hbm>>
      %dma_wait3A_99 = arith.constant 0 : i32
      %dma_wait3A_100 = tpu.memref_slice %arg5[%add3A, %dma_wait3A_99] : memref<32x4096xf32, #tpu.memory_space<hbm>> -> memref<1x4096xf32, #tpu.memory_space<hbm>>
      %dma_wait3A_101 = tpu.memref_squeeze %dma_wait3A_100 : memref<1x4096xf32, #tpu.memory_space<hbm>> -> memref<4096xf32, #tpu.memory_space<hbm>>
      tpu.wait_dma2 semaphore(%run_scoped3A : memref<!tpu.dma_semaphore, #tpu.memory_space<semaphore_mem>>) src(%arg12 : memref<4096xf32, #tpu.memory_space<vmem>>) dst(%dma_wait3A_101 : memref<4096xf32, #tpu.memory_space<hbm>>)
      tpu.yield
    }) : () -> ()
    "tpu.region"() ({
      %run_scoped3A = tpu.sem_alloc : memref<!tpu.dma_semaphore, #tpu.memory_space<semaphore_mem>>
      %dma_start3A_90 = arith.constant 0 : i32
      %dma_start3A_91 = tpu.memref_slice %arg6[%add3A, %dma_start3A_90] : memref<32x4096xf32, #tpu.memory_space<hbm>> -> memref<1x4096xf32, #tpu.memory_space<hbm>>
      %dma_start3A_92 = tpu.memref_squeeze %dma_start3A_91 : memref<1x4096xf32, #tpu.memory_space<hbm>> -> memref<4096xf32, #tpu.memory_space<hbm>>
      %dma_start3A_93 = arith.constant 0 : i32
      %dma_start3A_94 = tpu.memref_slice %arg6[%add3A, %dma_start3A_93] : memref<32x4096xf32, #tpu.memory_space<hbm>> -> memref<1x4096xf32, #tpu.memory_space<hbm>>
      %dma_start3A_95 = tpu.memref_squeeze %dma_start3A_94 : memref<1x4096xf32, #tpu.memory_space<hbm>> -> memref<4096xf32, #tpu.memory_space<hbm>>
      tpu.enqueue_dma source(%arg13 : memref<4096xf32, #tpu.memory_space<vmem>>) target(%dma_start3A_95 : memref<4096xf32, #tpu.memory_space<hbm>>) target_semaphore(%run_scoped3A : memref<!tpu.dma_semaphore, #tpu.memory_space<semaphore_mem>>)
      %dma_wait3A_96 = arith.constant 0 : i32
      %dma_wait3A_97 = tpu.memref_slice %arg6[%add3A, %dma_wait3A_96] : memref<32x4096xf32, #tpu.memory_space<hbm>> -> memref<1x4096xf32, #tpu.memory_space<hbm>>
      %dma_wait3A_98 = tpu.memref_squeeze %dma_wait3A_97 : memref<1x4096xf32, #tpu.memory_space<hbm>> -> memref<4096xf32, #tpu.memory_space<hbm>>
      %dma_wait3A_99 = arith.constant 0 : i32
      %dma_wait3A_100 = tpu.memref_slice %arg6[%add3A, %dma_wait3A_99] : memref<32x4096xf32, #tpu.memory_space<hbm>> -> memref<1x4096xf32, #tpu.memory_space<hbm>>
      %dma_wait3A_101 = tpu.memref_squeeze %dma_wait3A_100 : memref<1x4096xf32, #tpu.memory_space<hbm>> -> memref<4096xf32, #tpu.memory_space<hbm>>
      tpu.wait_dma2 semaphore(%run_scoped3A : memref<!tpu.dma_semaphore, #tpu.memory_space<semaphore_mem>>) src(%arg13 : memref<4096xf32, #tpu.memory_space<vmem>>) dst(%dma_wait3A_101 : memref<4096xf32, #tpu.memory_space<hbm>>)
      tpu.yield
    }) : () -> ()
    "tpu.region"() ({
      %run_scoped3A = tpu.sem_alloc : memref<!tpu.dma_semaphore, #tpu.memory_space<semaphore_mem>>
      %dma_start3A_90 = arith.constant 0 : i32
      %dma_start3A_91 = tpu.memref_slice %arg7[%add3A, %dma_start3A_90] : memref<32x128xf32, #tpu.memory_space<hbm>> -> memref<1x128xf32, #tpu.memory_space<hbm>>
      %dma_start3A_92 = tpu.memref_squeeze %dma_start3A_91 : memref<1x128xf32, #tpu.memory_space<hbm>> -> memref<128xf32, #tpu.memory_space<hbm>>
      %dma_start3A_93 = arith.constant 0 : i32
      %dma_start3A_94 = tpu.memref_slice %arg7[%add3A, %dma_start3A_93] : memref<32x128xf32, #tpu.memory_space<hbm>> -> memref<1x128xf32, #tpu.memory_space<hbm>>
      %dma_start3A_95 = tpu.memref_squeeze %dma_start3A_94 : memref<1x128xf32, #tpu.memory_space<hbm>> -> memref<128xf32, #tpu.memory_space<hbm>>
      tpu.enqueue_dma source(%arg14 : memref<128xf32, #tpu.memory_space<vmem>>) target(%dma_start3A_95 : memref<128xf32, #tpu.memory_space<hbm>>) target_semaphore(%run_scoped3A : memref<!tpu.dma_semaphore, #tpu.memory_space<semaphore_mem>>)
      %dma_wait3A_96 = arith.constant 0 : i32
      %dma_wait3A_97 = tpu.memref_slice %arg7[%add3A, %dma_wait3A_96] : memref<32x128xf32, #tpu.memory_space<hbm>> -> memref<1x128xf32, #tpu.memory_space<hbm>>
      %dma_wait3A_98 = tpu.memref_squeeze %dma_wait3A_97 : memref<1x128xf32, #tpu.memory_space<hbm>> -> memref<128xf32, #tpu.memory_space<hbm>>
      %dma_wait3A_99 = arith.constant 0 : i32
      %dma_wait3A_100 = tpu.memref_slice %arg7[%add3A, %dma_wait3A_99] : memref<32x128xf32, #tpu.memory_space<hbm>> -> memref<1x128xf32, #tpu.memory_space<hbm>>
      %dma_wait3A_101 = tpu.memref_squeeze %dma_wait3A_100 : memref<1x128xf32, #tpu.memory_space<hbm>> -> memref<128xf32, #tpu.memory_space<hbm>>
      tpu.wait_dma2 semaphore(%run_scoped3A : memref<!tpu.dma_semaphore, #tpu.memory_space<semaphore_mem>>) src(%arg14 : memref<128xf32, #tpu.memory_space<vmem>>) dst(%dma_wait3A_101 : memref<128xf32, #tpu.memory_space<hbm>>)
      tpu.yield
    }) : () -> ()
    return
  }
}

module attributes {stable_mosaic.version = 14 : i64} {
  func.func @_merge_body(%arg0: memref<32x4096xf32, #tpu.memory_space<vmem>>, %arg1: memref<32x4096xf32, #tpu.memory_space<vmem>>, %arg2: memref<32x128xf32, #tpu.memory_space<vmem>>, %arg3: memref<1x1xf32, #tpu.memory_space<vmem>>) attributes {dimension_semantics = [], scalar_prefetch = 0 : i64, scratch_operands = 0 : i64, tpu.core_type = #tpu.core_type<tc>} {
    %get3A = arith.constant 0 : index
    %get3A_0 = arith.constant 0 : index
    %get3A_1 = vector.load %arg0[%get3A, %get3A_0] : memref<32x4096xf32, #tpu.memory_space<vmem>>, vector<32x4096xf32>
    %get3A_2 = arith.constant 0 : index
    %get3A_3 = arith.constant 0 : index
    %get3A_4 = vector.load %arg1[%get3A_2, %get3A_3] : memref<32x4096xf32, #tpu.memory_space<vmem>>, vector<32x4096xf32>
    %get3A_5 = arith.constant 0 : index
    %get3A_6 = arith.constant 0 : index
    %get3A_7 = vector.load %arg2[%get3A_5, %get3A_6] : memref<32x128xf32, #tpu.memory_space<vmem>>, vector<32x128xf32>
    %iota3A = tpu.iota {dimensions = array<i32: 1>} : vector<32x128xi32>
    %eq3A = arith.constant 0 : i32
    %eq3A_8 = vector.broadcast %eq3A : i32 to vector<32x128xi32>
    %eq3A_9 = arith.cmpi eq, %iota3A, %eq3A_8 : vector<32x128xi32>
    %jit3A = arith.constant 0.000000e+00 : f32
    %broadcast_in_dim3A = vector.broadcast %jit3A : f32 to vector<32x128xf32>
    %select_n3A = arith.select %eq3A_9, %get3A_7, %broadcast_in_dim3A : vector<32x128xi1>, vector<32x128xf32>
    %reduce_sum3A = vector.shape_cast %select_n3A : vector<32x128xf32> to vector<1x32x128xf32>
    %reduce_sum3A_10 = arith.constant dense<0.000000e+00> : vector<1xf32>
    %reduce_sum3A_11 = vector.multi_reduction <add>, %reduce_sum3A, %reduce_sum3A_10 [1, 2] : vector<1x32x128xf32> to vector<1xf32>
    %reduce_sum3A_12 = vector.shape_cast %reduce_sum3A_11 : vector<1xf32> to vector<1x1x1xf32>
    %reduce_sum3A_13 = vector.extract %reduce_sum3A_12[0, 0, 0] : f32 from vector<1x1x1xf32>
    %ge3A = arith.constant 16 : i32
    %ge3A_14 = vector.broadcast %ge3A : i32 to vector<32x128xi32>
    %ge3A_15 = arith.cmpi sge, %iota3A, %ge3A_14 : vector<32x128xi32>
    %lt3A = arith.constant 32 : i32
    %lt3A_16 = vector.broadcast %lt3A : i32 to vector<32x128xi32>
    %lt3A_17 = arith.cmpi slt, %iota3A, %lt3A_16 : vector<32x128xi32>
    %and3A = arith.andi %ge3A_15, %lt3A_17 : vector<32x128xi1>
    %jit3A_18 = arith.constant 0.000000e+00 : f32
    %broadcast_in_dim3A_19 = vector.broadcast %jit3A_18 : f32 to vector<32x128xf32>
    %select_n3A_20 = arith.select %and3A, %get3A_7, %broadcast_in_dim3A_19 : vector<32x128xi1>, vector<32x128xf32>
    %reduce_sum3A_21 = vector.shape_cast %select_n3A_20 : vector<32x128xf32> to vector<1x32x128xf32>
    %reduce_sum3A_22 = arith.constant dense<0.000000e+00> : vector<1xf32>
    %reduce_sum3A_23 = vector.multi_reduction <add>, %reduce_sum3A_21, %reduce_sum3A_22 [1, 2] : vector<1x32x128xf32> to vector<1xf32>
    %reduce_sum3A_24 = vector.shape_cast %reduce_sum3A_23 : vector<1xf32> to vector<1x1x1xf32>
    %reduce_sum3A_25 = vector.extract %reduce_sum3A_24[0, 0, 0] : f32 from vector<1x1x1xf32>
    %ge3A_26 = arith.constant 32 : i32
    %ge3A_27 = vector.broadcast %ge3A_26 : i32 to vector<32x128xi32>
    %ge3A_28 = arith.cmpi sge, %iota3A, %ge3A_27 : vector<32x128xi32>
    %lt3A_29 = arith.constant 48 : i32
    %lt3A_30 = vector.broadcast %lt3A_29 : i32 to vector<32x128xi32>
    %lt3A_31 = arith.cmpi slt, %iota3A, %lt3A_30 : vector<32x128xi32>
    %and3A_32 = arith.andi %ge3A_28, %lt3A_31 : vector<32x128xi1>
    %jit3A_33 = arith.constant 0.000000e+00 : f32
    %broadcast_in_dim3A_34 = vector.broadcast %jit3A_33 : f32 to vector<32x128xf32>
    %select_n3A_35 = arith.select %and3A_32, %get3A_7, %broadcast_in_dim3A_34 : vector<32x128xi1>, vector<32x128xf32>
    %reduce_sum3A_36 = vector.shape_cast %select_n3A_35 : vector<32x128xf32> to vector<1x32x128xf32>
    %reduce_sum3A_37 = arith.constant dense<0.000000e+00> : vector<1xf32>
    %reduce_sum3A_38 = vector.multi_reduction <add>, %reduce_sum3A_36, %reduce_sum3A_37 [1, 2] : vector<1x32x128xf32> to vector<1xf32>
    %reduce_sum3A_39 = vector.shape_cast %reduce_sum3A_38 : vector<1xf32> to vector<1x1x1xf32>
    %reduce_sum3A_40 = vector.extract %reduce_sum3A_39[0, 0, 0] : f32 from vector<1x1x1xf32>
    %eq3A_41 = arith.constant 48 : i32
    %eq3A_42 = vector.broadcast %eq3A_41 : i32 to vector<32x128xi32>
    %eq3A_43 = arith.cmpi eq, %iota3A, %eq3A_42 : vector<32x128xi32>
    %jit3A_44 = arith.constant 0.000000e+00 : f32
    %broadcast_in_dim3A_45 = vector.broadcast %jit3A_44 : f32 to vector<32x128xf32>
    %select_n3A_46 = arith.select %eq3A_43, %get3A_7, %broadcast_in_dim3A_45 : vector<32x128xi1>, vector<32x128xf32>
    %reduce_sum3A_47 = arith.constant dense<0.000000e+00> : vector<32xf32>
    %reduce_sum3A_48 = vector.multi_reduction <add>, %select_n3A_46, %reduce_sum3A_47 [1] : vector<32x128xf32> to vector<32xf32>
    %broadcast_in_dim3A_49 = vector.shape_cast %reduce_sum3A_48 : vector<32xf32> to vector<32x1xf32>
    %eq3A_50 = arith.constant 64 : i32
    %eq3A_51 = vector.broadcast %eq3A_50 : i32 to vector<32x128xi32>
    %eq3A_52 = arith.cmpi eq, %iota3A, %eq3A_51 : vector<32x128xi32>
    %jit3A_53 = arith.constant 0.000000e+00 : f32
    %broadcast_in_dim3A_54 = vector.broadcast %jit3A_53 : f32 to vector<32x128xf32>
    %select_n3A_55 = arith.select %eq3A_52, %get3A_7, %broadcast_in_dim3A_54 : vector<32x128xi1>, vector<32x128xf32>
    %reduce_sum3A_56 = arith.constant dense<0.000000e+00> : vector<32xf32>
    %reduce_sum3A_57 = vector.multi_reduction <add>, %select_n3A_55, %reduce_sum3A_56 [1] : vector<32x128xf32> to vector<32xf32>
    %broadcast_in_dim3A_58 = vector.shape_cast %reduce_sum3A_57 : vector<32xf32> to vector<32x1xf32>
    %sub3A = arith.subf %broadcast_in_dim3A_58, %broadcast_in_dim3A_49 : vector<32x1xf32>
    %mul3A = arith.constant 2.44140625E-4 : f32
    %mul3A_59 = vector.broadcast %mul3A : f32 to vector<32x1xf32>
    %mul3A_60 = arith.mulf %sub3A, %mul3A_59 : vector<32x1xf32>
    %iota3A_61 = tpu.iota {dimensions = array<i32: 1>} : vector<32x4096xi32>
    %convert_element_type3A = arith.sitofp %iota3A_61 : vector<32x4096xi32> to vector<32x4096xf32>
    %add3A = arith.constant 1.000000e+00 : f32
    %add3A_62 = vector.broadcast %add3A : f32 to vector<32x4096xf32>
    %add3A_63 = arith.addf %convert_element_type3A, %add3A_62 : vector<32x4096xf32>
    %mul3A_64 = vector.broadcast %mul3A_60 : vector<32x1xf32> to vector<32x4096xf32>
    %mul3A_65 = arith.mulf %add3A_63, %mul3A_64 : vector<32x4096xf32>
    %add3A_66 = vector.broadcast %broadcast_in_dim3A_49 : vector<32x1xf32> to vector<32x4096xf32>
    %add3A_67 = arith.addf %add3A_66, %mul3A_65 : vector<32x4096xf32>
    %mul3A_68 = vector.broadcast %mul3A_60 : vector<32x1xf32> to vector<32x4096xf32>
    %mul3A_69 = arith.mulf %convert_element_type3A, %mul3A_68 : vector<32x4096xf32>
    %add3A_70 = vector.broadcast %broadcast_in_dim3A_49 : vector<32x1xf32> to vector<32x4096xf32>
    %add3A_71 = arith.addf %add3A_70, %mul3A_69 : vector<32x4096xf32>
    %reduce_min3A = vector.shape_cast %broadcast_in_dim3A_49 : vector<32x1xf32> to vector<1x32x1xf32>
    %reduce_min3A_72 = arith.constant dense<0x7F800000> : vector<1xf32>
    %reduce_min3A_73 = vector.multi_reduction <minimumf>, %reduce_min3A, %reduce_min3A_72 [1, 2] : vector<1x32x1xf32> to vector<1xf32>
    %reduce_min3A_74 = vector.shape_cast %reduce_min3A_73 : vector<1xf32> to vector<1x1x1xf32>
    %reduce_min3A_75 = vector.extract %reduce_min3A_74[0, 0, 0] : f32 from vector<1x1x1xf32>
    %reduce_max3A = vector.shape_cast %broadcast_in_dim3A_58 : vector<32x1xf32> to vector<1x32x1xf32>
    %reduce_max3A_76 = arith.constant dense<0xFF800000> : vector<1xf32>
    %reduce_max3A_77 = vector.multi_reduction <maximumf>, %reduce_max3A, %reduce_max3A_76 [1, 2] : vector<1x32x1xf32> to vector<1xf32>
    %reduce_max3A_78 = vector.shape_cast %reduce_max3A_77 : vector<1xf32> to vector<1x1x1xf32>
    %reduce_max3A_79 = vector.extract %reduce_max3A_78[0, 0, 0] : f32 from vector<1x1x1xf32>
    %add3A_80 = arith.constant 1.000000e-30 : f32
    %add3A_81 = arith.addf %reduce_max3A_79, %add3A_80 : f32
    %sub3A_82 = arith.subf %add3A_81, %reduce_min3A_75 : f32
    %mul3A_83 = arith.constant 6.250000e-02 : f32
    %mul3A_84 = arith.mulf %sub3A_82, %mul3A_83 : f32
    %mul3A_85 = arith.constant 1.000000e+00 : f32
    %mul3A_86 = arith.mulf %mul3A_84, %mul3A_85 : f32
    %add3A_87 = arith.addf %reduce_min3A_75, %mul3A_86 : f32
    %le3A = vector.broadcast %add3A_87 : f32 to vector<32x4096xf32>
    %le3A_88 = arith.cmpf ole, %add3A_67, %le3A : vector<32x4096xf32>
    %jit3A_89 = arith.constant 0.000000e+00 : f32
    %broadcast_in_dim3A_90 = vector.broadcast %jit3A_89 : f32 to vector<32x4096xf32>
    %select_n3A_91 = arith.select %le3A_88, %get3A_1, %broadcast_in_dim3A_90 : vector<32x4096xi1>, vector<32x4096xf32>
    %reduce_sum3A_92 = vector.shape_cast %select_n3A_91 : vector<32x4096xf32> to vector<1x32x4096xf32>
    %reduce_sum3A_93 = arith.constant dense<0.000000e+00> : vector<1xf32>
    %reduce_sum3A_94 = vector.multi_reduction <add>, %reduce_sum3A_92, %reduce_sum3A_93 [1, 2] : vector<1x32x4096xf32> to vector<1xf32>
    %reduce_sum3A_95 = vector.shape_cast %reduce_sum3A_94 : vector<1xf32> to vector<1x1x1xf32>
    %reduce_sum3A_96 = vector.extract %reduce_sum3A_95[0, 0, 0] : f32 from vector<1x1x1xf32>
    %le3A_97 = arith.constant 3.276800e+05 : f32
    %le3A_98 = arith.cmpf ole, %reduce_sum3A_96, %le3A_97 : f32
    %select_n3A_99 = arith.select %le3A_98, %add3A_87, %reduce_min3A_75 : f32
    %mul3A_100 = arith.constant 2.000000e+00 : f32
    %mul3A_101 = arith.mulf %mul3A_84, %mul3A_100 : f32
    %add3A_102 = arith.addf %reduce_min3A_75, %mul3A_101 : f32
    %le3A_103 = vector.broadcast %add3A_102 : f32 to vector<32x4096xf32>
    %le3A_104 = arith.cmpf ole, %add3A_67, %le3A_103 : vector<32x4096xf32>
    %jit3A_105 = arith.constant 0.000000e+00 : f32
    %broadcast_in_dim3A_106 = vector.broadcast %jit3A_105 : f32 to vector<32x4096xf32>
    %select_n3A_107 = arith.select %le3A_104, %get3A_1, %broadcast_in_dim3A_106 : vector<32x4096xi1>, vector<32x4096xf32>
    %reduce_sum3A_108 = vector.shape_cast %select_n3A_107 : vector<32x4096xf32> to vector<1x32x4096xf32>
    %reduce_sum3A_109 = arith.constant dense<0.000000e+00> : vector<1xf32>
    %reduce_sum3A_110 = vector.multi_reduction <add>, %reduce_sum3A_108, %reduce_sum3A_109 [1, 2] : vector<1x32x4096xf32> to vector<1xf32>
    %reduce_sum3A_111 = vector.shape_cast %reduce_sum3A_110 : vector<1xf32> to vector<1x1x1xf32>
    %reduce_sum3A_112 = vector.extract %reduce_sum3A_111[0, 0, 0] : f32 from vector<1x1x1xf32>
    %le3A_113 = arith.constant 3.276800e+05 : f32
    %le3A_114 = arith.cmpf ole, %reduce_sum3A_112, %le3A_113 : f32
    %select_n3A_115 = arith.select %le3A_114, %add3A_102, %select_n3A_99 : f32
    %mul3A_116 = arith.constant 3.000000e+00 : f32
    %mul3A_117 = arith.mulf %mul3A_84, %mul3A_116 : f32
    %add3A_118 = arith.addf %reduce_min3A_75, %mul3A_117 : f32
    %le3A_119 = vector.broadcast %add3A_118 : f32 to vector<32x4096xf32>
    %le3A_120 = arith.cmpf ole, %add3A_67, %le3A_119 : vector<32x4096xf32>
    %jit3A_121 = arith.constant 0.000000e+00 : f32
    %broadcast_in_dim3A_122 = vector.broadcast %jit3A_121 : f32 to vector<32x4096xf32>
    %select_n3A_123 = arith.select %le3A_120, %get3A_1, %broadcast_in_dim3A_122 : vector<32x4096xi1>, vector<32x4096xf32>
    %reduce_sum3A_124 = vector.shape_cast %select_n3A_123 : vector<32x4096xf32> to vector<1x32x4096xf32>
    %reduce_sum3A_125 = arith.constant dense<0.000000e+00> : vector<1xf32>
    %reduce_sum3A_126 = vector.multi_reduction <add>, %reduce_sum3A_124, %reduce_sum3A_125 [1, 2] : vector<1x32x4096xf32> to vector<1xf32>
    %reduce_sum3A_127 = vector.shape_cast %reduce_sum3A_126 : vector<1xf32> to vector<1x1x1xf32>
    %reduce_sum3A_128 = vector.extract %reduce_sum3A_127[0, 0, 0] : f32 from vector<1x1x1xf32>
    %le3A_129 = arith.constant 3.276800e+05 : f32
    %le3A_130 = arith.cmpf ole, %reduce_sum3A_128, %le3A_129 : f32
    %select_n3A_131 = arith.select %le3A_130, %add3A_118, %select_n3A_115 : f32
    %mul3A_132 = arith.constant 4.000000e+00 : f32
    %mul3A_133 = arith.mulf %mul3A_84, %mul3A_132 : f32
    %add3A_134 = arith.addf %reduce_min3A_75, %mul3A_133 : f32
    %le3A_135 = vector.broadcast %add3A_134 : f32 to vector<32x4096xf32>
    %le3A_136 = arith.cmpf ole, %add3A_67, %le3A_135 : vector<32x4096xf32>
    %jit3A_137 = arith.constant 0.000000e+00 : f32
    %broadcast_in_dim3A_138 = vector.broadcast %jit3A_137 : f32 to vector<32x4096xf32>
    %select_n3A_139 = arith.select %le3A_136, %get3A_1, %broadcast_in_dim3A_138 : vector<32x4096xi1>, vector<32x4096xf32>
    %reduce_sum3A_140 = vector.shape_cast %select_n3A_139 : vector<32x4096xf32> to vector<1x32x4096xf32>
    %reduce_sum3A_141 = arith.constant dense<0.000000e+00> : vector<1xf32>
    %reduce_sum3A_142 = vector.multi_reduction <add>, %reduce_sum3A_140, %reduce_sum3A_141 [1, 2] : vector<1x32x4096xf32> to vector<1xf32>
    %reduce_sum3A_143 = vector.shape_cast %reduce_sum3A_142 : vector<1xf32> to vector<1x1x1xf32>
    %reduce_sum3A_144 = vector.extract %reduce_sum3A_143[0, 0, 0] : f32 from vector<1x1x1xf32>
    %le3A_145 = arith.constant 3.276800e+05 : f32
    %le3A_146 = arith.cmpf ole, %reduce_sum3A_144, %le3A_145 : f32
    %select_n3A_147 = arith.select %le3A_146, %add3A_134, %select_n3A_131 : f32
    %mul3A_148 = arith.constant 5.000000e+00 : f32
    %mul3A_149 = arith.mulf %mul3A_84, %mul3A_148 : f32
    %add3A_150 = arith.addf %reduce_min3A_75, %mul3A_149 : f32
    %le3A_151 = vector.broadcast %add3A_150 : f32 to vector<32x4096xf32>
    %le3A_152 = arith.cmpf ole, %add3A_67, %le3A_151 : vector<32x4096xf32>
    %jit3A_153 = arith.constant 0.000000e+00 : f32
    %broadcast_in_dim3A_154 = vector.broadcast %jit3A_153 : f32 to vector<32x4096xf32>
    %select_n3A_155 = arith.select %le3A_152, %get3A_1, %broadcast_in_dim3A_154 : vector<32x4096xi1>, vector<32x4096xf32>
    %reduce_sum3A_156 = vector.shape_cast %select_n3A_155 : vector<32x4096xf32> to vector<1x32x4096xf32>
    %reduce_sum3A_157 = arith.constant dense<0.000000e+00> : vector<1xf32>
    %reduce_sum3A_158 = vector.multi_reduction <add>, %reduce_sum3A_156, %reduce_sum3A_157 [1, 2] : vector<1x32x4096xf32> to vector<1xf32>
    %reduce_sum3A_159 = vector.shape_cast %reduce_sum3A_158 : vector<1xf32> to vector<1x1x1xf32>
    %reduce_sum3A_160 = vector.extract %reduce_sum3A_159[0, 0, 0] : f32 from vector<1x1x1xf32>
    %le3A_161 = arith.constant 3.276800e+05 : f32
    %le3A_162 = arith.cmpf ole, %reduce_sum3A_160, %le3A_161 : f32
    %select_n3A_163 = arith.select %le3A_162, %add3A_150, %select_n3A_147 : f32
    %mul3A_164 = arith.constant 6.000000e+00 : f32
    %mul3A_165 = arith.mulf %mul3A_84, %mul3A_164 : f32
    %add3A_166 = arith.addf %reduce_min3A_75, %mul3A_165 : f32
    %le3A_167 = vector.broadcast %add3A_166 : f32 to vector<32x4096xf32>
    %le3A_168 = arith.cmpf ole, %add3A_67, %le3A_167 : vector<32x4096xf32>
    %jit3A_169 = arith.constant 0.000000e+00 : f32
    %broadcast_in_dim3A_170 = vector.broadcast %jit3A_169 : f32 to vector<32x4096xf32>
    %select_n3A_171 = arith.select %le3A_168, %get3A_1, %broadcast_in_dim3A_170 : vector<32x4096xi1>, vector<32x4096xf32>
    %reduce_sum3A_172 = vector.shape_cast %select_n3A_171 : vector<32x4096xf32> to vector<1x32x4096xf32>
    %reduce_sum3A_173 = arith.constant dense<0.000000e+00> : vector<1xf32>
    %reduce_sum3A_174 = vector.multi_reduction <add>, %reduce_sum3A_172, %reduce_sum3A_173 [1, 2] : vector<1x32x4096xf32> to vector<1xf32>
    %reduce_sum3A_175 = vector.shape_cast %reduce_sum3A_174 : vector<1xf32> to vector<1x1x1xf32>
    %reduce_sum3A_176 = vector.extract %reduce_sum3A_175[0, 0, 0] : f32 from vector<1x1x1xf32>
    %le3A_177 = arith.constant 3.276800e+05 : f32
    %le3A_178 = arith.cmpf ole, %reduce_sum3A_176, %le3A_177 : f32
    %select_n3A_179 = arith.select %le3A_178, %add3A_166, %select_n3A_163 : f32
    %mul3A_180 = arith.constant 7.000000e+00 : f32
    %mul3A_181 = arith.mulf %mul3A_84, %mul3A_180 : f32
    %add3A_182 = arith.addf %reduce_min3A_75, %mul3A_181 : f32
    %le3A_183 = vector.broadcast %add3A_182 : f32 to vector<32x4096xf32>
    %le3A_184 = arith.cmpf ole, %add3A_67, %le3A_183 : vector<32x4096xf32>
    %jit3A_185 = arith.constant 0.000000e+00 : f32
    %broadcast_in_dim3A_186 = vector.broadcast %jit3A_185 : f32 to vector<32x4096xf32>
    %select_n3A_187 = arith.select %le3A_184, %get3A_1, %broadcast_in_dim3A_186 : vector<32x4096xi1>, vector<32x4096xf32>
    %reduce_sum3A_188 = vector.shape_cast %select_n3A_187 : vector<32x4096xf32> to vector<1x32x4096xf32>
    %reduce_sum3A_189 = arith.constant dense<0.000000e+00> : vector<1xf32>
    %reduce_sum3A_190 = vector.multi_reduction <add>, %reduce_sum3A_188, %reduce_sum3A_189 [1, 2] : vector<1x32x4096xf32> to vector<1xf32>
    %reduce_sum3A_191 = vector.shape_cast %reduce_sum3A_190 : vector<1xf32> to vector<1x1x1xf32>
    %reduce_sum3A_192 = vector.extract %reduce_sum3A_191[0, 0, 0] : f32 from vector<1x1x1xf32>
    %le3A_193 = arith.constant 3.276800e+05 : f32
    %le3A_194 = arith.cmpf ole, %reduce_sum3A_192, %le3A_193 : f32
    %select_n3A_195 = arith.select %le3A_194, %add3A_182, %select_n3A_179 : f32
    %mul3A_196 = arith.constant 8.000000e+00 : f32
    %mul3A_197 = arith.mulf %mul3A_84, %mul3A_196 : f32
    %add3A_198 = arith.addf %reduce_min3A_75, %mul3A_197 : f32
    %le3A_199 = vector.broadcast %add3A_198 : f32 to vector<32x4096xf32>
    %le3A_200 = arith.cmpf ole, %add3A_67, %le3A_199 : vector<32x4096xf32>
    %jit3A_201 = arith.constant 0.000000e+00 : f32
    %broadcast_in_dim3A_202 = vector.broadcast %jit3A_201 : f32 to vector<32x4096xf32>
    %select_n3A_203 = arith.select %le3A_200, %get3A_1, %broadcast_in_dim3A_202 : vector<32x4096xi1>, vector<32x4096xf32>
    %reduce_sum3A_204 = vector.shape_cast %select_n3A_203 : vector<32x4096xf32> to vector<1x32x4096xf32>
    %reduce_sum3A_205 = arith.constant dense<0.000000e+00> : vector<1xf32>
    %reduce_sum3A_206 = vector.multi_reduction <add>, %reduce_sum3A_204, %reduce_sum3A_205 [1, 2] : vector<1x32x4096xf32> to vector<1xf32>
    %reduce_sum3A_207 = vector.shape_cast %reduce_sum3A_206 : vector<1xf32> to vector<1x1x1xf32>
    %reduce_sum3A_208 = vector.extract %reduce_sum3A_207[0, 0, 0] : f32 from vector<1x1x1xf32>
    %le3A_209 = arith.constant 3.276800e+05 : f32
    %le3A_210 = arith.cmpf ole, %reduce_sum3A_208, %le3A_209 : f32
    %select_n3A_211 = arith.select %le3A_210, %add3A_198, %select_n3A_195 : f32
    %mul3A_212 = arith.constant 9.000000e+00 : f32
    %mul3A_213 = arith.mulf %mul3A_84, %mul3A_212 : f32
    %add3A_214 = arith.addf %reduce_min3A_75, %mul3A_213 : f32
    %le3A_215 = vector.broadcast %add3A_214 : f32 to vector<32x4096xf32>
    %le3A_216 = arith.cmpf ole, %add3A_67, %le3A_215 : vector<32x4096xf32>
    %jit3A_217 = arith.constant 0.000000e+00 : f32
    %broadcast_in_dim3A_218 = vector.broadcast %jit3A_217 : f32 to vector<32x4096xf32>
    %select_n3A_219 = arith.select %le3A_216, %get3A_1, %broadcast_in_dim3A_218 : vector<32x4096xi1>, vector<32x4096xf32>
    %reduce_sum3A_220 = vector.shape_cast %select_n3A_219 : vector<32x4096xf32> to vector<1x32x4096xf32>
    %reduce_sum3A_221 = arith.constant dense<0.000000e+00> : vector<1xf32>
    %reduce_sum3A_222 = vector.multi_reduction <add>, %reduce_sum3A_220, %reduce_sum3A_221 [1, 2] : vector<1x32x4096xf32> to vector<1xf32>
    %reduce_sum3A_223 = vector.shape_cast %reduce_sum3A_222 : vector<1xf32> to vector<1x1x1xf32>
    %reduce_sum3A_224 = vector.extract %reduce_sum3A_223[0, 0, 0] : f32 from vector<1x1x1xf32>
    %le3A_225 = arith.constant 3.276800e+05 : f32
    %le3A_226 = arith.cmpf ole, %reduce_sum3A_224, %le3A_225 : f32
    %select_n3A_227 = arith.select %le3A_226, %add3A_214, %select_n3A_211 : f32
    %mul3A_228 = arith.constant 1.000000e+01 : f32
    %mul3A_229 = arith.mulf %mul3A_84, %mul3A_228 : f32
    %add3A_230 = arith.addf %reduce_min3A_75, %mul3A_229 : f32
    %le3A_231 = vector.broadcast %add3A_230 : f32 to vector<32x4096xf32>
    %le3A_232 = arith.cmpf ole, %add3A_67, %le3A_231 : vector<32x4096xf32>
    %jit3A_233 = arith.constant 0.000000e+00 : f32
    %broadcast_in_dim3A_234 = vector.broadcast %jit3A_233 : f32 to vector<32x4096xf32>
    %select_n3A_235 = arith.select %le3A_232, %get3A_1, %broadcast_in_dim3A_234 : vector<32x4096xi1>, vector<32x4096xf32>
    %reduce_sum3A_236 = vector.shape_cast %select_n3A_235 : vector<32x4096xf32> to vector<1x32x4096xf32>
    %reduce_sum3A_237 = arith.constant dense<0.000000e+00> : vector<1xf32>
    %reduce_sum3A_238 = vector.multi_reduction <add>, %reduce_sum3A_236, %reduce_sum3A_237 [1, 2] : vector<1x32x4096xf32> to vector<1xf32>
    %reduce_sum3A_239 = vector.shape_cast %reduce_sum3A_238 : vector<1xf32> to vector<1x1x1xf32>
    %reduce_sum3A_240 = vector.extract %reduce_sum3A_239[0, 0, 0] : f32 from vector<1x1x1xf32>
    %le3A_241 = arith.constant 3.276800e+05 : f32
    %le3A_242 = arith.cmpf ole, %reduce_sum3A_240, %le3A_241 : f32
    %select_n3A_243 = arith.select %le3A_242, %add3A_230, %select_n3A_227 : f32
    %mul3A_244 = arith.constant 1.100000e+01 : f32
    %mul3A_245 = arith.mulf %mul3A_84, %mul3A_244 : f32
    %add3A_246 = arith.addf %reduce_min3A_75, %mul3A_245 : f32
    %le3A_247 = vector.broadcast %add3A_246 : f32 to vector<32x4096xf32>
    %le3A_248 = arith.cmpf ole, %add3A_67, %le3A_247 : vector<32x4096xf32>
    %jit3A_249 = arith.constant 0.000000e+00 : f32
    %broadcast_in_dim3A_250 = vector.broadcast %jit3A_249 : f32 to vector<32x4096xf32>
    %select_n3A_251 = arith.select %le3A_248, %get3A_1, %broadcast_in_dim3A_250 : vector<32x4096xi1>, vector<32x4096xf32>
    %reduce_sum3A_252 = vector.shape_cast %select_n3A_251 : vector<32x4096xf32> to vector<1x32x4096xf32>
    %reduce_sum3A_253 = arith.constant dense<0.000000e+00> : vector<1xf32>
    %reduce_sum3A_254 = vector.multi_reduction <add>, %reduce_sum3A_252, %reduce_sum3A_253 [1, 2] : vector<1x32x4096xf32> to vector<1xf32>
    %reduce_sum3A_255 = vector.shape_cast %reduce_sum3A_254 : vector<1xf32> to vector<1x1x1xf32>
    %reduce_sum3A_256 = vector.extract %reduce_sum3A_255[0, 0, 0] : f32 from vector<1x1x1xf32>
    %le3A_257 = arith.constant 3.276800e+05 : f32
    %le3A_258 = arith.cmpf ole, %reduce_sum3A_256, %le3A_257 : f32
    %select_n3A_259 = arith.select %le3A_258, %add3A_246, %select_n3A_243 : f32
    %mul3A_260 = arith.constant 1.200000e+01 : f32
    %mul3A_261 = arith.mulf %mul3A_84, %mul3A_260 : f32
    %add3A_262 = arith.addf %reduce_min3A_75, %mul3A_261 : f32
    %le3A_263 = vector.broadcast %add3A_262 : f32 to vector<32x4096xf32>
    %le3A_264 = arith.cmpf ole, %add3A_67, %le3A_263 : vector<32x4096xf32>
    %jit3A_265 = arith.constant 0.000000e+00 : f32
    %broadcast_in_dim3A_266 = vector.broadcast %jit3A_265 : f32 to vector<32x4096xf32>
    %select_n3A_267 = arith.select %le3A_264, %get3A_1, %broadcast_in_dim3A_266 : vector<32x4096xi1>, vector<32x4096xf32>
    %reduce_sum3A_268 = vector.shape_cast %select_n3A_267 : vector<32x4096xf32> to vector<1x32x4096xf32>
    %reduce_sum3A_269 = arith.constant dense<0.000000e+00> : vector<1xf32>
    %reduce_sum3A_270 = vector.multi_reduction <add>, %reduce_sum3A_268, %reduce_sum3A_269 [1, 2] : vector<1x32x4096xf32> to vector<1xf32>
    %reduce_sum3A_271 = vector.shape_cast %reduce_sum3A_270 : vector<1xf32> to vector<1x1x1xf32>
    %reduce_sum3A_272 = vector.extract %reduce_sum3A_271[0, 0, 0] : f32 from vector<1x1x1xf32>
    %le3A_273 = arith.constant 3.276800e+05 : f32
    %le3A_274 = arith.cmpf ole, %reduce_sum3A_272, %le3A_273 : f32
    %select_n3A_275 = arith.select %le3A_274, %add3A_262, %select_n3A_259 : f32
    %mul3A_276 = arith.constant 1.300000e+01 : f32
    %mul3A_277 = arith.mulf %mul3A_84, %mul3A_276 : f32
    %add3A_278 = arith.addf %reduce_min3A_75, %mul3A_277 : f32
    %le3A_279 = vector.broadcast %add3A_278 : f32 to vector<32x4096xf32>
    %le3A_280 = arith.cmpf ole, %add3A_67, %le3A_279 : vector<32x4096xf32>
    %jit3A_281 = arith.constant 0.000000e+00 : f32
    %broadcast_in_dim3A_282 = vector.broadcast %jit3A_281 : f32 to vector<32x4096xf32>
    %select_n3A_283 = arith.select %le3A_280, %get3A_1, %broadcast_in_dim3A_282 : vector<32x4096xi1>, vector<32x4096xf32>
    %reduce_sum3A_284 = vector.shape_cast %select_n3A_283 : vector<32x4096xf32> to vector<1x32x4096xf32>
    %reduce_sum3A_285 = arith.constant dense<0.000000e+00> : vector<1xf32>
    %reduce_sum3A_286 = vector.multi_reduction <add>, %reduce_sum3A_284, %reduce_sum3A_285 [1, 2] : vector<1x32x4096xf32> to vector<1xf32>
    %reduce_sum3A_287 = vector.shape_cast %reduce_sum3A_286 : vector<1xf32> to vector<1x1x1xf32>
    %reduce_sum3A_288 = vector.extract %reduce_sum3A_287[0, 0, 0] : f32 from vector<1x1x1xf32>
    %le3A_289 = arith.constant 3.276800e+05 : f32
    %le3A_290 = arith.cmpf ole, %reduce_sum3A_288, %le3A_289 : f32
    %select_n3A_291 = arith.select %le3A_290, %add3A_278, %select_n3A_275 : f32
    %mul3A_292 = arith.constant 1.400000e+01 : f32
    %mul3A_293 = arith.mulf %mul3A_84, %mul3A_292 : f32
    %add3A_294 = arith.addf %reduce_min3A_75, %mul3A_293 : f32
    %le3A_295 = vector.broadcast %add3A_294 : f32 to vector<32x4096xf32>
    %le3A_296 = arith.cmpf ole, %add3A_67, %le3A_295 : vector<32x4096xf32>
    %jit3A_297 = arith.constant 0.000000e+00 : f32
    %broadcast_in_dim3A_298 = vector.broadcast %jit3A_297 : f32 to vector<32x4096xf32>
    %select_n3A_299 = arith.select %le3A_296, %get3A_1, %broadcast_in_dim3A_298 : vector<32x4096xi1>, vector<32x4096xf32>
    %reduce_sum3A_300 = vector.shape_cast %select_n3A_299 : vector<32x4096xf32> to vector<1x32x4096xf32>
    %reduce_sum3A_301 = arith.constant dense<0.000000e+00> : vector<1xf32>
    %reduce_sum3A_302 = vector.multi_reduction <add>, %reduce_sum3A_300, %reduce_sum3A_301 [1, 2] : vector<1x32x4096xf32> to vector<1xf32>
    %reduce_sum3A_303 = vector.shape_cast %reduce_sum3A_302 : vector<1xf32> to vector<1x1x1xf32>
    %reduce_sum3A_304 = vector.extract %reduce_sum3A_303[0, 0, 0] : f32 from vector<1x1x1xf32>
    %le3A_305 = arith.constant 3.276800e+05 : f32
    %le3A_306 = arith.cmpf ole, %reduce_sum3A_304, %le3A_305 : f32
    %select_n3A_307 = arith.select %le3A_306, %add3A_294, %select_n3A_291 : f32
    %mul3A_308 = arith.constant 1.500000e+01 : f32
    %mul3A_309 = arith.mulf %mul3A_84, %mul3A_308 : f32
    %add3A_310 = arith.addf %reduce_min3A_75, %mul3A_309 : f32
    %le3A_311 = vector.broadcast %add3A_310 : f32 to vector<32x4096xf32>
    %le3A_312 = arith.cmpf ole, %add3A_67, %le3A_311 : vector<32x4096xf32>
    %jit3A_313 = arith.constant 0.000000e+00 : f32
    %broadcast_in_dim3A_314 = vector.broadcast %jit3A_313 : f32 to vector<32x4096xf32>
    %select_n3A_315 = arith.select %le3A_312, %get3A_1, %broadcast_in_dim3A_314 : vector<32x4096xi1>, vector<32x4096xf32>
    %reduce_sum3A_316 = vector.shape_cast %select_n3A_315 : vector<32x4096xf32> to vector<1x32x4096xf32>
    %reduce_sum3A_317 = arith.constant dense<0.000000e+00> : vector<1xf32>
    %reduce_sum3A_318 = vector.multi_reduction <add>, %reduce_sum3A_316, %reduce_sum3A_317 [1, 2] : vector<1x32x4096xf32> to vector<1xf32>
    %reduce_sum3A_319 = vector.shape_cast %reduce_sum3A_318 : vector<1xf32> to vector<1x1x1xf32>
    %reduce_sum3A_320 = vector.extract %reduce_sum3A_319[0, 0, 0] : f32 from vector<1x1x1xf32>
    %le3A_321 = arith.constant 3.276800e+05 : f32
    %le3A_322 = arith.cmpf ole, %reduce_sum3A_320, %le3A_321 : f32
    %select_n3A_323 = arith.select %le3A_322, %add3A_310, %select_n3A_307 : f32
    %mul3A_324 = arith.constant 1.600000e+01 : f32
    %mul3A_325 = arith.mulf %mul3A_84, %mul3A_324 : f32
    %add3A_326 = arith.addf %reduce_min3A_75, %mul3A_325 : f32
    %le3A_327 = vector.broadcast %add3A_326 : f32 to vector<32x4096xf32>
    %le3A_328 = arith.cmpf ole, %add3A_67, %le3A_327 : vector<32x4096xf32>
    %jit3A_329 = arith.constant 0.000000e+00 : f32
    %broadcast_in_dim3A_330 = vector.broadcast %jit3A_329 : f32 to vector<32x4096xf32>
    %select_n3A_331 = arith.select %le3A_328, %get3A_1, %broadcast_in_dim3A_330 : vector<32x4096xi1>, vector<32x4096xf32>
    %reduce_sum3A_332 = vector.shape_cast %select_n3A_331 : vector<32x4096xf32> to vector<1x32x4096xf32>
    %reduce_sum3A_333 = arith.constant dense<0.000000e+00> : vector<1xf32>
    %reduce_sum3A_334 = vector.multi_reduction <add>, %reduce_sum3A_332, %reduce_sum3A_333 [1, 2] : vector<1x32x4096xf32> to vector<1xf32>
    %reduce_sum3A_335 = vector.shape_cast %reduce_sum3A_334 : vector<1xf32> to vector<1x1x1xf32>
    %reduce_sum3A_336 = vector.extract %reduce_sum3A_335[0, 0, 0] : f32 from vector<1x1x1xf32>
    %le3A_337 = arith.constant 3.276800e+05 : f32
    %le3A_338 = arith.cmpf ole, %reduce_sum3A_336, %le3A_337 : f32
    %select_n3A_339 = arith.select %le3A_338, %add3A_326, %select_n3A_323 : f32
    %add3A_340 = arith.addf %select_n3A_339, %mul3A_84 : f32
    %sub3A_341 = arith.subf %add3A_340, %select_n3A_339 : f32
    %mul3A_342 = arith.constant 6.250000e-02 : f32
    %mul3A_343 = arith.mulf %sub3A_341, %mul3A_342 : f32
    %mul3A_344 = arith.constant 1.000000e+00 : f32
    %mul3A_345 = arith.mulf %mul3A_343, %mul3A_344 : f32
    %add3A_346 = arith.addf %select_n3A_339, %mul3A_345 : f32
    %le3A_347 = vector.broadcast %add3A_346 : f32 to vector<32x4096xf32>
    %le3A_348 = arith.cmpf ole, %add3A_67, %le3A_347 : vector<32x4096xf32>
    %jit3A_349 = arith.constant 0.000000e+00 : f32
    %broadcast_in_dim3A_350 = vector.broadcast %jit3A_349 : f32 to vector<32x4096xf32>
    %select_n3A_351 = arith.select %le3A_348, %get3A_1, %broadcast_in_dim3A_350 : vector<32x4096xi1>, vector<32x4096xf32>
    %reduce_sum3A_352 = vector.shape_cast %select_n3A_351 : vector<32x4096xf32> to vector<1x32x4096xf32>
    %reduce_sum3A_353 = arith.constant dense<0.000000e+00> : vector<1xf32>
    %reduce_sum3A_354 = vector.multi_reduction <add>, %reduce_sum3A_352, %reduce_sum3A_353 [1, 2] : vector<1x32x4096xf32> to vector<1xf32>
    %reduce_sum3A_355 = vector.shape_cast %reduce_sum3A_354 : vector<1xf32> to vector<1x1x1xf32>
    %reduce_sum3A_356 = vector.extract %reduce_sum3A_355[0, 0, 0] : f32 from vector<1x1x1xf32>
    %le3A_357 = arith.constant 3.276800e+05 : f32
    %le3A_358 = arith.cmpf ole, %reduce_sum3A_356, %le3A_357 : f32
    %select_n3A_359 = arith.select %le3A_358, %add3A_346, %select_n3A_339 : f32
    %mul3A_360 = arith.constant 2.000000e+00 : f32
    %mul3A_361 = arith.mulf %mul3A_343, %mul3A_360 : f32
    %add3A_362 = arith.addf %select_n3A_339, %mul3A_361 : f32
    %le3A_363 = vector.broadcast %add3A_362 : f32 to vector<32x4096xf32>
    %le3A_364 = arith.cmpf ole, %add3A_67, %le3A_363 : vector<32x4096xf32>
    %jit3A_365 = arith.constant 0.000000e+00 : f32
    %broadcast_in_dim3A_366 = vector.broadcast %jit3A_365 : f32 to vector<32x4096xf32>
    %select_n3A_367 = arith.select %le3A_364, %get3A_1, %broadcast_in_dim3A_366 : vector<32x4096xi1>, vector<32x4096xf32>
    %reduce_sum3A_368 = vector.shape_cast %select_n3A_367 : vector<32x4096xf32> to vector<1x32x4096xf32>
    %reduce_sum3A_369 = arith.constant dense<0.000000e+00> : vector<1xf32>
    %reduce_sum3A_370 = vector.multi_reduction <add>, %reduce_sum3A_368, %reduce_sum3A_369 [1, 2] : vector<1x32x4096xf32> to vector<1xf32>
    %reduce_sum3A_371 = vector.shape_cast %reduce_sum3A_370 : vector<1xf32> to vector<1x1x1xf32>
    %reduce_sum3A_372 = vector.extract %reduce_sum3A_371[0, 0, 0] : f32 from vector<1x1x1xf32>
    %le3A_373 = arith.constant 3.276800e+05 : f32
    %le3A_374 = arith.cmpf ole, %reduce_sum3A_372, %le3A_373 : f32
    %select_n3A_375 = arith.select %le3A_374, %add3A_362, %select_n3A_359 : f32
    %mul3A_376 = arith.constant 3.000000e+00 : f32
    %mul3A_377 = arith.mulf %mul3A_343, %mul3A_376 : f32
    %add3A_378 = arith.addf %select_n3A_339, %mul3A_377 : f32
    %le3A_379 = vector.broadcast %add3A_378 : f32 to vector<32x4096xf32>
    %le3A_380 = arith.cmpf ole, %add3A_67, %le3A_379 : vector<32x4096xf32>
    %jit3A_381 = arith.constant 0.000000e+00 : f32
    %broadcast_in_dim3A_382 = vector.broadcast %jit3A_381 : f32 to vector<32x4096xf32>
    %select_n3A_383 = arith.select %le3A_380, %get3A_1, %broadcast_in_dim3A_382 : vector<32x4096xi1>, vector<32x4096xf32>
    %reduce_sum3A_384 = vector.shape_cast %select_n3A_383 : vector<32x4096xf32> to vector<1x32x4096xf32>
    %reduce_sum3A_385 = arith.constant dense<0.000000e+00> : vector<1xf32>
    %reduce_sum3A_386 = vector.multi_reduction <add>, %reduce_sum3A_384, %reduce_sum3A_385 [1, 2] : vector<1x32x4096xf32> to vector<1xf32>
    %reduce_sum3A_387 = vector.shape_cast %reduce_sum3A_386 : vector<1xf32> to vector<1x1x1xf32>
    %reduce_sum3A_388 = vector.extract %reduce_sum3A_387[0, 0, 0] : f32 from vector<1x1x1xf32>
    %le3A_389 = arith.constant 3.276800e+05 : f32
    %le3A_390 = arith.cmpf ole, %reduce_sum3A_388, %le3A_389 : f32
    %select_n3A_391 = arith.select %le3A_390, %add3A_378, %select_n3A_375 : f32
    %mul3A_392 = arith.constant 4.000000e+00 : f32
    %mul3A_393 = arith.mulf %mul3A_343, %mul3A_392 : f32
    %add3A_394 = arith.addf %select_n3A_339, %mul3A_393 : f32
    %le3A_395 = vector.broadcast %add3A_394 : f32 to vector<32x4096xf32>
    %le3A_396 = arith.cmpf ole, %add3A_67, %le3A_395 : vector<32x4096xf32>
    %jit3A_397 = arith.constant 0.000000e+00 : f32
    %broadcast_in_dim3A_398 = vector.broadcast %jit3A_397 : f32 to vector<32x4096xf32>
    %select_n3A_399 = arith.select %le3A_396, %get3A_1, %broadcast_in_dim3A_398 : vector<32x4096xi1>, vector<32x4096xf32>
    %reduce_sum3A_400 = vector.shape_cast %select_n3A_399 : vector<32x4096xf32> to vector<1x32x4096xf32>
    %reduce_sum3A_401 = arith.constant dense<0.000000e+00> : vector<1xf32>
    %reduce_sum3A_402 = vector.multi_reduction <add>, %reduce_sum3A_400, %reduce_sum3A_401 [1, 2] : vector<1x32x4096xf32> to vector<1xf32>
    %reduce_sum3A_403 = vector.shape_cast %reduce_sum3A_402 : vector<1xf32> to vector<1x1x1xf32>
    %reduce_sum3A_404 = vector.extract %reduce_sum3A_403[0, 0, 0] : f32 from vector<1x1x1xf32>
    %le3A_405 = arith.constant 3.276800e+05 : f32
    %le3A_406 = arith.cmpf ole, %reduce_sum3A_404, %le3A_405 : f32
    %select_n3A_407 = arith.select %le3A_406, %add3A_394, %select_n3A_391 : f32
    %mul3A_408 = arith.constant 5.000000e+00 : f32
    %mul3A_409 = arith.mulf %mul3A_343, %mul3A_408 : f32
    %add3A_410 = arith.addf %select_n3A_339, %mul3A_409 : f32
    %le3A_411 = vector.broadcast %add3A_410 : f32 to vector<32x4096xf32>
    %le3A_412 = arith.cmpf ole, %add3A_67, %le3A_411 : vector<32x4096xf32>
    %jit3A_413 = arith.constant 0.000000e+00 : f32
    %broadcast_in_dim3A_414 = vector.broadcast %jit3A_413 : f32 to vector<32x4096xf32>
    %select_n3A_415 = arith.select %le3A_412, %get3A_1, %broadcast_in_dim3A_414 : vector<32x4096xi1>, vector<32x4096xf32>
    %reduce_sum3A_416 = vector.shape_cast %select_n3A_415 : vector<32x4096xf32> to vector<1x32x4096xf32>
    %reduce_sum3A_417 = arith.constant dense<0.000000e+00> : vector<1xf32>
    %reduce_sum3A_418 = vector.multi_reduction <add>, %reduce_sum3A_416, %reduce_sum3A_417 [1, 2] : vector<1x32x4096xf32> to vector<1xf32>
    %reduce_sum3A_419 = vector.shape_cast %reduce_sum3A_418 : vector<1xf32> to vector<1x1x1xf32>
    %reduce_sum3A_420 = vector.extract %reduce_sum3A_419[0, 0, 0] : f32 from vector<1x1x1xf32>
    %le3A_421 = arith.constant 3.276800e+05 : f32
    %le3A_422 = arith.cmpf ole, %reduce_sum3A_420, %le3A_421 : f32
    %select_n3A_423 = arith.select %le3A_422, %add3A_410, %select_n3A_407 : f32
    %mul3A_424 = arith.constant 6.000000e+00 : f32
    %mul3A_425 = arith.mulf %mul3A_343, %mul3A_424 : f32
    %add3A_426 = arith.addf %select_n3A_339, %mul3A_425 : f32
    %le3A_427 = vector.broadcast %add3A_426 : f32 to vector<32x4096xf32>
    %le3A_428 = arith.cmpf ole, %add3A_67, %le3A_427 : vector<32x4096xf32>
    %jit3A_429 = arith.constant 0.000000e+00 : f32
    %broadcast_in_dim3A_430 = vector.broadcast %jit3A_429 : f32 to vector<32x4096xf32>
    %select_n3A_431 = arith.select %le3A_428, %get3A_1, %broadcast_in_dim3A_430 : vector<32x4096xi1>, vector<32x4096xf32>
    %reduce_sum3A_432 = vector.shape_cast %select_n3A_431 : vector<32x4096xf32> to vector<1x32x4096xf32>
    %reduce_sum3A_433 = arith.constant dense<0.000000e+00> : vector<1xf32>
    %reduce_sum3A_434 = vector.multi_reduction <add>, %reduce_sum3A_432, %reduce_sum3A_433 [1, 2] : vector<1x32x4096xf32> to vector<1xf32>
    %reduce_sum3A_435 = vector.shape_cast %reduce_sum3A_434 : vector<1xf32> to vector<1x1x1xf32>
    %reduce_sum3A_436 = vector.extract %reduce_sum3A_435[0, 0, 0] : f32 from vector<1x1x1xf32>
    %le3A_437 = arith.constant 3.276800e+05 : f32
    %le3A_438 = arith.cmpf ole, %reduce_sum3A_436, %le3A_437 : f32
    %select_n3A_439 = arith.select %le3A_438, %add3A_426, %select_n3A_423 : f32
    %mul3A_440 = arith.constant 7.000000e+00 : f32
    %mul3A_441 = arith.mulf %mul3A_343, %mul3A_440 : f32
    %add3A_442 = arith.addf %select_n3A_339, %mul3A_441 : f32
    %le3A_443 = vector.broadcast %add3A_442 : f32 to vector<32x4096xf32>
    %le3A_444 = arith.cmpf ole, %add3A_67, %le3A_443 : vector<32x4096xf32>
    %jit3A_445 = arith.constant 0.000000e+00 : f32
    %broadcast_in_dim3A_446 = vector.broadcast %jit3A_445 : f32 to vector<32x4096xf32>
    %select_n3A_447 = arith.select %le3A_444, %get3A_1, %broadcast_in_dim3A_446 : vector<32x4096xi1>, vector<32x4096xf32>
    %reduce_sum3A_448 = vector.shape_cast %select_n3A_447 : vector<32x4096xf32> to vector<1x32x4096xf32>
    %reduce_sum3A_449 = arith.constant dense<0.000000e+00> : vector<1xf32>
    %reduce_sum3A_450 = vector.multi_reduction <add>, %reduce_sum3A_448, %reduce_sum3A_449 [1, 2] : vector<1x32x4096xf32> to vector<1xf32>
    %reduce_sum3A_451 = vector.shape_cast %reduce_sum3A_450 : vector<1xf32> to vector<1x1x1xf32>
    %reduce_sum3A_452 = vector.extract %reduce_sum3A_451[0, 0, 0] : f32 from vector<1x1x1xf32>
    %le3A_453 = arith.constant 3.276800e+05 : f32
    %le3A_454 = arith.cmpf ole, %reduce_sum3A_452, %le3A_453 : f32
    %select_n3A_455 = arith.select %le3A_454, %add3A_442, %select_n3A_439 : f32
    %mul3A_456 = arith.constant 8.000000e+00 : f32
    %mul3A_457 = arith.mulf %mul3A_343, %mul3A_456 : f32
    %add3A_458 = arith.addf %select_n3A_339, %mul3A_457 : f32
    %le3A_459 = vector.broadcast %add3A_458 : f32 to vector<32x4096xf32>
    %le3A_460 = arith.cmpf ole, %add3A_67, %le3A_459 : vector<32x4096xf32>
    %jit3A_461 = arith.constant 0.000000e+00 : f32
    %broadcast_in_dim3A_462 = vector.broadcast %jit3A_461 : f32 to vector<32x4096xf32>
    %select_n3A_463 = arith.select %le3A_460, %get3A_1, %broadcast_in_dim3A_462 : vector<32x4096xi1>, vector<32x4096xf32>
    %reduce_sum3A_464 = vector.shape_cast %select_n3A_463 : vector<32x4096xf32> to vector<1x32x4096xf32>
    %reduce_sum3A_465 = arith.constant dense<0.000000e+00> : vector<1xf32>
    %reduce_sum3A_466 = vector.multi_reduction <add>, %reduce_sum3A_464, %reduce_sum3A_465 [1, 2] : vector<1x32x4096xf32> to vector<1xf32>
    %reduce_sum3A_467 = vector.shape_cast %reduce_sum3A_466 : vector<1xf32> to vector<1x1x1xf32>
    %reduce_sum3A_468 = vector.extract %reduce_sum3A_467[0, 0, 0] : f32 from vector<1x1x1xf32>
    %le3A_469 = arith.constant 3.276800e+05 : f32
    %le3A_470 = arith.cmpf ole, %reduce_sum3A_468, %le3A_469 : f32
    %select_n3A_471 = arith.select %le3A_470, %add3A_458, %select_n3A_455 : f32
    %mul3A_472 = arith.constant 9.000000e+00 : f32
    %mul3A_473 = arith.mulf %mul3A_343, %mul3A_472 : f32
    %add3A_474 = arith.addf %select_n3A_339, %mul3A_473 : f32
    %le3A_475 = vector.broadcast %add3A_474 : f32 to vector<32x4096xf32>
    %le3A_476 = arith.cmpf ole, %add3A_67, %le3A_475 : vector<32x4096xf32>
    %jit3A_477 = arith.constant 0.000000e+00 : f32
    %broadcast_in_dim3A_478 = vector.broadcast %jit3A_477 : f32 to vector<32x4096xf32>
    %select_n3A_479 = arith.select %le3A_476, %get3A_1, %broadcast_in_dim3A_478 : vector<32x4096xi1>, vector<32x4096xf32>
    %reduce_sum3A_480 = vector.shape_cast %select_n3A_479 : vector<32x4096xf32> to vector<1x32x4096xf32>
    %reduce_sum3A_481 = arith.constant dense<0.000000e+00> : vector<1xf32>
    %reduce_sum3A_482 = vector.multi_reduction <add>, %reduce_sum3A_480, %reduce_sum3A_481 [1, 2] : vector<1x32x4096xf32> to vector<1xf32>
    %reduce_sum3A_483 = vector.shape_cast %reduce_sum3A_482 : vector<1xf32> to vector<1x1x1xf32>
    %reduce_sum3A_484 = vector.extract %reduce_sum3A_483[0, 0, 0] : f32 from vector<1x1x1xf32>
    %le3A_485 = arith.constant 3.276800e+05 : f32
    %le3A_486 = arith.cmpf ole, %reduce_sum3A_484, %le3A_485 : f32
    %select_n3A_487 = arith.select %le3A_486, %add3A_474, %select_n3A_471 : f32
    %mul3A_488 = arith.constant 1.000000e+01 : f32
    %mul3A_489 = arith.mulf %mul3A_343, %mul3A_488 : f32
    %add3A_490 = arith.addf %select_n3A_339, %mul3A_489 : f32
    %le3A_491 = vector.broadcast %add3A_490 : f32 to vector<32x4096xf32>
    %le3A_492 = arith.cmpf ole, %add3A_67, %le3A_491 : vector<32x4096xf32>
    %jit3A_493 = arith.constant 0.000000e+00 : f32
    %broadcast_in_dim3A_494 = vector.broadcast %jit3A_493 : f32 to vector<32x4096xf32>
    %select_n3A_495 = arith.select %le3A_492, %get3A_1, %broadcast_in_dim3A_494 : vector<32x4096xi1>, vector<32x4096xf32>
    %reduce_sum3A_496 = vector.shape_cast %select_n3A_495 : vector<32x4096xf32> to vector<1x32x4096xf32>
    %reduce_sum3A_497 = arith.constant dense<0.000000e+00> : vector<1xf32>
    %reduce_sum3A_498 = vector.multi_reduction <add>, %reduce_sum3A_496, %reduce_sum3A_497 [1, 2] : vector<1x32x4096xf32> to vector<1xf32>
    %reduce_sum3A_499 = vector.shape_cast %reduce_sum3A_498 : vector<1xf32> to vector<1x1x1xf32>
    %reduce_sum3A_500 = vector.extract %reduce_sum3A_499[0, 0, 0] : f32 from vector<1x1x1xf32>
    %le3A_501 = arith.constant 3.276800e+05 : f32
    %le3A_502 = arith.cmpf ole, %reduce_sum3A_500, %le3A_501 : f32
    %select_n3A_503 = arith.select %le3A_502, %add3A_490, %select_n3A_487 : f32
    %mul3A_504 = arith.constant 1.100000e+01 : f32
    %mul3A_505 = arith.mulf %mul3A_343, %mul3A_504 : f32
    %add3A_506 = arith.addf %select_n3A_339, %mul3A_505 : f32
    %le3A_507 = vector.broadcast %add3A_506 : f32 to vector<32x4096xf32>
    %le3A_508 = arith.cmpf ole, %add3A_67, %le3A_507 : vector<32x4096xf32>
    %jit3A_509 = arith.constant 0.000000e+00 : f32
    %broadcast_in_dim3A_510 = vector.broadcast %jit3A_509 : f32 to vector<32x4096xf32>
    %select_n3A_511 = arith.select %le3A_508, %get3A_1, %broadcast_in_dim3A_510 : vector<32x4096xi1>, vector<32x4096xf32>
    %reduce_sum3A_512 = vector.shape_cast %select_n3A_511 : vector<32x4096xf32> to vector<1x32x4096xf32>
    %reduce_sum3A_513 = arith.constant dense<0.000000e+00> : vector<1xf32>
    %reduce_sum3A_514 = vector.multi_reduction <add>, %reduce_sum3A_512, %reduce_sum3A_513 [1, 2] : vector<1x32x4096xf32> to vector<1xf32>
    %reduce_sum3A_515 = vector.shape_cast %reduce_sum3A_514 : vector<1xf32> to vector<1x1x1xf32>
    %reduce_sum3A_516 = vector.extract %reduce_sum3A_515[0, 0, 0] : f32 from vector<1x1x1xf32>
    %le3A_517 = arith.constant 3.276800e+05 : f32
    %le3A_518 = arith.cmpf ole, %reduce_sum3A_516, %le3A_517 : f32
    %select_n3A_519 = arith.select %le3A_518, %add3A_506, %select_n3A_503 : f32
    %mul3A_520 = arith.constant 1.200000e+01 : f32
    %mul3A_521 = arith.mulf %mul3A_343, %mul3A_520 : f32
    %add3A_522 = arith.addf %select_n3A_339, %mul3A_521 : f32
    %le3A_523 = vector.broadcast %add3A_522 : f32 to vector<32x4096xf32>
    %le3A_524 = arith.cmpf ole, %add3A_67, %le3A_523 : vector<32x4096xf32>
    %jit3A_525 = arith.constant 0.000000e+00 : f32
    %broadcast_in_dim3A_526 = vector.broadcast %jit3A_525 : f32 to vector<32x4096xf32>
    %select_n3A_527 = arith.select %le3A_524, %get3A_1, %broadcast_in_dim3A_526 : vector<32x4096xi1>, vector<32x4096xf32>
    %reduce_sum3A_528 = vector.shape_cast %select_n3A_527 : vector<32x4096xf32> to vector<1x32x4096xf32>
    %reduce_sum3A_529 = arith.constant dense<0.000000e+00> : vector<1xf32>
    %reduce_sum3A_530 = vector.multi_reduction <add>, %reduce_sum3A_528, %reduce_sum3A_529 [1, 2] : vector<1x32x4096xf32> to vector<1xf32>
    %reduce_sum3A_531 = vector.shape_cast %reduce_sum3A_530 : vector<1xf32> to vector<1x1x1xf32>
    %reduce_sum3A_532 = vector.extract %reduce_sum3A_531[0, 0, 0] : f32 from vector<1x1x1xf32>
    %le3A_533 = arith.constant 3.276800e+05 : f32
    %le3A_534 = arith.cmpf ole, %reduce_sum3A_532, %le3A_533 : f32
    %select_n3A_535 = arith.select %le3A_534, %add3A_522, %select_n3A_519 : f32
    %mul3A_536 = arith.constant 1.300000e+01 : f32
    %mul3A_537 = arith.mulf %mul3A_343, %mul3A_536 : f32
    %add3A_538 = arith.addf %select_n3A_339, %mul3A_537 : f32
    %le3A_539 = vector.broadcast %add3A_538 : f32 to vector<32x4096xf32>
    %le3A_540 = arith.cmpf ole, %add3A_67, %le3A_539 : vector<32x4096xf32>
    %jit3A_541 = arith.constant 0.000000e+00 : f32
    %broadcast_in_dim3A_542 = vector.broadcast %jit3A_541 : f32 to vector<32x4096xf32>
    %select_n3A_543 = arith.select %le3A_540, %get3A_1, %broadcast_in_dim3A_542 : vector<32x4096xi1>, vector<32x4096xf32>
    %reduce_sum3A_544 = vector.shape_cast %select_n3A_543 : vector<32x4096xf32> to vector<1x32x4096xf32>
    %reduce_sum3A_545 = arith.constant dense<0.000000e+00> : vector<1xf32>
    %reduce_sum3A_546 = vector.multi_reduction <add>, %reduce_sum3A_544, %reduce_sum3A_545 [1, 2] : vector<1x32x4096xf32> to vector<1xf32>
    %reduce_sum3A_547 = vector.shape_cast %reduce_sum3A_546 : vector<1xf32> to vector<1x1x1xf32>
    %reduce_sum3A_548 = vector.extract %reduce_sum3A_547[0, 0, 0] : f32 from vector<1x1x1xf32>
    %le3A_549 = arith.constant 3.276800e+05 : f32
    %le3A_550 = arith.cmpf ole, %reduce_sum3A_548, %le3A_549 : f32
    %select_n3A_551 = arith.select %le3A_550, %add3A_538, %select_n3A_535 : f32
    %mul3A_552 = arith.constant 1.400000e+01 : f32
    %mul3A_553 = arith.mulf %mul3A_343, %mul3A_552 : f32
    %add3A_554 = arith.addf %select_n3A_339, %mul3A_553 : f32
    %le3A_555 = vector.broadcast %add3A_554 : f32 to vector<32x4096xf32>
    %le3A_556 = arith.cmpf ole, %add3A_67, %le3A_555 : vector<32x4096xf32>
    %jit3A_557 = arith.constant 0.000000e+00 : f32
    %broadcast_in_dim3A_558 = vector.broadcast %jit3A_557 : f32 to vector<32x4096xf32>
    %select_n3A_559 = arith.select %le3A_556, %get3A_1, %broadcast_in_dim3A_558 : vector<32x4096xi1>, vector<32x4096xf32>
    %reduce_sum3A_560 = vector.shape_cast %select_n3A_559 : vector<32x4096xf32> to vector<1x32x4096xf32>
    %reduce_sum3A_561 = arith.constant dense<0.000000e+00> : vector<1xf32>
    %reduce_sum3A_562 = vector.multi_reduction <add>, %reduce_sum3A_560, %reduce_sum3A_561 [1, 2] : vector<1x32x4096xf32> to vector<1xf32>
    %reduce_sum3A_563 = vector.shape_cast %reduce_sum3A_562 : vector<1xf32> to vector<1x1x1xf32>
    %reduce_sum3A_564 = vector.extract %reduce_sum3A_563[0, 0, 0] : f32 from vector<1x1x1xf32>
    %le3A_565 = arith.constant 3.276800e+05 : f32
    %le3A_566 = arith.cmpf ole, %reduce_sum3A_564, %le3A_565 : f32
    %select_n3A_567 = arith.select %le3A_566, %add3A_554, %select_n3A_551 : f32
    %mul3A_568 = arith.constant 1.500000e+01 : f32
    %mul3A_569 = arith.mulf %mul3A_343, %mul3A_568 : f32
    %add3A_570 = arith.addf %select_n3A_339, %mul3A_569 : f32
    %le3A_571 = vector.broadcast %add3A_570 : f32 to vector<32x4096xf32>
    %le3A_572 = arith.cmpf ole, %add3A_67, %le3A_571 : vector<32x4096xf32>
    %jit3A_573 = arith.constant 0.000000e+00 : f32
    %broadcast_in_dim3A_574 = vector.broadcast %jit3A_573 : f32 to vector<32x4096xf32>
    %select_n3A_575 = arith.select %le3A_572, %get3A_1, %broadcast_in_dim3A_574 : vector<32x4096xi1>, vector<32x4096xf32>
    %reduce_sum3A_576 = vector.shape_cast %select_n3A_575 : vector<32x4096xf32> to vector<1x32x4096xf32>
    %reduce_sum3A_577 = arith.constant dense<0.000000e+00> : vector<1xf32>
    %reduce_sum3A_578 = vector.multi_reduction <add>, %reduce_sum3A_576, %reduce_sum3A_577 [1, 2] : vector<1x32x4096xf32> to vector<1xf32>
    %reduce_sum3A_579 = vector.shape_cast %reduce_sum3A_578 : vector<1xf32> to vector<1x1x1xf32>
    %reduce_sum3A_580 = vector.extract %reduce_sum3A_579[0, 0, 0] : f32 from vector<1x1x1xf32>
    %le3A_581 = arith.constant 3.276800e+05 : f32
    %le3A_582 = arith.cmpf ole, %reduce_sum3A_580, %le3A_581 : f32
    %select_n3A_583 = arith.select %le3A_582, %add3A_570, %select_n3A_567 : f32
    %mul3A_584 = arith.constant 1.600000e+01 : f32
    %mul3A_585 = arith.mulf %mul3A_343, %mul3A_584 : f32
    %add3A_586 = arith.addf %select_n3A_339, %mul3A_585 : f32
    %le3A_587 = vector.broadcast %add3A_586 : f32 to vector<32x4096xf32>
    %le3A_588 = arith.cmpf ole, %add3A_67, %le3A_587 : vector<32x4096xf32>
    %jit3A_589 = arith.constant 0.000000e+00 : f32
    %broadcast_in_dim3A_590 = vector.broadcast %jit3A_589 : f32 to vector<32x4096xf32>
    %select_n3A_591 = arith.select %le3A_588, %get3A_1, %broadcast_in_dim3A_590 : vector<32x4096xi1>, vector<32x4096xf32>
    %reduce_sum3A_592 = vector.shape_cast %select_n3A_591 : vector<32x4096xf32> to vector<1x32x4096xf32>
    %reduce_sum3A_593 = arith.constant dense<0.000000e+00> : vector<1xf32>
    %reduce_sum3A_594 = vector.multi_reduction <add>, %reduce_sum3A_592, %reduce_sum3A_593 [1, 2] : vector<1x32x4096xf32> to vector<1xf32>
    %reduce_sum3A_595 = vector.shape_cast %reduce_sum3A_594 : vector<1xf32> to vector<1x1x1xf32>
    %reduce_sum3A_596 = vector.extract %reduce_sum3A_595[0, 0, 0] : f32 from vector<1x1x1xf32>
    %le3A_597 = arith.constant 3.276800e+05 : f32
    %le3A_598 = arith.cmpf ole, %reduce_sum3A_596, %le3A_597 : f32
    %select_n3A_599 = arith.select %le3A_598, %add3A_586, %select_n3A_583 : f32
    %le3A_600 = vector.broadcast %select_n3A_599 : f32 to vector<32x4096xf32>
    %le3A_601 = arith.cmpf ole, %add3A_67, %le3A_600 : vector<32x4096xf32>
    %convert_element_type3A_602 = arith.extui %le3A_601 : vector<32x4096xi1> to vector<32x4096xi32>
    %convert_element_type3A_603 = arith.sitofp %convert_element_type3A_602 : vector<32x4096xi32> to vector<32x4096xf32>
    %lt3A_604 = vector.broadcast %select_n3A_599 : f32 to vector<32x4096xf32>
    %lt3A_605 = arith.cmpf olt, %add3A_71, %lt3A_604 : vector<32x4096xf32>
    %gt3A = vector.broadcast %select_n3A_599 : f32 to vector<32x4096xf32>
    %gt3A_606 = arith.cmpf ogt, %add3A_67, %gt3A : vector<32x4096xf32>
    %and3A_607 = arith.andi %lt3A_605, %gt3A_606 : vector<32x4096xi1>
    %convert_element_type3A_608 = arith.extui %and3A_607 : vector<32x4096xi1> to vector<32x4096xi32>
    %convert_element_type3A_609 = arith.sitofp %convert_element_type3A_608 : vector<32x4096xi32> to vector<32x4096xf32>
    %mul3A_610 = arith.mulf %get3A_1, %convert_element_type3A_603 : vector<32x4096xf32>
    %reduce_sum3A_611 = vector.shape_cast %mul3A_610 : vector<32x4096xf32> to vector<1x32x4096xf32>
    %reduce_sum3A_612 = arith.constant dense<0.000000e+00> : vector<1xf32>
    %reduce_sum3A_613 = vector.multi_reduction <add>, %reduce_sum3A_611, %reduce_sum3A_612 [1, 2] : vector<1x32x4096xf32> to vector<1xf32>
    %reduce_sum3A_614 = vector.shape_cast %reduce_sum3A_613 : vector<1xf32> to vector<1x1x1xf32>
    %reduce_sum3A_615 = vector.extract %reduce_sum3A_614[0, 0, 0] : f32 from vector<1x1x1xf32>
    %mul3A_616 = arith.mulf %get3A_4, %convert_element_type3A_603 : vector<32x4096xf32>
    %reduce_sum3A_617 = vector.shape_cast %mul3A_616 : vector<32x4096xf32> to vector<1x32x4096xf32>
    %reduce_sum3A_618 = arith.constant dense<0.000000e+00> : vector<1xf32>
    %reduce_sum3A_619 = vector.multi_reduction <add>, %reduce_sum3A_617, %reduce_sum3A_618 [1, 2] : vector<1x32x4096xf32> to vector<1xf32>
    %reduce_sum3A_620 = vector.shape_cast %reduce_sum3A_619 : vector<1xf32> to vector<1x1x1xf32>
    %reduce_sum3A_621 = vector.extract %reduce_sum3A_620[0, 0, 0] : f32 from vector<1x1x1xf32>
    %mul3A_622 = arith.mulf %get3A_1, %convert_element_type3A_609 : vector<32x4096xf32>
    %reduce_sum3A_623 = vector.shape_cast %mul3A_622 : vector<32x4096xf32> to vector<1x32x4096xf32>
    %reduce_sum3A_624 = arith.constant dense<0.000000e+00> : vector<1xf32>
    %reduce_sum3A_625 = vector.multi_reduction <add>, %reduce_sum3A_623, %reduce_sum3A_624 [1, 2] : vector<1x32x4096xf32> to vector<1xf32>
    %reduce_sum3A_626 = vector.shape_cast %reduce_sum3A_625 : vector<1xf32> to vector<1x1x1xf32>
    %reduce_sum3A_627 = vector.extract %reduce_sum3A_626[0, 0, 0] : f32 from vector<1x1x1xf32>
    %mul3A_628 = arith.mulf %get3A_4, %convert_element_type3A_609 : vector<32x4096xf32>
    %reduce_sum3A_629 = vector.shape_cast %mul3A_628 : vector<32x4096xf32> to vector<1x32x4096xf32>
    %reduce_sum3A_630 = arith.constant dense<0.000000e+00> : vector<1xf32>
    %reduce_sum3A_631 = vector.multi_reduction <add>, %reduce_sum3A_629, %reduce_sum3A_630 [1, 2] : vector<1x32x4096xf32> to vector<1xf32>
    %reduce_sum3A_632 = vector.shape_cast %reduce_sum3A_631 : vector<1xf32> to vector<1x1x1xf32>
    %reduce_sum3A_633 = vector.extract %reduce_sum3A_632[0, 0, 0] : f32 from vector<1x1x1xf32>
    %max3A = arith.constant 1.000000e+00 : f32
    %max3A_634 = arith.maximumf %reduce_sum3A_627, %max3A : f32
    %div3A = arith.divf %reduce_sum3A_633, %max3A_634 : f32
    %sub3A_635 = arith.constant 3.276800e+05 : f32
    %sub3A_636 = arith.subf %sub3A_635, %reduce_sum3A_615 : f32
    %mul3A_637 = arith.mulf %sub3A_636, %div3A : f32
    %add3A_638 = arith.addf %reduce_sum3A_621, %mul3A_637 : f32
    %mul3A_639 = arith.constant 6.10351563E-5 : f32
    %mul3A_640 = arith.mulf %reduce_sum3A_25, %mul3A_639 : f32
    %mul3A_641 = arith.constant 5.000000e-01 : f32
    %mul3A_642 = arith.mulf %mul3A_641, %mul3A_640 : f32
    %mul3A_643 = arith.constant 9.99999974E-5 : f32
    %mul3A_644 = arith.mulf %mul3A_642, %mul3A_643 : f32
    %mul3A_645 = arith.constant 3.05175786E-6 : f32
    %mul3A_646 = arith.mulf %add3A_638, %mul3A_645 : f32
    %neg3A = arith.constant 0.000000e+00 : f32
    %neg3A_647 = arith.subf %neg3A, %mul3A_646 : f32
    %mul3A_648 = arith.constant 6.10351563E-5 : f32
    %mul3A_649 = arith.mulf %reduce_sum3A_13, %mul3A_648 : f32
    %neg3A_650 = arith.constant 0.000000e+00 : f32
    %neg3A_651 = arith.subf %neg3A_650, %mul3A_649 : f32
    %add3A_652 = arith.addf %neg3A_651, %mul3A_644 : f32
    %mul3A_653 = arith.constant 1.000000e-01 : f32
    %mul3A_654 = arith.mulf %mul3A_653, %neg3A_647 : f32
    %add3A_655 = arith.addf %add3A_652, %mul3A_654 : f32
    %mul3A_656 = arith.constant 6.10351563E-5 : f32
    %mul3A_657 = arith.mulf %reduce_sum3A_40, %mul3A_656 : f32
    %mul3A_658 = arith.constant 2.000000e-02 : f32
    %mul3A_659 = arith.mulf %mul3A_658, %mul3A_657 : f32
    %add3A_660 = arith.addf %add3A_655, %mul3A_659 : f32
    %broadcast_in_dim3A_661 = vector.broadcast %add3A_660 : f32 to vector<1x1xf32>
    %swap3A = arith.constant 0 : index
    %swap3A_662 = arith.constant 0 : index
    %swap3A_663 = vector.load %arg3[%swap3A, %swap3A_662] : memref<1x1xf32, #tpu.memory_space<vmem>>, vector<1x1xf32>
    tpu.vector_store %arg3[%swap3A, %swap3A_662], %broadcast_in_dim3A_661 {strides = array<i32>} : memref<1x1xf32, #tpu.memory_space<vmem>>, vector<1x1xf32>,
    return
  }
}

</mosaic_0001>

<sc_bundles>
// kernel: kernel.4.cloned.1.call-start
scs
__scs_entry_jumppad:
0x0: {  	(pc) =	sbr.rel $0x88, $3  }
0x1: {  	(tag) =	ssettag $0x0;
	lr =	simm.s32 $0x1  }
0x2: {  	[smem:$0x3F9E] =	sst lr;
	_ =	strace $0xD0000000  }
0x3: {  	_ = 	snop  }
0x4: {  	_ = 	snop  }
0x5: {  	_ = 	snop  }
0x6: {  	_ = 	snop  }
0x7: {  	_ = 	snop  }
__scs_overlays_trampoline_lowered:
0x8: {  	[smem:$0x3FAD] =	sst s0  }
0x9: {  	[smem:$0x3FAE] =	sst s1  }
0xa: {  	[smem:$0x3FAF] =	sst s2  }
0xb: {  	[smem:$0x3FB0] =	sst s3  }
0xc: {  	[smem:$0x3FB1] =	sst s4  }
0xd: {  	[smem:$0x3FB2] =	sst s5  }
0xe: {  	[smem:$0x3FB3] =	sst s6  }
0xf: {  	[smem:$0x3FB4] =	sst s7  }
0x10: {  	[smem:$0x3FB5] =	sst s8  }
0x11: {  	[smem:$0x3FB6] =	sst s9;
	s0 =	simm.s32 @!p0 $0x0  }
0x12: {  	s1 =	sld [smem:$0x3F9C];
	s0 =	simm.s32 @p0 $0x1  }
0x13: {  	[smem:$0x3FB7] =	sst s0;
	s0 =	simm.s32 @!p1 $0x0  }
0x14: {  	s2 =	sld [smem:$0x3F9B];
	s0 =	simm.s32 @p1 $0x1  }
0x15: {  	[smem:$0x3FB8] =	sst s0;
	s0 =	simm.s32 @!p2 $0x0  }
0x16: {  	s3 =	sld [smem:$0x3FDB];
	s0 =	simm.s32 @p2 $0x1  }
0x17: {  	s4 =	simm.s32 $0x1BF5;
	[smem:$0x3FBA] =	sst s0  }
0x18: {  	s0 =	sld [smem:$0x3F9D];
	_ =	swait.ge [sflag:s4], $0x0  }
0x19: {  	s7 =	sld [smem:$0x3F9E]  }
0x1a: {  	s8 =	sadd.s32 $0xFFFFE003, lr  }
0x1b: {  	s9 =	sadd.s32 $0xFFFFFEF7, lr;
	s5 =	simm.s32 $0xFFFFFFFF;
	p2 =	slt.u32 s8, $0xFFFFF086  }
0x1c: {  	p1 =	slt.u32 s9, $0xF7A;
	s5 =	simm.s32 @!p2 $0x0  }
0x1d: {  	s5 =	simm.s32 @p1 $0x1;
	p0 =	seq.s32 s7, s2  }
0x1e: {  	s7 =	smul.u32 @!p0 $0xF7A, s2;
	p2 =	seq.s32 @!p0 s5, $0x0  }
0x1f: {  	s9 =	smul.u32 $0xF7A, s1;
	s8 =	simm.s32 @!p0 $0x1BF5;
	p2 =	por !p2, p0  }
0x20: {  	[sflag:s8] =	ssyncset.s32 @!p0 $0xFFFFF086;
	s6 =	sadd.s32 @!p0 s3, s7;
	s7 =	simm.s32 @!p0 $0x108  }
0x21: {  	s3 =	sadd.s32 s3, s9;
	s6 =	sadd.s32 @!p0 $0x88, s6;
	s7 =	simm.s32 @p2 $0x1082  }
0x22: {  	[simem:s7], [sflag:s8] =	dma.local @!p0 [hbm:s6], $0xF7A  }
0x23: {  	s9 =	sor.u32 $0xD0000000, s2;
	s6 =	simm.s32 $0x108;
	_ =	swait.ge @!p0 [sflag:s8], $0x0  }
0x24: {  	s3 =	sadd.s32 $0x88, s3;
	s6 =	simm.s32 @!p1 $0x1082;
	[sflag:s4] =	ssyncset.s32 $0xFFFFF086  }
0x25: {  	[simem:s6], [sflag:s4] =	dma.local [hbm:s3], $0xF7A  }
0x26: {  	[smem:$0x3F9E] =	sst s1;
	(tag) =	ssettag s2;
	_ =	strace s9  }
0x27: {  	s1 =	sld [smem:$0x3FAE]  }
0x28: {  	s2 =	sld [smem:$0x3FAF]  }
0x29: {  	s4 =	sld [smem:$0x3FB1]  }
0x2a: {  	p0 =	seq.s32 s5, $0x0;
	s5 =	sld [smem:$0x3FB2]  }
0x2b: {  	s6 =	sld [smem:$0x3FB3]  }
0x2c: {  	s7 =	sld [smem:$0x3FB4]  }
0x2d: {  	s3 =	simm.s32 $0x108;
	s8 =	sld [smem:$0x3FB5]  }
0x2e: {  	s3 =	simm.s32 @!p0 $0x1082;
	s9 =	sld [smem:$0x3FB6]  }
0x2f: {  	lr =	sadd.s32 s0, s3;
	s0 =	sld [smem:$0x3FAD]  }
0x30: {  	s3 =	sld [smem:$0x3FB0]  }
0x31: {  	[smem:$0x3FB9] =	sst s10  }
0x32: {  	s10 =	sld [smem:$0x3FB7];
	_ =	sdelay $0x3  }
0x33: {  	p0 =	seq.s32 s10, $0x1;
	s10 =	sld [smem:$0x3FB9];
	_ =	sdelay $0x3  }
0x34: {  	[smem:$0x3FB9] =	sst s10  }
0x35: {  	s10 =	sld [smem:$0x3FB8];
	_ =	sdelay $0x3  }
0x36: {  	p1 =	seq.s32 s10, $0x1;
	s10 =	sld [smem:$0x3FB9];
	_ =	sdelay $0x3  }
0x37: {  	[smem:$0x3FB9] =	sst s10  }
0x38: {  	s10 =	sld [smem:$0x3FBA]  }
0x39: {  	_ = 	snop;
	(pc) =	sbr.ind lr, $3  }
0x3a: {  	_ = 	snop  }
0x3b: {  	_ = 	snop  }
0x3c: {  	p2 =	seq.s32 s10, $0x1;
	s10 =	sld [smem:$0x3FB9]  }
0x3d: {  	_ =	shalt  }
0x3e: {  	_ =	shalt  }
0x3f: {  	_ =	shalt  }
0x40: {  	_ =	shalt  }
0x41: {  	_ =	shalt  }
0x42: {  	_ =	shalt  }
0x43: {  	_ =	shalt  }
0x44: {  	_ =	shalt  }
0x45: {  	_ =	shalt  }
0x46: {  	_ =	shalt  }
0x47: {  	_ =	shalt  }
0x48: {  	_ =	shalt  }
0x49: {  	_ =	shalt  }
0x4a: {  	_ =	shalt  }
0x4b: {  	_ =	shalt  }
0x4c: {  	_ =	shalt  }
0x4d: {  	_ =	shalt  }
0x4e: {  	_ =	shalt  }
0x4f: {  	_ =	shalt  }
0x50: {  	_ =	shalt  }
0x51: {  	_ =	shalt  }
0x52: {  	_ =	shalt  }
0x53: {  	_ =	shalt  }
0x54: {  	_ =	shalt  }
0x55: {  	_ =	shalt  }
0x56: {  	_ =	shalt  }
0x57: {  	_ =	shalt  }
0x58: {  	_ =	shalt  }
0x59: {  	_ =	shalt  }
0x5a: {  	_ =	shalt  }
0x5b: {  	_ =	shalt  }
0x5c: {  	_ =	shalt  }
0x5d: {  	_ =	shalt  }
0x5e: {  	_ =	shalt  }
0x5f: {  	_ =	shalt  }
0x60: {  	_ =	shalt  }
0x61: {  	_ =	shalt  }
0x62: {  	_ =	shalt  }
0x63: {  	_ =	shalt  }
0x64: {  	_ =	shalt  }
0x65: {  	_ =	shalt  }
0x66: {  	_ =	shalt  }
0x67: {  	_ =	shalt  }
0x68: {  	_ =	shalt  }
0x69: {  	_ =	shalt  }
0x6a: {  	_ =	shalt  }
0x6b: {  	_ =	shalt  }
0x6c: {  	_ =	shalt  }
0x6d: {  	_ =	shalt  }
0x6e: {  	_ =	shalt  }
0x6f: {  	_ =	shalt  }
0x70: {  	_ =	shalt  }
0x71: {  	_ =	shalt  }
0x72: {  	_ =	shalt  }
0x73: {  	_ =	shalt  }
0x74: {  	_ =	shalt  }
0x75: {  	_ =	shalt  }
0x76: {  	_ =	shalt  }
0x77: {  	_ =	shalt  }
0x78: {  	_ =	shalt  }
0x79: {  	_ =	shalt  }
0x7a: {  	_ =	shalt  }
0x7b: {  	_ =	shalt  }
0x7c: {  	_ =	shalt  }
0x7d: {  	_ =	shalt  }
0x7e: {  	_ =	shalt  }
0x7f: {  	_ =	shalt  }
0x80: {  	_ =	shalt  }
0x81: {  	_ =	shalt  }
0x82: {  	_ =	shalt  }
0x83: {  	_ =	shalt  }
0x84: {  	_ =	shalt  }
0x85: {  	_ =	shalt  }
0x86: {  	_ =	shalt  }
0x87: {  	_ =	shalt  }
.Lfunc_end0:
.L_simem_size_0:
called_computation_lowered:
.L_overlay_start_0:
0x88: {  	s2 =	sld [smem:$0x3FD9]  }
0x89: {  	s3 =	sld [smem:$0x3FFE];
	_ =	sdelay $0x1  }
0x8a: {  	s1 =	srdreg.scid  }
0x8b: {  	s0 =	sand.u32 $0x1, s1  }
0x8c: {  	s17 =	sshll.u32 s0, $0xA;
	s2 =	sadd.s32 s3, s2  }
0x8d: {  	s2 =	sadd.s32 s2, s17  }
0x8e: {  	[smem:$0x3FC5] =	sst s2  }
0x8f: {  	_ = 	snop  }
0x90: {  	s2 =	sld [smem:$0x3FC9]  }
0x91: {  	s18 =	sld [smem:$0x3FC7];
	(tm) =	ssettm $0x1  }
0x92: {  	s4 =	sld [smem:$0x3FFB];
	_ =	sdelay $0x3  }
0x93: {  	_ =	strace s4  }
0x94: {  	s4 =	sld [smem:$0x3FFC];
	_ =	sdelay $0x3  }
0x95: {  	_ =	strace s4  }
0x96: {  	s4 =	sld [smem:$0x3FFD];
	_ =	sdelay $0x3  }
0x97: {  	_ =	strace s4  }
0x98: {  	_ =	strace $0x8FFFFFFF  }
0x99: {  	s19 =	sld [smem:$0x3FDB];
	_ =	sdelay $0x1  }
0x9a: {  	s5 =	simm.s32 $_scs_section_size  }
0x9b: {  	s6 =	simm.s32 $_size__tile_overlayer_lowered;
	s7 =	simm.s32 $_tile_overlayer_lowered  }
0x9c: {  	s22 =	simm.s32 $0x1BFF;
	s21 =	sshll.u32 s7, $0x1;
	s4 =	sadd.s32 s5, s19  }
0x9d: {  	s8 =	simm.s32 $0x0;
	s20 =	sshll.u32 s6, $0x1;
	s6 =	sadd.s32 s21, s4  }
0x9e: {  	[timem:s8], [sflag:s22] =	dma.local [hbm:s6], s20  }
0x9f: {  	_ =	swait.ge [sflag:s22], s20  }
0xa0: {  	s5 =	ssub.s32 $0x0, s20;
	[sflag:s22] =	ssyncset.done $0x0  }
0xa1: {  	[sflag:s22] =	ssyncadd.s32 s5;
	_ =	sdelay $0x1  }
0xa2: {  	s23 =	simm.s32 $0x1B8B  }
0xa3: {  	_ =	swait.ge [sflag:s23], $0x1  }
0xa4: {  	[sflag:s23] =	ssyncset.done $0x0  }
0xa5: {  	s25 =	simm.s32 $0x1B8E;
	s24 =	sld [smem:$0x3FFE];
	[sflag:s23] =	ssyncadd.s32 $0xFFFFFFFF  }
0xa6: {  	s26 =	simm.s32 $execute0_lowered;
	[smem:$0x3FD2] =	sst s25  }
0xa7: {  	s6 =	sshll.u32 s26, $0x1;
	_ =	strace $0x80000046;
	[dreg:$0x1] =	wrdreg $0xFFFFFFFF  }
0xa8: {  	s28 =	simm.s32 $_size_execute0_lowered;
	s4 =	sadd.s32 s4, s6;
	[dreg:$0x0] =	wrdreg $0x0  }
0xa9: {  	s6 =	sshll.u32 s28, $0x1;
	[dreg:$0x2] =	wrdreg s4  }
0xaa: {  	[dreg:$0x3] =	wrdreg s6  }
0xab: {  	[dreg:$0x4] =	wrdreg $0xC0  }
0xac: {  	_ =	task [dreg:s8], $0x5FFFF  }
0xad: {  	[dreg:$0x1] =	wrdreg $0xFFFFFFFF  }
0xae: {  	[dreg:$0x0] =	wrdreg $0x60  }
0xaf: {  	[dreg:$0x2] =	wrdreg s24  }
0xb0: {  	[dreg:$0x3] =	wrdreg s2  }
0xb1: {  	[dreg:$0x4] =	wrdreg s18  }
0xb2: {  	[dreg:$0x5] =	wrdreg $0x9  }
0xb3: {  	_ =	task.clear_ibuf [dreg:s8], $0x6FFFF;
	_ =	strace $0x90000046  }
0xb4: {  	s29 =	simm.s32 $0x9;
	_ =	strace $0x80000048  }
0xb5: {  	_ =	swait.ge [sflag:s29], $0x1  }
0xb6: {  	[sflag:s29] =	ssyncadd.s32 $0xFFFFFFFF  }
0xb7: {  	_ =	strace $0x90000048  }
0xb8: {  	_ =	sfence  }
0xb9: {  	s30 =	sld [smem:$0x0];
	_ =	sdelay $0x2  }
0xba: {  	s31 =	sshll.u32 s1, $0xD;
	s1 =	sshrl.u32 s1, $0x2  }
0xbb: {  	s3 =	sand.u32 $0x4000, s31;
	s1 =	sadd.s32 s1, s30  }
0xbc: {  	s0 =	sor.u32 s3, s0;
	s1 =	sshll.u32 s1, $0x11  }
0xbd: {  	s0 =	sor.u32 s1, s0  }
0xbe: {  	s0 =	sadd.s32 $0x8F2B, s0  }
0xbf: {  	[sflag:s0] =	ssyncadd.remote.s32 $0x1  }
0xc0: {  	_ =	sfence.sel $0xFFFF  }
0xc1: {  	[dreg:$0x0] =	wrdreg $0xFFFFFFFF;
	(pc) =	sbr.abs _section_cstart, $3  }
0xc2: {  	[dreg:$0x1] =	wrdreg $0xFFFFFFFF  }
0xc3: {  	_ =	task.clear_ibuf [dreg:s8], $0x2FFFF;
	_ =	strace $0x9FFFFFFF  }
0xc4: {  	(tm) =	ssettm $0x7FFFFFFF  }
0xc5: {  	_ =	shalt  }
tec
execute0_lowered:
.L_overlay_start_1:
0x0: {  	(tag) =	ssettag $0x1  }
0x1: {  	s0 =	srdreg.scid;
	s1 =	rddreg [dreg:$0x0]  }
0x2: {  	s5 =	rddreg [dreg:$0x1];
	s8 =	stileid.u32  }
0x3: {  	s6 =	rddreg [dreg:$0x2];
	s13 =	simm.s32 $0x3;
	s15 =	simm.s32 $0x1  }
0x4: {  	s16 =	simm.s32 $0x2;
	s17 =	simm.s32 $0x1B500;
	s0 =	sand.u32 $0x1, s0  }
0x5: {  	s18 =	simm.s32 $0x1C500;
	s22 =	simm.s32 $0x0;
	s2 =	sshll.u32 s0, $0x4  }
0x6: {  	s0 =	ssub.s32 $0x2, s0;
	s7 =	sor.u32 s8, s2;
	s2 =	simm.s32 $0x0  }
0x7: {  	s8 =	sshll.u32 s8, $0x7;
	s31 =	sshrl.u32 s0, $0x1;
	s3 =	smul.u32 $0x19000, s7  }
0x8: {  	[smem:$0x7FF] =	sst s2;
	s29 =	sshrl.u32 s7, $0x3;
	s8 =	sand.u32 $0x380, s8  }
0x9: {  	s0 =	ssub.s32 s0, s31;
	s7 =	sshll.u32 s7, $0x6;
	_ =	strace $0x80000047  }
0xa: {  	s9 =	sshll.u32 s29, $0xF;
	s5 =	sadd.s32 s5, s7;
	s3 =	sshrl.u32 s3, $0x3  }
0xb: {  	s9 =	sor.u32 s8, s9;
	s4 =	sadd.s32 s3, s1;
	s3 =	sshll.u32 s29, $0xA  }
0xc: {  	s6 =	sadd.s32 s6, s7;
	s30 =	sshrl.u32 s9, $0x3;
	s3 =	sor.u32 s8, s3  }
0xd: {  	s10 =	smax.u32 s0, $0x1;
	s8 =	sadd.s32 s30, s1;
	s3 =	sshrl.u32 s3, $0x3  }
0xe: {  	s7 =	sadd.s32 $0x64E00, s8;
	s8 =	sadd.s32 $0x68E00, s8;
	s1 =	sadd.s32 s3, s1  }
0xf: {  	v0 =	vimm.f32 $0.0e+00;
	vm0 =	vmmov $0xff;
	s3 =	sadd.s32 $0xE00, s4;
	s4 =	sadd.s32 $0x2700, s4;
	s9 =	sadd.s32 $0x6CE00, s1  }
.LBB2_1:
0x10: {  	[tilespmem:s2], [sflag:$0x1] =	stream.linear.gather [hbm4b:s3+s2], $0xC800, $0x38;
	[tilespmem:$0x1D580] =	vst v63  }
0x11: {  	s0 =	simm.s32 $0xC800  }
0x12: {  	[tilespmem:s0], [sflag:$0x2] =	stream.linear.gather [hbm4b:s4+s2], $0xC800, $0x38;
	[tilespmem:$0x1D580] =	vst v63  }
0x13: {  	s30 =	simm.s32 $0x19000  }
0x14: {  	[tilespmem:s30], [sflag:$0x3] =	stream.linear.gather [hbm4b:s5+s2], $0x200, $0x38;
	[tilespmem:$0x1D580] =	vst v63  }
0x15: {  	_ =	swait.ge [sflag:s13], $0x200  }
0x16: {  	[sflag:s13] =	ssyncset.done $0x0  }
0x17: {  	s31 =	simm.s32 $0x19280;
	[sflag:s13] =	ssyncadd.s32 $0xFFFFFE00  }
0x18: {  	[tilespmem:s31], [sflag:$0x3] =	stream.linear.gather [hbm4b:s6+s2], $0x200, $0x38;
	[tilespmem:$0x1D580] =	vst v63  }
0x19: {  	_ =	swait.ge [sflag:s13], $0x200  }
0x1a: {  	[sflag:s13] =	ssyncset.done $0x0  }
0x1b: {  	s0 =	simm.s32 $0x1B540;
	[sflag:s13] =	ssyncadd.s32 $0xFFFFFE00  }
0x1c: {  	[tilespmem:s0+$0x30] =	vst v0  }
0x1d: {  	[tilespmem:s0+$0xFFFFFFF0] =	vst v0  }
0x1e: {  	[tilespmem:s0+$0xFFFFFFC0] =	vst v0  }
0x1f: {  	[tilespmem:s0+$0xFFFFFFE0] =	vst v0  }
0x20: {  	[tilespmem:s0+$0x10] =	vst v0  }
0x21: {  	[tilespmem:s0+$0x20] =	vst v0  }
0x22: {  	[tilespmem:s0+$0x0] =	vst v0  }
0x23: {  	s1 =	simm.s32 $0x1C540;
	[tilespmem:s0+$0xFFFFFFD0] =	vst v0  }
0x24: {  	[tilespmem:s1+$0xFFFFFFC0] =	vst v0  }
0x25: {  	[tilespmem:s1+$0x30] =	vst v0  }
0x26: {  	[tilespmem:s1+$0x20] =	vst v0  }
0x27: {  	[tilespmem:s1+$0x10] =	vst v0  }
0x28: {  	[tilespmem:s1+$0xFFFFFFE0] =	vst v0  }
0x29: {  	[tilespmem:s1+$0x0] =	vst v0  }
0x2a: {  	s11 =	simm.s32 $0x0;
	[tilespmem:s1+$0xFFFFFFF0] =	vst v0  }
.LBB2_2:
0x2b: {  	s11 =	sadd.s32 $0x8, s11;
	[tilespmem:s1+$0xFFFFFFD0] =	vst v0;
	s0 =	sadd.s32 $0x80, s0;
	s1 =	sadd.s32 $0x80, s1  }
0x2c: {  	[tilespmem:s0+$0x30] =	vst v0;
	p0 =	slt.u32 s11, $0xF8  }
0x2d: {  	[tilespmem:s0+$0xFFFFFFF0] =	vst v0  }
0x2e: {  	[tilespmem:s0+$0xFFFFFFC0] =	vst v0  }
0x2f: {  	[tilespmem:s1+$0xFFFFFFC0] =	vst v0  }
0x30: {  	[tilespmem:s1+$0x30] =	vst v0  }
0x31: {  	[tilespmem:s0+$0xFFFFFFE0] =	vst v0  }
0x32: {  	[tilespmem:s0+$0x10] =	vst v0  }
0x33: {  	[tilespmem:s0+$0x20] =	vst v0  }
0x34: {  	[tilespmem:s1+$0x20] =	vst v0  }
0x35: {  	[tilespmem:s1+$0x10] =	vst v0  }
.Ltmp0:
0x36: {  	[tilespmem:s1+$0xFFFFFFE0] =	vst v0;
	(pc) =	sbr.rel @p0 .LBB2_2-.Ltmp0, $4  }
0x37: {  	[tilespmem:s0+$0x0] =	vst v0  }
0x38: {  	[tilespmem:s1+$0x0] =	vst v0  }
0x39: {  	[tilespmem:s1+$0xFFFFFFF0] =	vst v0  }
0x3a: {  	[tilespmem:s0+$0xFFFFFFD0] =	vst v0  }
0x3b: {  	[tilespmem:s1+$0xFFFFFFD0] =	vst v0  }
0x3c: {  	_ =	swait.ge [sflag:s15], $0xC800  }
0x3d: {  	[sflag:s15] =	ssyncset.done $0x0  }
0x3e: {  	s0 =	simm.s32 $0x190;
	[sflag:s15] =	ssyncadd.s32 $0xFFFF3800  }
0x3f: {  	v5 =	vld [tilespmem:s0+$0xC0]  }
0x40: {  	v6 =	vld [tilespmem:s0+$0xB0]  }
0x41: {  	v8 =	vld [tilespmem:s0+$0x170]  }
0x42: {  	v7 =	vld [tilespmem:s0+$0xA0]  }
0x43: {  	v3 =	vld [tilespmem:s0+$0x150]  }
0x44: {  	v40 =	vld [tilespmem:s0+$0xD0]  }
0x45: {  	v43 =	vld [tilespmem:s0+$0xE0]  }
0x46: {  	v37 =	vld [tilespmem:s0+$0x0]  }
0x47: {  	v39 =	vld [tilespmem:s0+$0x10]  }
0x48: {  	v32 =	vld [tilespmem:s0+$0xFFFFFF40]  }
0x49: {  	v35 =	vld [tilespmem:s0+$0xFFFFFF50]  }
0x4a: {  	v30 =	vld [tilespmem:s0+$0xFFFFFE70]  }
0x4b: {  	v33 =	vld [tilespmem:s0+$0xFFFFFE80]  }
0x4c: {  	v27 =	vld [tilespmem:s0+$0xF0]  }
0x4d: {  	v26 =	vld [tilespmem:s0+$0x20];
	v0 =	vmul.f32 v40, v40;
	v1 =	vmul.f32 v43, v43  }
0x4e: {  	v28 =	vld [tilespmem:s0+$0xFFFFFF60];
	v4 =	vmul.f32 v37, v37;
	v9 =	vmul.f32 v39, v39;
	v11 =	vadd.f32 v43, v40  }
0x4f: {  	s30 =	simm.s32 $0x190;
	v29 =	vld [tilespmem:s0+$0xFFFFFE90];
	v12 =	vmul.f32 v32, v32;
	v13 =	vmul.f32 v35, v35;
	v14 =	vadd.f32 v39, v37  }
0x50: {  	s12 =	sand.u32 $0xFFF0, s30;
	v36 =	vld [tilespmem:s0+$0x30];
	v15 =	vmul.f32 v30, v30;
	v16 =	vadd.f32 v33, v30;
	v17 =	vadd.f32 v35, v32  }
0x51: {  	s1 =	simm.s32 $0x0;
	v41 =	vld [tilespmem:s12+$0x100];
	v18 =	vmul.f32 v33, v33;
	v4 =	vadd.f32 v9, v4;
	v0 =	vadd.f32 v1, v0  }
0x52: {  	s11 =	sand.u32 $0xFFE0, s1;
	v38 =	vld [tilespmem:s0+$0xFFFFFEA0];
	v1 =	vadd.f32 v13, v12;
	v9 =	vadd.f32 v27, v11;
	v11 =	vmul.f32 v27, v27  }
0x53: {  	v44 =	vld [tilespmem:s11+$0x100];
	v12 =	vadd.f32 v18, v15;
	v13 =	vadd.f32 v26, v14;
	v14 =	vmul.f32 v26, v26  }
0x54: {  	v49 =	vld [tilespmem:s0+$0x110];
	v15 =	vadd.f32 v29, v16;
	v16 =	vadd.f32 v28, v17;
	v17 =	vmul.f32 v28, v28  }
0x55: {  	v46 =	vld [tilespmem:s0+$0x40];
	v18 =	vmul.f32 v29, v29;
	v4 =	vadd.f32 v14, v4;
	v0 =	vadd.f32 v11, v0  }
0x56: {  	v47 =	vld [tilespmem:s0+$0xFFFFFF80];
	v1 =	vadd.f32 v17, v1;
	v11 =	vmul.f32 v36, v36;
	v9 =	vadd.f32 v41, v9  }
0x57: {  	v48 =	vld [tilespmem:s0+$0xFFFFFEB0];
	v12 =	vadd.f32 v18, v12;
	v13 =	vadd.f32 v36, v13;
	v14 =	vmul.f32 v41, v41  }
0x58: {  	v45 =	vld [tilespmem:s0+$0x120];
	v15 =	vadd.f32 v38, v15;
	v16 =	vadd.f32 v44, v16;
	v17 =	vmul.f32 v44, v44  }
0x59: {  	v42 =	vld [tilespmem:s0+$0x50];
	v18 =	vmul.f32 v38, v38;
	v4 =	vadd.f32 v11, v4;
	v0 =	vadd.f32 v14, v0  }
0x5a: {  	v34 =	vld [tilespmem:s0+$0xFFFFFF90];
	v1 =	vadd.f32 v17, v1;
	v9 =	vadd.f32 v49, v9;
	v11 =	vmul.f32 v49, v49  }
0x5b: {  	v31 =	vld [tilespmem:s0+$0xFFFFFEC0];
	v12 =	vadd.f32 v18, v12;
	v13 =	vadd.f32 v46, v13;
	v14 =	vmul.f32 v46, v46  }
0x5c: {  	v24 =	vld [tilespmem:s0+$0x130];
	v15 =	vadd.f32 v48, v15;
	v16 =	vadd.f32 v47, v16;
	v17 =	vmul.f32 v47, v47  }
0x5d: {  	v25 =	vld [tilespmem:s0+$0x60];
	v18 =	vmul.f32 v48, v48;
	v20 =	vadd.f32 v14, v4;
	v0 =	vadd.f32 v11, v0  }
0x5e: {  	v22 =	vld [tilespmem:s0+$0xFFFFFFA0];
	v1 =	vadd.f32 v17, v1;
	v4 =	vadd.f32 v45, v9;
	v9 =	vmul.f32 v45, v45  }
0x5f: {  	v21 =	vld [tilespmem:s0+$0xFFFFFED0];
	v11 =	vadd.f32 v18, v12;
	v12 =	vadd.f32 v42, v13;
	v13 =	vmul.f32 v42, v42  }
0x60: {  	v19 =	vld [tilespmem:s0+$0x140];
	v15 =	vadd.f32 v31, v15;
	v16 =	vadd.f32 v34, v16;
	v17 =	vmul.f32 v34, v34  }
0x61: {  	v23 =	vld [tilespmem:s0+$0xFFFFFEE0];
	v18 =	vmul.f32 v31, v31;
	v0 =	vadd.f32 v9, v0;
	v9 =	vadd.f32 v24, v4  }
0x62: {  	v14 =	vld [tilespmem:s0+$0x70];
	v1 =	vadd.f32 v17, v1;
	v13 =	vadd.f32 v13, v20  }
0x63: {  	v17 =	vld [tilespmem:s12+$0x80];
	v50 =	vadd.f32 v18, v11;
	v11 =	vadd.f32 v22, v16;
	v16 =	vmul.f32 v24, v24  }
0x64: {  	v12 =	vadd.f32 v25, v12;
	v20 =	vld [tilespmem:s0+$0xFFFFFFB0];
	v51 =	vadd.f32 v21, v15;
	v15 =	vmul.f32 v25, v25  }
0x65: {  	v2 =	vld [tilespmem:s0+$0x160];
	v60 =	vmul.f32 v19, v19;
	v9 =	vadd.f32 v19, v9;
	v0 =	vadd.f32 v16, v0  }
0x66: {  	v4 =	vld [tilespmem:s0+$0x90];
	v54 =	vadd.f32 v15, v13;
	v16 =	vmul.f32 v21, v21;
	v51 =	vadd.f32 v23, v51  }
0x67: {  	v18 =	vld [tilespmem:s0+$0xFFFFFFC0];
	v12 =	vadd.f32 v14, v12;
	v52 =	vadd.f32 v3, v9  }
0x68: {  	v53 =	vmul.f32 v22, v22;
	v13 =	vld [tilespmem:s0+$0xFFFFFFD0];
	v50 =	vadd.f32 v16, v50;
	v60 =	vadd.f32 v60, v0  }
0x69: {  	v61 =	vmul.f32 v3, v3;
	v9 =	vld [tilespmem:s12+$0x180];
	v12 =	vadd.f32 v17, v12;
	v62 =	vadd.f32 v20, v11  }
0x6a: {  	v56 =	vmul.f32 v6, v6;
	v15 =	vadd.f32 v2, v52;
	v52 =	vadd.f32 v53, v1;
	v1 =	vld [tilespmem:s11+$0x80]  }
0x6b: {  	v11 =	vld [tilespmem:s0+$0xFFFFFFE0];
	v60 =	vadd.f32 v61, v60;
	v61 =	vmul.f32 v2, v2;
	v16 =	vadd.f32 v4, v12  }
0x6c: {  	v10 =	vld [tilespmem:s0+$0xFFFFFF30];
	v53 =	vadd.f32 v18, v62;
	v62 =	vmul.f32 v14, v14;
	v55 =	vadd.f32 v8, v15  }
0x6d: {  	v57 =	vsel vm0, $0x0, v5;
	v15 =	vld [tilespmem:s0+$0xFFFFFF00];
	v60 =	vadd.f32 v61, v60;
	v59 =	vadd.f32 v7, v16  }
0x6e: {  	v58 =	vnsel vm0, $0x0, v5;
	v12 =	vld [tilespmem:s11+$0x180];
	v53 =	vadd.f32 v13, v53;
	v54 =	vadd.f32 v62, v54  }
0x6f: {  	v16 =	vld [tilespmem:s0+$0xFFFFFF10];
	v62 =	vmul.f32 v17, v17;
	v55 =	vadd.f32 v9, v55;
	v51 =	vadd.f32 v1, v51  }
0x70: {  	v61 =	vmul.f32 v4, v4;
	v59 =	vadd.f32 v6, v59;
	v53 =	vadd.f32 v11, v53  }
0x71: {  	v0 =	vld [tilespmem:s0+$0xFFFFFF20];
	v54 =	vadd.f32 v62, v54;
	v62 =	vnsel vm0, $0x0, v10;
	v55 =	vadd.f32 v55, v57  }
0x72: {  	v57 =	vmul.f32 v8, v8;
	v51 =	vadd.f32 v15, v51;
	v58 =	vadd.f32 v58, v59  }
0x73: {  	v59 =	vsel vm0, $0x0, v10;
	v53 =	vadd.f32 v12, v53;
	v54 =	vadd.f32 v61, v54  }
0x74: {  	v61 =	vmul.f32 v5, v5;
	v57 =	vadd.f32 v57, v60;
	v51 =	vadd.f32 v16, v51  }
0x75: {  	v60 =	vmul.f32 v9, v9;
	v53 =	vadd.f32 v53, v59;
	v59 =	vmul.f32 v20, v20  }
0x76: {  	(xrf2) =	vadd.scan.msk.f32 $0xffff, v55;
	v55 =	vmin.f32 v32, v35;
	v32 =	vmax.f32 v32, v35;
	v51 =	vadd.f32 v0, v51  }
0x77: {  	v63 =	vsel vm0, $0x0, v61;
	v52 =	vadd.f32 v59, v52;
	v59 =	vmul.f32 v18, v18  }
0x78: {  	v61 =	vnsel vm0, $0x0, v61;
	v57 =	vadd.f32 v60, v57;
	v51 =	vadd.f32 v62, v51  }
0x79: {  	v62 =	vmul.f32 v23, v23;
	v52 =	vadd.f32 v59, v52;
	v59 =	vmul.f32 v7, v7  }
0x7a: {  	v60 =	vmul.f32 v13, v13;
	v57 =	vadd.f32 v57, v63;
	v63 =	vmul.f32 v0, v0  }
0x7b: {  	v50 =	vadd.f32 v62, v50;
	v62 =	vmul.f32 v1, v1;
	v54 =	vadd.f32 v59, v54  }
0x7c: {  	v52 =	vadd.f32 v60, v52;
	v59 =	vmul.f32 v11, v11;
	v60 =	vmul.f32 v15, v15  }
0x7d: {  	v50 =	vadd.f32 v62, v50;
	v54 =	vadd.f32 v56, v54;
	v56 =	vmul.f32 v10, v10  }
0x7e: {  	v52 =	vadd.f32 v59, v52;
	v62 =	vmin.f32 v37, v39;
	v37 =	vmax.f32 v37, v39  }
0x7f: {  	v59 =	vmul.f32 v12, v12;
	v62 =	vmin.f32 v62, v26;
	v26 =	vmax.f32 v37, v26  }
0x80: {  	(xrf2) =	vadd.scan.msk.f32 $0xffff, v58;
	v50 =	vadd.f32 v60, v50;
	v60 =	vmul.f32 v16, v16;
	v54 =	vadd.f32 v61, v54  }
0x81: {  	(xrf2) =	vadd.scan.msk.f32 $0xffff, v53;
	v52 =	vadd.f32 v59, v52;
	v61 =	vmin.f32 v40, v43;
	v40 =	vmax.f32 v40, v43  }
0x82: {  	(xrf2) =	vadd.scan.msk.f32 $0xffff, v51;
	v59 =	vmin.f32 v30, v33;
	v30 =	vmax.f32 v30, v33;
	v51 =	vmin.f32 v62, v36  }
0x83: {  	v61 =	vmin.f32 v61, v27;
	v50 =	vadd.f32 v60, v50;
	v60 =	vsel vm0, $0x0, v56  }
0x84: {  	v27 =	vmax.f32 v40, v27;
	v43 =	vadd.f32 v52, v60;
	v60 =	vnsel vm0, $0x0, v56  }
0x85: {  	(xrf2) =	vadd.scan.msk.f32 $0xffff, v57;
	v52 =	vmax.f32 v26, v36;
	v26 =	vmax.f32 v27, v41;
	v63 =	vadd.f32 v63, v50  }
0x86: {  	(xrf2) =	vadd.scan.msk.f32 $0xffff, v54;
	v50 =	vmin.f32 v59, v29;
	v29 =	vmax.f32 v30, v29;
	v30 =	vmin.f32 v61, v41  }
0x87: {  	v27, _, _ =	vpop (xrf2);
	v35 =	vmax.f32 v52, v46;
	v54 =	vmax.f32 v29, v38;
	v30 =	vmin.f32 v30, v49  }
0x88: {  	(xrf2) =	vadd.scan.msk.f32 $0xffff, v43;
	v57 =	vmul.f32 v27, v27;
	v35 =	vmax.f32 v35, v42;
	v33 =	vadd.f32 v60, v63  }
0x89: {  	v63 =	vmin.f32 v55, v28;
	v28 =	vmax.f32 v32, v28;
	v32 =	vmin.f32 v50, v38  }
0x8a: {  	v55 =	vmax.f32 v26, v49;
	v37 =	vmax.f32 v54, v48;
	v30 =	vmin.f32 v30, v45  }
0x8b: {  	v26, _, _ =	vpop (xrf2);
	v53 =	vmin.f32 v63, v44;
	v28 =	vmax.f32 v28, v44;
	v32 =	vmin.f32 v32, v48;
	(xrf2) =	vadd.scan.msk.f32 $0xffff, v33  }
0x8c: {  	v59 =	vmul.f32 v26, v26;
	v40 =	vmul.f32 $4.999999890e-03, v57;
	v38 =	vmax.f32 v55, v45  }
0x8d: {  	v29, _, _ =	vpop (xrf2);
	v30 =	vmin.f32 v30, v24;
	v36 =	vmin.f32 v53, v47;
	v33 =	vmin.f32 v51, v46  }
0x8e: {  	v56 =	vmax.f32 v28, v47;
	v58 =	vmul.f32 v29, v29;
	v32 =	vmin.f32 v32, v31;
	v28, _, _ =	vpop (xrf2)  }
0x8f: {  	v31 =	vmax.f32 v37, v31;
	v24 =	vmax.f32 v38, v24;
	v43 =	vmul.f32 $4.999999890e-03, v59;
	v60, _, _ =	vpop (xrf2)  }
0x90: {  	v30 =	vmin.f32 v30, v19;
	v33 =	vmin.f32 v33, v42;
	v62, _, _ =	vpop (xrf2);
	v40 =	vsub.f32 v60, v40  }
0x91: {  	v36 =	vmin.f32 v36, v34;
	v41 =	vmul.f32 $4.999999890e-03, v58;
	v47 =	vsub.f32 v62, v43  }
0x92: {  	v34 =	vmax.f32 v56, v34;
	v61 =	vmul.f32 v28, v28;
	v40 =	vmul.f32 $5.025125570e-03, v40;
	v63, _, _ =	vpop (xrf2)  }
0x93: {  	v32 =	vmin.f32 v32, v21;
	v49 =	vmul.f32 $5.025125570e-03, v47;
	v41 =	vsub.f32 v63, v41  }
0x94: {  	v21 =	vmax.f32 v31, v21;
	v46 =	vmul.f32 $4.999999890e-03, v61;
	v40 =	vmax.f32 v40, $1.000000020e-16  }
0x95: {  	v51 =	vmax.f32 v49, $1.000000020e-16;
	v39 =	vbroadcast v40, $0xF;
	v48, _, _ =	vpop (xrf2);
	v41 =	vmul.f32 $5.025125570e-03, v41  }
0x96: {  	v19 =	vmax.f32 v24, v19;
	v37 =	vbroadcast v51, $0xF;
	v43 =	vsub.f32 v48, v46  }
0x97: {  	v53 =	vshrl.u32 v39, $0x1;
	v45 =	vmul.f32 $5.000000000e-01, v39;
	v41 =	vmax.f32 v41, $1.000000020e-16  }
0x98: {  	v54 =	vshrl.u32 v37, $0x1;
	v44 =	vmul.f32 $5.000000000e-01, v37;
	v41 =	vbroadcast v41, $0xF  }
0x99: {  	v42 =	vsub.s32 $0x5F3759DF, v53;
	v50 =	vmul.f32 $5.025125570e-03, v43;
	v43 =	vsub.s32 $0x5F3759DF, v54  }
0x9a: {  	v57 =	vmul.f32 v42, v45;
	v55 =	vshrl.u32 v41, $0x1;
	v47 =	vmul.f32 $5.000000000e-01, v41  }
0x9b: {  	v58 =	vmul.f32 v43, v44;
	v52 =	vmax.f32 v50, $1.000000020e-16;
	v46 =	vsub.s32 $0x5F3759DF, v55  }
0x9c: {  	v30 =	vmin.f32 v30, v3;
	v40 =	vbroadcast v52, $0xF;
	v59 =	vmul.f32 v46, v47  }
0x9d: {  	v33 =	vmin.f32 v33, v25;
	v49 =	vmul.f32 v42, v57;
	v51 =	vmul.f32 v43, v58  }
0x9e: {  	v56 =	vshrl.u32 v40, $0x1;
	v50 =	vmul.f32 $5.000000000e-01, v40;
	v61 =	vmul.f32 v46, v59  }
0x9f: {  	v49 =	vsub.f32 $1.500000000e+00, v49;
	v51 =	vsub.f32 $1.500000000e+00, v51;
	v48 =	vsub.s32 $0x5F3759DF, v56  }
0xa0: {  	v25 =	vmax.f32 v35, v25;
	v60 =	vmul.f32 v48, v50;
	v38 =	vsub.f32 $1.500000000e+00, v61  }
0xa1: {  	v36 =	vmin.f32 v36, v22;
	v63 =	vmul.f32 v42, v49;
	v53 =	vmul.f32 v43, v51  }
0xa2: {  	v22 =	vmax.f32 v34, v22;
	v62 =	vmul.f32 v48, v60;
	v55 =	vmul.f32 v46, v38  }
0xa3: {  	v32 =	vmin.f32 v32, v23;
	v56 =	vmul.f32 v63, v45;
	v57 =	vmul.f32 v53, v44  }
0xa4: {  	v21 =	vmax.f32 v21, v23;
	v54 =	vsub.f32 $1.500000000e+00, v62;
	v31 =	vmul.f32 v55, v47  }
0xa5: {  	v3 =	vmax.f32 v19, v3;
	v38 =	vmul.f32 v56, v63;
	v46 =	vmul.f32 v57, v53  }
0xa6: {  	v33 =	vmin.f32 v33, v14;
	v43 =	vmul.f32 v48, v54;
	v24 =	vmul.f32 v31, v55  }
0xa7: {  	v14 =	vmax.f32 v25, v14;
	v46 =	vsub.f32 $1.500000000e+00, v46;
	v31 =	vsub.f32 $1.500000000e+00, v38  }
0xa8: {  	v3 =	vmax.f32 v3, v2;
	v48 =	vmul.f32 v43, v50;
	v24 =	vsub.f32 $1.500000000e+00, v24  }
0xa9: {  	v59 =	vmin.f32 v36, v20;
	v25 =	vmul.f32 v31, v63;
	v31 =	vmul.f32 v46, v53  }
0xaa: {  	v20 =	vmax.f32 v22, v20;
	v58 =	vmul.f32 v48, v43;
	v22 =	vmul.f32 v24, v55  }
0xab: {  	v33 =	vmin.f32 v33, v17;
	v24 =	vmul.f32 v25, v45;
	v62 =	vmul.f32 v31, v44  }
0xac: {  	v14 =	vmax.f32 v14, v17;
	v60 =	vsub.f32 $1.500000000e+00, v58;
	v23 =	vmul.f32 v22, v47  }
0xad: {  	v3 =	vmax.f32 v3, v8;
	v24 =	vmul.f32 v24, v25;
	v36 =	vmul.f32 v62, v31  }
0xae: {  	v14 =	vmax.f32 v14, v4;
	v61 =	vmul.f32 v60, v43;
	v19 =	vmul.f32 v23, v22  }
0xaf: {  	v56 =	vimm.f32 $3.399999950e+38;
	v23 =	vsub.f32 $1.500000000e+00, v24;
	v36 =	vsub.f32 $1.500000000e+00, v36  }
0xb0: {  	v58 =	vimm.f32 $-3.399999950e+38;
	v63 =	vmul.f32 v61, v50;
	v19 =	vsub.f32 $1.500000000e+00, v19  }
0xb1: {  	v17 =	vmul.f32 v23, v25;
	v23 =	vmul.f32 v36, v31;
	v25 =	vmin.f32 v59, v18  }
0xb2: {  	v18 =	vmax.f32 v20, v18;
	v24 =	vmul.f32 v63, v61;
	v19 =	vmul.f32 v19, v22  }
0xb3: {  	v17 =	vmul.f32 v17, v39;
	v22 =	vmul.f32 v23, v37;
	v23 =	vmin.f32 v32, v1  }
0xb4: {  	v1 =	vmax.f32 v21, v1;
	v21 =	vmin.f32 v25, v13;
	v24 =	vsub.f32 $1.500000000e+00, v24  }
0xb5: {  	v13 =	vmax.f32 v18, v13;
	v19 =	vmul.f32 v19, v41;
	v17 =	vmax.f32 v17, $9.999999930e-09  }
0xb6: {  	v1 =	vmax.f32 v1, v15;
	v20 =	vmul.f32 v24, v61;
	(erf) = vrcp.f32 v17  }
0xb7: {  	v18 =	vmin.f32 v23, v15;
	v1 =	vmax.f32 v1, v16;
	v17 =	vmax.f32 v22, $9.999999930e-09  }
0xb8: {  	s31 =	simm.s32 $0x19002;
	(erf) = vrcp.f32 v17;
	v17 =	vmax.f32 v19, $9.999999930e-09;
	v20 =	vmul.f32 v20, v40  }
0xb9: {  	v24 =	vld [tilespmem:s31+$0xFFFFFFFE];
	v1 =	vmax.f32 v1, v0;
	v19 =	vmin.f32 v30, v2;
	(erf) = vrcp.f32 v17  }
0xba: {  	v17 =	vimm.f32 $0.0e+00;
	v15 =	vmin.f32 v19, v8;
	v2 =	vmax.f32 v20, $9.999999930e-09  }
0xbb: {  	v20 =	vmin.f32 v33, v4;
	v4 =	vnsel vm0, $0xFF7FC99E, v5;
	(erf) = vrcp.f32 v2  }
0xbc: {  	v19 =	vmin.f32 v20, v7;
	v7 =	vmax.f32 v14, v7;
	v20 =	vnsel vm0, $0x7F7FC99E, v5  }
0xbd: {  	v8 =	vld [tilespmem:s31+$0x0];
	v14 =	vmin.f32 v18, v16;
	v16 =	vsel vm0, $0x7F7FC99E, v5;
	v18 =	vmin.f32 v21, v11  }
0xbe: {  	v11 =	vmax.f32 v13, v11;
	v13 =	vsel vm0, $0xFF7FC99E, v5;
	v2 =	vbroadcast v24, $0x0  }
0xbf: {  	v22 =	vmin.f32 v19, v6;
	v19 =	vmin.f32 v15, v9;
	v21 =	vmax.f32 v7, v6;
	v6 =	vpop (erf)  }
0xc0: {  	v9 =	vmax.f32 v3, v9;
	v3 =	vmin.f32 v18, v12;
	v6 =	vmul.f32 $1.000000050e-03, v6  }
0xc1: {  	v15 =	vmax.f32 v11, v12;
	v14 =	vmin.f32 v14, v0;
	v7 =	vsel vm0, $0x7F7FC99E, v10;
	v0 =	vpop (erf)  }
0xc2: {  	v11 =	vbroadcast v8, $0x0;
	v19 =	vmin.f32 v19, v16;
	v12 =	vpop (erf);
	v6 =	vmax.f32 v6, $1.000000010e-01  }
0xc3: {  	v18 =	vmax.f32 v9, v13;
	v9 =	vmul.f32 $1.000000050e-03, v12;
	v6 =	vmin.f32 v6, $3.000000000e+00  }
0xc4: {  	v8 =	vbroadcast v8, $0x1;
	v23 =	vmin.f32 v22, v20;
	v13 =	vnsel vm0, $0x7F7FC99E, v10  }
0xc5: {  	v0 =	vmul.f32 $1.000000050e-03, v0;
	v12 =	vbroadcast v24, $0x1;
	v9 =	vmax.f32 v9, $1.000000010e-01  }
0xc6: {  	v22 =	vbroadcast v27, $0xF;
	v31 =	vmul.f32 v6, v8;
	v9 =	vmin.f32 v9, $3.000000000e+00;
	v6 =	vpop (erf)  }
0xc7: {  	v0 =	vmax.f32 v0, $1.000000010e-01;
	v16 =	vmul.f32 v9, v12;
	v12 =	vmul.f32 $1.000000050e-03, v6  }
0xc8: {  	v20 =	vbroadcast v29, $0xF;
	v24 =	vbroadcast v26, $0xF;
	v0 =	vmin.f32 v0, $3.000000000e+00  }
0xc9: {  	v26 =	vbroadcast v28, $0xF;
	v25 =	vmul.f32 v0, v11;
	v0 =	vmax.f32 v12, $1.000000010e-01  }
0xca: {  	s14 =	simm.s32 $0x19006;
	s12 =	simm.s32 $0x0;
	s11 =	simm.s32 $0x19520;
	v8 =	vsel vm0, $0xFF7FC99E, v10;
	v10 =	vnsel vm0, $0xFF7FC99E, v10;
	v0 =	vmin.f32 v0, $3.000000000e+00  }
.LBB2_4:
0xcb: {  	_ =	sdelay $0x1  }
0xcc: {  	v28 =	vld [tilespmem:s14+$0x0];
	s0 =	sadd.s32 $0x320, s0;
	[tilespmem:s11+$0x10] =	vst v31  }
0xcd: {  	v11 =	vmul.f32 v31, v22;
	v22 =	vld [tilespmem:s0+$0xC0]  }
0xce: {  	v9 =	vmax.f32 v21, v4;
	v4 =	vld [tilespmem:s0+$0xB0];
	[tilespmem:s11+$0x0] =	vst v25  }
0xcf: {  	v0 =	vmul.f32 v0, v2;
	v2 =	vld [tilespmem:s0+$0xA0]  }
0xd0: {  	v18 =	vmul.f32 v31, v18;
	v3 =	vmin.f32 v3, v7;
	v7 =	vmul.f32 v31, v19  }
0xd1: {  	v29 =	vld [tilespmem:s14+$0xFFFFFFFE];
	v19 =	vmul.f32 v25, v23;
	v6 =	vmin.f32 v14, v13;
	v3 =	vmul.f32 v16, v3  }
0xd2: {  	[tilespmem:s11+$0xFFFFFFF0] =	vst v16;
	v1 =	vmax.f32 v1, v10;
	v9 =	vmul.f32 v25, v9;
	v41 =	vld [tilespmem:s0+$0xD0];
	v5 =	vmul.f32 v0, v26  }
0xd3: {  	v8 =	vmax.f32 v15, v8;
	v43 =	vld [tilespmem:s0+$0xE0];
	[tilespmem:s11+$0xFFFFFFE0] =	vst v0;
	v6 =	vmul.f32 v0, v6;
	v0 =	vmul.f32 v0, v1  }
0xd4: {  	s1 =	sadd.s32 $0x320, s1;
	v8 =	vmul.f32 v16, v8;
	v42 =	vld [tilespmem:s0+$0x0];
	[tilespmem:$0x1FF50] =	vst v2;
	v2 =	vmul.f32 v16, v20;
	v16 =	vmin.f32 v19, v9  }
0xd5: {  	s19 =	sadd.s32 $0x190, s1;
	v45 =	vld [tilespmem:s0+$0x10];
	v9 =	vmax.f32 v19, v9;
	v19 =	vmin.f32 v6, v0;
	v0 =	vmax.f32 v6, v0  }
0xd6: {  	s20 =	sand.u32 $0xFFF0, s19;
	v51 =	vld [tilespmem:s0+$0xF0];
	v14 =	vmin.f32 v3, v8;
	v3 =	vmax.f32 v3, v8;
	v0 =	vmax.f32 v58, v0  }
0xd7: {  	v60 =	vld [tilespmem:s20+$0x100];
	v0 =	vmax.f32 v0, v3  }
0xd8: {  	v27 =	vld [tilespmem:s0+$0xFFFFFF30];
	v6 =	vmax.f32 v7, v18;
	v0 =	vmax.f32 v0, v9  }
0xd9: {  	v15 =	vmul.f32 v25, v24;
	v44 =	vld [tilespmem:s0+$0xFFFFFF40];
	v49 =	vmul.f32 v22, v22;
	v0 =	vmax.f32 v0, v6  }
0xda: {  	v47 =	vld [tilespmem:s0+$0xFFFFFF50];
	v46 =	vsel vm0, $0x0, v22;
	v1 =	vadd.f32 v5, v17;
	[tilespmem:$0x1FEE0] =	vst v0;
	v0 =	vnsel vm0, $0x7F7FC99E, v22  }
0xdb: {  	v50 =	vld [tilespmem:s0+$0x20];
	v5 =	vmin.f32 v7, v18;
	v17 =	vnsel vm0, $0x0, v22;
	[tilespmem:$0x1FFA0] =	vst v0;
	v0 =	vsel vm0, $0x7F7FC99E, v22  }
0xdc: {  	s31 =	sand.u32 $0xFFE0, s1;
	v53 =	vld [tilespmem:s0+$0xFFFFFF60];
	v23 =	vadd.f32 v43, v41;
	v26 =	vadd.f32 v45, v42;
	[tilespmem:$0x1FF70] =	vst v0;
	v0 =	vsel vm0, $0xFF7FC99E, v22  }
0xdd: {  	v62 =	vld [tilespmem:s31+$0x100];
	v36 =	vmul.f32 v60, v60;
	v1 =	vadd.f32 v2, v1;
	[tilespmem:$0x1FF90] =	vst v0;
	v0 =	vsel vm0, $0x7F7FC99E, v27  }
0xde: {  	v2 =	vmin.f32 v56, v19;
	v24 =	vmul.f32 v44, v44;
	[tilespmem:$0x1FF80] =	vst v0;
	v0 =	vsel vm0, $0xFF7FC99E, v27  }
0xdf: {  	v12 =	vld [tilespmem:s0+$0x40];
	v25 =	vmul.f32 v47, v47;
	v30 =	vadd.f32 v47, v44;
	[tilespmem:$0x1FF60] =	vst v0;
	v0 =	vnsel vm0, $0xFF7FC99E, v22  }
0xe0: {  	v48 =	vld [tilespmem:s0+$0xFFFFFE70];
	v23 =	vadd.f32 v51, v23;
	v1 =	vadd.f32 v15, v1;
	[tilespmem:$0x1FFD0] =	vst v0;
	v0 =	vnsel vm0, $0x7F7FC99E, v27  }
0xe1: {  	v52 =	vld [tilespmem:s0+$0xFFFFFE80];
	v26 =	vadd.f32 v50, v26;
	v32 =	vmul.f32 v53, v53;
	[tilespmem:$0x1FF10] =	vst v0;
	v0 =	vbroadcast v28, $0x0  }
0xe2: {  	v58 =	vld [tilespmem:s0+$0x30];
	v34 =	vmul.f32 v62, v62;
	v2 =	vmin.f32 v2, v14;
	v1 =	vadd.f32 v11, v1  }
0xe3: {  	v54 =	vld [tilespmem:s0+$0xFFFFFE90];
	v14 =	vmul.f32 v45, v45;
	v3 =	vmin.f32 v2, v16;
	[tilespmem:$0x1FFF0] =	vst v0;
	v0 =	vbroadcast v28, $0x1  }
0xe4: {  	v63 =	vld [tilespmem:s0+$0xFFFFFF80];
	v24 =	vadd.f32 v25, v24;
	[tilespmem:$0x1FF00] =	vst v1;
	v1 =	vmin.f32 v3, v5;
	v3 =	vmul.f32 v42, v42  }
0xe5: {  	v61 =	vld [tilespmem:s0+$0x50];
	v30 =	vadd.f32 v53, v30;
	v23 =	vadd.f32 v60, v23;
	[tilespmem:$0x1FFB0] =	vst v0;
	v0 =	vnsel vm0, $0xFF7FC99E, v27  }
0xe6: {  	v24 =	vadd.f32 v32, v24;
	v3 =	vadd.f32 v14, v3;
	v14 =	vld [tilespmem:s0+$0x110];
	[tilespmem:$0x1FF30] =	vst v0;
	v0 =	vbroadcast v29, $0x0  }
0xe7: {  	v13 =	vld [tilespmem:s0+$0x120];
	v31 =	vmul.f32 v52, v52;
	v26 =	vadd.f32 v58, v26;
	v30 =	vadd.f32 v62, v30  }
0xe8: {  	v39 =	vld [tilespmem:s0+$0x60];
	v24 =	vadd.f32 v34, v24;
	v28 =	vmul.f32 v48, v48;
	[tilespmem:$0x1FFC0] =	vst v0;
	v0 =	vbroadcast v29, $0x1  }
0xe9: {  	v57 =	vld [tilespmem:s0+$0xFFFFFEA0];
	v33 =	vmul.f32 v54, v54;
	v26 =	vadd.f32 v12, v26;
	v30 =	vadd.f32 v63, v30  }
0xea: {  	v28 =	vadd.f32 v31, v28;
	v31 =	vmul.f32 v50, v50;
	[tilespmem:$0x1FFE0] =	vst v0;
	v0 =	vmul.f32 v4, v4  }
0xeb: {  	v40 =	vld [tilespmem:s0+$0x130];
	v59 =	vmul.f32 v58, v58;
	[tilespmem:$0x1FEF0] =	vst v1;
	v26 =	vadd.f32 v61, v26;
	v23 =	vadd.f32 v14, v23  }
0xec: {  	v21 =	vld [tilespmem:s0+$0x150];
	v1 =	vmul.f32 v43, v43;
	v31 =	vadd.f32 v31, v3;
	[tilespmem:$0x1FEC0] =	vst v0;
	v0 =	vmin.f32 v41, v43  }
0xed: {  	v32 =	vld [tilespmem:s0+$0x140];
	v26 =	vadd.f32 v39, v26;
	v23 =	vadd.f32 v13, v23;
	[tilespmem:$0x1FED0] =	vst v0;
	v0 =	vmul.f32 v41, v41  }
0xee: {  	v35 =	vmul.f32 v57, v57;
	v28 =	vadd.f32 v33, v28;
	v31 =	vadd.f32 v59, v31;
	v59 =	vld [tilespmem:s0+$0xFFFFFF90]  }
0xef: {  	v10 =	vld [tilespmem:s0+$0xFFFFFEB0];
	v25 =	vmul.f32 v51, v51;
	v29 =	vadd.f32 v52, v48;
	v1 =	vadd.f32 v1, v0  }
0xf0: {  	v55 =	vld [tilespmem:s0+$0x170];
	v34 =	vmul.f32 v12, v12;
	v22 =	vadd.f32 v40, v23;
	v28 =	vadd.f32 v35, v28  }
0xf1: {  	v38 =	vld [tilespmem:s0+$0xFFFFFFA0];
	v35 =	vmul.f32 v63, v63;
	v29 =	vadd.f32 v54, v29;
	v25 =	vadd.f32 v25, v1  }
0xf2: {  	v20 =	vld [tilespmem:s0+$0x160];
	v33 =	vmul.f32 v14, v14;
	v22 =	vadd.f32 v32, v22;
	v31 =	vadd.f32 v34, v31  }
0xf3: {  	v56 =	vld [tilespmem:s0+$0xFFFFFEC0];
	v24 =	vadd.f32 v35, v24;
	v35 =	vmul.f32 v59, v59;
	v25 =	vadd.f32 v36, v25  }
0xf4: {  	v34 =	vld [tilespmem:s0+$0x70];
	v29 =	vadd.f32 v57, v29;
	v7 =	vadd.f32 v21, v22;
	v36 =	vmul.f32 v10, v10  }
0xf5: {  	v16 =	vmov v4;
	v4 =	vadd.f32 v35, v24;
	v35 =	vld [tilespmem:s0+$0xFFFFFFB0];
	v25 =	vadd.f32 v33, v25  }
0xf6: {  	v33 =	vmul.f32 v13, v13;
	v37 =	vadd.f32 v36, v28;
	v28 =	vmul.f32 v61, v61;
	v36 =	vld [tilespmem:s0+$0xFFFFFED0]  }
0xf7: {  	v23 =	vld [tilespmem:s0+$0x90];
	v29 =	vadd.f32 v10, v29;
	v30 =	vadd.f32 v59, v30  }
0xf8: {  	v25 =	vadd.f32 v33, v25;
	v33 =	vmul.f32 v56, v56;
	v24 =	vadd.f32 v28, v31;
	v28 =	vld [tilespmem:s20+$0x80]  }
0xf9: {  	v8 =	vmul.f32 v38, v38;
	v22 =	vld [tilespmem:s20+$0x180];
	v29 =	vadd.f32 v56, v29;
	v5 =	vadd.f32 v38, v30  }
0xfa: {  	[tilespmem:$0x1FF40] =	vst v55;
	v30 =	vld [tilespmem:s0+$0xFFFFFFC0];
	v26 =	vadd.f32 v34, v26;
	v31 =	vadd.f32 v33, v37;
	v37 =	vmul.f32 v40, v40  }
0xfb: {  	v15 =	vmul.f32 v55, v55;
	v0 =	vmovc v55;
	v55 =	vld [tilespmem:$0x1FF50];
	v5 =	vadd.f32 v35, v5;
	v6 =	vadd.f32 v36, v29  }
0xfc: {  	v29 =	vmul.f32 v39, v39;
	v9 =	vadd.f32 v37, v25;
	v37 =	vld [tilespmem:s0+$0xFFFFFEE0];
	v25 =	vadd.f32 v20, v7  }
0xfd: {  	[tilespmem:$0x1FF20] =	vst v20;
	v2 =	vmov v20;
	v20 =	vld [tilespmem:s0+$0xFFFFFFD0];
	v7 =	vadd.f32 v8, v4;
	v8 =	vadd.f32 v28, v26  }
0xfe: {  	v33 =	vld [tilespmem:s31+$0x80];
	v11 =	vadd.f32 v29, v24;
	v29 =	vmul.f32 v36, v36;
	v1 =	vadd.f32 v0, v25  }
0xff: {  	v3 =	vmul.f32 v2, v2;
	v5 =	vadd.f32 v30, v5;
	v25 =	vld [tilespmem:s0+$0xFFFFFFE0];
	v0 =	vadd.f32 v23, v8  }
0x100: {  	v18 =	vld [tilespmem:s0+$0xFFFFFF00];
	v24 =	vmul.f32 v55, v55;
	v29 =	vadd.f32 v29, v31;
	v2 =	vadd.f32 v22, v1  }
0x101: {  	v19 =	vld [tilespmem:s31+$0x180];
	v1 =	vmul.f32 v32, v32;
	v6 =	vadd.f32 v37, v6;
	v0 =	vadd.f32 v55, v0  }
0x102: {  	v26 =	vmul.f32 v27, v27;
	v5 =	vadd.f32 v20, v5;
	v2 =	vadd.f32 v2, v46  }
0x103: {  	v1 =	vadd.f32 v1, v9;
	v9 =	vmul.f32 v21, v21;
	v6 =	vadd.f32 v33, v6  }
0x104: {  	v31 =	vsel vm0, $0x0, v27;
	v8 =	vld [tilespmem:s0+$0xFFFFFF10];
	v0 =	vadd.f32 v16, v0;
	v5 =	vadd.f32 v25, v5  }
0x105: {  	(xrf2) =	vadd.scan.msk.f32 $0xffff, v2;
	v1 =	vadd.f32 v9, v1;
	v2 =	vadd.f32 v18, v6;
	v6 =	vmul.f32 v34, v34  }
0x106: {  	v55 =	vnsel vm0, $0x0, v27;
	v27 =	vld [tilespmem:s0+$0xFFFFFF20];
	v0 =	vadd.f32 v17, v0;
	v5 =	vadd.f32 v19, v5  }
0x107: {  	v4 =	vmul.f32 v23, v23;
	v9 =	vmul.f32 v28, v28;
	v6 =	vadd.f32 v6, v11  }
0x108: {  	v1 =	vadd.f32 v3, v1;
	(xrf2) =	vadd.scan.msk.f32 $0xffff, v0;
	v0 =	vmul.f32 v35, v35;
	v5 =	vadd.f32 v5, v31  }
0x109: {  	v3 =	vmul.f32 v30, v30;
	v2 =	vadd.f32 v8, v2;
	v6 =	vadd.f32 v9, v6  }
0x10a: {  	v1 =	vadd.f32 v15, v1;
	v0 =	vadd.f32 v0, v7;
	(xrf2) =	vadd.scan.msk.f32 $0xffff, v5;
	v5 =	vmul.f32 v37, v37  }
0x10b: {  	v2 =	vadd.f32 v27, v2;
	v7 =	vmul.f32 v22, v22;
	v4 =	vadd.f32 v4, v6  }
0x10c: {  	v6 =	vmul.f32 v33, v33;
	v0 =	vadd.f32 v3, v0;
	v3 =	vadd.f32 v5, v29  }
0x10d: {  	v17 =	vmul.f32 v20, v20;
	v2 =	vadd.f32 v55, v2  }
0x10e: {  	v1 =	vadd.f32 v7, v1;
	v3 =	vadd.f32 v6, v3;
	v6 =	vld [tilespmem:$0x1FEC0]  }
0x10f: {  	v5 =	vsel vm0, $0x0, v49;
	(xrf2) =	vadd.scan.msk.f32 $0xffff, v2;
	v0 =	vadd.f32 v17, v0;
	v2 =	vmul.f32 v25, v25  }
0x110: {  	v1 =	vadd.f32 v1, v5;
	v5 =	vmul.f32 v18, v18  }
0x111: {  	v4 =	vadd.f32 v24, v4;
	v0 =	vadd.f32 v2, v0;
	v2 =	vmul.f32 v19, v19  }
0x112: {  	v46, _, _ =	vpop (xrf2);
	(xrf2) =	vadd.scan.msk.f32 $0xffff, v1;
	v1 =	vadd.f32 v5, v3;
	v3 =	vmul.f32 v8, v8  }
0x113: {  	v0 =	vadd.f32 v2, v0;
	v4 =	vadd.f32 v6, v4  }
0x114: {  	v15 =	vld [tilespmem:$0x1FED0];
	v1 =	vadd.f32 v3, v1;
	v3 =	vmul.f32 v27, v27;
	v6 =	vnsel vm0, $0x0, v49  }
0x115: {  	v4 =	vadd.f32 v6, v4;
	v6 =	vsel vm0, $0x0, v26  }
0x116: {  	v11 =	vnsel vm0, $0x0, v26;
	v1 =	vadd.f32 v3, v1;
	v0 =	vadd.f32 v0, v6  }
0x117: {  	v9 =	vmax.f32 v48, v52;
	v7 =	vmin.f32 v48, v52;
	v5 =	vmax.f32 v41, v43;
	v49, _, _ =	vpop (xrf2);
	(xrf2) =	vadd.scan.msk.f32 $0xffff, v4  }
0x118: {  	v2 =	vmin.f32 v42, v45;
	v6 =	vmax.f32 v42, v45;
	v42, _, _ =	vpop (xrf2);
	(xrf2) =	vadd.scan.msk.f32 $0xffff, v0;
	v0 =	vadd.f32 v11, v1  }
0x119: {  	v15 =	vmin.f32 v15, v51;
	v1 =	vmin.f32 v2, v50;
	v2 =	vmax.f32 v5, v51  }
0x11a: {  	v48, _, _ =	vpop (xrf2);
	v11 =	vmax.f32 v6, v50;
	v6 =	vmin.f32 v7, v54;
	v7 =	vmax.f32 v9, v54;
	(xrf2) =	vadd.scan.msk.f32 $0xffff, v0  }
0x11b: {  	v9 =	vmin.f32 v15, v60;
	v2 =	vmax.f32 v2, v60;
	v6 =	vmin.f32 v6, v57  }
0x11c: {  	v7 =	vmax.f32 v7, v57;
	v0 =	vmin.f32 v1, v58;
	v1 =	vmax.f32 v11, v58  }
0x11d: {  	v0 =	vmin.f32 v0, v12;
	v1 =	vmax.f32 v1, v12;
	v12 =	vmul.f32 v46, v46  }
0x11e: {  	v9 =	vmin.f32 v9, v14;
	v15 =	vmul.f32 v48, v48;
	v2 =	vmax.f32 v2, v14  }
0x11f: {  	v6 =	vmin.f32 v6, v10;
	v14 =	vmul.f32 v49, v49;
	v24 =	vmul.f32 $4.999999890e-03, v12  }
0x120: {  	v5, _, _ =	vpop (xrf2);
	v7 =	vmax.f32 v7, v10;
	v10 =	vmul.f32 v42, v42;
	v9 =	vmin.f32 v9, v13  }
0x121: {  	v2 =	vmax.f32 v2, v13;
	v13 =	vmul.f32 $4.999999890e-03, v14;
	v5 =	vsub.f32 v5, v24  }
0x122: {  	v3 =	vmax.f32 v44, v47;
	v10 =	vmul.f32 $4.999999890e-03, v10;
	v11, _, _ =	vpop (xrf2)  }
0x123: {  	v14 =	vmul.f32 $4.999999890e-03, v15;
	v5 =	vmul.f32 $5.025125570e-03, v5;
	v17, _, _ =	vpop (xrf2);
	v11 =	vsub.f32 v11, v13  }
0x124: {  	v3 =	vmax.f32 v3, v53;
	v4 =	vmin.f32 v44, v47;
	v10 =	vsub.f32 v17, v10;
	v12, _, _ =	vpop (xrf2)  }
0x125: {  	v5 =	vmax.f32 v5, $1.000000020e-16;
	v11 =	vmul.f32 $5.025125570e-03, v11;
	v12 =	vsub.f32 v12, v14  }
0x126: {  	v3 =	vmax.f32 v3, v62;
	v4 =	vmin.f32 v4, v53;
	v5 =	vbroadcast v5, $0xF  }
0x127: {  	v10 =	vmul.f32 $5.025125570e-03, v10;
	v11 =	vmax.f32 v11, $1.000000020e-16;
	v12 =	vmul.f32 $5.025125570e-03, v12  }
0x128: {  	v13 =	vshrl.u32 v5, $0x1;
	v17 =	vmul.f32 $5.000000000e-01, v5;
	v11 =	vbroadcast v11, $0xF  }
0x129: {  	v10 =	vmax.f32 v10, $1.000000020e-16;
	v13 =	vsub.s32 $0x5F3759DF, v13;
	v12 =	vmax.f32 v12, $1.000000020e-16  }
0x12a: {  	v14 =	vshrl.u32 v11, $0x1;
	v15 =	vmul.f32 $5.000000000e-01, v11;
	v12 =	vbroadcast v12, $0xF  }
0x12b: {  	v10 =	vbroadcast v10, $0xF;
	v31 =	vmul.f32 v13, v17;
	v14 =	vsub.s32 $0x5F3759DF, v14  }
0x12c: {  	v52 =	vmul.f32 v14, v15;
	v29 =	vshrl.u32 v12, $0x1;
	v51 =	vmul.f32 $5.000000000e-01, v12  }
0x12d: {  	v26 =	vmul.f32 $5.000000000e-01, v10;
	v31 =	vmul.f32 v13, v31;
	v29 =	vsub.s32 $0x5F3759DF, v29  }
0x12e: {  	v24 =	vshrl.u32 v10, $0x1;
	v44 =	vmul.f32 v14, v52;
	v54 =	vmul.f32 v29, v51  }
0x12f: {  	v4 =	vmin.f32 v4, v62;
	v24 =	vsub.s32 $0x5F3759DF, v24;
	v31 =	vsub.f32 $1.500000000e+00, v31  }
0x130: {  	v53 =	vmul.f32 v24, v26;
	v44 =	vsub.f32 $1.500000000e+00, v44;
	v55 =	vmul.f32 v29, v54  }
0x131: {  	v3 =	vmax.f32 v3, v63;
	v4 =	vmin.f32 v4, v63;
	v13 =	vmul.f32 v13, v31  }
0x132: {  	v45 =	vmul.f32 v24, v53;
	v14 =	vmul.f32 v14, v44;
	v31 =	vsub.f32 $1.500000000e+00, v55  }
0x133: {  	v3 =	vmax.f32 v3, v59;
	v4 =	vmin.f32 v4, v59;
	v57 =	vmul.f32 v13, v17  }
0x134: {  	v45 =	vsub.f32 $1.500000000e+00, v45;
	v29 =	vmul.f32 v29, v31;
	v31 =	vmul.f32 v14, v15  }
0x135: {  	v3 =	vmax.f32 v3, v38;
	v4 =	vmin.f32 v4, v38;
	v38 =	vmul.f32 v57, v13  }
0x136: {  	v24 =	vmul.f32 v24, v45;
	v31 =	vmul.f32 v31, v14  }
0x137: {  	v0 =	vmin.f32 v0, v61;
	v1 =	vmax.f32 v1, v61;
	v61 =	vsub.f32 $1.500000000e+00, v38  }
0x138: {  	v6 =	vmin.f32 v6, v56;
	v59 =	vmul.f32 v24, v26;
	v31 =	vsub.f32 $1.500000000e+00, v31  }
0x139: {  	v7 =	vmax.f32 v7, v56;
	v6 =	vmin.f32 v6, v36;
	v13 =	vmul.f32 v61, v13  }
0x13a: {  	v7 =	vmax.f32 v7, v36;
	v36 =	vmul.f32 v59, v24;
	v14 =	vmul.f32 v31, v14  }
0x13b: {  	v17 =	vmul.f32 v13, v17  }
0x13c: {  	v36 =	vsub.f32 $1.500000000e+00, v36;
	v15 =	vmul.f32 v14, v15  }
0x13d: {  	v17 =	vmul.f32 v17, v13  }
0x13e: {  	v24 =	vmul.f32 v36, v24;
	v15 =	vmul.f32 v15, v14  }
0x13f: {  	v60 =	vmul.f32 v29, v51;
	v17 =	vsub.f32 $1.500000000e+00, v17  }
0x140: {  	v26 =	vmul.f32 v24, v26;
	v15 =	vsub.f32 $1.500000000e+00, v15  }
0x141: {  	v62 =	vmul.f32 v60, v29;
	v13 =	vmul.f32 v17, v13  }
0x142: {  	v26 =	vmul.f32 v26, v24;
	v14 =	vmul.f32 v15, v14  }
0x143: {  	v9 =	vmin.f32 v9, v40;
	v63 =	vsub.f32 $1.500000000e+00, v62;
	v5 =	vmul.f32 v13, v5  }
0x144: {  	v2 =	vmax.f32 v2, v40;
	v26 =	vsub.f32 $1.500000000e+00, v26;
	v11 =	vmul.f32 v14, v11  }
0x145: {  	v9 =	vmin.f32 v9, v32;
	v29 =	vmul.f32 v63, v29;
	v5 =	vmax.f32 v5, $9.999999930e-09  }
0x146: {  	v15 =	vmul.f32 v26, v24;
	(erf) = vrcp.f32 v5;
	v14 =	vld [tilespmem:$0x1FF20];
	v11 =	vmax.f32 v11, $9.999999930e-09  }
0x147: {  	v2 =	vmax.f32 v2, v32;
	v31 =	vmul.f32 v29, v51;
	(erf) = vrcp.f32 v11;
	v11 =	vld [tilespmem:$0x1FF40]  }
0x148: {  	v6 =	vmin.f32 v6, v37;
	v7 =	vmax.f32 v7, v37;
	v10 =	vmul.f32 v15, v10  }
0x149: {  	v9 =	vmin.f32 v9, v21;
	v2 =	vmax.f32 v2, v21;
	v21 =	vmul.f32 v31, v29  }
0x14a: {  	v6 =	vmin.f32 v6, v33;
	v7 =	vmax.f32 v7, v33;
	v5 =	vmax.f32 v10, $9.999999930e-09  }
0x14b: {  	v17 =	vsub.f32 $1.500000000e+00, v21;
	(erf) = vrcp.f32 v5;
	v9 =	vmin.f32 v9, v14  }
0x14c: {  	v5 =	vmin.f32 v6, v18;
	v6 =	vmax.f32 v7, v18;
	v7 =	vmin.f32 v9, v11;
	v9 =	vld [tilespmem:$0x1FF50]  }
0x14d: {  	v0 =	vmin.f32 v0, v39;
	v1 =	vmax.f32 v1, v39;
	v13 =	vmul.f32 v17, v29  }
0x14e: {  	v0 =	vmin.f32 v0, v34;
	v1 =	vmax.f32 v1, v34  }
0x14f: {  	v0 =	vmin.f32 v0, v28;
	v1 =	vmax.f32 v1, v28;
	v12 =	vmul.f32 v13, v12  }
0x150: {  	v4 =	vmin.f32 v4, v35;
	v0 =	vmin.f32 v0, v23;
	v1 =	vmax.f32 v1, v23  }
0x151: {  	v10 =	vmax.f32 v12, $9.999999930e-09;
	v0 =	vmin.f32 v0, v9;
	v1 =	vmax.f32 v1, v9;
	v9 =	vld [tilespmem:$0x1FF90]  }
0x152: {  	v4 =	vmin.f32 v4, v30;
	(erf) = vrcp.f32 v10  }
0x153: {  	v3 =	vmax.f32 v3, v35;
	v4 =	vmin.f32 v4, v20;
	v2 =	vmax.f32 v2, v14  }
0x154: {  	v4 =	vmin.f32 v4, v25;
	v6 =	vmax.f32 v6, v8;
	v2 =	vmax.f32 v2, v11  }
0x155: {  	v2 =	vmax.f32 v2, v22;
	v21 =	vmax.f32 v1, v16;
	v1 =	vmax.f32 v6, v27;
	v6 =	vld [tilespmem:$0x1FF70]  }
0x156: {  	v3 =	vmax.f32 v3, v30;
	v5 =	vmin.f32 v5, v8;
	v18 =	vmax.f32 v2, v9;
	v9 =	vld [tilespmem:$0x1FFA0]  }
0x157: {  	v3 =	vmax.f32 v3, v20  }
0x158: {  	v8 =	vmax.f32 v3, v25;
	v3 =	vmin.f32 v4, v19;
	v4 =	vpop (erf)  }
0x159: {  	v14 =	vmin.f32 v5, v27;
	v7 =	vmin.f32 v7, v22;
	v5 =	vpop (erf)  }
0x15a: {  	v58 =	vld [tilespmem:$0x1FEE0];
	v15 =	vmax.f32 v8, v19;
	v0 =	vmin.f32 v0, v16;
	v19 =	vmin.f32 v7, v6;
	v6 =	vpop (erf)  }
0x15b: {  	v4 =	vmul.f32 $1.000000050e-03, v4;
	v2 =	vmul.f32 $1.000000050e-03, v5;
	v5 =	vpop (erf);
	v23 =	vmin.f32 v0, v9;
	v9 =	vld [tilespmem:$0x1FFE0]  }
0x15c: {  	v56 =	vld [tilespmem:$0x1FEF0];
	v6 =	vmul.f32 $1.000000050e-03, v6;
	v5 =	vmul.f32 $1.000000050e-03, v5  }
0x15d: {  	v17 =	vld [tilespmem:$0x1FF00];
	v0 =	vmax.f32 v2, $1.000000010e-01  }
0x15e: {  	v13 =	vld [tilespmem:$0x1FF10];
	v2 =	vmax.f32 v4, $1.000000010e-01;
	v4 =	vmax.f32 v5, $1.000000010e-01;
	v5 =	vmax.f32 v6, $1.000000010e-01  }
0x15f: {  	s12 =	sadd.s32 $0x2, s12;
	v5 =	vmin.f32 v5, $3.000000000e+00;
	v6 =	vmin.f32 v0, $3.000000000e+00;
	v0 =	vld [tilespmem:$0x1FFB0]  }
0x160: {  	p0 =	slt.u32 s12, $0x7E;
	v16 =	vmul.f32 v5, v9;
	v5 =	vld [tilespmem:$0x1FFF0]  }
.Ltmp1:
0x161: {  	v10 =	vld [tilespmem:$0x1FF30];
	(pc) =	sbr.rel @p0 .LBB2_4-.Ltmp1, $4  }
0x162: {  	v8 =	vld [tilespmem:$0x1FF60]  }
0x163: {  	v20 =	vbroadcast v42, $0xF;
	v24 =	vbroadcast v49, $0xF;
	v7 =	vld [tilespmem:$0x1FF80];
	v2 =	vmin.f32 v2, $3.000000000e+00  }
0x164: {  	v26 =	vbroadcast v48, $0xF;
	v31 =	vmul.f32 v2, v0;
	v2 =	vld [tilespmem:$0x1FFC0]  }
0x165: {  	s14 =	sadd.s32 $0x4, s14;
	s11 =	sadd.s32 $0x40, s11;
	v22 =	vbroadcast v46, $0xF;
	v0 =	vmin.f32 v4, $3.000000000e+00;
	v4 =	vld [tilespmem:$0x1FFD0];
	v25 =	vmul.f32 v6, v5  }
0x166: {  	_ =	sdelay $0x1  }
0x167: {  	[tilespmem:s11+$0x10] =	vst v31  }
0x168: {  	[tilespmem:s11+$0xFFFFFFF0] =	vst v16;
	v2 =	vmul.f32 v0, v2  }
0x169: {  	[tilespmem:s11+$0x0] =	vst v25  }
0x16a: {  	[tilespmem:s11+$0xFFFFFFE0] =	vst v2  }
0x16b: {  	_ =	swait.ge [sflag:s16], $0xC800  }
0x16c: {  	[sflag:s16] =	ssyncset.done $0x0  }
0x16d: {  	s0 =	simm.s32 $0xCB00;
	[sflag:s16] =	ssyncadd.s32 $0xFFFF3800  }
0x16e: {  	v63 =	vld [tilespmem:s0+$0xFFFFFF50]  }
0x16f: {  	v0 =	vld [tilespmem:s0+$0x0]  }
0x170: {  	v52 =	vld [tilespmem:s0+$0xFFFFFF30]  }
0x171: {  	v6 =	vmin.f32 v3, v7;
	v3 =	vmul.f32 v31, v19;
	v60 =	vld [tilespmem:s0+$0xFFFFFFF0]  }
0x172: {  	v59 =	vld [tilespmem:s0+$0xFFFFFFE0]  }
0x173: {  	v28 =	vld [tilespmem:s0+$0xFFFFFF60];
	[tilespmem:$0x1FE20] =	vst v3  }
0x174: {  	v30 =	vld [tilespmem:s0+$0xFFFFFF70]  }
0x175: {  	v53 =	vmul.f32 v31, v18;
	v5 =	vmul.f32 v31, v22;
	v31 =	vld [tilespmem:s0+$0xFFFFFE90]  }
0x176: {  	v32 =	vld [tilespmem:s0+$0xFFFFFEA0]  }
0x177: {  	v7 =	vmul.f32 v2, v26;
	v33 =	vld [tilespmem:s0+$0xFFFFFDD0]  }
0x178: {  	v14 =	vmin.f32 v14, v13;
	v1 =	vmax.f32 v1, v10;
	v8 =	vmax.f32 v15, v8;
	v34 =	vld [tilespmem:s0+$0xFFFFFDE0]  }
0x179: {  	v9 =	vmul.f32 v25, v24;
	v7 =	vadd.f32 v7, v17;
	v17 =	vmul.f32 v16, v20;
	v35 =	vld [tilespmem:s0+$0xFFFFFD00]  }
0x17a: {  	v8 =	vmul.f32 v16, v8;
	v6 =	vmul.f32 v16, v6;
	v4 =	vmax.f32 v21, v4;
	v38 =	vld [tilespmem:s0+$0xFFFFFD10]  }
0x17b: {  	v15 =	vmul.f32 v25, v23;
	v4 =	vmul.f32 v25, v4;
	v7 =	vadd.f32 v17, v7;
	v37 =	vld [tilespmem:s0+$0xFFFFFF80]  }
0x17c: {  	v14 =	vmul.f32 v2, v14;
	v1 =	vmul.f32 v2, v1;
	v16 =	vmin.f32 v6, v8;
	v36 =	vld [tilespmem:s0+$0xFFFFFEB0]  }
0x17d: {  	v19 =	vmin.f32 v15, v4;
	v62 =	vmax.f32 v15, v4;
	v39 =	vld [tilespmem:s0+$0xFFFFFDF0];
	v2 =	vadd.f32 v9, v7  }
0x17e: {  	s1 =	simm.s32 $0xC990;
	v8 =	vmax.f32 v6, v8;
	v40 =	vld [tilespmem:s0+$0xFFFFFD20];
	v7 =	vmin.f32 v14, v1;
	v1 =	vmax.f32 v14, v1  }
0x17f: {  	s12 =	sand.u32 $0x1FFF0, s1;
	v43 =	vld [tilespmem:s0+$0xFFFFFEC0];
	v15 =	vadd.f32 v5, v2;
	v2 =	vmul.f32 v28, v28;
	v5 =	vmul.f32 v30, v30  }
0x180: {  	s30 =	simm.s32 $0xC800;
	v45 =	vld [tilespmem:s12+$0x100];
	v9 =	vmul.f32 v31, v31;
	v14 =	vmul.f32 v32, v32;
	v17 =	vadd.f32 v30, v28  }
0x181: {  	s11 =	sand.u32 $0x1FFE0, s30;
	v44 =	vld [tilespmem:s0+$0xFFFFFD30];
	v18 =	vmul.f32 v33, v33;
	v20 =	vmul.f32 v34, v34;
	v21 =	vadd.f32 v32, v31  }
0x182: {  	v47 =	vld [tilespmem:s11+$0x100];
	v22 =	vmul.f32 v35, v35;
	v23 =	vadd.f32 v38, v35;
	v24 =	vadd.f32 v34, v33  }
0x183: {  	v26 =	vld [tilespmem:s0+$0xFFFFFFA0];
	v25 =	vmul.f32 v38, v38;
	v9 =	vadd.f32 v14, v9;
	v2 =	vadd.f32 v5, v2  }
0x184: {  	v49 =	vld [tilespmem:s0+$0xFFFFFED0];
	v5 =	vadd.f32 v20, v18;
	v14 =	vadd.f32 v37, v17;
	v17 =	vmul.f32 v37, v37  }
0x185: {  	v50 =	vld [tilespmem:s0+$0xFFFFFE10];
	v18 =	vadd.f32 v25, v22;
	v20 =	vadd.f32 v36, v21;
	v21 =	vmul.f32 v36, v36  }
0x186: {  	v51 =	vld [tilespmem:s0+$0xFFFFFD40];
	v22 =	vadd.f32 v40, v23;
	v23 =	vadd.f32 v39, v24;
	v24 =	vmul.f32 v39, v39  }
0x187: {  	v48 =	vld [tilespmem:s0+$0xFFFFFFB0];
	v25 =	vmul.f32 v40, v40;
	v9 =	vadd.f32 v21, v9;
	v2 =	vadd.f32 v17, v2  }
0x188: {  	v46 =	vld [tilespmem:s0+$0xFFFFFEE0];
	v56 =	vmin.f32 v56, v7;
	v5 =	vadd.f32 v24, v5;
	v14 =	vadd.f32 v45, v14  }
0x189: {  	v42 =	vld [tilespmem:s0+$0xFFFFFE20];
	v17 =	vmul.f32 v43, v43;
	v18 =	vadd.f32 v25, v18;
	v20 =	vadd.f32 v43, v20  }
0x18a: {  	v41 =	vld [tilespmem:s0+$0xFFFFFD50];
	v21 =	vmul.f32 v45, v45;
	v22 =	vadd.f32 v44, v22;
	v24 =	vmul.f32 v47, v47  }
0x18b: {  	v11 =	vld [tilespmem:s0+$0xFFFFFFC0];
	v23 =	vadd.f32 v47, v23;
	v25 =	vmul.f32 v44, v44;
	v9 =	vadd.f32 v17, v9  }
0x18c: {  	v13 =	vld [tilespmem:s0+$0xFFFFFFD0];
	v1 =	vmax.f32 v58, v1;
	v2 =	vadd.f32 v21, v2;
	v5 =	vadd.f32 v24, v5  }
0x18d: {  	v27 =	vld [tilespmem:s0+$0xFFFFFEF0];
	v14 =	vadd.f32 v26, v14;
	v18 =	vadd.f32 v25, v18;
	v25 =	vmul.f32 v50, v50  }
0x18e: {  	v10 =	vld [tilespmem:s0+$0xFFFFFD60];
	v21 =	vadd.f32 v49, v20;
	v24 =	vmul.f32 v49, v49;
	v23 =	vadd.f32 v50, v23  }
0x18f: {  	v17 =	vmul.f32 v26, v26;
	v22 =	vadd.f32 v51, v22;
	v5 =	vadd.f32 v25, v5;
	v25 =	vld [tilespmem:s0+$0xFFFFFE30]  }
0x190: {  	v29 =	vmul.f32 v51, v51;
	v9 =	vadd.f32 v24, v9;
	v54 =	vadd.f32 v42, v23;
	v23 =	vld [tilespmem:s0+$0xFFFFFF00];
	[tilespmem:$0x1FE30] =	vst v11  }
0x191: {  	v2 =	vadd.f32 v17, v2;
	v17 =	vadd.f32 v48, v14;
	v24 =	vmul.f32 v48, v48;
	v14 =	vld [tilespmem:s0+$0xFFFFFF20]  }
0x192: {  	v55 =	vmul.f32 v42, v42;
	v18 =	vadd.f32 v29, v18;
	v21 =	vadd.f32 v46, v21;
	v3 =	vld [tilespmem:s12+$0x80];
	[tilespmem:$0x1FE50] =	vst v13  }
0x193: {  	v29 =	vmul.f32 v46, v46;
	v24 =	vadd.f32 v24, v2;
	v2 =	vadd.f32 v11, v17;
	v4 =	vld [tilespmem:s0+$0xFFFFFE40]  }
0x194: {  	v57 =	vmul.f32 v41, v41;
	v22 =	vadd.f32 v41, v22;
	v5 =	vadd.f32 v55, v5;
	v12 =	vld [tilespmem:s0+$0xFFFFFE50];
	[tilespmem:$0x1FE40] =	vst v10  }
0x195: {  	v16 =	vmin.f32 v56, v16;
	v9 =	vadd.f32 v29, v9;
	[tilespmem:$0x1FE60] =	vst v59;
	v29 =	vadd.f32 v13, v2  }
0x196: {  	v58 =	vmul.f32 v27, v27;
	v21 =	vadd.f32 v27, v21;
	v55 =	vadd.f32 v57, v18;
	v18 =	vld [tilespmem:s12+$0x180]  }
0x197: {  	v57 =	vmul.f32 v11, v11;
	v22 =	vadd.f32 v10, v22;
	v61 =	vadd.f32 v59, v29;
	v29 =	vld [tilespmem:s0+$0xFFFFFD70];
	[tilespmem:$0x1FE70] =	vst v60  }
0x198: {  	v6 =	vmovc v59;
	v58 =	vadd.f32 v58, v9;
	v9 =	vmax.f32 v1, v8;
	v21 =	vadd.f32 v23, v21;
	v1 =	vld [tilespmem:s0+$0xFFFFFE60]  }
0x199: {  	v57 =	vadd.f32 v57, v24;
	v8 =	vmovc v60;
	v54 =	vadd.f32 v25, v54;
	v59 =	vmul.f32 v25, v25;
	v17 =	vld [tilespmem:s0+$0xFFFFFF40]  }
0x19a: {  	v20 =	vmax.f32 v9, v62;
	v21 =	vadd.f32 v3, v21;
	v24 =	vld [tilespmem:s11+$0x80];
	[tilespmem:$0x1FE90] =	vst v0;
	v56 =	vadd.f32 v60, v61  }
0x19b: {  	[tilespmem:$0x1FE80] =	vst v14;
	v60 =	vmul.f32 v10, v10;
	v59 =	vadd.f32 v59, v5;
	v5 =	vadd.f32 v4, v54  }
0x19c: {  	v54 =	vmin.f32 v16, v19;
	v19 =	vadd.f32 v14, v21;
	v21 =	vld [tilespmem:s0+$0xFFFFFD90];
	v16 =	vadd.f32 v0, v56  }
0x19d: {  	v10 =	vmovc v4;
	v4 =	vmov v0;
	v0 =	vld [tilespmem:s0+$0xFFFFFE70];
	v55 =	vadd.f32 v60, v55;
	v5 =	vadd.f32 v12, v5;
	[tilespmem:$0x1FEB0] =	vst v18  }
0x19e: {  	v11 =	vmovc v3;
	v3 =	vnsel vm0, $0x0, v63;
	[tilespmem:$0x1FEA0] =	vst v52;
	v19 =	vadd.f32 v52, v19;
	v61 =	vadd.f32 v29, v22  }
0x19f: {  	v7 =	vmovc v52;
	v56 =	vsel vm0, $0x0, v63;
	v52 =	vld [tilespmem:s0+$0xFFFFFDC0];
	v60 =	vadd.f32 v18, v16;
	v5 =	vadd.f32 v1, v5;
	v9 =	vmovc v1  }
0x1a0: {  	v16 =	vld [tilespmem:s11+$0x180];
	v1 =	vmul.f32 v13, v13;
	v13 =	vmovc v63;
	v63 =	vmul.f32 v23, v23;
	v19 =	vadd.f32 v17, v19  }
0x1a1: {  	v56 =	vadd.f32 v60, v56;
	v60 =	vadd.f32 v24, v61  }
0x1a2: {  	v57 =	vadd.f32 v1, v57;
	v61 =	vmul.f32 v6, v6;
	v58 =	vadd.f32 v63, v58  }
0x1a3: {  	v22 =	vld [tilespmem:s0+$0xFFFFFDA0];
	v63 =	vmul.f32 v8, v8;
	v1 =	vadd.f32 v0, v5;
	v6 =	vadd.f32 v3, v19  }
0x1a4: {  	v5 =	vmovc v0;
	v57 =	vadd.f32 v61, v57;
	v0 =	vld [tilespmem:$0x1FE20];
	v60 =	vadd.f32 v21, v60;
	v62 =	vsel vm0, $0x0, v52;
	(xrf2) =	vadd.scan.msk.f32 $0xffff, v56  }
0x1a5: {  	v3 =	vadd.f32 v16, v1;
	(xrf2) =	vadd.scan.msk.f32 $0xffff, v6;
	v6 =	vmin.f32 v28, v30;
	v28 =	vmax.f32 v28, v30  }
0x1a6: {  	v30 =	vmin.f32 v31, v32;
	v31 =	vmax.f32 v31, v32;
	v57 =	vadd.f32 v63, v57  }
0x1a7: {  	v19 =	vld [tilespmem:s0+$0xFFFFFDB0];
	v6 =	vmin.f32 v6, v37;
	v28 =	vmax.f32 v28, v37;
	v62 =	vadd.f32 v3, v62  }
0x1a8: {  	v3 =	vadd.f32 v22, v60;
	v60 =	vmul.f32 v10, v10;
	v6 =	vmin.f32 v6, v45  }
0x1a9: {  	v61 =	vmin.f32 v0, v53;
	v53 =	vmax.f32 v0, v53;
	v0 =	vmul.f32 v11, v11  }
0x1aa: {  	v63 =	vmul.f32 v12, v12;
	v28 =	vmax.f32 v28, v45;
	v6 =	vmin.f32 v6, v26  }
0x1ab: {  	v59 =	vadd.f32 v60, v59;
	v0 =	vadd.f32 v0, v58;
	v58 =	vmul.f32 v4, v4  }
0x1ac: {  	v3 =	vadd.f32 v19, v3;
	v60 =	vmul.f32 v14, v14;
	(xrf2) =	vadd.scan.msk.f32 $0xffff, v62;
	v62 =	vmax.f32 v35, v38  }
0x1ad: {  	v6 =	vmin.f32 v6, v48;
	v57 =	vadd.f32 v58, v57;
	v58 =	vnsel vm0, $0x0, v52  }
0x1ae: {  	v59 =	vadd.f32 v63, v59;
	v58 =	vadd.f32 v58, v3;
	v3 =	vmul.f32 v29, v29  }
0x1af: {  	v63 =	vmul.f32 v18, v18;
	v1 =	vadd.f32 v60, v0;
	v60 =	vmul.f32 v7, v7  }
0x1b0: {  	v0 =	vmul.f32 v24, v24;
	v3 =	vadd.f32 v3, v55;
	v55 =	vmul.f32 v9, v9  }
0x1b1: {  	v57 =	vadd.f32 v63, v57;
	v4 =	vadd.f32 v60, v1;
	v60 =	vmul.f32 v13, v13  }
0x1b2: {  	v1 =	vmul.f32 v21, v21;
	v55 =	vadd.f32 v55, v59;
	v59 =	vmul.f32 v17, v17  }
0x1b3: {  	v63 =	vsel vm0, $0x0, v60;
	v2 =	vadd.f32 v0, v3;
	v0 =	vmul.f32 v5, v5  }
0x1b4: {  	v61 =	vmin.f32 v54, v61;
	v54 =	vadd.f32 v57, v63;
	v57 =	vadd.f32 v59, v4  }
0x1b5: {  	v0 =	vadd.f32 v0, v55;
	v1 =	vadd.f32 v1, v2;
	v2 =	vmul.f32 v16, v16  }
0x1b6: {  	v3 =	vld [tilespmem:$0x1FE30];
	v55 =	vnsel vm0, $0x0, v60;
	v59 =	vmul.f32 v52, v52;
	v60 =	vmul.f32 v22, v22  }
0x1b7: {  	(xrf2) =	vadd.scan.msk.f32 $0xffff, v58;
	v58 =	vmax.f32 v33, v34;
	v7 =	vadd.f32 v55, v57;
	v0 =	vadd.f32 v2, v0  }
0x1b8: {  	(xrf2) =	vadd.scan.msk.f32 $0xffff, v54;
	v1 =	vadd.f32 v60, v1;
	v2 =	vmul.f32 v19, v19;
	v57 =	vsel vm0, $0x0, v59  }
0x1b9: {  	v63 =	vmax.f32 v20, v53;
	v54 =	vmax.f32 v28, v26;
	v0 =	vadd.f32 v0, v57;
	(xrf2) =	vadd.scan.msk.f32 $0xffff, v7  }
0x1ba: {  	v60 =	vmin.f32 v35, v38;
	v38 =	vnsel vm0, $0x0, v59;
	v1 =	vadd.f32 v2, v1  }
0x1bb: {  	v6 =	vmin.f32 v6, v3;
	v7 =	vmin.f32 v30, v36;
	v30 =	vmax.f32 v31, v36;
	(xrf2) =	vadd.scan.msk.f32 $0xffff, v0  }
0x1bc: {  	v2 =	vmin.f32 v33, v34;
	v31 =	vmin.f32 v60, v40;
	v1 =	vadd.f32 v38, v1  }
0x1bd: {  	v40 =	vmax.f32 v62, v40;
	v34 =	vmax.f32 v54, v48;
	v31 =	vmin.f32 v31, v44  }
0x1be: {  	v53 =	vmax.f32 v40, v44;
	(xrf2) =	vadd.scan.msk.f32 $0xffff, v1;
	v1 =	vmin.f32 v7, v43;
	v7 =	vmax.f32 v30, v43;
	v30, _, _ =	vpop (xrf2)  }
0x1bf: {  	v26 =	vmax.f32 v34, v3;
	v0 =	vmin.f32 v2, v39;
	v28, _, _ =	vpop (xrf2);
	v56 =	vmul.f32 v30, v30  }
0x1c0: {  	v2 =	vmax.f32 v58, v39;
	v55 =	vmin.f32 v31, v51;
	v32, _, _ =	vpop (xrf2);
	v58 =	vmul.f32 v28, v28  }
0x1c1: {  	v33 =	vmax.f32 v53, v51;
	v0 =	vmin.f32 v0, v47;
	v31, _, _ =	vpop (xrf2);
	v36 =	vmul.f32 $4.999999890e-03, v56  }
0x1c2: {  	v2 =	vmax.f32 v2, v47;
	v57 =	vmul.f32 v32, v32;
	v59, _, _ =	vpop (xrf2);
	v38 =	vmul.f32 $4.999999890e-03, v58  }
0x1c3: {  	v35 =	vmin.f32 v55, v41;
	v33 =	vmax.f32 v33, v41;
	v36 =	vsub.f32 v59, v36;
	v62, _, _ =	vpop (xrf2)  }
0x1c4: {  	v0 =	vmin.f32 v0, v50;
	v37 =	vmul.f32 $4.999999890e-03, v57;
	v38 =	vsub.f32 v62, v38  }
0x1c5: {  	v1 =	vmin.f32 v1, v49;
	v7 =	vmax.f32 v7, v49;
	v36 =	vmul.f32 $5.025125570e-03, v36;
	v49, _, _ =	vpop (xrf2)  }
0x1c6: {  	v2 =	vmax.f32 v2, v50;
	v37 =	vsub.f32 v49, v37;
	v38 =	vmul.f32 $5.025125570e-03, v38  }
0x1c7: {  	v0 =	vmin.f32 v0, v42;
	v60 =	vmul.f32 v31, v31;
	v36 =	vmax.f32 v36, $1.000000020e-16  }
0x1c8: {  	v36 =	vbroadcast v36, $0xF;
	v37 =	vmul.f32 $5.025125570e-03, v37;
	v38 =	vmax.f32 v38, $1.000000020e-16  }
0x1c9: {  	v2 =	vmax.f32 v2, v42;
	v40 =	vmul.f32 $4.999999890e-03, v60;
	v38 =	vbroadcast v38, $0xF  }
0x1ca: {  	v50, _, _ =	vpop (xrf2);
	v51 =	vshrl.u32 v36, $0x1;
	v43 =	vmul.f32 $5.000000000e-01, v36;
	v37 =	vmax.f32 v37, $1.000000020e-16  }
0x1cb: {  	v3 =	vld [tilespmem:$0x1FE40];
	v39 =	vsub.f32 v50, v40;
	v40 =	vsub.s32 $0x5F3759DF, v51;
	v37 =	vbroadcast v37, $0xF  }
0x1cc: {  	v53 =	vshrl.u32 v38, $0x1;
	v42 =	vmul.f32 $5.000000000e-01, v38;
	v56 =	vmul.f32 v40, v43  }
0x1cd: {  	v41 =	vsub.s32 $0x5F3759DF, v53;
	v54 =	vshrl.u32 v37, $0x1;
	v45 =	vmul.f32 $5.000000000e-01, v37  }
0x1ce: {  	v1 =	vmin.f32 v1, v46;
	v57 =	vmul.f32 v41, v42;
	v44 =	vsub.s32 $0x5F3759DF, v54  }
0x1cf: {  	v7 =	vmax.f32 v7, v46;
	v47 =	vmul.f32 v40, v56;
	v58 =	vmul.f32 v44, v45  }
0x1d0: {  	v0 =	vmin.f32 v0, v25;
	v35 =	vmin.f32 v35, v3;
	v49 =	vmul.f32 v41, v57  }
0x1d1: {  	v39 =	vmul.f32 $5.025125570e-03, v39;
	v47 =	vsub.f32 $1.500000000e+00, v47;
	v60 =	vmul.f32 v44, v58  }
0x1d2: {  	v1 =	vmin.f32 v1, v27;
	v7 =	vmax.f32 v7, v27;
	v49 =	vsub.f32 $1.500000000e+00, v49  }
0x1d3: {  	v39 =	vmax.f32 v39, $1.000000020e-16;
	v27 =	vmul.f32 v40, v47;
	v34 =	vsub.f32 $1.500000000e+00, v60  }
0x1d4: {  	v14 =	vmax.f32 v33, v3;
	v3 =	vld [tilespmem:$0x1FE50];
	v39 =	vbroadcast v39, $0xF;
	v49 =	vmul.f32 v41, v49  }
0x1d5: {  	v2 =	vmax.f32 v2, v25;
	v53 =	vmul.f32 v27, v43;
	v25 =	vmul.f32 v44, v34  }
0x1d6: {  	v55 =	vshrl.u32 v39, $0x1;
	v54 =	vmul.f32 v49, v42  }
0x1d7: {  	v46 =	vsub.s32 $0x5F3759DF, v55;
	v34 =	vmul.f32 v53, v27;
	v55 =	vmul.f32 v25, v45  }
0x1d8: {  	v44 =	vmul.f32 v54, v49  }
0x1d9: {  	v20 =	vmax.f32 v26, v3;
	v56 =	vsub.f32 $1.500000000e+00, v34;
	v26 =	vmul.f32 v55, v25  }
0x1da: {  	v1 =	vmin.f32 v1, v23;
	v48 =	vmul.f32 $5.000000000e-01, v39;
	v44 =	vsub.f32 $1.500000000e+00, v44  }
0x1db: {  	v7 =	vmax.f32 v7, v23;
	v23 =	vmul.f32 v56, v27;
	v26 =	vsub.f32 $1.500000000e+00, v26  }
0x1dc: {  	v0 =	vmin.f32 v0, v10;
	v59 =	vmul.f32 v46, v48;
	v27 =	vmul.f32 v44, v49  }
0x1dd: {  	v2 =	vmax.f32 v2, v10;
	v10 =	vmul.f32 v26, v25;
	v25 =	vmul.f32 v23, v43  }
0x1de: {  	v6 =	vmin.f32 v6, v3;
	v3 =	vld [tilespmem:$0x1FE60];
	v60 =	vmul.f32 v27, v42  }
0x1df: {  	v14 =	vmax.f32 v14, v29;
	v62 =	vmul.f32 v46, v59;
	v25 =	vmul.f32 v25, v23  }
0x1e0: {  	v59 =	vmin.f32 v35, v29;
	v29 =	vmul.f32 v10, v45;
	v34 =	vmul.f32 v60, v27  }
0x1e1: {  	v25 =	vsub.f32 $1.500000000e+00, v25  }
0x1e2: {  	v8 =	vmovc v12;
	v12 =	vmov v9;
	v29 =	vmul.f32 v29, v10;
	v34 =	vsub.f32 $1.500000000e+00, v34  }
0x1e3: {  	v9 =	vmovc v13;
	v13 =	vmovc v17;
	v6 =	vmin.f32 v6, v3;
	v51 =	vsub.f32 $1.500000000e+00, v62;
	v17 =	vmul.f32 v25, v23  }
0x1e4: {  	v20 =	vmax.f32 v20, v3;
	v3 =	vld [tilespmem:$0x1FE70];
	v23 =	vsub.f32 $1.500000000e+00, v29;
	v25 =	vmul.f32 v34, v27  }
0x1e5: {  	v41 =	vmul.f32 v46, v51;
	v17 =	vmul.f32 v17, v36  }
0x1e6: {  	v10 =	vmul.f32 v23, v10;
	v23 =	vmul.f32 v25, v38  }
0x1e7: {  	v17 =	vmax.f32 v17, $9.999999930e-09  }
0x1e8: {  	v46 =	vmul.f32 v41, v48;
	(erf) = vrcp.f32 v17;
	v17 =	vmax.f32 v23, $9.999999930e-09  }
0x1e9: {  	v6 =	vmin.f32 v6, v3;
	(erf) = vrcp.f32 v17;
	v17 =	vmax.f32 v20, v3;
	v3 =	vld [tilespmem:$0x1FE80]  }
0x1ea: {  	v57 =	vmul.f32 v46, v41;
	_ =	sdelay $0x1  }
0x1eb: {  	v58 =	vsub.f32 $1.500000000e+00, v57  }
0x1ec: {  	v1 =	vmin.f32 v1, v11;
	v7 =	vmax.f32 v7, v11  }
0x1ed: {  	v26 =	vmul.f32 v58, v41;
	v1 =	vmin.f32 v1, v3;
	v7 =	vmax.f32 v7, v3;
	v3 =	vld [tilespmem:$0x1FE90];
	_ =	sdelay $0x1  }
0x1ee: {  	v62 =	vmul.f32 v26, v48  }
0x1ef: {  	v0 =	vmin.f32 v0, v8;
	v2 =	vmax.f32 v2, v8  }
0x1f0: {  	v0 =	vmin.f32 v0, v12;
	v2 =	vmax.f32 v2, v12;
	v35 =	vmul.f32 v62, v26  }
0x1f1: {  	v10 =	vmul.f32 v10, v37;
	v6 =	vmin.f32 v6, v3;
	v12 =	vmax.f32 v17, v3;
	v3 =	vld [tilespmem:$0x1FEA0]  }
0x1f2: {  	v27 =	vsub.f32 $1.500000000e+00, v35  }
0x1f3: {  	v10 =	vmax.f32 v10, $9.999999930e-09  }
0x1f4: {  	v18 =	vmul.f32 v27, v26;
	(erf) = vrcp.f32 v10;
	_ =	sdelay $0x1  }
0x1f5: {  	v18 =	vmul.f32 v18, v39;
	v1 =	vmin.f32 v1, v3  }
0x1f6: {  	v14 =	vmax.f32 v14, v24;
	v25 =	vmin.f32 v59, v24;
	v20 =	vmin.f32 v1, v13;
	v1 =	vld [tilespmem:$0x1FEB0]  }
0x1f7: {  	v8 =	vmin.f32 v25, v21;
	v10 =	vmax.f32 v18, $9.999999930e-09;
	v7 =	vmax.f32 v7, v3  }
0x1f8: {  	s31 =	simm.s32 $0x19102;
	v8 =	vmin.f32 v8, v22;
	(erf) = vrcp.f32 v10;
	v10 =	vmax.f32 v14, v21  }
0x1f9: {  	v33 =	vnsel vm0, $0x7F7FC99E, v52;
	v14 =	vld [tilespmem:s31+$0x0];
	v10 =	vmax.f32 v10, v22  }
0x1fa: {  	v0 =	vmin.f32 v0, v5;
	v2 =	vmax.f32 v2, v5;
	v13 =	vmax.f32 v7, v13;
	v7 =	vpop (erf)  }
0x1fb: {  	v6 =	vmin.f32 v6, v1;
	v21 =	vmax.f32 v12, v1;
	v1 =	vmin.f32 v8, v19;
	v8 =	vpop (erf)  }
0x1fc: {  	v2 =	vmax.f32 v2, v16;
	v22 =	vld [tilespmem:s31+$0xFFFFFFFE];
	v12 =	vmin.f32 v0, v16;
	v0 =	vmax.f32 v10, v19;
	v10 =	vpop (erf)  }
0x1fd: {  	v29 =	vsel vm0, $0xFF7FC99E, v52;
	v27 =	vnsel vm0, $0xFF7FC99E, v52;
	v10 =	vmul.f32 $1.000000050e-03, v10  }
0x1fe: {  	v18 =	vsel vm0, $0x7F7FC99E, v9;
	v24 =	vbroadcast v14, $0x0;
	v17 =	vnsel vm0, $0x7F7FC99E, v9;
	v3 =	vmovc v9  }
0x1ff: {  	v9 =	vsel vm0, $0xFF7FC99E, v9;
	v4 =	vnsel vm0, $0xFF7FC99E, v3;
	v10 =	vmax.f32 v10, $1.000000010e-01  }
0x200: {  	v7 =	vmul.f32 $1.000000050e-03, v7;
	v19 =	vmin.f32 v6, v18;
	v10 =	vmin.f32 v10, $3.000000000e+00  }
0x201: {  	v18 =	vmax.f32 v21, v9;
	v9 =	vbroadcast v14, $0x1;
	v14 =	vbroadcast v22, $0x1  }
0x202: {  	v3 =	vbroadcast v22, $0x0;
	v20 =	vmin.f32 v20, v17;
	v8 =	vmul.f32 $1.000000050e-03, v8  }
0x203: {  	v7 =	vmax.f32 v7, $1.000000010e-01;
	v6 =	vsel vm0, $0x7F7FC99E, v52;
	v16 =	vmul.f32 v10, v14;
	v10 =	vpop (erf)  }
0x204: {  	v7 =	vmin.f32 v7, $3.000000000e+00;
	v8 =	vmax.f32 v8, $1.000000010e-01;
	v10 =	vmul.f32 $1.000000050e-03, v10  }
0x205: {  	v22 =	vbroadcast v30, $0xF;
	v21 =	vbroadcast v31, $0xF;
	v8 =	vmin.f32 v8, $3.000000000e+00  }
0x206: {  	v23 =	vmul.f32 v7, v9;
	v17 =	vmul.f32 v8, v24;
	v24 =	vmax.f32 v10, $1.000000010e-01  }
0x207: {  	s14 =	simm.s32 $0x80;
	s21 =	simm.s32 $0x19106;
	s12 =	simm.s32 $0x1A530;
	v14 =	vbroadcast v32, $0xF;
	v10 =	vbroadcast v28, $0xF;
	v24 =	vmin.f32 v24, $3.000000000e+00  }
.LBB2_6:
0x208: {  	_ =	sdelay $0x2  }
0x209: {  	v19 =	vmul.f32 v23, v19;
	v18 =	vmul.f32 v23, v18  }
0x20a: {  	v25 =	vld [tilespmem:s21+$0x0];
	v7 =	vmul.f32 v17, v10;
	v11 =	vmul.f32 v24, v3;
	v9 =	vmax.f32 v13, v4  }
0x20b: {  	[tilespmem:s12+$0x0] =	vst v23;
	v26 =	vld [tilespmem:s21+$0xFFFFFFFE];
	s0 =	sadd.s32 $0x320, s0;
	v24 =	vmul.f32 v23, v22;
	v6 =	vmin.f32 v12, v6;
	v2 =	vmax.f32 v2, v29  }
0x20c: {  	v10 =	vld [tilespmem:s0+$0xFFFFFF40];
	v23 =	vmul.f32 v17, v20;
	v1 =	vmin.f32 v1, v33;
	v6 =	vmul.f32 v16, v6  }
0x20d: {  	v22 =	vld [tilespmem:s0+$0xFFFFFF50];
	[tilespmem:s12+$0xFFFFFFF0] =	vst v17;
	v0 =	vmax.f32 v0, v27;
	v8 =	vmul.f32 v17, v9;
	v2 =	vmul.f32 v16, v2  }
0x20e: {  	v3 =	vld [tilespmem:s0+$0xFFFFFFF0];
	v1 =	vmul.f32 v11, v1;
	v0 =	vmul.f32 v11, v0  }
0x20f: {  	v9 =	vmul.f32 v16, v14;
	v39 =	vld [tilespmem:s0+$0xFFFFFF60];
	v5 =	vmul.f32 v11, v21  }
0x210: {  	[tilespmem:s12+$0xFFFFFFE0] =	vst v16;
	v43 =	vld [tilespmem:s0+$0xFFFFFF70];
	v14 =	vmin.f32 v6, v2;
	v16 =	vmin.f32 v1, v0;
	v0 =	vmax.f32 v1, v0  }
0x211: {  	v40 =	vld [tilespmem:s0+$0xFFFFFE90];
	v2 =	vmax.f32 v6, v2;
	v5 =	vadd.f32 v5, v15;
	v0 =	vmax.f32 v63, v0  }
0x212: {  	v44 =	vld [tilespmem:s0+$0xFFFFFEA0];
	[tilespmem:s12+$0xFFFFFFD0] =	vst v11;
	v15 =	vmin.f32 v23, v8;
	v8 =	vmax.f32 v23, v8;
	v0 =	vmax.f32 v0, v2  }
0x213: {  	s1 =	sadd.s32 $0x320, s1;
	v4 =	vmax.f32 v19, v18;
	v27 =	vld [tilespmem:s0+$0xFFFFFDC0];
	v0 =	vmax.f32 v0, v8  }
0x214: {  	s20 =	sand.u32 $0x1FFF0, s1;
	v51 =	vld [tilespmem:s0+$0xFFFFFF80];
	[tilespmem:$0x1FD40] =	vst v3;
	v0 =	vmax.f32 v0, v4  }
0x215: {  	v60 =	vld [tilespmem:s20+$0x100];
	[tilespmem:$0x1FD00] =	vst v0;
	v0 =	vnsel vm0, $0x7F7FC99E, v22  }
0x216: {  	v45 =	vld [tilespmem:s0+$0xFFFFFDD0];
	[tilespmem:$0x1FDB0] =	vst v0;
	v0 =	vsel vm0, $0x7F7FC99E, v22  }
0x217: {  	v48 =	vld [tilespmem:s0+$0xFFFFFD00];
	[tilespmem:$0x1FD90] =	vst v0;
	v0 =	vsel vm0, $0xFF7FC99E, v22  }
0x218: {  	v11 =	vmin.f32 v19, v18;
	v52 =	vld [tilespmem:s0+$0xFFFFFD10];
	v21 =	vmul.f32 v22, v22;
	[tilespmem:$0x1FDA0] =	vst v0;
	v0 =	vsel vm0, $0x7F7FC99E, v27  }
0x219: {  	v47 =	vld [tilespmem:s0+$0xFFFFFDE0];
	v1 =	vadd.f32 v9, v5;
	v3 =	vmin.f32 v61, v16;
	[tilespmem:$0x1FDE0] =	vst v0;
	v0 =	vsel vm0, $0xFF7FC99E, v27  }
0x21a: {  	v54 =	vld [tilespmem:s0+$0xFFFFFD20];
	v23 =	vadd.f32 v43, v39;
	v42 =	vmul.f32 v60, v60;
	[tilespmem:$0x1FD70] =	vst v0;
	v0 =	vnsel vm0, $0xFF7FC99E, v22  }
0x21b: {  	s19 =	sadd.s32 $0xFFFFFE70, s1;
	v53 =	vld [tilespmem:s0+$0xFFFFFDF0];
	v3 =	vmin.f32 v3, v14;
	v1 =	vadd.f32 v7, v1;
	[tilespmem:$0x1FE10] =	vst v0;
	v0 =	vnsel vm0, $0x7F7FC99E, v27  }
0x21c: {  	s19 =	sand.u32 $0x1FFE0, s19;
	v58 =	vld [tilespmem:s0+$0xFFFFFD30];
	v14 =	vmul.f32 v44, v44;
	v2 =	vmin.f32 v3, v15;
	[tilespmem:$0x1FD20] =	vst v0;
	v0 =	vbroadcast v25, $0x0  }
0x21d: {  	v62 =	vld [tilespmem:s19+$0x100];
	v28 =	vmul.f32 v48, v48;
	v29 =	vadd.f32 v52, v48;
	v1 =	vadd.f32 v24, v1  }
0x21e: {  	v12 =	vld [tilespmem:s0+$0xFFFFFD40];
	v30 =	vadd.f32 v47, v45;
	v31 =	vmul.f32 v52, v52;
	[tilespmem:$0x1FE00] =	vst v0;
	v0 =	vbroadcast v25, $0x1  }
0x21f: {  	v13 =	vld [tilespmem:s0+$0xFFFFFE10];
	v23 =	vadd.f32 v51, v23;
	v32 =	vmul.f32 v54, v54;
	v29 =	vadd.f32 v54, v29;
	[tilespmem:$0x1FD30] =	vst v1  }
0x220: {  	v56 =	vld [tilespmem:s0+$0xFFFFFD50];
	v30 =	vadd.f32 v53, v30;
	v1 =	vmin.f32 v2, v11;
	[tilespmem:$0x1FDC0] =	vst v0;
	v0 =	vnsel vm0, $0xFF7FC99E, v27  }
0x221: {  	v50 =	vld [tilespmem:s0+$0xFFFFFEB0];
	v2 =	vmul.f32 v40, v40;
	v29 =	vadd.f32 v58, v29;
	[tilespmem:$0x1FD80] =	vst v0;
	v0 =	vbroadcast v26, $0x0  }
0x222: {  	v59 =	vld [tilespmem:s0+$0xFFFFFE20];
	v34 =	vmul.f32 v62, v62;
	v35 =	vmul.f32 v58, v58;
	v30 =	vadd.f32 v62, v30  }
0x223: {  	v2 =	vadd.f32 v14, v2;
	v14 =	vld [tilespmem:s0+$0xFFFFFFA0];
	v29 =	vadd.f32 v12, v29;
	[tilespmem:$0x1FDD0] =	vst v0;
	v0 =	vbroadcast v26, $0x1  }
0x224: {  	v57 =	vld [tilespmem:s0+$0xFFFFFEC0];
	v24 =	vmul.f32 v45, v45;
	v23 =	vadd.f32 v60, v23;
	v25 =	vmul.f32 v47, v47  }
0x225: {  	v17 =	vld [tilespmem:s0+$0x0];
	v30 =	vadd.f32 v13, v30;
	v29 =	vadd.f32 v56, v29;
	[tilespmem:$0x1FDF0] =	vst v0;
	v0 =	vmul.f32 v10, v10  }
0x226: {  	v20 =	vld [tilespmem:s0+$0xFFFFFF30];
	[tilespmem:$0x1FD10] =	vst v1;
	v1 =	vmul.f32 v43, v43;
	v24 =	vadd.f32 v25, v24;
	v25 =	vadd.f32 v31, v28  }
0x227: {  	v55 =	vld [tilespmem:s0+$0xFFFFFFE0];
	v28 =	vmul.f32 v50, v50;
	v31 =	vmul.f32 v53, v53;
	[tilespmem:$0x1FCE0] =	vst v0;
	v0 =	vmin.f32 v39, v43  }
0x228: {  	v38 =	vld [tilespmem:s0+$0xFFFFFE30];
	v30 =	vadd.f32 v59, v30;
	v23 =	vadd.f32 v14, v23;
	[tilespmem:$0x1FCF0] =	vst v0;
	v0 =	vmul.f32 v39, v39  }
0x229: {  	v63 =	vld [tilespmem:s0+$0xFFFFFED0];
	v28 =	vadd.f32 v28, v2;
	v24 =	vadd.f32 v31, v24;
	v31 =	vmul.f32 v57, v57  }
0x22a: {  	v16 =	vld [tilespmem:s0+$0xFFFFFFB0];
	v25 =	vadd.f32 v32, v25;
	v0 =	vadd.f32 v1, v0;
	v1 =	vmul.f32 v51, v51  }
0x22b: {  	v61 =	vld [tilespmem:s0+$0xFFFFFEE0];
	v49 =	vmul.f32 v13, v13;
	v26 =	vadd.f32 v44, v40;
	v28 =	vadd.f32 v31, v28  }
0x22c: {  	v36 =	vmul.f32 v12, v12;
	v32 =	vld [tilespmem:s0+$0xFFFFFFD0];
	v24 =	vadd.f32 v34, v24;
	v41 =	vadd.f32 v1, v0  }
0x22d: {  	v37 =	vmul.f32 v59, v59;
	v2 =	vld [tilespmem:$0x1FD40];
	v25 =	vadd.f32 v35, v25;
	v26 =	vadd.f32 v50, v26  }
0x22e: {  	v34 =	vmul.f32 v63, v63;
	v24 =	vadd.f32 v49, v24;
	v31 =	vadd.f32 v42, v41;
	v42 =	vld [tilespmem:s0+$0xFFFFFFC0]  }
0x22f: {  	v33 =	vmul.f32 v14, v14;
	v25 =	vadd.f32 v36, v25;
	v36 =	vld [tilespmem:s0+$0xFFFFFD60];
	v26 =	vadd.f32 v57, v26  }
0x230: {  	v23 =	vadd.f32 v16, v23;
	v35 =	vmul.f32 v61, v61;
	v28 =	vadd.f32 v34, v28;
	v41 =	vld [tilespmem:s0+$0xFFFFFEF0]  }
0x231: {  	v46 =	vsel vm0, $0x0, v22;
	v34 =	vld [tilespmem:s0+$0xFFFFFF00];
	v3 =	vadd.f32 v37, v24;
	v26 =	vadd.f32 v63, v26  }
0x232: {  	v49 =	vmul.f32 v16, v16;
	v24 =	vadd.f32 v35, v28;
	v28 =	vld [tilespmem:s20+$0x80];
	v31 =	vadd.f32 v33, v31  }
0x233: {  	v15 =	vnsel vm0, $0x0, v22;
	v35 =	vld [tilespmem:s0+$0xFFFFFE40];
	v26 =	vadd.f32 v61, v26;
	v22 =	vadd.f32 v42, v23  }
0x234: {  	v6 =	vadd.f32 v36, v29;
	v33 =	vld [tilespmem:s19+$0x80];
	v31 =	vadd.f32 v49, v31;
	v49 =	vmul.f32 v56, v56  }
0x235: {  	v23 =	vld [tilespmem:s0+$0xFFFFFF20];
	v26 =	vadd.f32 v41, v26;
	v37 =	vmul.f32 v42, v42;
	v22 =	vadd.f32 v32, v22  }
0x236: {  	v29 =	vmul.f32 v41, v41;
	v5 =	vadd.f32 v49, v25;
	v25 =	vadd.f32 v38, v30;
	v30 =	vld [tilespmem:s0+$0xFFFFFE50]  }
0x237: {  	v9 =	vadd.f32 v37, v31;
	v37 =	vld [tilespmem:s0+$0xFFFFFD70];
	v7 =	vadd.f32 v55, v22  }
0x238: {  	v8 =	vmul.f32 v38, v38;
	v26 =	vadd.f32 v34, v26;
	v11 =	vadd.f32 v29, v24;
	v22 =	vld [tilespmem:s0+$0xFFFFFE60]  }
0x239: {  	v49 =	vld [tilespmem:s20+$0x180];
	v31 =	vmul.f32 v36, v36;
	v0 =	vadd.f32 v35, v25;
	v29 =	vadd.f32 v2, v7  }
0x23a: {  	v25 =	vld [tilespmem:s0+$0xFFFFFE70];
	v7 =	vadd.f32 v8, v3;
	v8 =	vadd.f32 v28, v26  }
0x23b: {  	v18 =	vmovc v10;
	[tilespmem:$0x1FD60] =	vst v10;
	v1 =	vmov v17;
	v10 =	vadd.f32 v31, v5;
	v3 =	vadd.f32 v30, v0  }
0x23c: {  	v4 =	vmul.f32 v2, v2;
	v29 =	vadd.f32 v1, v29;
	v1 =	vadd.f32 v23, v8  }
0x23d: {  	v19 =	vld [tilespmem:s0+$0xFFFFFD90];
	[tilespmem:$0x1FD50] =	vst v17;
	v17 =	vmul.f32 v17, v17;
	v6 =	vadd.f32 v37, v6;
	v3 =	vadd.f32 v22, v3  }
0x23e: {  	v31 =	vsel vm0, $0x0, v27;
	v2 =	vadd.f32 v49, v29;
	v29 =	vld [tilespmem:s19+$0x180];
	v0 =	vadd.f32 v20, v1  }
0x23f: {  	v8 =	vld [tilespmem:s0+$0xFFFFFDA0];
	v6 =	vadd.f32 v33, v6;
	v1 =	vmul.f32 v32, v32;
	v3 =	vadd.f32 v25, v3  }
0x240: {  	v26 =	vmul.f32 v27, v27;
	v2 =	vadd.f32 v2, v46;
	v0 =	vadd.f32 v18, v0  }
0x241: {  	v46 =	vnsel vm0, $0x0, v27;
	v1 =	vadd.f32 v1, v9;
	v9 =	vmul.f32 v55, v55  }
0x242: {  	(xrf2) =	vadd.scan.msk.f32 $0xffff, v2;
	v2 =	vadd.f32 v19, v6;
	v6 =	vmul.f32 v34, v34;
	v0 =	vadd.f32 v15, v0  }
0x243: {  	v27 =	vld [tilespmem:s0+$0xFFFFFDB0];
	v1 =	vadd.f32 v9, v1;
	v9 =	vmul.f32 v28, v28;
	v3 =	vadd.f32 v29, v3  }
0x244: {  	v2 =	vadd.f32 v8, v2;
	v6 =	vadd.f32 v6, v11;
	(xrf2) =	vadd.scan.msk.f32 $0xffff, v0;
	v0 =	vmul.f32 v35, v35  }
0x245: {  	v5 =	vmul.f32 v23, v23;
	v1 =	vadd.f32 v4, v1;
	v3 =	vadd.f32 v3, v31  }
0x246: {  	v15 =	vmul.f32 v22, v22;
	v6 =	vadd.f32 v9, v6;
	v0 =	vadd.f32 v0, v7  }
0x247: {  	v1 =	vadd.f32 v17, v1;
	v7 =	vmul.f32 v49, v49;
	(xrf2) =	vadd.scan.msk.f32 $0xffff, v3;
	v3 =	vmul.f32 v37, v37  }
0x248: {  	v4 =	vmul.f32 v30, v30;
	v2 =	vadd.f32 v27, v2;
	v5 =	vadd.f32 v5, v6  }
0x249: {  	v1 =	vadd.f32 v7, v1;
	v6 =	vmul.f32 v33, v33;
	v3 =	vadd.f32 v3, v10  }
0x24a: {  	v11 =	vld [tilespmem:$0x1FCF0];
	v2 =	vadd.f32 v46, v2;
	v0 =	vadd.f32 v4, v0;
	v4 =	vsel vm0, $0x0, v21  }
0x24b: {  	v1 =	vadd.f32 v1, v4;
	v4 =	vmul.f32 v19, v19;
	v3 =	vadd.f32 v6, v3;
	v6 =	vld [tilespmem:$0x1FCE0]  }
0x24c: {  	v24 =	vmul.f32 v20, v20;
	(xrf2) =	vadd.scan.msk.f32 $0xffff, v2;
	v0 =	vadd.f32 v15, v0;
	v2 =	vmul.f32 v25, v25  }
0x24d: {  	v9 =	vmax.f32 v48, v52;
	v46, _, _ =	vpop (xrf2);
	(xrf2) =	vadd.scan.msk.f32 $0xffff, v1;
	v1 =	vadd.f32 v4, v3;
	v3 =	vmul.f32 v8, v8  }
0x24e: {  	v7 =	vmin.f32 v48, v52;
	v5 =	vadd.f32 v24, v5;
	v0 =	vadd.f32 v2, v0  }
0x24f: {  	v2 =	vmul.f32 v29, v29;
	v1 =	vadd.f32 v3, v1;
	v3 =	vmul.f32 v27, v27  }
0x250: {  	v10 =	vnsel vm0, $0x0, v26;
	v11 =	vmin.f32 v11, v51;
	v5 =	vadd.f32 v6, v5  }
0x251: {  	v0 =	vadd.f32 v2, v0;
	v6 =	vnsel vm0, $0x0, v21;
	v1 =	vadd.f32 v3, v1  }
0x252: {  	v3 =	vmax.f32 v45, v47;
	v4 =	vadd.f32 v6, v5;
	v6 =	vsel vm0, $0x0, v26  }
0x253: {  	v2 =	vmin.f32 v40, v44;
	v3 =	vmax.f32 v3, v53;
	v0 =	vadd.f32 v0, v6  }
0x254: {  	v18, _, _ =	vpop (xrf2);
	v5 =	vmax.f32 v39, v43;
	v6 =	vmax.f32 v40, v44;
	v3 =	vmax.f32 v3, v62;
	(xrf2) =	vadd.scan.msk.f32 $0xffff, v4  }
0x255: {  	v40, _, _ =	vpop (xrf2);
	v4 =	vmin.f32 v45, v47;
	v3 =	vmax.f32 v3, v13;
	(xrf2) =	vadd.scan.msk.f32 $0xffff, v0;
	v0 =	vadd.f32 v10, v1  }
0x256: {  	v1 =	vmin.f32 v2, v50;
	v2 =	vmax.f32 v5, v51;
	v4 =	vmin.f32 v4, v53  }
0x257: {  	v48, _, _ =	vpop (xrf2);
	v10 =	vmax.f32 v6, v50;
	v6 =	vmin.f32 v7, v54;
	v7 =	vmax.f32 v9, v54;
	(xrf2) =	vadd.scan.msk.f32 $0xffff, v0  }
0x258: {  	v9 =	vmin.f32 v11, v60;
	v11 =	vmul.f32 v46, v46;
	v2 =	vmax.f32 v2, v60  }
0x259: {  	v6 =	vmin.f32 v6, v58;
	v4 =	vmin.f32 v4, v62;
	v7 =	vmax.f32 v7, v58  }
0x25a: {  	v9 =	vmin.f32 v9, v14;
	v0 =	vmin.f32 v1, v57;
	v17 =	vmul.f32 $4.999999890e-03, v11  }
0x25b: {  	v5, _, _ =	vpop (xrf2);
	v4 =	vmin.f32 v4, v13;
	v6 =	vmin.f32 v6, v12;
	v13 =	vmul.f32 v18, v18  }
0x25c: {  	v7 =	vmax.f32 v7, v12;
	v12 =	vmul.f32 v40, v40;
	v5 =	vsub.f32 v5, v17  }
0x25d: {  	v2 =	vmax.f32 v2, v14;
	v14 =	vmul.f32 v48, v48;
	v13 =	vmul.f32 $4.999999890e-03, v13  }
0x25e: {  	v1 =	vmax.f32 v10, v57;
	v12 =	vmul.f32 $4.999999890e-03, v12;
	v5 =	vmul.f32 $5.025125570e-03, v5;
	v10, _, _ =	vpop (xrf2)  }
0x25f: {  	v15, _, _ =	vpop (xrf2);
	v10 =	vsub.f32 v10, v13  }
0x260: {  	v14 =	vmul.f32 $4.999999890e-03, v14;
	v5 =	vmax.f32 v5, $1.000000020e-16;
	v12 =	vsub.f32 v15, v12  }
0x261: {  	v9 =	vmin.f32 v9, v16;
	v5 =	vbroadcast v5, $0xF;
	v11, _, _ =	vpop (xrf2);
	v10 =	vmul.f32 $5.025125570e-03, v10  }
0x262: {  	v2 =	vmax.f32 v2, v16;
	v11 =	vsub.f32 v11, v14;
	v12 =	vmul.f32 $5.025125570e-03, v12  }
0x263: {  	v13 =	vshrl.u32 v5, $0x1;
	v16 =	vmul.f32 $5.000000000e-01, v5;
	v10 =	vmax.f32 v10, $1.000000020e-16  }
0x264: {  	v11 =	vmul.f32 $5.025125570e-03, v11;
	v12 =	vmax.f32 v12, $1.000000020e-16;
	v10 =	vbroadcast v10, $0xF  }
0x265: {  	v13 =	vsub.s32 $0x5F3759DF, v13;
	v12 =	vbroadcast v12, $0xF  }
0x266: {  	v31 =	vmul.f32 v13, v16;
	v11 =	vmax.f32 v11, $1.000000020e-16;
	v14 =	vshrl.u32 v10, $0x1  }
0x267: {  	v15 =	vmul.f32 $5.000000000e-01, v10;
	v11 =	vbroadcast v11, $0xF;
	v17 =	vshrl.u32 v12, $0x1  }
0x268: {  	v24 =	vmul.f32 $5.000000000e-01, v12;
	v14 =	vsub.s32 $0x5F3759DF, v14;
	v17 =	vsub.s32 $0x5F3759DF, v17  }
0x269: {  	v51 =	vmul.f32 v14, v15;
	v26 =	vshrl.u32 v11, $0x1;
	v50 =	vmul.f32 $5.000000000e-01, v11  }
0x26a: {  	v31 =	vmul.f32 v13, v31;
	v52 =	vmul.f32 v17, v24;
	v26 =	vsub.s32 $0x5F3759DF, v26  }
0x26b: {  	v44 =	vmul.f32 v14, v51;
	v53 =	vmul.f32 v26, v50  }
0x26c: {  	v31 =	vsub.f32 $1.500000000e+00, v31;
	v45 =	vmul.f32 v17, v52  }
0x26d: {  	v3 =	vmax.f32 v3, v59;
	v44 =	vsub.f32 $1.500000000e+00, v44;
	v54 =	vmul.f32 v26, v53  }
0x26e: {  	v3 =	vmax.f32 v3, v38;
	v13 =	vmul.f32 v13, v31;
	v45 =	vsub.f32 $1.500000000e+00, v45  }
0x26f: {  	v6 =	vmin.f32 v6, v56;
	v14 =	vmul.f32 v14, v44;
	v31 =	vsub.f32 $1.500000000e+00, v54  }
0x270: {  	v7 =	vmax.f32 v7, v56;
	v56 =	vmul.f32 v13, v16;
	v17 =	vmul.f32 v17, v45  }
0x271: {  	v4 =	vmin.f32 v4, v59;
	v26 =	vmul.f32 v26, v31;
	v31 =	vmul.f32 v14, v15  }
0x272: {  	v4 =	vmin.f32 v4, v38;
	v38 =	vmul.f32 v56, v13;
	v57 =	vmul.f32 v17, v24  }
0x273: {  	v6 =	vmin.f32 v6, v36;
	v58 =	vmul.f32 v26, v50;
	v31 =	vmul.f32 v31, v14  }
0x274: {  	v7 =	vmax.f32 v7, v36;
	v59 =	vsub.f32 $1.500000000e+00, v38;
	v36 =	vmul.f32 v57, v17  }
0x275: {  	v60 =	vmul.f32 v58, v26;
	v31 =	vsub.f32 $1.500000000e+00, v31  }
0x276: {  	v13 =	vmul.f32 v59, v13;
	v36 =	vsub.f32 $1.500000000e+00, v36  }
0x277: {  	v62 =	vsub.f32 $1.500000000e+00, v60;
	v14 =	vmul.f32 v31, v14  }
0x278: {  	v16 =	vmul.f32 v13, v16;
	v17 =	vmul.f32 v36, v17  }
0x279: {  	v26 =	vmul.f32 v62, v26;
	v15 =	vmul.f32 v14, v15  }
0x27a: {  	v16 =	vmul.f32 v16, v13;
	v24 =	vmul.f32 v17, v24  }
0x27b: {  	v31 =	vmul.f32 v26, v50;
	v15 =	vmul.f32 v15, v14  }
0x27c: {  	v16 =	vsub.f32 $1.500000000e+00, v16;
	v24 =	vmul.f32 v24, v17  }
0x27d: {  	v21 =	vmul.f32 v31, v26;
	v15 =	vsub.f32 $1.500000000e+00, v15  }
0x27e: {  	v13 =	vmul.f32 v16, v13;
	v24 =	vsub.f32 $1.500000000e+00, v24  }
0x27f: {  	v16 =	vsub.f32 $1.500000000e+00, v21;
	v14 =	vmul.f32 v15, v14  }
0x280: {  	v5 =	vmul.f32 v13, v5;
	v15 =	vmul.f32 v24, v17  }
0x281: {  	v13 =	vmul.f32 v16, v26;
	v10 =	vmul.f32 v14, v10  }
0x282: {  	v5 =	vmax.f32 v5, $9.999999930e-09;
	v12 =	vmul.f32 v15, v12  }
0x283: {  	(erf) = vrcp.f32 v5;
	v11 =	vmul.f32 v13, v11;
	v10 =	vmax.f32 v10, $9.999999930e-09  }
0x284: {  	v1 =	vmax.f32 v1, v63;
	v5 =	vmax.f32 v12, $9.999999930e-09;
	(erf) = vrcp.f32 v10  }
0x285: {  	v9 =	vmin.f32 v9, v42;
	v12 =	vld [tilespmem:$0x1FD40];
	v10 =	vmax.f32 v11, $9.999999930e-09;
	(erf) = vrcp.f32 v5  }
0x286: {  	v1 =	vmax.f32 v1, v61;
	v2 =	vmax.f32 v2, v42;
	(erf) = vrcp.f32 v10;
	v10 =	vld [tilespmem:$0x1FD50]  }
0x287: {  	v9 =	vmin.f32 v9, v32;
	v1 =	vmax.f32 v1, v41;
	v2 =	vmax.f32 v2, v32  }
0x288: {  	v6 =	vmin.f32 v6, v37;
	v7 =	vmax.f32 v7, v37;
	v9 =	vmin.f32 v9, v55  }
0x289: {  	v2 =	vmax.f32 v2, v55;
	v6 =	vmin.f32 v6, v33;
	v7 =	vmax.f32 v7, v33  }
0x28a: {  	v5 =	vmin.f32 v6, v19;
	v9 =	vmin.f32 v9, v12;
	v2 =	vmax.f32 v2, v12  }
0x28b: {  	v6 =	vmax.f32 v7, v19;
	v7 =	vmin.f32 v9, v10;
	v2 =	vmax.f32 v2, v10;
	v10 =	vld [tilespmem:$0x1FD60]  }
0x28c: {  	v1 =	vmax.f32 v1, v34  }
0x28d: {  	v1 =	vmax.f32 v1, v28  }
0x28e: {  	v1 =	vmax.f32 v1, v23  }
0x28f: {  	v1 =	vmax.f32 v1, v20;
	v5 =	vmin.f32 v5, v8  }
0x290: {  	v13 =	vmax.f32 v1, v10;
	v1 =	vmin.f32 v5, v27;
	v5 =	vld [tilespmem:$0x1FD90];
	_ =	sdelay $0x1  }
0x291: {  	v0 =	vmin.f32 v0, v63  }
0x292: {  	v0 =	vmin.f32 v0, v61  }
0x293: {  	v0 =	vmin.f32 v0, v41;
	v7 =	vmin.f32 v7, v49  }
0x294: {  	v3 =	vmax.f32 v3, v35;
	v0 =	vmin.f32 v0, v34;
	v19 =	vmin.f32 v7, v5;
	v7 =	vld [tilespmem:$0x1FDB0]  }
0x295: {  	v3 =	vmax.f32 v3, v30;
	v0 =	vmin.f32 v0, v28  }
0x296: {  	v3 =	vmax.f32 v3, v22;
	v0 =	vmin.f32 v0, v23  }
0x297: {  	v4 =	vmin.f32 v4, v35;
	v0 =	vmin.f32 v0, v20  }
0x298: {  	v4 =	vmin.f32 v4, v30;
	v6 =	vmax.f32 v6, v8;
	v8 =	vmin.f32 v0, v10  }
0x299: {  	v4 =	vmin.f32 v4, v22;
	v11 =	vmax.f32 v3, v25;
	v3 =	vpop (erf);
	v20 =	vmin.f32 v8, v7;
	v7 =	vld [tilespmem:$0x1FDC0]  }
0x29a: {  	v4 =	vmin.f32 v4, v25;
	v3 =	vmul.f32 $1.000000050e-03, v3;
	_ =	sdelay $0x1  }
0x29b: {  	v3 =	vmax.f32 v3, $1.000000010e-01  }
0x29c: {  	v12 =	vmin.f32 v4, v29;
	v3 =	vmin.f32 v3, $3.000000000e+00;
	v4 =	vpop (erf);
	v0 =	vmax.f32 v6, v27;
	v6 =	vld [tilespmem:$0x1FDA0]  }
0x29d: {  	v5 =	vpop (erf);
	v23 =	vmul.f32 v3, v7;
	v7 =	vld [tilespmem:$0x1FDF0]  }
0x29e: {  	v63 =	vld [tilespmem:$0x1FD00];
	v5 =	vmul.f32 $1.000000050e-03, v5  }
0x29f: {  	v61 =	vld [tilespmem:$0x1FD10]  }
0x2a0: {  	v33 =	vld [tilespmem:$0x1FD20];
	v9 =	vmax.f32 v2, v49;
	v5 =	vmax.f32 v5, $1.000000010e-01  }
0x2a1: {  	s14 =	sadd.s32 $0x2, s14;
	v15 =	vld [tilespmem:$0x1FD30];
	v10 =	vbroadcast v18, $0xF;
	v18 =	vmax.f32 v9, v6;
	v6 =	vpop (erf);
	v5 =	vmin.f32 v5, $3.000000000e+00  }
0x2a2: {  	p0 =	slt.u32 s14, $0xFE;
	v6 =	vmul.f32 $1.000000050e-03, v6;
	v16 =	vmul.f32 v5, v7;
	v5 =	vld [tilespmem:$0x1FE00]  }
.Ltmp2:
0x2a3: {  	v2 =	vmax.f32 v11, v29;
	v29 =	vld [tilespmem:$0x1FD70];
	v4 =	vmul.f32 $1.000000050e-03, v4;
	(pc) =	sbr.rel @p0 .LBB2_6-.Ltmp2, $4  }
0x2a4: {  	v27 =	vld [tilespmem:$0x1FD80];
	v6 =	vmax.f32 v6, $1.000000010e-01  }
0x2a5: {  	v4 =	vmax.f32 v4, $1.000000010e-01;
	v24 =	vmin.f32 v6, $3.000000000e+00;
	v6 =	vld [tilespmem:$0x1FDE0]  }
0x2a6: {  	s11 =	simm.s32 $0x192A0;
	v22 =	vbroadcast v46, $0xF;
	v21 =	vbroadcast v48, $0xF;
	v4 =	vmin.f32 v4, $3.000000000e+00;
	v3 =	vld [tilespmem:$0x1FDD0]  }
0x2a7: {  	s23 =	simm.s32 $0x19020;
	s21 =	sadd.s32 $0x4, s21;
	s12 =	sadd.s32 $0x40, s12;
	v14 =	vbroadcast v40, $0xF;
	v17 =	vmul.f32 v4, v5;
	v4 =	vld [tilespmem:$0x1FE10]  }
0x2a8: {  	v5 =	vmul.f32 v23, v22  }
0x2a9: {  	v7 =	vmul.f32 v23, v19;
	v8 =	vmul.f32 v23, v18  }
0x2aa: {  	v2 =	vmax.f32 v2, v29;
	v1 =	vmin.f32 v1, v33;
	v9 =	vmul.f32 v17, v10  }
0x2ab: {  	[tilespmem:s12+$0x0] =	vst v23;
	v59 =	vmul.f32 v17, v20;
	v0 =	vmax.f32 v0, v27;
	v2 =	vmul.f32 v16, v2  }
0x2ac: {  	[tilespmem:s12+$0xFFFFFFE0] =	vst v16;
	v60 =	vmul.f32 v16, v14;
	v6 =	vmin.f32 v12, v6;
	v3 =	vmul.f32 v24, v3  }
0x2ad: {  	[tilespmem:s12+$0xFFFFFFF0] =	vst v17;
	v20 =	vimm.f32 $0.0e+00;
	v6 =	vmul.f32 v16, v6;
	v4 =	vmax.f32 v13, v4  }
0x2ae: {  	v12 =	vmin.f32 v7, v8;
	v4 =	vmul.f32 v17, v4;
	[tilespmem:s12+$0xFFFFFFD0] =	vst v3;
	v11 =	vmul.f32 v3, v21  }
0x2af: {  	v1 =	vmul.f32 v3, v1;
	v0 =	vmul.f32 v3, v0;
	v21 =	vimm.f32 $0.0e+00;
	v14 =	vld [tilespmem:s23+$0xFFFFFFE0]  }
0x2b0: {  	v13 =	vmin.f32 v6, v2;
	v2 =	vmax.f32 v6, v2;
	v62 =	vld [tilespmem:s11+$0xFFFFFFE0];
	v3 =	vadd.f32 v11, v15  }
0x2b1: {  	v16 =	vld [tilespmem:s23+$0xFFFFFFF0];
	v15 =	vmin.f32 v59, v4;
	v17 =	vmin.f32 v1, v0;
	v0 =	vmax.f32 v1, v0  }
0x2b2: {  	v18 =	vld [tilespmem:s11+$0xFFFFFFF0];
	v4 =	vmax.f32 v59, v4;
	v0 =	vmax.f32 v63, v0;
	v1 =	vadd.f32 v60, v3  }
0x2b3: {  	v63 =	vmax.f32 v7, v8;
	v3 =	vmin.f32 v61, v17;
	v0 =	vmax.f32 v0, v2;
	v17 =	vld [tilespmem:s11+$0x0]  }
0x2b4: {  	v3 =	vmin.f32 v3, v13;
	v13 =	vld [tilespmem:s23+$0x0];
	v4 =	vmax.f32 v0, v4;
	v1 =	vadd.f32 v9, v1  }
0x2b5: {  	v3 =	vmin.f32 v3, v15;
	v22 =	vsub.f32 v14, v62;
	v19 =	vmul.f32 v14, v14;
	v15 =	vld [tilespmem:s11+$0x10]  }
0x2b6: {  	s0 =	simm.s32 $0x0;
	s1 =	simm.s32 $0x19060;
	v0 =	vmin.f32 v3, v12;
	v12 =	vld [tilespmem:s23+$0x10];
	v2 =	vadd.f32 v5, v1;
	v1 =	vmax.f32 v4, v63  }
.LBB2_8:
0x2b7: {  	v3 =	vld [tilespmem:s1+$0xFFFFFFE0];
	v4 =	vand.u32 $0x7FFFFFFF, v22;
	v5 =	vsub.f32 v16, v18;
	s11 =	sadd.s32 $0x40, s11  }
0x2b8: {  	s0 =	sadd.s32 $0x4, s0;
	v8 =	vmul.f32 v16, v16;
	v6 =	vld [tilespmem:s11+$0xFFFFFFE0];
	v4 =	vadd.f32 v4, v21;
	v7 =	vadd.f32 v19, v20  }
0x2b9: {  	p0 =	slt.u32 s0, $0x1C;
	v16 =	vld [tilespmem:s1+$0xFFFFFFF0];
	v5 =	vand.u32 $0x7FFFFFFF, v5;
	v9 =	vsub.f32 v13, v17  }
.Ltmp3:
0x2ba: {  	v18 =	vld [tilespmem:s11+$0xFFFFFFF0];
	v4 =	vadd.f32 v5, v4;
	v5 =	vadd.f32 v8, v7;
	v7 =	vmul.f32 v13, v13;
	(pc) =	sbr.rel @p0 .LBB2_8-.Ltmp3, $4  }
0x2bb: {  	v13 =	vld [tilespmem:s1+$0x0];
	v8 =	vand.u32 $0x7FFFFFFF, v9;
	v9 =	vsub.f32 v12, v15  }
0x2bc: {  	v17 =	vld [tilespmem:s11+$0x0];
	v4 =	vadd.f32 v8, v4;
	v5 =	vadd.f32 v7, v5;
	v7 =	vmul.f32 v12, v12  }
0x2bd: {  	v22 =	vsub.f32 v3, v6;
	v12 =	vld [tilespmem:s1+$0x10];
	v6 =	vand.u32 $0x7FFFFFFF, v9  }
0x2be: {  	v19 =	vmul.f32 v3, v3;
	s1 =	sadd.s32 $0x40, s1;
	v15 =	vld [tilespmem:s11+$0x10];
	v21 =	vadd.f32 v6, v4;
	v20 =	vadd.f32 v7, v5  }
0x2bf: {  	(xrf0) =	vmin.scan.msk.f32 $0xffff, v0  }
0x2c0: {  	(xrf0) =	vmax.scan.msk.f32 $0xffff, v1;
	_ =	sdelay $0x4  }
0x2c1: {  	v0, _, _ =	vpop (xrf0)  }
0x2c2: {  	v1, _, _ =	vpop (xrf0)  }
0x2c3: {  	v3 =	vbroadcast v0, $0xF;
	v4 =	vbroadcast v1, $0xF;
	_ =	sdelay $0x1  }
0x2c4: {  	v0 =	vsub.f32 v4, v3;
	_ =	sdelay $0x1  }
0x2c5: {  	v0 =	vmax.f32 v0, $1.000000000e-30  }
0x2c6: {  	(erf) = vrcp.f32 v0  }
0x2c7: {  	s1 =	simm.s32 $0x19520  }
0x2c8: {  	s0 =	simm.s32 $0x190;
	v7 =	vld [tilespmem:s1+$0x0]  }
0x2c9: {  	v0 =	vld [tilespmem:s0+$0x0];
	_ =	sdelay $0x4  }
0x2ca: {  	v0 =	vmul.f32 v0, v7  }
0x2cb: {  	v1 =	vpop (erf)  }
0x2cc: {  	v5 =	vmul.f32 $4.096000000e+03, v1;
	v1 =	vsub.f32 v0, v3;
	_ =	sdelay $0x1  }
0x2cd: {  	v1 =	vmul.f32 v1, v5;
	_ =	sdelay $0x1  }
0x2ce: {  	v1 =	vtrunc.f32 v1  }
0x2cf: {  	v1 =	vcvt.f32.s32 v1;
	_ =	sdelay $0x1  }
0x2d0: {  	vm1 =	vgt.s32 v1, $0x0  }
0x2d1: {  	v1 =	vnsel vm1, $0x0, v1  }
0x2d2: {  	v1 =	vmin.u32 v1, $0xFFF;
	_ =	sdelay $0x3  }
0x2d3: {  	v45 =	vimm.f32 $1.000000000e+00;
	v23 =	vld [tilespmem:s1+$0x10]  }
0x2d4: {  	[tilespmem:v1+s17+$0x0] =	vst.idx.add.f32.msk $0xffff, v45  }
0x2d5: {  	[tilespmem:v1+s18+$0x0] =	vst.idx.add.f32.msk $0xffff, v0  }
0x2d6: {  	v0 =	vld [tilespmem:s0+$0x10];
	_ =	sdelay $0x4  }
0x2d7: {  	v0 =	vmul.f32 v0, v7;
	_ =	sdelay $0x1  }
0x2d8: {  	v1 =	vsub.f32 v0, v3;
	_ =	sdelay $0x1  }
0x2d9: {  	v1 =	vmul.f32 v1, v5;
	_ =	sdelay $0x1  }
0x2da: {  	v1 =	vtrunc.f32 v1  }
0x2db: {  	v1 =	vcvt.f32.s32 v1;
	_ =	sdelay $0x1  }
0x2dc: {  	vm1 =	vgt.s32 v1, $0x0  }
0x2dd: {  	v1 =	vnsel vm1, $0x0, v1  }
0x2de: {  	v1 =	vmin.u32 v1, $0xFFF;
	_ =	sdelay $0x1  }
0x2df: {  	v6 =	vld [tilespmem:s0+$0xFFFFFE70]  }
0x2e0: {  	v9 =	vld [tilespmem:s1+$0xFFFFFFE0];
	_ =	sdelay $0x1  }
0x2e1: {  	[tilespmem:v1+s17+$0x0] =	vst.idx.add.f32.msk $0xffff, v45  }
0x2e2: {  	[tilespmem:v1+s18+$0x0] =	vst.idx.add.f32.msk $0xffff, v0  }
0x2e3: {  	v0 =	vld [tilespmem:s0+$0x20]  }
0x2e4: {  	v1 =	vmul.f32 v6, v9;
	_ =	sdelay $0x1  }
0x2e5: {  	v6 =	vsub.f32 v1, v3;
	_ =	sdelay $0x1  }
0x2e6: {  	v6 =	vmul.f32 v6, v5;
	v8 =	vmul.f32 v0, v7;
	_ =	sdelay $0x1  }
0x2e7: {  	v0 =	vtrunc.f32 v6;
	v6 =	vsub.f32 v8, v3  }
0x2e8: {  	v0 =	vcvt.f32.s32 v0  }
0x2e9: {  	v6 =	vmul.f32 v6, v5  }
0x2ea: {  	vm1 =	vgt.s32 v0, $0x0  }
0x2eb: {  	v0 =	vnsel vm1, $0x0, v0;
	v6 =	vtrunc.f32 v6  }
0x2ec: {  	v10 =	vmin.u32 v0, $0xFFF;
	v0 =	vcvt.f32.s32 v6;
	_ =	sdelay $0x1  }
0x2ed: {  	vm1 =	vgt.s32 v0, $0x0  }
0x2ee: {  	v6 =	vnsel vm1, $0x0, v0  }
0x2ef: {  	v0 =	vld [tilespmem:s1+$0xFFFFFFF0];
	v6 =	vmin.u32 v6, $0xFFF  }
0x2f0: {  	[tilespmem:v10+s17+$0x0] =	vst.idx.add.f32.msk $0xffff, v45  }
0x2f1: {  	[tilespmem:v10+s18+$0x0] =	vst.idx.add.f32.msk $0xffff, v1  }
0x2f2: {  	v1 =	vld [tilespmem:s0+$0xFFFFFE80];
	_ =	sdelay $0x1  }
0x2f3: {  	[tilespmem:v6+s17+$0x0] =	vst.idx.add.f32.msk $0xffff, v45  }
0x2f4: {  	[tilespmem:v6+s18+$0x0] =	vst.idx.add.f32.msk $0xffff, v8  }
0x2f5: {  	v6 =	vld [tilespmem:s0+$0x30]  }
0x2f6: {  	v1 =	vmul.f32 v1, v9;
	_ =	sdelay $0x1  }
0x2f7: {  	v8 =	vsub.f32 v1, v3;
	_ =	sdelay $0x1  }
0x2f8: {  	v8 =	vmul.f32 v8, v5;
	v6 =	vmul.f32 v6, v7;
	_ =	sdelay $0x1  }
0x2f9: {  	v8 =	vtrunc.f32 v8;
	v10 =	vsub.f32 v6, v3  }
0x2fa: {  	v8 =	vcvt.f32.s32 v8  }
0x2fb: {  	v10 =	vmul.f32 v10, v5  }
0x2fc: {  	vm1 =	vgt.s32 v8, $0x0  }
0x2fd: {  	v8 =	vnsel vm1, $0x0, v8;
	v10 =	vtrunc.f32 v10  }
0x2fe: {  	v8 =	vmin.u32 v8, $0xFFF;
	v10 =	vcvt.f32.s32 v10;
	_ =	sdelay $0x1  }
0x2ff: {  	vm1 =	vgt.s32 v10, $0x0  }
0x300: {  	v10 =	vnsel vm1, $0x0, v10  }
0x301: {  	v10 =	vmin.u32 v10, $0xFFF  }
0x302: {  	[tilespmem:v8+s17+$0x0] =	vst.idx.add.f32.msk $0xffff, v45  }
0x303: {  	[tilespmem:v8+s18+$0x0] =	vst.idx.add.f32.msk $0xffff, v1  }
0x304: {  	v1 =	vld [tilespmem:s0+$0xFFFFFE90];
	_ =	sdelay $0x1  }
0x305: {  	[tilespmem:v10+s17+$0x0] =	vst.idx.add.f32.msk $0xffff, v45  }
0x306: {  	[tilespmem:v10+s18+$0x0] =	vst.idx.add.f32.msk $0xffff, v6  }
0x307: {  	v6 =	vld [tilespmem:s0+$0x40]  }
0x308: {  	v1 =	vmul.f32 v1, v9;
	_ =	sdelay $0x1  }
0x309: {  	v8 =	vsub.f32 v1, v3;
	_ =	sdelay $0x1  }
0x30a: {  	v8 =	vmul.f32 v8, v5;
	v6 =	vmul.f32 v6, v7;
	_ =	sdelay $0x1  }
0x30b: {  	v8 =	vtrunc.f32 v8;
	v10 =	vsub.f32 v6, v3  }
0x30c: {  	v8 =	vcvt.f32.s32 v8  }
0x30d: {  	v10 =	vmul.f32 v10, v5  }
0x30e: {  	vm1 =	vgt.s32 v8, $0x0  }
0x30f: {  	v8 =	vnsel vm1, $0x0, v8;
	v10 =	vtrunc.f32 v10  }
0x310: {  	v8 =	vmin.u32 v8, $0xFFF;
	v10 =	vcvt.f32.s32 v10;
	_ =	sdelay $0x1  }
0x311: {  	vm1 =	vgt.s32 v10, $0x0  }
0x312: {  	v10 =	vnsel vm1, $0x0, v10  }
0x313: {  	v10 =	vmin.u32 v10, $0xFFF  }
0x314: {  	[tilespmem:v8+s17+$0x0] =	vst.idx.add.f32.msk $0xffff, v45  }
0x315: {  	[tilespmem:v8+s18+$0x0] =	vst.idx.add.f32.msk $0xffff, v1  }
0x316: {  	v1 =	vld [tilespmem:s0+$0xFFFFFEA0];
	_ =	sdelay $0x1  }
0x317: {  	[tilespmem:v10+s17+$0x0] =	vst.idx.add.f32.msk $0xffff, v45  }
0x318: {  	[tilespmem:v10+s18+$0x0] =	vst.idx.add.f32.msk $0xffff, v6  }
0x319: {  	v6 =	vld [tilespmem:s0+$0x50]  }
0x31a: {  	v1 =	vmul.f32 v1, v9;
	_ =	sdelay $0x1  }
0x31b: {  	v8 =	vsub.f32 v1, v3;
	_ =	sdelay $0x1  }
0x31c: {  	v8 =	vmul.f32 v8, v5;
	v6 =	vmul.f32 v6, v7;
	_ =	sdelay $0x1  }
0x31d: {  	v8 =	vtrunc.f32 v8;
	v10 =	vsub.f32 v6, v3  }
0x31e: {  	v8 =	vcvt.f32.s32 v8  }
0x31f: {  	v10 =	vmul.f32 v10, v5  }
0x320: {  	vm1 =	vgt.s32 v8, $0x0  }
0x321: {  	v8 =	vnsel vm1, $0x0, v8;
	v10 =	vtrunc.f32 v10  }
0x322: {  	v8 =	vmin.u32 v8, $0xFFF;
	v10 =	vcvt.f32.s32 v10;
	_ =	sdelay $0x1  }
0x323: {  	vm1 =	vgt.s32 v10, $0x0  }
0x324: {  	v10 =	vnsel vm1, $0x0, v10  }
0x325: {  	v10 =	vmin.u32 v10, $0xFFF  }
0x326: {  	[tilespmem:v8+s17+$0x0] =	vst.idx.add.f32.msk $0xffff, v45  }
0x327: {  	[tilespmem:v8+s18+$0x0] =	vst.idx.add.f32.msk $0xffff, v1  }
0x328: {  	v1 =	vld [tilespmem:s0+$0xFFFFFEB0];
	_ =	sdelay $0x1  }
0x329: {  	[tilespmem:v10+s17+$0x0] =	vst.idx.add.f32.msk $0xffff, v45  }
0x32a: {  	[tilespmem:v10+s18+$0x0] =	vst.idx.add.f32.msk $0xffff, v6  }
0x32b: {  	v6 =	vld [tilespmem:s0+$0x60]  }
0x32c: {  	v1 =	vmul.f32 v1, v9;
	_ =	sdelay $0x1  }
0x32d: {  	v8 =	vsub.f32 v1, v3;
	_ =	sdelay $0x1  }
0x32e: {  	v8 =	vmul.f32 v8, v5;
	v6 =	vmul.f32 v6, v7;
	_ =	sdelay $0x1  }
0x32f: {  	v8 =	vtrunc.f32 v8;
	v10 =	vsub.f32 v6, v3  }
0x330: {  	v8 =	vcvt.f32.s32 v8  }
0x331: {  	v10 =	vmul.f32 v10, v5  }
0x332: {  	vm1 =	vgt.s32 v8, $0x0  }
0x333: {  	s31 =	simm.s32 $0x4B0;
	v8 =	vnsel vm1, $0x0, v8;
	v10 =	vtrunc.f32 v10  }
0x334: {  	s21 =	simm.s32 $0x19560;
	v14 =	vld [tilespmem:s31+$0x0];
	v11 =	vmin.u32 v8, $0xFFF;
	v10 =	vcvt.f32.s32 v10  }
0x335: {  	v8 =	vld [tilespmem:s21+$0x0]  }
0x336: {  	vm1 =	vgt.s32 v10, $0x0  }
0x337: {  	v10 =	vnsel vm1, $0x0, v10  }
0x338: {  	v10 =	vmin.u32 v10, $0xFFF  }
0x339: {  	[tilespmem:v11+s17+$0x0] =	vst.idx.add.f32.msk $0xffff, v45  }
0x33a: {  	[tilespmem:v11+s18+$0x0] =	vst.idx.add.f32.msk $0xffff, v1;
	v1 =	vmul.f32 v14, v8  }
0x33b: {  	v11 =	vld [tilespmem:s0+$0xFFFFFEC0]  }
0x33c: {  	v14 =	vsub.f32 v1, v3  }
0x33d: {  	[tilespmem:v10+s17+$0x0] =	vst.idx.add.f32.msk $0xffff, v45  }
0x33e: {  	v14 =	vmul.f32 v14, v5;
	[tilespmem:v10+s18+$0x0] =	vst.idx.add.f32.msk $0xffff, v6  }
0x33f: {  	v6 =	vld [tilespmem:s0+$0x70]  }
0x340: {  	v10 =	vmul.f32 v11, v9;
	v11 =	vtrunc.f32 v14  }
0x341: {  	v11 =	vcvt.f32.s32 v11  }
0x342: {  	v14 =	vsub.f32 v10, v3  }
0x343: {  	vm1 =	vgt.s32 v11, $0x0  }
0x344: {  	v14 =	vmul.f32 v14, v5;
	v11 =	vnsel vm1, $0x0, v11;
	v6 =	vmul.f32 v6, v7  }
0x345: {  	v11 =	vmin.u32 v11, $0xFFF  }
0x346: {  	v14 =	vtrunc.f32 v14;
	v24 =	vsub.f32 v6, v3  }
0x347: {  	v25 =	vld [tilespmem:s31+$0xFFFFFE70];
	v14 =	vcvt.f32.s32 v14  }
0x348: {  	v28 =	vld [tilespmem:s21+$0xFFFFFFE0];
	v26 =	vmul.f32 v24, v5  }
0x349: {  	vm1 =	vgt.s32 v14, $0x0;
	v24 =	vld [tilespmem:s21+$0x10]  }
0x34a: {  	v14 =	vnsel vm1, $0x0, v14;
	[tilespmem:v11+s17+$0x0] =	vst.idx.add.f32.msk $0xffff, v45;
	v26 =	vtrunc.f32 v26  }
0x34b: {  	v14 =	vmin.u32 v14, $0xFFF;
	[tilespmem:v11+s18+$0x0] =	vst.idx.add.f32.msk $0xffff, v1;
	v1 =	vcvt.f32.s32 v26  }
0x34c: {  	v11 =	vld [tilespmem:s31+$0x10]  }
0x34d: {  	vm1 =	vgt.s32 v1, $0x0  }
0x34e: {  	v25 =	vmul.f32 v25, v28;
	v1 =	vnsel vm1, $0x0, v1  }
0x34f: {  	v1 =	vmin.u32 v1, $0xFFF  }
0x350: {  	v26 =	vsub.f32 v25, v3;
	[tilespmem:v14+s17+$0x0] =	vst.idx.add.f32.msk $0xffff, v45  }
0x351: {  	[tilespmem:v14+s18+$0x0] =	vst.idx.add.f32.msk $0xffff, v10;
	v10 =	vmul.f32 v11, v8  }
0x352: {  	v14 =	vmul.f32 v26, v5;
	v11 =	vld [tilespmem:s0+$0xFFFFFED0]  }
0x353: {  	v26 =	vsub.f32 v10, v3  }
0x354: {  	s11 =	simm.s32 $0x190;
	v14 =	vtrunc.f32 v14;
	[tilespmem:v1+s17+$0x0] =	vst.idx.add.f32.msk $0xffff, v45  }
0x355: {  	s14 =	sand.u32 $0x1FFF0, s11;
	v14 =	vcvt.f32.s32 v14;
	v26 =	vmul.f32 v26, v5;
	[tilespmem:v1+s18+$0x0] =	vst.idx.add.f32.msk $0xffff, v6  }
0x356: {  	v1 =	vld [tilespmem:s14+$0x80]  }
0x357: {  	vm1 =	vgt.s32 v14, $0x0;
	v11 =	vmul.f32 v11, v9;
	v6 =	vtrunc.f32 v26  }
0x358: {  	v14 =	vnsel vm1, $0x0, v14;
	v6 =	vcvt.f32.s32 v6  }
0x359: {  	v14 =	vmin.u32 v14, $0xFFF;
	v26 =	vsub.f32 v11, v3  }
0x35a: {  	vm1 =	vgt.s32 v6, $0x0  }
0x35b: {  	v26 =	vmul.f32 v26, v5;
	v6 =	vnsel vm1, $0x0, v6;
	v1 =	vmul.f32 v1, v7  }
0x35c: {  	v27 =	vmin.u32 v6, $0xFFF  }
0x35d: {  	v6 =	vld [tilespmem:s21+$0xFFFFFFF0];
	v26 =	vtrunc.f32 v26;
	v29 =	vsub.f32 v1, v3  }
0x35e: {  	[tilespmem:v14+s17+$0x0] =	vst.idx.add.f32.msk $0xffff, v45;
	v26 =	vcvt.f32.s32 v26  }
0x35f: {  	[tilespmem:v14+s18+$0x0] =	vst.idx.add.f32.msk $0xffff, v25;
	v14 =	vmul.f32 v29, v5  }
0x360: {  	v25 =	vld [tilespmem:s31+$0xFFFFFE80];
	vm1 =	vgt.s32 v26, $0x0  }
0x361: {  	v26 =	vnsel vm1, $0x0, v26;
	[tilespmem:v27+s17+$0x0] =	vst.idx.add.f32.msk $0xffff, v45;
	v14 =	vtrunc.f32 v14  }
0x362: {  	v26 =	vmin.u32 v26, $0xFFF;
	[tilespmem:v27+s18+$0x0] =	vst.idx.add.f32.msk $0xffff, v10;
	v10 =	vcvt.f32.s32 v14  }
0x363: {  	v14 =	vld [tilespmem:s31+$0x20]  }
0x364: {  	vm1 =	vgt.s32 v10, $0x0  }
0x365: {  	v25 =	vmul.f32 v25, v28;
	v10 =	vnsel vm1, $0x0, v10  }
0x366: {  	v10 =	vmin.u32 v10, $0xFFF  }
0x367: {  	v27 =	vsub.f32 v25, v3;
	[tilespmem:v26+s17+$0x0] =	vst.idx.add.f32.msk $0xffff, v45  }
0x368: {  	[tilespmem:v26+s18+$0x0] =	vst.idx.add.f32.msk $0xffff, v11;
	v11 =	vmul.f32 v14, v8  }
0x369: {  	v26 =	vmul.f32 v27, v5;
	v14 =	vld [tilespmem:s0+$0xFFFFFEE0]  }
0x36a: {  	v27 =	vsub.f32 v11, v3  }
0x36b: {  	v26 =	vtrunc.f32 v26;
	[tilespmem:v10+s17+$0x0] =	vst.idx.add.f32.msk $0xffff, v45  }
0x36c: {  	v26 =	vcvt.f32.s32 v26;
	v27 =	vmul.f32 v27, v5;
	[tilespmem:v10+s18+$0x0] =	vst.idx.add.f32.msk $0xffff, v1  }
0x36d: {  	v1 =	vld [tilespmem:s0+$0x90]  }
0x36e: {  	vm1 =	vgt.s32 v26, $0x0;
	v10 =	vmul.f32 v14, v9;
	v14 =	vtrunc.f32 v27  }
0x36f: {  	v26 =	vnsel vm1, $0x0, v26;
	v14 =	vcvt.f32.s32 v14  }
0x370: {  	v26 =	vmin.u32 v26, $0xFFF;
	v27 =	vsub.f32 v10, v3  }
0x371: {  	vm1 =	vgt.s32 v14, $0x0  }
0x372: {  	v27 =	vmul.f32 v27, v5;
	v14 =	vnsel vm1, $0x0, v14;
	v1 =	vmul.f32 v1, v7  }
0x373: {  	v14 =	vmin.u32 v14, $0xFFF  }
0x374: {  	v27 =	vtrunc.f32 v27;
	v29 =	vsub.f32 v1, v3  }
0x375: {  	[tilespmem:v26+s17+$0x0] =	vst.idx.add.f32.msk $0xffff, v45;
	v27 =	vcvt.f32.s32 v27  }
0x376: {  	[tilespmem:v26+s18+$0x0] =	vst.idx.add.f32.msk $0xffff, v25;
	v25 =	vmul.f32 v29, v5  }
0x377: {  	v26 =	vld [tilespmem:s31+$0xFFFFFE90];
	vm1 =	vgt.s32 v27, $0x0  }
0x378: {  	v27 =	vnsel vm1, $0x0, v27;
	[tilespmem:v14+s17+$0x0] =	vst.idx.add.f32.msk $0xffff, v45;
	v25 =	vtrunc.f32 v25  }
0x379: {  	v27 =	vmin.u32 v27, $0xFFF;
	[tilespmem:v14+s18+$0x0] =	vst.idx.add.f32.msk $0xffff, v11;
	v11 =	vcvt.f32.s32 v25  }
0x37a: {  	v14 =	vld [tilespmem:s31+$0x30]  }
0x37b: {  	vm1 =	vgt.s32 v11, $0x0  }
0x37c: {  	v25 =	vmul.f32 v26, v28;
	v11 =	vnsel vm1, $0x0, v11  }
0x37d: {  	v11 =	vmin.u32 v11, $0xFFF  }
0x37e: {  	s23 =	simm.s32 $0x0;
	v26 =	vsub.f32 v25, v3;
	[tilespmem:v27+s17+$0x0] =	vst.idx.add.f32.msk $0xffff, v45  }
0x37f: {  	s1 =	sand.u32 $0x1FFE0, s23;
	[tilespmem:v27+s18+$0x0] =	vst.idx.add.f32.msk $0xffff, v10;
	v10 =	vmul.f32 v14, v8  }
0x380: {  	v26 =	vmul.f32 v26, v5;
	v14 =	vld [tilespmem:s1+$0x80]  }
0x381: {  	v27 =	vsub.f32 v10, v3  }
0x382: {  	v26 =	vtrunc.f32 v26;
	[tilespmem:v11+s17+$0x0] =	vst.idx.add.f32.msk $0xffff, v45  }
0x383: {  	v26 =	vcvt.f32.s32 v26;
	v27 =	vmul.f32 v27, v5;
	[tilespmem:v11+s18+$0x0] =	vst.idx.add.f32.msk $0xffff, v1  }
0x384: {  	v1 =	vld [tilespmem:s0+$0xA0]  }
0x385: {  	vm1 =	vgt.s32 v26, $0x0;
	v11 =	vmul.f32 v14, v9;
	v14 =	vtrunc.f32 v27  }
0x386: {  	v26 =	vnsel vm1, $0x0, v26;
	v14 =	vcvt.f32.s32 v14  }
0x387: {  	v26 =	vmin.u32 v26, $0xFFF;
	v27 =	vsub.f32 v11, v3  }
0x388: {  	vm1 =	vgt.s32 v14, $0x0  }
0x389: {  	v27 =	vmul.f32 v27, v5;
	v14 =	vnsel vm1, $0x0, v14;
	v1 =	vmul.f32 v1, v7  }
0x38a: {  	v14 =	vmin.u32 v14, $0xFFF  }
0x38b: {  	v27 =	vtrunc.f32 v27;
	v29 =	vsub.f32 v1, v3  }
0x38c: {  	[tilespmem:v26+s17+$0x0] =	vst.idx.add.f32.msk $0xffff, v45;
	v27 =	vcvt.f32.s32 v27  }
0x38d: {  	[tilespmem:v26+s18+$0x0] =	vst.idx.add.f32.msk $0xffff, v25;
	v25 =	vmul.f32 v29, v5  }
0x38e: {  	v26 =	vld [tilespmem:s31+$0xFFFFFEA0];
	vm1 =	vgt.s32 v27, $0x0  }
0x38f: {  	v27 =	vnsel vm1, $0x0, v27;
	[tilespmem:v14+s17+$0x0] =	vst.idx.add.f32.msk $0xffff, v45;
	v25 =	vtrunc.f32 v25  }
0x390: {  	v27 =	vmin.u32 v27, $0xFFF;
	[tilespmem:v14+s18+$0x0] =	vst.idx.add.f32.msk $0xffff, v10;
	v25 =	vcvt.f32.s32 v25  }
0x391: {  	v10 =	vld [tilespmem:s31+$0x40]  }
0x392: {  	vm1 =	vgt.s32 v25, $0x0  }
0x393: {  	v14 =	vmul.f32 v26, v28;
	v25 =	vnsel vm1, $0x0, v25  }
0x394: {  	v25 =	vmin.u32 v25, $0xFFF  }
0x395: {  	v26 =	vsub.f32 v14, v3;
	[tilespmem:v27+s17+$0x0] =	vst.idx.add.f32.msk $0xffff, v45  }
0x396: {  	[tilespmem:v27+s18+$0x0] =	vst.idx.add.f32.msk $0xffff, v11;
	v10 =	vmul.f32 v10, v8  }
0x397: {  	v26 =	vmul.f32 v26, v5;
	v11 =	vld [tilespmem:s0+$0xFFFFFF00]  }
0x398: {  	v27 =	vsub.f32 v10, v3  }
0x399: {  	v26 =	vtrunc.f32 v26;
	[tilespmem:v25+s17+$0x0] =	vst.idx.add.f32.msk $0xffff, v45  }
0x39a: {  	v26 =	vcvt.f32.s32 v26;
	[tilespmem:v25+s18+$0x0] =	vst.idx.add.f32.msk $0xffff, v1;
	v1 =	vmul.f32 v27, v5  }
0x39b: {  	v25 =	vld [tilespmem:s0+$0xB0]  }
0x39c: {  	vm1 =	vgt.s32 v26, $0x0;
	v11 =	vmul.f32 v11, v9;
	v1 =	vtrunc.f32 v1  }
0x39d: {  	v26 =	vnsel vm1, $0x0, v26;
	v1 =	vcvt.f32.s32 v1  }
0x39e: {  	v26 =	vmin.u32 v26, $0xFFF;
	v27 =	vsub.f32 v11, v3  }
0x39f: {  	vm1 =	vgt.s32 v1, $0x0  }
0x3a0: {  	v27 =	vmul.f32 v27, v5;
	v25 =	vmul.f32 v25, v7;
	v1 =	vnsel vm1, $0x0, v1  }
0x3a1: {  	v1 =	vmin.u32 v1, $0xFFF  }
0x3a2: {  	v27 =	vtrunc.f32 v27;
	v29 =	vsub.f32 v25, v3  }
0x3a3: {  	[tilespmem:v26+s17+$0x0] =	vst.idx.add.f32.msk $0xffff, v45;
	v27 =	vcvt.f32.s32 v27  }
0x3a4: {  	[tilespmem:v26+s18+$0x0] =	vst.idx.add.f32.msk $0xffff, v14;
	v14 =	vmul.f32 v29, v5  }
0x3a5: {  	v26 =	vld [tilespmem:s31+$0xFFFFFEB0];
	vm1 =	vgt.s32 v27, $0x0  }
0x3a6: {  	v27 =	vnsel vm1, $0x0, v27;
	v14 =	vtrunc.f32 v14;
	[tilespmem:v1+s17+$0x0] =	vst.idx.add.f32.msk $0xffff, v45  }
0x3a7: {  	v27 =	vmin.u32 v27, $0xFFF;
	v14 =	vcvt.f32.s32 v14;
	[tilespmem:v1+s18+$0x0] =	vst.idx.add.f32.msk $0xffff, v10  }
0x3a8: {  	v1 =	vld [tilespmem:s31+$0x50]  }
0x3a9: {  	vm1 =	vgt.s32 v14, $0x0  }
0x3aa: {  	v10 =	vmul.f32 v26, v28;
	v14 =	vnsel vm1, $0x0, v14  }
0x3ab: {  	v14 =	vmin.u32 v14, $0xFFF  }
0x3ac: {  	v26 =	vsub.f32 v10, v3;
	[tilespmem:v27+s17+$0x0] =	vst.idx.add.f32.msk $0xffff, v45  }
0x3ad: {  	[tilespmem:v27+s18+$0x0] =	vst.idx.add.f32.msk $0xffff, v11;
	v1 =	vmul.f32 v1, v8  }
0x3ae: {  	v26 =	vmul.f32 v26, v5;
	v11 =	vld [tilespmem:s0+$0xFFFFFF10]  }
0x3af: {  	v27 =	vsub.f32 v1, v3  }
0x3b0: {  	v26 =	vtrunc.f32 v26;
	[tilespmem:v14+s17+$0x0] =	vst.idx.add.f32.msk $0xffff, v45  }
0x3b1: {  	v26 =	vcvt.f32.s32 v26;
	[tilespmem:v14+s18+$0x0] =	vst.idx.add.f32.msk $0xffff, v25;
	v14 =	vmul.f32 v27, v5  }
0x3b2: {  	v25 =	vld [tilespmem:s0+$0xC0]  }
0x3b3: {  	vm1 =	vgt.s32 v26, $0x0;
	v11 =	vmul.f32 v11, v9;
	v14 =	vtrunc.f32 v14  }
0x3b4: {  	v26 =	vnsel vm1, $0x0, v26;
	v14 =	vcvt.f32.s32 v14  }
0x3b5: {  	v26 =	vmin.u32 v26, $0xFFF;
	v27 =	vsub.f32 v11, v3  }
0x3b6: {  	v7 =	vsel vm0, v7, v23;
	vm1 =	vgt.s32 v14, $0x0  }
0x3b7: {  	v27 =	vmul.f32 v27, v5;
	v7 =	vmul.f32 v25, v7;
	v14 =	vnsel vm1, $0x0, v14  }
0x3b8: {  	v14 =	vmin.u32 v14, $0xFFF  }
0x3b9: {  	v25 =	vtrunc.f32 v27;
	v27 =	vsub.f32 v7, v3  }
0x3ba: {  	[tilespmem:v26+s17+$0x0] =	vst.idx.add.f32.msk $0xffff, v45;
	v25 =	vcvt.f32.s32 v25  }
0x3bb: {  	[tilespmem:v26+s18+$0x0] =	vst.idx.add.f32.msk $0xffff, v10;
	v10 =	vmul.f32 v27, v5  }
0x3bc: {  	v26 =	vld [tilespmem:s31+$0xFFFFFEC0];
	vm1 =	vgt.s32 v25, $0x0  }
0x3bd: {  	v25 =	vnsel vm1, $0x0, v25;
	v10 =	vtrunc.f32 v10;
	[tilespmem:v14+s17+$0x0] =	vst.idx.add.f32.msk $0xffff, v45  }
0x3be: {  	v25 =	vmin.u32 v25, $0xFFF;
	v10 =	vcvt.f32.s32 v10;
	[tilespmem:v14+s18+$0x0] =	vst.idx.add.f32.msk $0xffff, v1  }
0x3bf: {  	v1 =	vld [tilespmem:s31+$0x60]  }
0x3c0: {  	vm1 =	vgt.s32 v10, $0x0  }
0x3c1: {  	v14 =	vmul.f32 v26, v28;
	v10 =	vnsel vm1, $0x0, v10  }
0x3c2: {  	v10 =	vmin.u32 v10, $0xFFF  }
0x3c3: {  	v26 =	vsub.f32 v14, v3;
	[tilespmem:v25+s17+$0x0] =	vst.idx.add.f32.msk $0xffff, v45  }
0x3c4: {  	[tilespmem:v25+s18+$0x0] =	vst.idx.add.f32.msk $0xffff, v11;
	v1 =	vmul.f32 v1, v8  }
0x3c5: {  	v25 =	vmul.f32 v26, v5;
	v11 =	vld [tilespmem:s0+$0xFFFFFF20]  }
0x3c6: {  	v26 =	vsub.f32 v1, v3  }
0x3c7: {  	v25 =	vtrunc.f32 v25;
	[tilespmem:v10+s17+$0x0] =	vst.idx.add.f32.msk $0xffff, v45  }
0x3c8: {  	v25 =	vcvt.f32.s32 v25;
	[tilespmem:v10+s18+$0x0] =	vst.idx.add.f32.msk $0xffff, v7;
	v7 =	vmul.f32 v26, v5  }
0x3c9: {  	v10 =	vld [tilespmem:s0+$0xD0]  }
0x3ca: {  	vm1 =	vgt.s32 v25, $0x0;
	v26 =	vmul.f32 v11, v9;
	v7 =	vtrunc.f32 v7  }
0x3cb: {  	s23 =	simm.s32 $0x7D0;
	v11 =	vnsel vm1, $0x0, v25;
	v7 =	vcvt.f32.s32 v7  }
0x3cc: {  	s24 =	simm.s32 $0x195A0;
	v29 =	vld [tilespmem:s23+$0x0];
	v25 =	vmin.u32 v11, $0xFFF;
	v27 =	vsub.f32 v26, v3  }
0x3cd: {  	v11 =	vld [tilespmem:s24+$0x0];
	vm1 =	vgt.s32 v7, $0x0  }
0x3ce: {  	v27 =	vmul.f32 v27, v5;
	v30 =	vmul.f32 v10, v23;
	v7 =	vnsel vm1, $0x0, v7  }
0x3cf: {  	v31 =	vld [tilespmem:s23+$0xFFFFFE70];
	v7 =	vmin.u32 v7, $0xFFF  }
0x3d0: {  	v27 =	vtrunc.f32 v27;
	v10 =	vld [tilespmem:s24+$0xFFFFFFE0];
	v32 =	vsub.f32 v30, v3  }
0x3d1: {  	[tilespmem:v25+s17+$0x0] =	vst.idx.add.f32.msk $0xffff, v45;
	v27 =	vcvt.f32.s32 v27  }
0x3d2: {  	[tilespmem:v25+s18+$0x0] =	vst.idx.add.f32.msk $0xffff, v14;
	v14 =	vmul.f32 v29, v11;
	v25 =	vmul.f32 v32, v5  }
0x3d3: {  	v29 =	vld [tilespmem:s31+$0xFFFFFED0]  }
0x3d4: {  	vm1 =	vgt.s32 v27, $0x0;
	v46 =	vsub.f32 v14, v3;
	v25 =	vtrunc.f32 v25;
	[tilespmem:v7+s17+$0x0] =	vst.idx.add.f32.msk $0xffff, v45  }
0x3d5: {  	v27 =	vnsel vm1, $0x0, v27;
	v31 =	vmul.f32 v31, v10;
	v25 =	vcvt.f32.s32 v25;
	[tilespmem:v7+s18+$0x0] =	vst.idx.add.f32.msk $0xffff, v1  }
0x3d6: {  	v1 =	vmin.u32 v27, $0xFFF;
	v7 =	vmul.f32 v46, v5;
	v27 =	vld [tilespmem:s31+$0x70]  }
0x3d7: {  	v47 =	vsub.f32 v31, v3;
	vm1 =	vgt.s32 v25, $0x0  }
0x3d8: {  	v29 =	vmul.f32 v29, v28;
	v7 =	vtrunc.f32 v7;
	v25 =	vnsel vm1, $0x0, v25  }
0x3d9: {  	v32 =	vmul.f32 v47, v5;
	v33 =	vcvt.f32.s32 v7;
	v25 =	vmin.u32 v25, $0xFFF  }
0x3da: {  	v34 =	vsub.f32 v29, v3;
	v7 =	vld [tilespmem:s24+$0xFFFFFFF0]  }
0x3db: {  	v32 =	vtrunc.f32 v32;
	[tilespmem:v1+s17+$0x0] =	vst.idx.add.f32.msk $0xffff, v45;
	vm1 =	vgt.s32 v33, $0x0;
	v27 =	vmul.f32 v27, v8  }
0x3dc: {  	v34 =	vmul.f32 v34, v5;
	[tilespmem:v1+s18+$0x0] =	vst.idx.add.f32.msk $0xffff, v26;
	v1 =	vnsel vm1, $0x0, v33;
	v26 =	vcvt.f32.s32 v32  }
0x3dd: {  	v48 =	vld [tilespmem:s0+$0xFFFFFF30];
	v1 =	vmin.u32 v1, $0xFFF;
	v49 =	vsub.f32 v27, v3  }
0x3de: {  	v34 =	vtrunc.f32 v34;
	vm1 =	vgt.s32 v26, $0x0;
	[tilespmem:v25+s17+$0x0] =	vst.idx.add.f32.msk $0xffff, v45  }
0x3df: {  	v34 =	vcvt.f32.s32 v34;
	[tilespmem:v25+s18+$0x0] =	vst.idx.add.f32.msk $0xffff, v30;
	v25 =	vnsel vm1, $0x0, v26;
	v26 =	vmul.f32 v49, v5  }
0x3e0: {  	v30 =	vld [tilespmem:s0+$0xE0];
	v50 =	vmin.u32 v25, $0xFFF  }
0x3e1: {  	vm1 =	vgt.s32 v34, $0x0;
	v25 =	vld [tilespmem:s24+$0x10];
	v26 =	vtrunc.f32 v26  }
0x3e2: {  	v9 =	vsel vm0, v9, v0;
	v34 =	vnsel vm1, $0x0, v34;
	[tilespmem:v1+s17+$0x0] =	vst.idx.add.f32.msk $0xffff, v45;
	v26 =	vcvt.f32.s32 v26  }
0x3e3: {  	v34 =	vmin.u32 v34, $0xFFF;
	v9 =	vmul.f32 v48, v9;
	[tilespmem:v1+s18+$0x0] =	vst.idx.add.f32.msk $0xffff, v14  }
0x3e4: {  	v1 =	vld [tilespmem:s23+$0x10];
	vm1 =	vgt.s32 v26, $0x0  }
0x3e5: {  	v14 =	vsub.f32 v9, v3;
	[tilespmem:v50+s17+$0x0] =	vst.idx.add.f32.msk $0xffff, v45;
	v26 =	vnsel vm1, $0x0, v26  }
0x3e6: {  	v30 =	vmul.f32 v30, v23;
	[tilespmem:v50+s18+$0x0] =	vst.idx.add.f32.msk $0xffff, v31;
	v26 =	vmin.u32 v26, $0xFFF  }
0x3e7: {  	v14 =	vmul.f32 v14, v5;
	v31 =	vld [tilespmem:s23+$0xFFFFFE80]  }
0x3e8: {  	[tilespmem:v34+s17+$0x0] =	vst.idx.add.f32.msk $0xffff, v45;
	v51 =	vsub.f32 v30, v3  }
0x3e9: {  	v14 =	vtrunc.f32 v14;
	[tilespmem:v34+s18+$0x0] =	vst.idx.add.f32.msk $0xffff, v29;
	v1 =	vmul.f32 v1, v11  }
0x3ea: {  	v14 =	vcvt.f32.s32 v14;
	v52 =	vld [tilespmem:s31+$0xFFFFFEE0];
	v29 =	vmul.f32 v51, v5  }
0x3eb: {  	s25 =	simm.s32 $0x4B0;
	v53 =	vsub.f32 v1, v3;
	[tilespmem:v26+s17+$0x0] =	vst.idx.add.f32.msk $0xffff, v45  }
0x3ec: {  	s11 =	sand.u32 $0x1FFF0, s25;
	vm1 =	vgt.s32 v14, $0x0;
	v29 =	vtrunc.f32 v29;
	v31 =	vmul.f32 v31, v10;
	[tilespmem:v26+s18+$0x0] =	vst.idx.add.f32.msk $0xffff, v27  }
0x3ed: {  	v14 =	vnsel vm1, $0x0, v14;
	v26 =	vcvt.f32.s32 v29;
	v27 =	vmul.f32 v53, v5;
	v29 =	vld [tilespmem:s11+$0x80]  }
0x3ee: {  	v14 =	vmin.u32 v14, $0xFFF;
	v54 =	vsub.f32 v31, v3  }
0x3ef: {  	v32 =	vmul.f32 v52, v28;
	vm1 =	vgt.s32 v26, $0x0;
	v27 =	vtrunc.f32 v27  }
0x3f0: {  	v26 =	vnsel vm1, $0x0, v26;
	v27 =	vcvt.f32.s32 v27;
	v33 =	vmul.f32 v54, v5  }
0x3f1: {  	v55 =	vsub.f32 v32, v3;
	v26 =	vmin.u32 v26, $0xFFF  }
0x3f2: {  	vm1 =	vgt.s32 v27, $0x0;
	v33 =	vtrunc.f32 v33;
	v29 =	vmul.f32 v29, v8  }
0x3f3: {  	[tilespmem:v14+s17+$0x0] =	vst.idx.add.f32.msk $0xffff, v45;
	v34 =	vmul.f32 v55, v5;
	v27 =	vnsel vm1, $0x0, v27;
	v33 =	vcvt.f32.s32 v33  }
0x3f4: {  	[tilespmem:v14+s18+$0x0] =	vst.idx.add.f32.msk $0xffff, v9;
	v9 =	vmin.u32 v27, $0xFFF;
	v14 =	vsub.f32 v29, v3  }
0x3f5: {  	v27 =	vld [tilespmem:s0+$0xFFFFFF40];
	v34 =	vtrunc.f32 v34;
	vm1 =	vgt.s32 v33, $0x0  }
0x3f6: {  	v34 =	vcvt.f32.s32 v34;
	[tilespmem:v26+s17+$0x0] =	vst.idx.add.f32.msk $0xffff, v45;
	v33 =	vnsel vm1, $0x0, v33;
	v14 =	vmul.f32 v14, v5  }
0x3f7: {  	[tilespmem:v26+s18+$0x0] =	vst.idx.add.f32.msk $0xffff, v30;
	v26 =	vmin.u32 v33, $0xFFF  }
0x3f8: {  	vm1 =	vgt.s32 v34, $0x0;
	v30 =	vld [tilespmem:s0+$0xF0];
	v14 =	vtrunc.f32 v14  }
0x3f9: {  	v56 =	vnsel vm1, $0x0, v34;
	[tilespmem:v9+s17+$0x0] =	vst.idx.add.f32.msk $0xffff, v45;
	v14 =	vcvt.f32.s32 v14  }
0x3fa: {  	[tilespmem:v9+s18+$0x0] =	vst.idx.add.f32.msk $0xffff, v1;
	v1 =	vmin.u32 v56, $0xFFF  }
0x3fb: {  	v9 =	vmul.f32 v27, v0;
	v27 =	vld [tilespmem:s23+$0x20];
	vm1 =	vgt.s32 v14, $0x0  }
0x3fc: {  	[tilespmem:v26+s17+$0x0] =	vst.idx.add.f32.msk $0xffff, v45;
	v14 =	vnsel vm1, $0x0, v14  }
0x3fd: {  	v57 =	vsub.f32 v9, v3;
	v30 =	vmul.f32 v30, v23;
	[tilespmem:v26+s18+$0x0] =	vst.idx.add.f32.msk $0xffff, v31;
	v14 =	vmin.u32 v14, $0xFFF  }
0x3fe: {  	v26 =	vld [tilespmem:s23+$0xFFFFFE90]  }
0x3ff: {  	s12 =	simm.s32 $0x320;
	v31 =	vmul.f32 v57, v5;
	v58 =	vsub.f32 v30, v3;
	[tilespmem:v1+s17+$0x0] =	vst.idx.add.f32.msk $0xffff, v45  }
0x400: {  	s24 =	sand.u32 $0x1FFE0, s12;
	v27 =	vmul.f32 v27, v11;
	[tilespmem:v1+s18+$0x0] =	vst.idx.add.f32.msk $0xffff, v32  }
0x401: {  	v1 =	vtrunc.f32 v31;
	v31 =	vmul.f32 v58, v5;
	v32 =	vld [tilespmem:s24+$0x80]  }
0x402: {  	v1 =	vcvt.f32.s32 v1;
	v59 =	vsub.f32 v27, v3;
	[tilespmem:v14+s17+$0x0] =	vst.idx.add.f32.msk $0xffff, v45  }
0x403: {  	v31 =	vtrunc.f32 v31;
	[tilespmem:v14+s18+$0x0] =	vst.idx.add.f32.msk $0xffff, v29  }
0x404: {  	vm1 =	vgt.s32 v1, $0x0;
	v14 =	vcvt.f32.s32 v31;
	v29 =	vmul.f32 v59, v5;
	v31 =	vld [tilespmem:s31+$0x90]  }
0x405: {  	v1 =	vnsel vm1, $0x0, v1;
	v26 =	vmul.f32 v26, v10  }
0x406: {  	v1 =	vmin.u32 v1, $0xFFF;
	vm1 =	vgt.s32 v14, $0x0;
	v29 =	vtrunc.f32 v29  }
0x407: {  	v60 =	vsub.f32 v26, v3;
	v14 =	vnsel vm1, $0x0, v14;
	v29 =	vcvt.f32.s32 v29  }
0x408: {  	v32 =	vmul.f32 v32, v28;
	v14 =	vmin.u32 v14, $0xFFF  }
0x409: {  	v33 =	vmul.f32 v60, v5;
	vm1 =	vgt.s32 v29, $0x0;
	v31 =	vmul.f32 v31, v8  }
0x40a: {  	v61 =	vsub.f32 v32, v3;
	v29 =	vnsel vm1, $0x0, v29  }
0x40b: {  	v33 =	vtrunc.f32 v33;
	v29 =	vmin.u32 v29, $0xFFF;
	v35 =	vsub.f32 v31, v3  }
0x40c: {  	[tilespmem:v1+s17+$0x0] =	vst.idx.add.f32.msk $0xffff, v45;
	v34 =	vmul.f32 v61, v5;
	v33 =	vcvt.f32.s32 v33  }
0x40d: {  	[tilespmem:v14+s17+$0x0] =	vst.idx.add.f32.msk $0xffff, v45;
	v35 =	vmul.f32 v35, v5  }
0x40e: {  	vm1 =	vgt.s32 v33, $0x0;
	[tilespmem:v14+s18+$0x0] =	vst.idx.add.f32.msk $0xffff, v30;
	v14 =	vtrunc.f32 v34  }
0x40f: {  	v33 =	vnsel vm1, $0x0, v33;
	v30 =	vld [tilespmem:s14+$0x100];
	v14 =	vcvt.f32.s32 v14;
	v62 =	vtrunc.f32 v35  }
0x410: {  	v33 =	vmin.u32 v33, $0xFFF;
	[tilespmem:v29+s17+$0x0] =	vst.idx.add.f32.msk $0xffff, v45;
	v34 =	vcvt.f32.s32 v62  }
0x411: {  	[tilespmem:v29+s18+$0x0] =	vst.idx.add.f32.msk $0xffff, v27;
	vm1 =	vgt.s32 v14, $0x0  }
0x412: {  	v27 =	vld [tilespmem:s23+$0x30];
	v14 =	vnsel vm1, $0x0, v14;
	vm1 =	vgt.s32 v34, $0x0  }
0x413: {  	[tilespmem:v1+s18+$0x0] =	vst.idx.add.f32.msk $0xffff, v9;
	v1 =	vmin.u32 v14, $0xFFF;
	v9 =	vnsel vm1, $0x0, v34  }
0x414: {  	v14 =	vld [tilespmem:s0+$0xFFFFFF50];
	v29 =	vmul.f32 v30, v23;
	v9 =	vmin.u32 v9, $0xFFF  }
0x415: {  	[tilespmem:v33+s17+$0x0] =	vst.idx.add.f32.msk $0xffff, v45  }
0x416: {  	[tilespmem:v33+s18+$0x0] =	vst.idx.add.f32.msk $0xffff, v26;
	v30 =	vsub.f32 v29, v3  }
0x417: {  	v26 =	vld [tilespmem:s23+$0xFFFFFEA0];
	v27 =	vmul.f32 v27, v11  }
0x418: {  	v30 =	vmul.f32 v30, v5;
	[tilespmem:v1+s17+$0x0] =	vst.idx.add.f32.msk $0xffff, v45  }
0x419: {  	v63 =	vsub.f32 v27, v3;
	[tilespmem:v9+s17+$0x0] =	vst.idx.add.f32.msk $0xffff, v45  }
0x41a: {  	v30 =	vtrunc.f32 v30;
	[tilespmem:v9+s18+$0x0] =	vst.idx.add.f32.msk $0xffff, v31  }
0x41b: {  	v9 =	vcvt.f32.s32 v30;
	v30 =	vmul.f32 v63, v5;
	v31 =	vld [tilespmem:s31+$0xA0];
	_ =	sdelay $0x1  }
0x41c: {  	vm1 =	vgt.s32 v9, $0x0;
	v30 =	vtrunc.f32 v30  }
0x41d: {  	v9 =	vnsel vm1, $0x0, v9;
	v30 =	vcvt.f32.s32 v30  }
0x41e: {  	v9 =	vmin.u32 v9, $0xFFF  }
0x41f: {  	vm1 =	vgt.s32 v30, $0x0;
	v31 =	vmul.f32 v31, v8  }
0x420: {  	v30 =	vnsel vm1, $0x0, v30  }
0x421: {  	v30 =	vmin.u32 v30, $0xFFF;
	v36 =	vsub.f32 v31, v3;
	_ =	sdelay $0x1  }
0x422: {  	[tilespmem:v9+s17+$0x0] =	vst.idx.add.f32.msk $0xffff, v45;
	v33 =	vmul.f32 v36, v5  }
0x423: {  	[tilespmem:v9+s18+$0x0] =	vst.idx.add.f32.msk $0xffff, v29  }
0x424: {  	v9 =	vld [tilespmem:s0+$0x110];
	v29 =	vtrunc.f32 v33  }
0x425: {  	[tilespmem:v30+s17+$0x0] =	vst.idx.add.f32.msk $0xffff, v45;
	v29 =	vcvt.f32.s32 v29  }
0x426: {  	v26 =	vmul.f32 v26, v10;
	[tilespmem:v30+s18+$0x0] =	vst.idx.add.f32.msk $0xffff, v27  }
0x427: {  	v27 =	vld [tilespmem:s23+$0x40];
	vm1 =	vgt.s32 v29, $0x0  }
0x428: {  	v30 =	vsub.f32 v26, v3;
	v29 =	vnsel vm1, $0x0, v29  }
0x429: {  	v9 =	vmul.f32 v9, v23;
	v29 =	vmin.u32 v29, $0xFFF  }
0x42a: {  	v30 =	vmul.f32 v30, v5  }
0x42b: {  	v37 =	vsub.f32 v9, v3  }
0x42c: {  	v30 =	vtrunc.f32 v30;
	v27 =	vmul.f32 v27, v11  }
0x42d: {  	v30 =	vcvt.f32.s32 v30;
	v33 =	vmul.f32 v37, v5  }
0x42e: {  	v38 =	vsub.f32 v27, v3;
	[tilespmem:v29+s17+$0x0] =	vst.idx.add.f32.msk $0xffff, v45  }
0x42f: {  	vm1 =	vgt.s32 v30, $0x0;
	v33 =	vtrunc.f32 v33;
	[tilespmem:v29+s18+$0x0] =	vst.idx.add.f32.msk $0xffff, v31  }
0x430: {  	v29 =	vnsel vm1, $0x0, v30;
	v30 =	vcvt.f32.s32 v33;
	v39 =	vmul.f32 v38, v5;
	v31 =	vld [tilespmem:s31+$0xB0]  }
0x431: {  	v14 =	vmul.f32 v14, v0;
	v29 =	vmin.u32 v29, $0xFFF  }
0x432: {  	[tilespmem:v1+s18+$0x0] =	vst.idx.add.f32.msk $0xffff, v32;
	vm1 =	vgt.s32 v30, $0x0;
	v1 =	vtrunc.f32 v39  }
0x433: {  	v40 =	vsub.f32 v14, v3;
	v41 =	vld [tilespmem:s31+$0xFFFFFF00];
	v30 =	vnsel vm1, $0x0, v30;
	v1 =	vcvt.f32.s32 v1  }
0x434: {  	v30 =	vmin.u32 v30, $0xFFF  }
0x435: {  	v32 =	vmul.f32 v40, v5;
	vm1 =	vgt.s32 v1, $0x0;
	v31 =	vmul.f32 v31, v8  }
0x436: {  	[tilespmem:v29+s17+$0x0] =	vst.idx.add.f32.msk $0xffff, v45;
	v1 =	vnsel vm1, $0x0, v1  }
0x437: {  	v32 =	vtrunc.f32 v32;
	[tilespmem:v29+s18+$0x0] =	vst.idx.add.f32.msk $0xffff, v26;
	v1 =	vmin.u32 v1, $0xFFF;
	v26 =	vsub.f32 v31, v3  }
0x438: {  	v42 =	vmul.f32 v41, v28;
	v29 =	vcvt.f32.s32 v32;
	v43 =	vld [tilespmem:s23+$0xFFFFFEB0]  }
0x439: {  	[tilespmem:v30+s17+$0x0] =	vst.idx.add.f32.msk $0xffff, v45;
	v26 =	vmul.f32 v26, v5  }
0x43a: {  	v44 =	vsub.f32 v42, v3;
	vm1 =	vgt.s32 v29, $0x0;
	[tilespmem:v30+s18+$0x0] =	vst.idx.add.f32.msk $0xffff, v9  }
0x43b: {  	v9 =	vnsel vm1, $0x0, v29;
	v29 =	vld [tilespmem:s0+$0x120];
	v26 =	vtrunc.f32 v26  }
0x43c: {  	v30 =	vmul.f32 v44, v5;
	v9 =	vmin.u32 v9, $0xFFF;
	[tilespmem:v1+s17+$0x0] =	vst.idx.add.f32.msk $0xffff, v45;
	v26 =	vcvt.f32.s32 v26  }
0x43d: {  	[tilespmem:v1+s18+$0x0] =	vst.idx.add.f32.msk $0xffff, v27  }
0x43e: {  	v1 =	vtrunc.f32 v30;
	v27 =	vld [tilespmem:s23+$0x50];
	vm1 =	vgt.s32 v26, $0x0  }
0x43f: {  	v30 =	vmul.f32 v43, v10;
	v1 =	vcvt.f32.s32 v1;
	v26 =	vnsel vm1, $0x0, v26  }
0x440: {  	v29 =	vmul.f32 v29, v23;
	v26 =	vmin.u32 v26, $0xFFF  }
0x441: {  	v33 =	vsub.f32 v30, v3;
	[tilespmem:v9+s17+$0x0] =	vst.idx.add.f32.msk $0xffff, v45;
	vm1 =	vgt.s32 v1, $0x0  }
0x442: {  	[tilespmem:v9+s18+$0x0] =	vst.idx.add.f32.msk $0xffff, v14;
	v1 =	vnsel vm1, $0x0, v1;
	v9 =	vsub.f32 v29, v3  }
0x443: {  	v33 =	vmul.f32 v33, v5;
	v14 =	vld [tilespmem:s0+$0xFFFFFF60];
	v1 =	vmin.u32 v1, $0xFFF;
	v27 =	vmul.f32 v27, v11  }
0x444: {  	v9 =	vmul.f32 v9, v5  }
0x445: {  	v33 =	vtrunc.f32 v33;
	v46 =	vsub.f32 v27, v3;
	[tilespmem:v26+s17+$0x0] =	vst.idx.add.f32.msk $0xffff, v45  }
0x446: {  	v33 =	vcvt.f32.s32 v33;
	v9 =	vtrunc.f32 v9;
	[tilespmem:v26+s18+$0x0] =	vst.idx.add.f32.msk $0xffff, v31  }
0x447: {  	v9 =	vcvt.f32.s32 v9;
	v31 =	vmul.f32 v46, v5;
	v26 =	vld [tilespmem:s31+$0xC0]  }
0x448: {  	vm1 =	vgt.s32 v33, $0x0;
	v14 =	vmul.f32 v14, v0;
	[tilespmem:v1+s17+$0x0] =	vst.idx.add.f32.msk $0xffff, v45  }
0x449: {  	[tilespmem:v1+s18+$0x0] =	vst.idx.add.f32.msk $0xffff, v42;
	v1 =	vnsel vm1, $0x0, v33;
	vm1 =	vgt.s32 v9, $0x0;
	v31 =	vtrunc.f32 v31  }
0x44a: {  	v32 =	vld [tilespmem:s31+$0xFFFFFF10];
	v1 =	vmin.u32 v1, $0xFFF;
	v9 =	vnsel vm1, $0x0, v9;
	v31 =	vcvt.f32.s32 v31  }
0x44b: {  	v8 =	vsel vm0, v8, v24;
	v47 =	vsub.f32 v14, v3;
	v9 =	vmin.u32 v9, $0xFFF  }
0x44c: {  	vm1 =	vgt.s32 v31, $0x0;
	v8 =	vmul.f32 v26, v8  }
0x44d: {  	v26 =	vmul.f32 v47, v5;
	v31 =	vnsel vm1, $0x0, v31  }
0x44e: {  	v31 =	vmin.u32 v31, $0xFFF;
	v48 =	vsub.f32 v8, v3  }
0x44f: {  	v32 =	vmul.f32 v32, v28;
	[tilespmem:v1+s17+$0x0] =	vst.idx.add.f32.msk $0xffff, v45;
	v26 =	vtrunc.f32 v26  }
0x450: {  	v26 =	vcvt.f32.s32 v26;
	[tilespmem:v9+s17+$0x0] =	vst.idx.add.f32.msk $0xffff, v45;
	v33 =	vmul.f32 v48, v5  }
0x451: {  	v49 =	vsub.f32 v32, v3;
	[tilespmem:v9+s18+$0x0] =	vst.idx.add.f32.msk $0xffff, v29  }
0x452: {  	vm1 =	vgt.s32 v26, $0x0;
	v9 =	vld [tilespmem:s0+$0x130];
	v29 =	vtrunc.f32 v33  }
0x453: {  	v50 =	vmul.f32 v49, v5;
	v26 =	vnsel vm1, $0x0, v26;
	[tilespmem:v31+s17+$0x0] =	vst.idx.add.f32.msk $0xffff, v45;
	v29 =	vcvt.f32.s32 v29  }
0x454: {  	v26 =	vmin.u32 v26, $0xFFF;
	[tilespmem:v31+s18+$0x0] =	vst.idx.add.f32.msk $0xffff, v27  }
0x455: {  	v27 =	vtrunc.f32 v50;
	v31 =	vld [tilespmem:s23+$0x60];
	vm1 =	vgt.s32 v29, $0x0  }
0x456: {  	s25 =	simm.s32 $0xAF0;
	[tilespmem:v1+s18+$0x0] =	vst.idx.add.f32.msk $0xffff, v30;
	v27 =	vcvt.f32.s32 v27;
	v1 =	vnsel vm1, $0x0, v29  }
0x457: {  	v53 =	vld [tilespmem:s25+$0x0];
	v9 =	vmul.f32 v9, v23;
	v1 =	vmin.u32 v1, $0xFFF  }
0x458: {  	v29 =	vld [tilespmem:s23+$0xFFFFFEC0];
	vm1 =	vgt.s32 v27, $0x0  }
0x459: {  	v27 =	vnsel vm1, $0x0, v27;
	[tilespmem:v26+s17+$0x0] =	vst.idx.add.f32.msk $0xffff, v45;
	v30 =	vsub.f32 v9, v3  }
0x45a: {  	[tilespmem:v26+s18+$0x0] =	vst.idx.add.f32.msk $0xffff, v14;
	v14 =	vmin.u32 v27, $0xFFF;
	v27 =	vmul.f32 v31, v11  }
0x45b: {  	v26 =	vld [tilespmem:s1+$0x100];
	v30 =	vmul.f32 v30, v5  }
0x45c: {  	v31 =	vsub.f32 v27, v3;
	[tilespmem:v1+s17+$0x0] =	vst.idx.add.f32.msk $0xffff, v45  }
0x45d: {  	v29 =	vmul.f32 v29, v10;
	v30 =	vtrunc.f32 v30;
	[tilespmem:v1+s18+$0x0] =	vst.idx.add.f32.msk $0xffff, v8  }
0x45e: {  	v8 =	vcvt.f32.s32 v30;
	v31 =	vmul.f32 v31, v5;
	v30 =	vld [tilespmem:s31+$0xD0]  }
0x45f: {  	v1 =	vsub.f32 v29, v3;
	[tilespmem:v14+s17+$0x0] =	vst.idx.add.f32.msk $0xffff, v45  }
0x460: {  	[tilespmem:v14+s18+$0x0] =	vst.idx.add.f32.msk $0xffff, v32;
	vm1 =	vgt.s32 v8, $0x0;
	v14 =	vtrunc.f32 v31  }
0x461: {  	s26 =	simm.s32 $0x195E0;
	v1 =	vmul.f32 v1, v5;
	v31 =	vld [tilespmem:s31+$0xFFFFFF20];
	v8 =	vnsel vm1, $0x0, v8;
	v14 =	vcvt.f32.s32 v14  }
0x462: {  	v51 =	vmul.f32 v26, v0;
	v26 =	vld [tilespmem:s26+$0x0];
	v8 =	vmin.u32 v8, $0xFFF  }
0x463: {  	v1 =	vtrunc.f32 v1;
	vm1 =	vgt.s32 v14, $0x0;
	v30 =	vmul.f32 v30, v24  }
0x464: {  	v52 =	vsub.f32 v51, v3;
	v1 =	vcvt.f32.s32 v1;
	v14 =	vnsel vm1, $0x0, v14  }
0x465: {  	v14 =	vmin.u32 v14, $0xFFF;
	v54 =	vsub.f32 v30, v3  }
0x466: {  	v33 =	vmul.f32 v52, v5;
	vm1 =	vgt.s32 v1, $0x0;
	v31 =	vmul.f32 v31, v28  }
0x467: {  	v34 =	vmul.f32 v53, v26;
	v1 =	vnsel vm1, $0x0, v1;
	[tilespmem:v8+s17+$0x0] =	vst.idx.add.f32.msk $0xffff, v45;
	v35 =	vmul.f32 v54, v5  }
0x468: {  	v33 =	vtrunc.f32 v33;
	v1 =	vmin.u32 v1, $0xFFF;
	v36 =	vsub.f32 v31, v3;
	[tilespmem:v8+s18+$0x0] =	vst.idx.add.f32.msk $0xffff, v9  }
0x469: {  	v33 =	vcvt.f32.s32 v33;
	v8 =	vld [tilespmem:s0+$0x140];
	v9 =	vtrunc.f32 v35  }
0x46a: {  	v55 =	vmul.f32 v36, v5;
	[tilespmem:v14+s17+$0x0] =	vst.idx.add.f32.msk $0xffff, v45;
	v9 =	vcvt.f32.s32 v9  }
0x46b: {  	v56 =	vsub.f32 v34, v3;
	vm1 =	vgt.s32 v33, $0x0;
	[tilespmem:v14+s18+$0x0] =	vst.idx.add.f32.msk $0xffff, v27  }
0x46c: {  	v27 =	vnsel vm1, $0x0, v33;
	v14 =	vtrunc.f32 v55;
	v57 =	vld [tilespmem:s23+$0x70];
	vm1 =	vgt.s32 v9, $0x0  }
0x46d: {  	[tilespmem:v1+s17+$0x0] =	vst.idx.add.f32.msk $0xffff, v45;
	v58 =	vmin.u32 v27, $0xFFF;
	v27 =	vmul.f32 v56, v5;
	v9 =	vnsel vm1, $0x0, v9  }
0x46e: {  	v14 =	vcvt.f32.s32 v14;
	[tilespmem:v1+s18+$0x0] =	vst.idx.add.f32.msk $0xffff, v29;
	v1 =	vmin.u32 v9, $0xFFF  }
0x46f: {  	v29 =	vtrunc.f32 v27;
	v27 =	vld [tilespmem:s26+$0xFFFFFFE0];
	v59 =	vmul.f32 v8, v23  }
0x470: {  	v9 =	vld [tilespmem:s25+$0xFFFFFE70];
	vm1 =	vgt.s32 v14, $0x0;
	v8 =	vcvt.f32.s32 v29  }
0x471: {  	v29 =	vld [tilespmem:s23+$0xFFFFFED0];
	v14 =	vnsel vm1, $0x0, v14;
	v37 =	vsub.f32 v59, v3  }
0x472: {  	v33 =	vmul.f32 v57, v11;
	v14 =	vmin.u32 v14, $0xFFF;
	[tilespmem:v58+s17+$0x0] =	vst.idx.add.f32.msk $0xffff, v45;
	vm1 =	vgt.s32 v8, $0x0  }
0x473: {  	v8 =	vnsel vm1, $0x0, v8;
	v37 =	vmul.f32 v37, v5;
	[tilespmem:v1+s17+$0x0] =	vst.idx.add.f32.msk $0xffff, v45  }
0x474: {  	v38 =	vsub.f32 v33, v3;
	v8 =	vmin.u32 v8, $0xFFF;
	[tilespmem:v1+s18+$0x0] =	vst.idx.add.f32.msk $0xffff, v30  }
0x475: {  	v60 =	vtrunc.f32 v37;
	v30 =	vld [tilespmem:s31+$0xE0]  }
0x476: {  	[tilespmem:v58+s18+$0x0] =	vst.idx.add.f32.msk $0xffff, v51;
	v1 =	vmul.f32 v9, v27;
	v9 =	vmul.f32 v38, v5  }
0x477: {  	v32 =	vcvt.f32.s32 v60;
	[tilespmem:v14+s17+$0x0] =	vst.idx.add.f32.msk $0xffff, v45  }
0x478: {  	v61 =	vsub.f32 v1, v3;
	v62 =	vtrunc.f32 v9;
	v9 =	vld [tilespmem:s26+$0x10]  }
0x479: {  	vm1 =	vgt.s32 v32, $0x0;
	v37 =	vcvt.f32.s32 v62;
	[tilespmem:v8+s17+$0x0] =	vst.idx.add.f32.msk $0xffff, v45  }
0x47a: {  	v32 =	vnsel vm1, $0x0, v32;
	v35 =	vmul.f32 v61, v5;
	[tilespmem:v8+s18+$0x0] =	vst.idx.add.f32.msk $0xffff, v34;
	v30 =	vmul.f32 v30, v24  }
0x47b: {  	v29 =	vmul.f32 v29, v10;
	v32 =	vmin.u32 v32, $0xFFF;
	vm1 =	vgt.s32 v37, $0x0;
	v34 =	vld [tilespmem:s25+$0x10]  }
0x47c: {  	[tilespmem:v14+s18+$0x0] =	vst.idx.add.f32.msk $0xffff, v31;
	v8 =	vnsel vm1, $0x0, v37;
	v14 =	vtrunc.f32 v35;
	v31 =	vsub.f32 v30, v3  }
0x47d: {  	v39 =	vld [tilespmem:s0+$0xFFFFFF80];
	v41 =	vsub.f32 v29, v3;
	v63 =	vmin.u32 v8, $0xFFF;
	v14 =	vcvt.f32.s32 v14  }
0x47e: {  	v42 =	vld [tilespmem:s31+$0xFFFFFF30];
	v31 =	vmul.f32 v31, v5  }
0x47f: {  	v37 =	vmul.f32 v41, v5;
	v8 =	vld [tilespmem:s26+$0xFFFFFFF0];
	vm1 =	vgt.s32 v14, $0x0  }
0x480: {  	[tilespmem:v32+s17+$0x0] =	vst.idx.add.f32.msk $0xffff, v45;
	v14 =	vnsel vm1, $0x0, v14;
	v34 =	vmul.f32 v34, v26;
	v31 =	vtrunc.f32 v31  }
0x481: {  	[tilespmem:v32+s18+$0x0] =	vst.idx.add.f32.msk $0xffff, v59;
	v14 =	vmin.u32 v14, $0xFFF;
	v31 =	vcvt.f32.s32 v31  }
0x482: {  	s19 =	simm.s32 $0x7D0;
	v28 =	vsel vm0, v28, v6;
	v37 =	vtrunc.f32 v37;
	[tilespmem:v63+s17+$0x0] =	vst.idx.add.f32.msk $0xffff, v45;
	v43 =	vsub.f32 v34, v3  }
0x483: {  	s12 =	sand.u32 $0x1FFF0, s19;
	v28 =	vmul.f32 v42, v28;
	v44 =	vcvt.f32.s32 v37;
	[tilespmem:v63+s18+$0x0] =	vst.idx.add.f32.msk $0xffff, v33;
	vm1 =	vgt.s32 v31, $0x0  }
0x484: {  	v35 =	vld [tilespmem:s12+$0x80];
	v47 =	vmul.f32 v43, v5;
	v31 =	vnsel vm1, $0x0, v31  }
0x485: {  	v46 =	vsub.f32 v28, v3;
	v49 =	vld [tilespmem:s0+$0x150];
	vm1 =	vgt.s32 v44, $0x0;
	v31 =	vmin.u32 v31, $0xFFF  }
0x486: {  	v48 =	vmul.f32 v39, v0;
	[tilespmem:v14+s17+$0x0] =	vst.idx.add.f32.msk $0xffff, v45;
	v32 =	vtrunc.f32 v47;
	v33 =	vnsel vm1, $0x0, v44  }
0x487: {  	v37 =	vmul.f32 v46, v5;
	[tilespmem:v14+s18+$0x0] =	vst.idx.add.f32.msk $0xffff, v1;
	v1 =	vcvt.f32.s32 v32;
	v14 =	vmin.u32 v33, $0xFFF  }
0x488: {  	v39 =	vsub.f32 v48, v3;
	v51 =	vld [tilespmem:s25+$0xFFFFFE80]  }
0x489: {  	v50 =	vtrunc.f32 v37;
	v35 =	vmul.f32 v35, v11;
	vm1 =	vgt.s32 v1, $0x0  }
0x48a: {  	v52 =	vmul.f32 v39, v5;
	v32 =	vcvt.f32.s32 v50;
	v1 =	vnsel vm1, $0x0, v1;
	[tilespmem:v31+s17+$0x0] =	vst.idx.add.f32.msk $0xffff, v45  }
0x48b: {  	v38 =	vmul.f32 v49, v23;
	v53 =	vsub.f32 v35, v3;
	v1 =	vmin.u32 v1, $0xFFF;
	[tilespmem:v31+s18+$0x0] =	vst.idx.add.f32.msk $0xffff, v30  }
0x48c: {  	vm1 =	vgt.s32 v32, $0x0;
	v30 =	vtrunc.f32 v52;
	[tilespmem:v14+s17+$0x0] =	vst.idx.add.f32.msk $0xffff, v45  }
0x48d: {  	v31 =	vsub.f32 v38, v3;
	v39 =	vmul.f32 v53, v5;
	v33 =	vmul.f32 v51, v27;
	v54 =	vld [tilespmem:s31+$0xF0]  }
0x48e: {  	v32 =	vnsel vm1, $0x0, v32;
	v30 =	vcvt.f32.s32 v30;
	[tilespmem:v14+s18+$0x0] =	vst.idx.add.f32.msk $0xffff, v29  }
0x48f: {  	v14 =	vmul.f32 v31, v5;
	v29 =	vtrunc.f32 v39;
	v31 =	vld [tilespmem:s23+$0xFFFFFEE0];
	v55 =	vsub.f32 v33, v3  }
0x490: {  	v32 =	vmin.u32 v32, $0xFFF;
	vm1 =	vgt.s32 v30, $0x0;
	v29 =	vcvt.f32.s32 v29;
	[tilespmem:v1+s17+$0x0] =	vst.idx.add.f32.msk $0xffff, v45  }
0x491: {  	v30 =	vnsel vm1, $0x0, v30;
	v14 =	vtrunc.f32 v14;
	v39 =	vmul.f32 v55, v5;
	[tilespmem:v1+s18+$0x0] =	vst.idx.add.f32.msk $0xffff, v34  }
0x492: {  	vm1 =	vgt.s32 v29, $0x0;
	v30 =	vmin.u32 v30, $0xFFF;
	v34 =	vld [tilespmem:s25+$0x20];
	v1 =	vmul.f32 v54, v24  }
0x493: {  	v14 =	vcvt.f32.s32 v14;
	v29 =	vnsel vm1, $0x0, v29;
	v56 =	vtrunc.f32 v39  }
0x494: {  	v29 =	vmin.u32 v29, $0xFFF;
	v31 =	vmul.f32 v31, v10;
	v57 =	vsub.f32 v1, v3  }
0x495: {  	[tilespmem:v32+s17+$0x0] =	vst.idx.add.f32.msk $0xffff, v45;
	vm1 =	vgt.s32 v14, $0x0;
	v37 =	vcvt.f32.s32 v56  }
0x496: {  	[tilespmem:v32+s18+$0x0] =	vst.idx.add.f32.msk $0xffff, v28;
	v14 =	vnsel vm1, $0x0, v14;
	v58 =	vsub.f32 v31, v3;
	v28 =	vmul.f32 v57, v5  }
0x497: {  	v32 =	vld [tilespmem:s31+$0xFFFFFF40];
	v14 =	vmin.u32 v14, $0xFFF;
	vm1 =	vgt.s32 v37, $0x0;
	v34 =	vmul.f32 v34, v26  }
0x498: {  	[tilespmem:v30+s17+$0x0] =	vst.idx.add.f32.msk $0xffff, v45;
	v37 =	vnsel vm1, $0x0, v37;
	v39 =	vmul.f32 v58, v5;
	v28 =	vtrunc.f32 v28  }
0x499: {  	v37 =	vmin.u32 v37, $0xFFF;
	[tilespmem:v29+s17+$0x0] =	vst.idx.add.f32.msk $0xffff, v45;
	v28 =	vcvt.f32.s32 v28  }
0x49a: {  	v40 =	vsub.f32 v34, v3;
	[tilespmem:v29+s18+$0x0] =	vst.idx.add.f32.msk $0xffff, v35;
	v29 =	vtrunc.f32 v39  }
0x49b: {  	v35 =	vld [tilespmem:s23+$0x90];
	v29 =	vcvt.f32.s32 v29;
	vm1 =	vgt.s32 v28, $0x0  }
0x49c: {  	[tilespmem:v14+s17+$0x0] =	vst.idx.add.f32.msk $0xffff, v45;
	v59 =	vmul.f32 v40, v5;
	v28 =	vnsel vm1, $0x0, v28  }
0x49d: {  	[tilespmem:v14+s18+$0x0] =	vst.idx.add.f32.msk $0xffff, v38;
	vm1 =	vgt.s32 v29, $0x0;
	v14 =	vmin.u32 v28, $0xFFF  }
0x49e: {  	[tilespmem:v37+s17+$0x0] =	vst.idx.add.f32.msk $0xffff, v45;
	v60 =	vtrunc.f32 v59;
	v28 =	vmul.f32 v32, v6;
	v29 =	vnsel vm1, $0x0, v29  }
0x49f: {  	[tilespmem:v37+s18+$0x0] =	vst.idx.add.f32.msk $0xffff, v33;
	v32 =	vcvt.f32.s32 v60;
	v29 =	vmin.u32 v29, $0xFFF  }
0x4a0: {  	v37 =	vld [tilespmem:s25+$0xFFFFFE90];
	v61 =	vsub.f32 v28, v3  }
0x4a1: {  	v38 =	vld [tilespmem:s0+$0x160];
	v35 =	vmul.f32 v35, v11;
	vm1 =	vgt.s32 v32, $0x0  }
0x4a2: {  	v32 =	vnsel vm1, $0x0, v32;
	v33 =	vmul.f32 v61, v5;
	[tilespmem:v14+s17+$0x0] =	vst.idx.add.f32.msk $0xffff, v45  }
0x4a3: {  	v62 =	vsub.f32 v35, v3;
	v32 =	vmin.u32 v32, $0xFFF;
	[tilespmem:v14+s18+$0x0] =	vst.idx.add.f32.msk $0xffff, v1  }
0x4a4: {  	v1 =	vtrunc.f32 v33;
	[tilespmem:v29+s17+$0x0] =	vst.idx.add.f32.msk $0xffff, v45  }
0x4a5: {  	s19 =	simm.s32 $0x640;
	v63 =	vmul.f32 v62, v5;
	v37 =	vmul.f32 v37, v27;
	v14 =	vld [tilespmem:s11+$0x100]  }
0x4a6: {  	s26 =	sand.u32 $0x1FFE0, s19;
	v1 =	vcvt.f32.s32 v1;
	[tilespmem:v29+s18+$0x0] =	vst.idx.add.f32.msk $0xffff, v31  }
0x4a7: {  	v29 =	vtrunc.f32 v63;
	v31 =	vld [tilespmem:s26+$0x80];
	v40 =	vsub.f32 v37, v3  }
0x4a8: {  	vm1 =	vgt.s32 v1, $0x0;
	v29 =	vcvt.f32.s32 v29;
	[tilespmem:v32+s17+$0x0] =	vst.idx.add.f32.msk $0xffff, v45  }
0x4a9: {  	v1 =	vnsel vm1, $0x0, v1;
	v33 =	vmul.f32 v40, v5;
	[tilespmem:v32+s18+$0x0] =	vst.idx.add.f32.msk $0xffff, v34  }
0x4aa: {  	vm1 =	vgt.s32 v29, $0x0;
	v1 =	vmin.u32 v1, $0xFFF;
	v32 =	vld [tilespmem:s25+$0x30];
	v14 =	vmul.f32 v14, v24  }
0x4ab: {  	[tilespmem:v30+s18+$0x0] =	vst.idx.add.f32.msk $0xffff, v48;
	v29 =	vnsel vm1, $0x0, v29;
	v30 =	vtrunc.f32 v33  }
0x4ac: {  	v29 =	vmin.u32 v29, $0xFFF;
	v31 =	vmul.f32 v31, v10;
	v41 =	vsub.f32 v14, v3  }
0x4ad: {  	v42 =	vld [tilespmem:s0+$0xFFFFFF90];
	v30 =	vcvt.f32.s32 v30  }
0x4ae: {  	v44 =	vsub.f32 v31, v3;
	v33 =	vmul.f32 v41, v5  }
0x4af: {  	v43 =	vmul.f32 v38, v23;
	vm1 =	vgt.s32 v30, $0x0;
	[tilespmem:v1+s17+$0x0] =	vst.idx.add.f32.msk $0xffff, v45;
	v32 =	vmul.f32 v32, v26  }
0x4b0: {  	v30 =	vnsel vm1, $0x0, v30;
	v38 =	vmul.f32 v44, v5;
	[tilespmem:v1+s18+$0x0] =	vst.idx.add.f32.msk $0xffff, v28;
	v33 =	vtrunc.f32 v33  }
0x4b1: {  	v30 =	vmin.u32 v30, $0xFFF;
	[tilespmem:v29+s17+$0x0] =	vst.idx.add.f32.msk $0xffff, v45;
	v33 =	vcvt.f32.s32 v33  }
0x4b2: {  	v34 =	vmul.f32 v42, v0;
	v46 =	vsub.f32 v32, v3;
	[tilespmem:v29+s18+$0x0] =	vst.idx.add.f32.msk $0xffff, v35;
	v47 =	vtrunc.f32 v38  }
0x4b3: {  	v48 =	vld [tilespmem:s23+$0xA0];
	v1 =	vcvt.f32.s32 v47;
	vm1 =	vgt.s32 v33, $0x0  }
0x4b4: {  	v49 =	vsub.f32 v34, v3;
	v50 =	vld [tilespmem:s31+$0xFFFFFF50];
	v28 =	vmul.f32 v46, v5;
	v33 =	vnsel vm1, $0x0, v33  }
0x4b5: {  	v29 =	vsub.f32 v43, v3;
	vm1 =	vgt.s32 v1, $0x0;
	v33 =	vmin.u32 v33, $0xFFF  }
0x4b6: {  	v35 =	vmul.f32 v49, v5;
	[tilespmem:v30+s17+$0x0] =	vst.idx.add.f32.msk $0xffff, v45;
	v28 =	vtrunc.f32 v28;
	v1 =	vnsel vm1, $0x0, v1  }
0x4b7: {  	v29 =	vmul.f32 v29, v5;
	[tilespmem:v30+s18+$0x0] =	vst.idx.add.f32.msk $0xffff, v37;
	v28 =	vcvt.f32.s32 v28;
	v1 =	vmin.u32 v1, $0xFFF  }
0x4b8: {  	v35 =	vtrunc.f32 v35;
	v30 =	vld [tilespmem:s25+$0xFFFFFEA0];
	v51 =	vmul.f32 v48, v11  }
0x4b9: {  	v29 =	vtrunc.f32 v29;
	v52 =	vmul.f32 v50, v6;
	vm1 =	vgt.s32 v28, $0x0  }
0x4ba: {  	v29 =	vcvt.f32.s32 v29;
	v28 =	vnsel vm1, $0x0, v28;
	v53 =	vsub.f32 v51, v3;
	[tilespmem:v33+s17+$0x0] =	vst.idx.add.f32.msk $0xffff, v45  }
0x4bb: {  	v35 =	vcvt.f32.s32 v35;
	v28 =	vmin.u32 v28, $0xFFF;
	[tilespmem:v33+s18+$0x0] =	vst.idx.add.f32.msk $0xffff, v14  }
0x4bc: {  	vm1 =	vgt.s32 v29, $0x0;
	v14 =	vsub.f32 v52, v3;
	v39 =	vmul.f32 v53, v5;
	[tilespmem:v1+s17+$0x0] =	vst.idx.add.f32.msk $0xffff, v45  }
0x4bd: {  	vm2 =	vgt.s32 v35, $0x0;
	v29 =	vnsel vm1, $0x0, v29;
	v30 =	vmul.f32 v30, v27;
	v33 =	vld [tilespmem:s31+$0x110]  }
0x4be: {  	v29 =	vmin.u32 v29, $0xFFF;
	[tilespmem:v1+s18+$0x0] =	vst.idx.add.f32.msk $0xffff, v31;
	v14 =	vmul.f32 v14, v5;
	v1 =	vtrunc.f32 v39  }
0x4bf: {  	v31 =	vnsel vm2, $0x0, v35;
	v54 =	vld [tilespmem:s23+$0xFFFFFF00];
	v55 =	vsub.f32 v30, v3;
	v1 =	vcvt.f32.s32 v1  }
0x4c0: {  	v31 =	vmin.u32 v31, $0xFFF;
	[tilespmem:v28+s17+$0x0] =	vst.idx.add.f32.msk $0xffff, v45;
	v14 =	vtrunc.f32 v14  }
0x4c1: {  	v39 =	vmul.f32 v55, v5;
	[tilespmem:v28+s18+$0x0] =	vst.idx.add.f32.msk $0xffff, v32;
	vm1 =	vgt.s32 v1, $0x0;
	v14 =	vcvt.f32.s32 v14  }
0x4c2: {  	v28 =	vld [tilespmem:s25+$0x40];
	v33 =	vmul.f32 v33, v24;
	v1 =	vnsel vm1, $0x0, v1  }
0x4c3: {  	[tilespmem:v29+s17+$0x0] =	vst.idx.add.f32.msk $0xffff, v45;
	v56 =	vtrunc.f32 v39;
	v1 =	vmin.u32 v1, $0xFFF;
	vm1 =	vgt.s32 v14, $0x0  }
0x4c4: {  	[tilespmem:v29+s18+$0x0] =	vst.idx.add.f32.msk $0xffff, v43;
	v29 =	vmul.f32 v54, v10;
	v32 =	vcvt.f32.s32 v56;
	v57 =	vsub.f32 v33, v3  }
0x4c5: {  	[tilespmem:v31+s17+$0x0] =	vst.idx.add.f32.msk $0xffff, v45;
	v14 =	vnsel vm1, $0x0, v14  }
0x4c6: {  	[tilespmem:v31+s18+$0x0] =	vst.idx.add.f32.msk $0xffff, v34;
	v31 =	vsub.f32 v29, v3;
	vm1 =	vgt.s32 v32, $0x0;
	v58 =	vmul.f32 v57, v5  }
0x4c7: {  	v60 =	vld [tilespmem:s0+$0x170];
	v14 =	vmin.u32 v14, $0xFFF;
	v32 =	vnsel vm1, $0x0, v32;
	v28 =	vmul.f32 v28, v26  }
0x4c8: {  	v34 =	vld [tilespmem:s0+$0xFFFFFFA0];
	v32 =	vmin.u32 v32, $0xFFF;
	v31 =	vmul.f32 v31, v5;
	v35 =	vtrunc.f32 v58  }
0x4c9: {  	[tilespmem:v1+s17+$0x0] =	vst.idx.add.f32.msk $0xffff, v45;
	v35 =	vcvt.f32.s32 v35  }
0x4ca: {  	[tilespmem:v1+s18+$0x0] =	vst.idx.add.f32.msk $0xffff, v51;
	v1 =	vsub.f32 v28, v3;
	v31 =	vtrunc.f32 v31  }
0x4cb: {  	v59 =	vld [tilespmem:s23+$0xB0];
	v31 =	vcvt.f32.s32 v31;
	vm1 =	vgt.s32 v35, $0x0  }
0x4cc: {  	[tilespmem:v14+s17+$0x0] =	vst.idx.add.f32.msk $0xffff, v45;
	v1 =	vmul.f32 v1, v5;
	v35 =	vnsel vm1, $0x0, v35  }
0x4cd: {  	v34 =	vmul.f32 v34, v0;
	[tilespmem:v32+s17+$0x0] =	vst.idx.add.f32.msk $0xffff, v45;
	vm1 =	vgt.s32 v31, $0x0;
	v35 =	vmin.u32 v35, $0xFFF  }
0x4ce: {  	v1 =	vtrunc.f32 v1;
	[tilespmem:v32+s18+$0x0] =	vst.idx.add.f32.msk $0xffff, v30;
	v30 =	vnsel vm1, $0x0, v31  }
0x4cf: {  	[tilespmem:v14+s18+$0x0] =	vst.idx.add.f32.msk $0xffff, v52;
	v61 =	vsub.f32 v34, v3;
	v1 =	vcvt.f32.s32 v1;
	v30 =	vmin.u32 v30, $0xFFF  }
0x4d0: {  	v31 =	vld [tilespmem:s25+$0xFFFFFEB0];
	v62 =	vmul.f32 v59, v11  }
0x4d1: {  	v38 =	vld [tilespmem:s31+$0xFFFFFF60];
	v14 =	vmul.f32 v61, v5;
	vm1 =	vgt.s32 v1, $0x0  }
0x4d2: {  	v63 =	vmul.f32 v60, v23;
	v40 =	vsub.f32 v62, v3;
	v1 =	vnsel vm1, $0x0, v1;
	[tilespmem:v35+s17+$0x0] =	vst.idx.add.f32.msk $0xffff, v45  }
0x4d3: {  	v14 =	vtrunc.f32 v14;
	v1 =	vmin.u32 v1, $0xFFF;
	[tilespmem:v35+s18+$0x0] =	vst.idx.add.f32.msk $0xffff, v33  }
0x4d4: {  	v41 =	vsub.f32 v63, v3;
	v14 =	vcvt.f32.s32 v14;
	v37 =	vmul.f32 v40, v5;
	[tilespmem:v30+s17+$0x0] =	vst.idx.add.f32.msk $0xffff, v45  }
0x4d5: {  	v31 =	vmul.f32 v31, v27;
	v35 =	vld [tilespmem:s31+$0x120]  }
0x4d6: {  	v33 =	vmul.f32 v41, v5;
	vm1 =	vgt.s32 v14, $0x0;
	[tilespmem:v30+s18+$0x0] =	vst.idx.add.f32.msk $0xffff, v29;
	v37 =	vtrunc.f32 v37  }
0x4d7: {  	v14 =	vnsel vm1, $0x0, v14;
	v29 =	vsub.f32 v31, v3;
	v43 =	vld [tilespmem:s23+$0xFFFFFF10];
	v30 =	vcvt.f32.s32 v37  }
0x4d8: {  	v14 =	vmin.u32 v14, $0xFFF;
	[tilespmem:v1+s17+$0x0] =	vst.idx.add.f32.msk $0xffff, v45  }
0x4d9: {  	v33 =	vtrunc.f32 v33;
	v29 =	vmul.f32 v29, v5;
	vm1 =	vgt.s32 v30, $0x0;
	[tilespmem:v1+s18+$0x0] =	vst.idx.add.f32.msk $0xffff, v28  }
0x4da: {  	v1 =	vcvt.f32.s32 v33;
	v35 =	vmul.f32 v35, v24;
	v30 =	vnsel vm1, $0x0, v30;
	v42 =	vld [tilespmem:s25+$0x50]  }
0x4db: {  	v28 =	vmul.f32 v38, v6;
	v29 =	vtrunc.f32 v29;
	v30 =	vmin.u32 v30, $0xFFF  }
0x4dc: {  	v29 =	vcvt.f32.s32 v29;
	v44 =	vsub.f32 v35, v3  }
0x4dd: {  	vm1 =	vgt.s32 v1, $0x0;
	v46 =	vsub.f32 v28, v3;
	[tilespmem:v14+s17+$0x0] =	vst.idx.add.f32.msk $0xffff, v45;
	v37 =	vmul.f32 v43, v10  }
0x4de: {  	v1 =	vnsel vm1, $0x0, v1;
	[tilespmem:v14+s18+$0x0] =	vst.idx.add.f32.msk $0xffff, v34;
	vm1 =	vgt.s32 v29, $0x0;
	v38 =	vmul.f32 v44, v5  }
0x4df: {  	v1 =	vmin.u32 v1, $0xFFF;
	v14 =	vld [tilespmem:s0+$0xFFFFFFB0];
	v29 =	vnsel vm1, $0x0, v29;
	v33 =	vmul.f32 v42, v26  }
0x4e0: {  	v39 =	vmul.f32 v46, v5;
	v29 =	vmin.u32 v29, $0xFFF;
	v47 =	vtrunc.f32 v38;
	[tilespmem:v30+s17+$0x0] =	vst.idx.add.f32.msk $0xffff, v45  }
0x4e1: {  	v34 =	vcvt.f32.s32 v47;
	[tilespmem:v30+s18+$0x0] =	vst.idx.add.f32.msk $0xffff, v62;
	v30 =	vsub.f32 v33, v3  }
0x4e2: {  	v49 =	vsub.f32 v37, v3;
	v48 =	vtrunc.f32 v39;
	v50 =	vld [tilespmem:s23+$0xC0]  }
0x4e3: {  	v32 =	vcvt.f32.s32 v48;
	vm1 =	vgt.s32 v34, $0x0;
	v30 =	vmul.f32 v30, v5  }
0x4e4: {  	v38 =	vmul.f32 v49, v5;
	[tilespmem:v1+s17+$0x0] =	vst.idx.add.f32.msk $0xffff, v45;
	v14 =	vmul.f32 v14, v0;
	v34 =	vnsel vm1, $0x0, v34  }
0x4e5: {  	vm1 =	vgt.s32 v32, $0x0;
	[tilespmem:v29+s17+$0x0] =	vst.idx.add.f32.msk $0xffff, v45;
	v34 =	vmin.u32 v34, $0xFFF;
	v30 =	vtrunc.f32 v30  }
0x4e6: {  	v11 =	vsel vm0, v11, v25;
	v32 =	vnsel vm1, $0x0, v32;
	[tilespmem:v29+s18+$0x0] =	vst.idx.add.f32.msk $0xffff, v31;
	v29 =	vcvt.f32.s32 v30  }
0x4e7: {  	v31 =	vsub.f32 v14, v3;
	v30 =	vtrunc.f32 v38;
	v51 =	vld [tilespmem:s25+$0xFFFFFEC0];
	v11 =	vmul.f32 v50, v11  }
0x4e8: {  	[tilespmem:v1+s18+$0x0] =	vst.idx.add.f32.msk $0xffff, v63;
	v1 =	vmin.u32 v32, $0xFFF;
	v52 =	vcvt.f32.s32 v30;
	vm1 =	vgt.s32 v29, $0x0  }
0x4e9: {  	v30 =	vmul.f32 v31, v5;
	v31 =	vsub.f32 v11, v3;
	v29 =	vnsel vm1, $0x0, v29  }
0x4ea: {  	[tilespmem:v34+s17+$0x0] =	vst.idx.add.f32.msk $0xffff, v45;
	v29 =	vmin.u32 v29, $0xFFF  }
0x4eb: {  	[tilespmem:v34+s18+$0x0] =	vst.idx.add.f32.msk $0xffff, v35;
	v31 =	vmul.f32 v31, v5  }
0x4ec: {  	v53 =	vtrunc.f32 v30;
	v54 =	vmul.f32 v51, v27;
	v35 =	vld [tilespmem:s31+$0x130]  }
0x4ed: {  	vm1 =	vgt.s32 v52, $0x0;
	v34 =	vcvt.f32.s32 v53;
	[tilespmem:v1+s17+$0x0] =	vst.idx.add.f32.msk $0xffff, v45;
	v31 =	vtrunc.f32 v31  }
0x4ee: {  	v32 =	vnsel vm1, $0x0, v52;
	[tilespmem:v1+s18+$0x0] =	vst.idx.add.f32.msk $0xffff, v28;
	v1 =	vsub.f32 v54, v3;
	v28 =	vcvt.f32.s32 v31  }
0x4ef: {  	v32 =	vmin.u32 v32, $0xFFF;
	vm1 =	vgt.s32 v34, $0x0;
	[tilespmem:v29+s17+$0x0] =	vst.idx.add.f32.msk $0xffff, v45  }
0x4f0: {  	v31 =	vnsel vm1, $0x0, v34;
	v1 =	vmul.f32 v1, v5;
	vm1 =	vgt.s32 v28, $0x0;
	[tilespmem:v29+s18+$0x0] =	vst.idx.add.f32.msk $0xffff, v33  }
0x4f1: {  	v29 =	vmin.u32 v31, $0xFFF;
	v55 =	vmul.f32 v35, v24;
	v28 =	vnsel vm1, $0x0, v28;
	v31 =	vld [tilespmem:s25+$0x60]  }
0x4f2: {  	v1 =	vtrunc.f32 v1;
	v28 =	vmin.u32 v28, $0xFFF  }
0x4f3: {  	v56 =	vld [tilespmem:s24+$0x100];
	v1 =	vcvt.f32.s32 v1;
	v35 =	vsub.f32 v55, v3  }
0x4f4: {  	[tilespmem:v32+s17+$0x0] =	vst.idx.add.f32.msk $0xffff, v45  }
0x4f5: {  	[tilespmem:v32+s18+$0x0] =	vst.idx.add.f32.msk $0xffff, v37;
	vm1 =	vgt.s32 v1, $0x0;
	v57 =	vmul.f32 v35, v5  }
0x4f6: {  	v58 =	vld [tilespmem:s23+$0xFFFFFF20];
	v1 =	vnsel vm1, $0x0, v1;
	v31 =	vmul.f32 v31, v26  }
0x4f7: {  	v1 =	vmin.u32 v1, $0xFFF;
	v32 =	vtrunc.f32 v57;
	[tilespmem:v28+s17+$0x0] =	vst.idx.add.f32.msk $0xffff, v45  }
0x4f8: {  	v33 =	vmul.f32 v56, v6;
	v32 =	vcvt.f32.s32 v32;
	[tilespmem:v28+s18+$0x0] =	vst.idx.add.f32.msk $0xffff, v11;
	v11 =	vsub.f32 v31, v3  }
0x4f9: {  	v28 =	vld [tilespmem:s23+$0xD0]  }
0x4fa: {  	v59 =	vsub.f32 v33, v3;
	[tilespmem:v29+s17+$0x0] =	vst.idx.add.f32.msk $0xffff, v45;
	vm1 =	vgt.s32 v32, $0x0;
	v11 =	vmul.f32 v11, v5  }
0x4fb: {  	[tilespmem:v29+s18+$0x0] =	vst.idx.add.f32.msk $0xffff, v14;
	v60 =	vmul.f32 v58, v10;
	v14 =	vnsel vm1, $0x0, v32  }
0x4fc: {  	v29 =	vmul.f32 v59, v5;
	[tilespmem:v1+s17+$0x0] =	vst.idx.add.f32.msk $0xffff, v45;
	v14 =	vmin.u32 v14, $0xFFF;
	v11 =	vtrunc.f32 v11  }
0x4fd: {  	s28 =	simm.s32 $0xE10;
	v62 =	vsub.f32 v60, v3;
	[tilespmem:v1+s18+$0x0] =	vst.idx.add.f32.msk $0xffff, v54;
	v1 =	vcvt.f32.s32 v11  }
0x4fe: {  	v43 =	vld [tilespmem:s28+$0x0];
	v11 =	vtrunc.f32 v29;
	v63 =	vmul.f32 v28, v25  }
0x4ff: {  	s20 =	simm.s32 $0x19620;
	v47 =	vld [tilespmem:s28+$0xFFFFFE70];
	v11 =	vcvt.f32.s32 v11;
	v28 =	vmul.f32 v62, v5  }
0x500: {  	v29 =	vld [tilespmem:s20+$0x0];
	vm1 =	vgt.s32 v1, $0x0;
	v44 =	vsub.f32 v63, v3  }
0x501: {  	v1 =	vnsel vm1, $0x0, v1;
	vm1 =	vgt.s32 v11, $0x0;
	v28 =	vtrunc.f32 v28;
	[tilespmem:v14+s17+$0x0] =	vst.idx.add.f32.msk $0xffff, v45  }
0x502: {  	v11 =	vnsel vm1, $0x0, v11;
	v28 =	vcvt.f32.s32 v28;
	[tilespmem:v14+s18+$0x0] =	vst.idx.add.f32.msk $0xffff, v55;
	v14 =	vmin.u32 v1, $0xFFF  }
0x503: {  	v11 =	vmin.u32 v11, $0xFFF;
	v34 =	vld [tilespmem:s31+$0x140]  }
0x504: {  	v61 =	vld [tilespmem:s0+$0xFFFFFFC0];
	v38 =	vmul.f32 v44, v5;
	vm1 =	vgt.s32 v28, $0x0  }
0x505: {  	v37 =	vmul.f32 v43, v29;
	v48 =	vnsel vm1, $0x0, v28;
	v28 =	vld [tilespmem:s20+$0xFFFFFFE0]  }
0x506: {  	v46 =	vld [tilespmem:s25+$0xFFFFFED0];
	v38 =	vtrunc.f32 v38  }
0x507: {  	v42 =	vsub.f32 v37, v3;
	v38 =	vcvt.f32.s32 v38;
	[tilespmem:v14+s17+$0x0] =	vst.idx.add.f32.msk $0xffff, v45  }
0x508: {  	v40 =	vmin.u32 v48, $0xFFF;
	[tilespmem:v11+s17+$0x0] =	vst.idx.add.f32.msk $0xffff, v45;
	v34 =	vmul.f32 v34, v24  }
0x509: {  	v1 =	vmul.f32 v61, v0;
	vm1 =	vgt.s32 v38, $0x0;
	[tilespmem:v14+s18+$0x0] =	vst.idx.add.f32.msk $0xffff, v31;
	v31 =	vmul.f32 v42, v5  }
0x50a: {  	v38 =	vnsel vm1, $0x0, v38;
	[tilespmem:v11+s18+$0x0] =	vst.idx.add.f32.msk $0xffff, v33;
	v51 =	vmul.f32 v47, v28;
	v50 =	vsub.f32 v34, v3  }
0x50b: {  	v49 =	vld [tilespmem:s25+$0x70];
	v38 =	vmin.u32 v38, $0xFFF;
	v11 =	vtrunc.f32 v31;
	v31 =	vsel vm0, v10, v7  }
0x50c: {  	v43 =	vld [tilespmem:s31+$0xFFFFFF80];
	v10 =	vcvt.f32.s32 v11;
	v53 =	vsub.f32 v51, v3;
	v11 =	vmul.f32 v50, v5  }
0x50d: {  	v35 =	vmul.f32 v46, v27;
	v41 =	vsub.f32 v1, v3;
	[tilespmem:v40+s17+$0x0] =	vst.idx.add.f32.msk $0xffff, v45  }
0x50e: {  	[tilespmem:v40+s18+$0x0] =	vst.idx.add.f32.msk $0xffff, v60;
	vm1 =	vgt.s32 v10, $0x0;
	v32 =	vmul.f32 v53, v5;
	v11 =	vtrunc.f32 v11  }
0x50f: {  	v14 =	vmul.f32 v41, v5;
	v40 =	vld [tilespmem:s23+$0xFFFFFF30];
	v10 =	vnsel vm1, $0x0, v10;
	v11 =	vcvt.f32.s32 v11  }
0x510: {  	v41 =	vmul.f32 v49, v26;
	[tilespmem:v38+s17+$0x0] =	vst.idx.add.f32.msk $0xffff, v45;
	v54 =	vmin.u32 v10, $0xFFF;
	v32 =	vtrunc.f32 v32  }
0x511: {  	v52 =	vsub.f32 v35, v3;
	[tilespmem:v38+s18+$0x0] =	vst.idx.add.f32.msk $0xffff, v63;
	v32 =	vcvt.f32.s32 v32;
	vm1 =	vgt.s32 v11, $0x0  }
0x512: {  	v10 =	vld [tilespmem:s20+$0xFFFFFFF0];
	v55 =	vsub.f32 v41, v3;
	v11 =	vnsel vm1, $0x0, v11  }
0x513: {  	v56 =	vmul.f32 v52, v5;
	v57 =	vld [tilespmem:s23+$0xE0];
	vm2 =	vgt.s32 v32, $0x0;
	v58 =	vmin.u32 v11, $0xFFF  }
0x514: {  	v14 =	vtrunc.f32 v14;
	v36 =	vmul.f32 v55, v5;
	v11 =	vld [tilespmem:s20+$0x10];
	v32 =	vnsel vm2, $0x0, v32  }
0x515: {  	v14 =	vcvt.f32.s32 v14;
	v43 =	vmul.f32 v43, v6;
	[tilespmem:v54+s17+$0x0] =	vst.idx.add.f32.msk $0xffff, v45;
	v32 =	vmin.u32 v32, $0xFFF  }
0x516: {  	v31 =	vmul.f32 v40, v31;
	v36 =	vtrunc.f32 v36;
	[tilespmem:v54+s18+$0x0] =	vst.idx.add.f32.msk $0xffff, v37  }
0x517: {  	v38 =	vtrunc.f32 v56;
	v36 =	vcvt.f32.s32 v36;
	v42 =	vld [tilespmem:s28+$0x10]  }
0x518: {  	vm1 =	vgt.s32 v14, $0x0;
	v44 =	vsub.f32 v31, v3;
	v37 =	vmul.f32 v57, v25;
	[tilespmem:v58+s17+$0x0] =	vst.idx.add.f32.msk $0xffff, v45  }
0x519: {  	v38 =	vcvt.f32.s32 v38;
	v14 =	vnsel vm1, $0x0, v14;
	vm1 =	vgt.s32 v36, $0x0;
	[tilespmem:v58+s18+$0x0] =	vst.idx.add.f32.msk $0xffff, v34  }
0x51a: {  	v59 =	vmul.f32 v44, v5;
	v60 =	vsub.f32 v37, v3;
	v36 =	vnsel vm1, $0x0, v36;
	[tilespmem:v32+s17+$0x0] =	vst.idx.add.f32.msk $0xffff, v45  }
0x51b: {  	v50 =	vsub.f32 v43, v3;
	v61 =	vmin.u32 v36, $0xFFF;
	v48 =	vld [tilespmem:s31+$0x150]  }
0x51c: {  	vm2 =	vgt.s32 v38, $0x0;
	v39 =	vtrunc.f32 v59;
	v49 =	vmul.f32 v60, v5;
	[tilespmem:v32+s18+$0x0] =	vst.idx.add.f32.msk $0xffff, v51  }
0x51d: {  	v53 =	vmul.f32 v50, v5;
	v62 =	vnsel vm2, $0x0, v38;
	v63 =	vcvt.f32.s32 v39;
	v54 =	vld [tilespmem:s28+$0xFFFFFE80]  }
0x51e: {  	v36 =	vmin.u32 v62, $0xFFF;
	v51 =	vmul.f32 v42, v29;
	v52 =	vtrunc.f32 v49  }
0x51f: {  	v30 =	vld [tilespmem:s14+$0x180];
	vm1 =	vgt.s32 v63, $0x0;
	v33 =	vcvt.f32.s32 v52  }
0x520: {  	s21 =	simm.s32 $0xAF0;
	v40 =	vtrunc.f32 v53;
	v38 =	vnsel vm1, $0x0, v63;
	v55 =	vsub.f32 v51, v3;
	[tilespmem:v61+s17+$0x0] =	vst.idx.add.f32.msk $0xffff, v45  }
0x521: {  	s29 =	sand.u32 $0x1FFF0, s21;
	v38 =	vmin.u32 v38, $0xFFF;
	vm1 =	vgt.s32 v33, $0x0;
	v39 =	vmul.f32 v48, v24;
	[tilespmem:v61+s18+$0x0] =	vst.idx.add.f32.msk $0xffff, v41  }
0x522: {  	v57 =	vmul.f32 v55, v5;
	v33 =	vnsel vm1, $0x0, v33;
	v41 =	vld [tilespmem:s29+$0x80];
	v42 =	vmul.f32 v54, v28  }
0x523: {  	v56 =	vcvt.f32.s32 v40;
	[tilespmem:v36+s17+$0x0] =	vst.idx.add.f32.msk $0xffff, v45;
	v33 =	vmin.u32 v33, $0xFFF;
	v58 =	vsub.f32 v39, v3  }
0x524: {  	[tilespmem:v36+s18+$0x0] =	vst.idx.add.f32.msk $0xffff, v35;
	v40 =	vtrunc.f32 v57;
	v62 =	vsub.f32 v42, v3  }
0x525: {  	vm1 =	vgt.s32 v56, $0x0;
	v61 =	vld [tilespmem:s25+$0xFFFFFEE0];
	v59 =	vcvt.f32.s32 v40;
	v60 =	vmul.f32 v58, v5  }
0x526: {  	v14 =	vmin.u32 v14, $0xFFF;
	v34 =	vnsel vm1, $0x0, v56;
	[tilespmem:v38+s17+$0x0] =	vst.idx.add.f32.msk $0xffff, v45;
	v44 =	vmul.f32 v62, v5  }
0x527: {  	[tilespmem:v38+s18+$0x0] =	vst.idx.add.f32.msk $0xffff, v31;
	vm1 =	vgt.s32 v59, $0x0;
	v36 =	vtrunc.f32 v60;
	v41 =	vmul.f32 v41, v26  }
0x528: {  	v35 =	vnsel vm1, $0x0, v59;
	[tilespmem:v33+s17+$0x0] =	vst.idx.add.f32.msk $0xffff, v45;
	v36 =	vcvt.f32.s32 v36  }
0x529: {  	v35 =	vmin.u32 v35, $0xFFF;
	[tilespmem:v33+s18+$0x0] =	vst.idx.add.f32.msk $0xffff, v37;
	v48 =	vtrunc.f32 v44;
	v63 =	vsub.f32 v41, v3  }
0x52a: {  	v49 =	vld [tilespmem:s23+$0xF0];
	v31 =	vcvt.f32.s32 v48;
	vm1 =	vgt.s32 v36, $0x0  }
0x52b: {  	[tilespmem:v14+s17+$0x0] =	vst.idx.add.f32.msk $0xffff, v45;
	v36 =	vnsel vm1, $0x0, v36;
	v33 =	vmul.f32 v63, v5  }
0x52c: {  	[tilespmem:v14+s18+$0x0] =	vst.idx.add.f32.msk $0xffff, v1;
	v50 =	vmul.f32 v61, v27;
	vm1 =	vgt.s32 v31, $0x0;
	v36 =	vmin.u32 v36, $0xFFF  }
0x52d: {  	v38 =	vld [tilespmem:s23+$0xFFFFFF40];
	v31 =	vnsel vm1, $0x0, v31;
	v33 =	vtrunc.f32 v33  }
0x52e: {  	v40 =	vsub.f32 v50, v3;
	[tilespmem:v35+s17+$0x0] =	vst.idx.add.f32.msk $0xffff, v45;
	v31 =	vmin.u32 v31, $0xFFF;
	v33 =	vcvt.f32.s32 v33  }
0x52f: {  	[tilespmem:v35+s18+$0x0] =	vst.idx.add.f32.msk $0xffff, v51;
	v51 =	vmul.f32 v49, v25  }
0x530: {  	v52 =	vmul.f32 v40, v5;
	v53 =	vld [tilespmem:s28+$0x20];
	vm1 =	vgt.s32 v33, $0x0  }
0x531: {  	v44 =	vsub.f32 v51, v3;
	[tilespmem:v36+s17+$0x0] =	vst.idx.add.f32.msk $0xffff, v45;
	v33 =	vnsel vm1, $0x0, v33  }
0x532: {  	v38 =	vmul.f32 v38, v7;
	v35 =	vtrunc.f32 v52;
	[tilespmem:v36+s18+$0x0] =	vst.idx.add.f32.msk $0xffff, v39;
	v33 =	vmin.u32 v33, $0xFFF  }
0x533: {  	v35 =	vcvt.f32.s32 v35;
	v54 =	vmul.f32 v44, v5;
	[tilespmem:v31+s17+$0x0] =	vst.idx.add.f32.msk $0xffff, v45  }
0x534: {  	v34 =	vmin.u32 v34, $0xFFF;
	v55 =	vsub.f32 v38, v3;
	v36 =	vld [tilespmem:s31+$0x160]  }
0x535: {  	vm1 =	vgt.s32 v35, $0x0;
	[tilespmem:v31+s18+$0x0] =	vst.idx.add.f32.msk $0xffff, v42;
	v31 =	vtrunc.f32 v54;
	v39 =	vmul.f32 v53, v29  }
0x536: {  	v57 =	vmul.f32 v55, v5;
	v35 =	vnsel vm1, $0x0, v35;
	v56 =	vld [tilespmem:s28+$0xFFFFFE90];
	v31 =	vcvt.f32.s32 v31  }
0x537: {  	v35 =	vmin.u32 v35, $0xFFF;
	v58 =	vsub.f32 v39, v3;
	[tilespmem:v33+s17+$0x0] =	vst.idx.add.f32.msk $0xffff, v45  }
0x538: {  	v59 =	vtrunc.f32 v57;
	vm1 =	vgt.s32 v31, $0x0;
	[tilespmem:v33+s18+$0x0] =	vst.idx.add.f32.msk $0xffff, v41  }
0x539: {  	v31 =	vnsel vm1, $0x0, v31;
	v60 =	vmul.f32 v36, v24;
	v61 =	vmul.f32 v58, v5;
	v41 =	vld [tilespmem:s25+$0x90]  }
0x53a: {  	[tilespmem:v34+s17+$0x0] =	vst.idx.add.f32.msk $0xffff, v45;
	v33 =	vcvt.f32.s32 v59;
	v31 =	vmin.u32 v31, $0xFFF  }
0x53b: {  	[tilespmem:v34+s18+$0x0] =	vst.idx.add.f32.msk $0xffff, v43;
	v46 =	vmul.f32 v56, v28;
	v63 =	vsub.f32 v60, v3;
	v36 =	vtrunc.f32 v61  }
0x53c: {  	s19 =	simm.s32 $0x960;
	[tilespmem:v35+s17+$0x0] =	vst.idx.add.f32.msk $0xffff, v45;
	vm1 =	vgt.s32 v33, $0x0;
	v36 =	vcvt.f32.s32 v36  }
0x53d: {  	s30 =	sand.u32 $0x1FFE0, s19;
	[tilespmem:v35+s18+$0x0] =	vst.idx.add.f32.msk $0xffff, v50;
	v33 =	vnsel vm1, $0x0, v33;
	v48 =	vsub.f32 v46, v3;
	v47 =	vmul.f32 v63, v5  }
0x53e: {  	v37 =	vld [tilespmem:s30+$0x80];
	v33 =	vmin.u32 v33, $0xFFF;
	v41 =	vmul.f32 v41, v26  }
0x53f: {  	vm1 =	vgt.s32 v36, $0x0;
	v49 =	vmul.f32 v48, v5;
	[tilespmem:v31+s17+$0x0] =	vst.idx.add.f32.msk $0xffff, v45;
	v40 =	vtrunc.f32 v47  }
0x540: {  	v36 =	vnsel vm1, $0x0, v36;
	[tilespmem:v31+s18+$0x0] =	vst.idx.add.f32.msk $0xffff, v51;
	v40 =	vcvt.f32.s32 v40;
	v31 =	vsub.f32 v41, v3  }
0x541: {  	v1 =	vmin.u32 v36, $0xFFF;
	v32 =	vtrunc.f32 v49;
	v50 =	vld [tilespmem:s12+$0x100]  }
0x542: {  	v62 =	vld [tilespmem:s31+$0xFFFFFF90];
	v32 =	vcvt.f32.s32 v32;
	vm1 =	vgt.s32 v40, $0x0;
	v14 =	vmul.f32 v31, v5  }
0x543: {  	v51 =	vmul.f32 v37, v27;
	[tilespmem:v33+s17+$0x0] =	vst.idx.add.f32.msk $0xffff, v45;
	v52 =	vnsel vm1, $0x0, v40  }
0x544: {  	[tilespmem:v33+s18+$0x0] =	vst.idx.add.f32.msk $0xffff, v38;
	vm1 =	vgt.s32 v32, $0x0;
	v54 =	vmin.u32 v52, $0xFFF;
	v14 =	vtrunc.f32 v14  }
0x545: {  	v53 =	vsub.f32 v51, v3;
	v38 =	vld [tilespmem:s23+$0xFFFFFF50];
	v32 =	vnsel vm1, $0x0, v32;
	v14 =	vcvt.f32.s32 v14  }
0x546: {  	[tilespmem:v1+s17+$0x0] =	vst.idx.add.f32.msk $0xffff, v45;
	v32 =	vmin.u32 v32, $0xFFF;
	v56 =	vmul.f32 v50, v25  }
0x547: {  	v55 =	vmul.f32 v62, v6;
	v40 =	vmul.f32 v53, v5;
	[tilespmem:v1+s18+$0x0] =	vst.idx.add.f32.msk $0xffff, v39;
	vm1 =	vgt.s32 v14, $0x0  }
0x548: {  	v58 =	vld [tilespmem:s28+$0x30];
	v1 =	vsub.f32 v56, v3;
	v14 =	vnsel vm1, $0x0, v14  }
0x549: {  	v57 =	vsub.f32 v55, v3;
	v40 =	vtrunc.f32 v40;
	[tilespmem:v54+s17+$0x0] =	vst.idx.add.f32.msk $0xffff, v45;
	v14 =	vmin.u32 v14, $0xFFF  }
0x54a: {  	v40 =	vcvt.f32.s32 v40;
	v1 =	vmul.f32 v1, v5;
	[tilespmem:v54+s18+$0x0] =	vst.idx.add.f32.msk $0xffff, v60  }
0x54b: {  	v39 =	vmul.f32 v57, v5;
	[tilespmem:v32+s17+$0x0] =	vst.idx.add.f32.msk $0xffff, v45  }
0x54c: {  	vm1 =	vgt.s32 v40, $0x0;
	v59 =	vmul.f32 v38, v7;
	v34 =	vld [tilespmem:s31+$0x170];
	v1 =	vtrunc.f32 v1  }
0x54d: {  	v60 =	vtrunc.f32 v39;
	v61 =	vnsel vm1, $0x0, v40;
	[tilespmem:v32+s18+$0x0] =	vst.idx.add.f32.msk $0xffff, v46;
	v1 =	vcvt.f32.s32 v1  }
0x54e: {  	v39 =	vmin.u32 v61, $0xFFF;
	v62 =	vsub.f32 v59, v3;
	v43 =	vmul.f32 v58, v29;
	[tilespmem:v14+s17+$0x0] =	vst.idx.add.f32.msk $0xffff, v45  }
0x54f: {  	v23 =	vmul.f32 v30, v23;
	v38 =	vcvt.f32.s32 v60;
	vm1 =	vgt.s32 v1, $0x0;
	[tilespmem:v14+s18+$0x0] =	vst.idx.add.f32.msk $0xffff, v41  }
0x550: {  	v63 =	vsub.f32 v43, v3;
	v14 =	vmul.f32 v62, v5;
	v1 =	vnsel vm1, $0x0, v1;
	v41 =	vld [tilespmem:s25+$0xA0]  }
0x551: {  	v46 =	vsub.f32 v23, v3;
	v32 =	vld [tilespmem:s28+$0xFFFFFEA0];
	v30 =	vmul.f32 v34, v24;
	v1 =	vmin.u32 v1, $0xFFF  }
0x552: {  	v31 =	vld [tilespmem:s0+$0xFFFFFFD0];
	vm1 =	vgt.s32 v38, $0x0;
	v44 =	vmul.f32 v63, v5;
	v14 =	vtrunc.f32 v14  }
0x553: {  	v35 =	vmul.f32 v46, v5;
	[tilespmem:v39+s17+$0x0] =	vst.idx.add.f32.msk $0xffff, v45;
	v38 =	vnsel vm1, $0x0, v38;
	v14 =	vcvt.f32.s32 v14  }
0x554: {  	[tilespmem:v39+s18+$0x0] =	vst.idx.add.f32.msk $0xffff, v51;
	v38 =	vmin.u32 v38, $0xFFF;
	v47 =	vsub.f32 v30, v3;
	v34 =	vtrunc.f32 v44  }
0x555: {  	v39 =	vld [tilespmem:s25+$0xFFFFFF00];
	v34 =	vcvt.f32.s32 v34;
	vm1 =	vgt.s32 v14, $0x0;
	v48 =	vmul.f32 v41, v26  }
0x556: {  	v32 =	vmul.f32 v32, v28;
	v36 =	vmul.f32 v47, v5;
	v14 =	vnsel vm1, $0x0, v14;
	[tilespmem:v1+s17+$0x0] =	vst.idx.add.f32.msk $0xffff, v45  }
0x557: {  	vm1 =	vgt.s32 v34, $0x0;
	v14 =	vmin.u32 v14, $0xFFF;
	[tilespmem:v1+s18+$0x0] =	vst.idx.add.f32.msk $0xffff, v56;
	v1 =	vsub.f32 v48, v3  }
0x558: {  	v50 =	vsub.f32 v32, v3;
	v36 =	vtrunc.f32 v36;
	v34 =	vnsel vm1, $0x0, v34;
	v49 =	vld [tilespmem:s23+$0x110]  }
0x559: {  	[tilespmem:v38+s17+$0x0] =	vst.idx.add.f32.msk $0xffff, v45;
	v36 =	vcvt.f32.s32 v36;
	v34 =	vmin.u32 v34, $0xFFF;
	v1 =	vmul.f32 v1, v5  }
0x55a: {  	v31 =	vmul.f32 v31, v0;
	v35 =	vtrunc.f32 v35;
	[tilespmem:v38+s18+$0x0] =	vst.idx.add.f32.msk $0xffff, v55  }
0x55b: {  	v51 =	vmul.f32 v50, v5;
	v37 =	vld [tilespmem:s31+$0xFFFFFFA0];
	vm1 =	vgt.s32 v36, $0x0;
	v1 =	vtrunc.f32 v1  }
0x55c: {  	v35 =	vcvt.f32.s32 v35;
	v36 =	vnsel vm1, $0x0, v36;
	[tilespmem:v14+s17+$0x0] =	vst.idx.add.f32.msk $0xffff, v45;
	v1 =	vcvt.f32.s32 v1  }
0x55d: {  	v52 =	vtrunc.f32 v51;
	v36 =	vmin.u32 v36, $0xFFF;
	[tilespmem:v14+s18+$0x0] =	vst.idx.add.f32.msk $0xffff, v59;
	v14 =	vmul.f32 v49, v25  }
0x55e: {  	v33 =	vcvt.f32.s32 v52;
	v55 =	vmul.f32 v39, v27;
	[tilespmem:v34+s17+$0x0] =	vst.idx.add.f32.msk $0xffff, v45;
	vm2 =	vgt.s32 v1, $0x0  }
0x55f: {  	vm1 =	vgt.s32 v35, $0x0;
	[tilespmem:v34+s18+$0x0] =	vst.idx.add.f32.msk $0xffff, v43;
	v53 =	vsub.f32 v14, v3;
	v1 =	vnsel vm2, $0x0, v1  }
0x560: {  	v58 =	vsub.f32 v55, v3;
	v54 =	vnsel vm1, $0x0, v35;
	v56 =	vld [tilespmem:s28+$0x40];
	v1 =	vmin.u32 v1, $0xFFF  }
0x561: {  	vm1 =	vgt.s32 v33, $0x0;
	v59 =	vsub.f32 v31, v3;
	v57 =	vld [tilespmem:s23+$0xFFFFFF60];
	v38 =	vmul.f32 v53, v5  }
0x562: {  	v33 =	vnsel vm1, $0x0, v33;
	v60 =	vmul.f32 v58, v5;
	v37 =	vmul.f32 v37, v6;
	[tilespmem:v36+s17+$0x0] =	vst.idx.add.f32.msk $0xffff, v45  }
0x563: {  	v33 =	vmin.u32 v33, $0xFFF;
	v43 =	vmul.f32 v59, v5;
	[tilespmem:v36+s18+$0x0] =	vst.idx.add.f32.msk $0xffff, v30;
	v30 =	vtrunc.f32 v38  }
0x564: {  	v61 =	vsub.f32 v37, v3;
	v36 =	vtrunc.f32 v60;
	v62 =	vld [tilespmem:s11+$0x180];
	v30 =	vcvt.f32.s32 v30  }
0x565: {  	v34 =	vmin.u32 v54, $0xFFF;
	v43 =	vtrunc.f32 v43;
	v39 =	vmul.f32 v56, v29;
	[tilespmem:v1+s17+$0x0] =	vst.idx.add.f32.msk $0xffff, v45  }
0x566: {  	v47 =	vcvt.f32.s32 v43;
	v38 =	vmul.f32 v61, v5;
	vm1 =	vgt.s32 v30, $0x0;
	[tilespmem:v1+s18+$0x0] =	vst.idx.add.f32.msk $0xffff, v48  }
0x567: {  	v63 =	vsub.f32 v39, v3;
	v1 =	vcvt.f32.s32 v36;
	v30 =	vnsel vm1, $0x0, v30;
	v40 =	vld [tilespmem:s25+$0xB0]  }
0x568: {  	[tilespmem:v33+s17+$0x0] =	vst.idx.add.f32.msk $0xffff, v45;
	v41 =	vmul.f32 v57, v7;
	vm2 =	vgt.s32 v47, $0x0;
	v30 =	vmin.u32 v30, $0xFFF  }
0x569: {  	[tilespmem:v33+s18+$0x0] =	vst.idx.add.f32.msk $0xffff, v32;
	v38 =	vtrunc.f32 v38;
	v46 =	vmul.f32 v63, v5;
	vm1 =	vgt.s32 v1, $0x0  }
0x56a: {  	v49 =	vld [tilespmem:s28+$0xFFFFFEB0];
	v50 =	vsub.f32 v41, v3;
	v48 =	vcvt.f32.s32 v38;
	v1 =	vnsel vm1, $0x0, v1  }
0x56b: {  	[tilespmem:v34+s17+$0x0] =	vst.idx.add.f32.msk $0xffff, v45;
	v33 =	vnsel vm2, $0x0, v47;
	v32 =	vtrunc.f32 v46;
	v1 =	vmin.u32 v1, $0xFFF  }
0x56c: {  	[tilespmem:v34+s18+$0x0] =	vst.idx.add.f32.msk $0xffff, v23;
	vm1 =	vgt.s32 v48, $0x0;
	v23 =	vcvt.f32.s32 v32;
	v51 =	vmul.f32 v40, v26  }
0x56d: {  	v33 =	vmin.u32 v33, $0xFFF;
	v52 =	vmul.f32 v50, v5;
	v36 =	vnsel vm1, $0x0, v48;
	[tilespmem:v30+s17+$0x0] =	vst.idx.add.f32.msk $0xffff, v45  }
0x56e: {  	v36 =	vmin.u32 v36, $0xFFF;
	vm1 =	vgt.s32 v23, $0x0;
	[tilespmem:v30+s18+$0x0] =	vst.idx.add.f32.msk $0xffff, v14;
	v14 =	vsub.f32 v51, v3  }
0x56f: {  	v30 =	vmul.f32 v49, v28;
	v23 =	vnsel vm1, $0x0, v23;
	v53 =	vld [tilespmem:s23+$0x120]  }
0x570: {  	v34 =	vtrunc.f32 v52;
	v23 =	vmin.u32 v23, $0xFFF;
	[tilespmem:v1+s17+$0x0] =	vst.idx.add.f32.msk $0xffff, v45;
	v14 =	vmul.f32 v14, v5  }
0x571: {  	v34 =	vcvt.f32.s32 v34;
	[tilespmem:v1+s18+$0x0] =	vst.idx.add.f32.msk $0xffff, v55;
	v1 =	vsub.f32 v30, v3  }
0x572: {  	v24 =	vmul.f32 v62, v24;
	[tilespmem:v33+s17+$0x0] =	vst.idx.add.f32.msk $0xffff, v45;
	v14 =	vtrunc.f32 v14  }
0x573: {  	vm1 =	vgt.s32 v34, $0x0;
	[tilespmem:v36+s17+$0x0] =	vst.idx.add.f32.msk $0xffff, v45;
	v1 =	vmul.f32 v1, v5;
	v14 =	vcvt.f32.s32 v14  }
0x574: {  	v54 =	vsub.f32 v24, v3;
	v34 =	vnsel vm1, $0x0, v34;
	v55 =	vld [tilespmem:s25+$0xFFFFFF10];
	v56 =	vmul.f32 v53, v25  }
0x575: {  	v34 =	vmin.u32 v34, $0xFFF;
	[tilespmem:v23+s17+$0x0] =	vst.idx.add.f32.msk $0xffff, v45;
	v1 =	vtrunc.f32 v1;
	vm1 =	vgt.s32 v14, $0x0  }
0x576: {  	[tilespmem:v23+s18+$0x0] =	vst.idx.add.f32.msk $0xffff, v39;
	v1 =	vcvt.f32.s32 v1;
	v57 =	vsub.f32 v56, v3;
	v14 =	vnsel vm1, $0x0, v14  }
0x577: {  	v35 =	vmul.f32 v54, v5;
	v58 =	vld [tilespmem:s28+$0x50];
	v14 =	vmin.u32 v14, $0xFFF  }
0x578: {  	[tilespmem:v36+s18+$0x0] =	vst.idx.add.f32.msk $0xffff, v37;
	vm1 =	vgt.s32 v1, $0x0;
	v37 =	vmul.f32 v57, v5  }
0x579: {  	v60 =	vld [tilespmem:s31+$0xFFFFFFB0];
	v23 =	vtrunc.f32 v35;
	v59 =	vmul.f32 v55, v27;
	v1 =	vnsel vm1, $0x0, v1  }
0x57a: {  	[tilespmem:v33+s18+$0x0] =	vst.idx.add.f32.msk $0xffff, v31;
	v23 =	vcvt.f32.s32 v23;
	v1 =	vmin.u32 v1, $0xFFF;
	v31 =	vtrunc.f32 v37  }
0x57b: {  	[tilespmem:v34+s17+$0x0] =	vst.idx.add.f32.msk $0xffff, v45;
	v40 =	vsub.f32 v59, v3;
	v31 =	vcvt.f32.s32 v31  }
0x57c: {  	vm1 =	vgt.s32 v23, $0x0;
	v35 =	vmul.f32 v58, v29;
	[tilespmem:v14+s17+$0x0] =	vst.idx.add.f32.msk $0xffff, v45  }
0x57d: {  	v23 =	vnsel vm1, $0x0, v23;
	v61 =	vmul.f32 v40, v5;
	vm1 =	vgt.s32 v31, $0x0;
	[tilespmem:v14+s18+$0x0] =	vst.idx.add.f32.msk $0xffff, v51  }
0x57e: {  	v62 =	vmul.f32 v60, v6;
	v63 =	vsub.f32 v35, v3;
	v31 =	vnsel vm1, $0x0, v31;
	v42 =	vld [tilespmem:s25+$0xC0]  }
0x57f: {  	v14 =	vtrunc.f32 v61;
	[tilespmem:v1+s17+$0x0] =	vst.idx.add.f32.msk $0xffff, v45;
	v31 =	vmin.u32 v31, $0xFFF  }
0x580: {  	v39 =	vsub.f32 v62, v3;
	v14 =	vcvt.f32.s32 v14;
	[tilespmem:v1+s18+$0x0] =	vst.idx.add.f32.msk $0xffff, v30;
	v1 =	vmul.f32 v63, v5  }
0x581: {  	v26 =	vsel vm0, v26, v9;
	v23 =	vmin.u32 v23, $0xFFF;
	v30 =	vld [tilespmem:s28+$0xFFFFFEC0]  }
0x582: {  	[tilespmem:v34+s18+$0x0] =	vst.idx.add.f32.msk $0xffff, v41;
	v43 =	vmul.f32 v39, v5;
	vm1 =	vgt.s32 v14, $0x0;
	v1 =	vtrunc.f32 v1  }
0x583: {  	v34 =	vld [tilespmem:s26+$0x100];
	v14 =	vnsel vm1, $0x0, v14;
	v1 =	vcvt.f32.s32 v1;
	v26 =	vmul.f32 v42, v26  }
0x584: {  	v14 =	vmin.u32 v14, $0xFFF;
	[tilespmem:v31+s17+$0x0] =	vst.idx.add.f32.msk $0xffff, v45  }
0x585: {  	v32 =	vtrunc.f32 v43;
	[tilespmem:v31+s18+$0x0] =	vst.idx.add.f32.msk $0xffff, v56;
	vm1 =	vgt.s32 v1, $0x0;
	v31 =	vsub.f32 v26, v3  }
0x586: {  	v32 =	vcvt.f32.s32 v32;
	[tilespmem:v23+s17+$0x0] =	vst.idx.add.f32.msk $0xffff, v45;
	v30 =	vmul.f32 v30, v28;
	v1 =	vnsel vm1, $0x0, v1  }
0x587: {  	v44 =	vld [tilespmem:s23+$0x130];
	v1 =	vmin.u32 v1, $0xFFF;
	v31 =	vmul.f32 v31, v5  }
0x588: {  	[tilespmem:v23+s18+$0x0] =	vst.idx.add.f32.msk $0xffff, v24;
	vm1 =	vgt.s32 v32, $0x0;
	v23 =	vsub.f32 v30, v3  }
0x589: {  	v24 =	vnsel vm1, $0x0, v32;
	[tilespmem:v14+s17+$0x0] =	vst.idx.add.f32.msk $0xffff, v45;
	v31 =	vtrunc.f32 v31  }
0x58a: {  	[tilespmem:v14+s18+$0x0] =	vst.idx.add.f32.msk $0xffff, v59;
	v14 =	vmin.u32 v24, $0xFFF;
	v23 =	vmul.f32 v23, v5;
	v24 =	vcvt.f32.s32 v31  }
0x58b: {  	v31 =	vld [tilespmem:s25+$0xFFFFFF20]  }
0x58c: {  	v46 =	vmul.f32 v44, v25;
	v23 =	vtrunc.f32 v23;
	[tilespmem:v1+s17+$0x0] =	vst.idx.add.f32.msk $0xffff, v45;
	vm1 =	vgt.s32 v24, $0x0  }
0x58d: {  	v23 =	vcvt.f32.s32 v23;
	[tilespmem:v1+s18+$0x0] =	vst.idx.add.f32.msk $0xffff, v35;
	v1 =	vnsel vm1, $0x0, v24  }
0x58e: {  	v33 =	vmul.f32 v34, v7;
	v47 =	vsub.f32 v46, v3;
	v24 =	vld [tilespmem:s28+$0x60];
	v1 =	vmin.u32 v1, $0xFFF  }
0x58f: {  	[tilespmem:v14+s17+$0x0] =	vst.idx.add.f32.msk $0xffff, v45;
	vm1 =	vgt.s32 v23, $0x0  }
0x590: {  	v48 =	vsub.f32 v33, v3;
	v34 =	vmul.f32 v47, v5;
	[tilespmem:v14+s18+$0x0] =	vst.idx.add.f32.msk $0xffff, v62;
	v14 =	vnsel vm1, $0x0, v23  }
0x591: {  	s14 =	simm.s32 $0x1130;
	v31 =	vmul.f32 v31, v27;
	v50 =	vmin.u32 v14, $0xFFF  }
0x592: {  	v56 =	vld [tilespmem:s14+$0x0];
	v23 =	vmul.f32 v48, v5;
	v34 =	vtrunc.f32 v34  }
0x593: {  	v34 =	vcvt.f32.s32 v34;
	v51 =	vsub.f32 v31, v3;
	v24 =	vmul.f32 v24, v29;
	[tilespmem:v1+s17+$0x0] =	vst.idx.add.f32.msk $0xffff, v45  }
0x594: {  	v23 =	vtrunc.f32 v23;
	[tilespmem:v1+s18+$0x0] =	vst.idx.add.f32.msk $0xffff, v26  }
0x595: {  	vm1 =	vgt.s32 v34, $0x0;
	v1 =	vmul.f32 v51, v5;
	v52 =	vsub.f32 v24, v3;
	v53 =	vld [tilespmem:s25+$0xD0]  }
0x596: {  	v23 =	vcvt.f32.s32 v23;
	v26 =	vnsel vm1, $0x0, v34;
	[tilespmem:v50+s17+$0x0] =	vst.idx.add.f32.msk $0xffff, v45  }
0x597: {  	v54 =	vmin.u32 v26, $0xFFF;
	v1 =	vtrunc.f32 v1;
	[tilespmem:v50+s18+$0x0] =	vst.idx.add.f32.msk $0xffff, v30;
	v30 =	vmul.f32 v52, v5  }
0x598: {  	s20 =	simm.s32 $0x19660;
	vm1 =	vgt.s32 v23, $0x0;
	v1 =	vcvt.f32.s32 v1;
	v55 =	vld [tilespmem:s28+$0xFFFFFED0]  }
0x599: {  	v23 =	vnsel vm1, $0x0, v23;
	v26 =	vld [tilespmem:s20+$0x0];
	v30 =	vtrunc.f32 v30  }
0x59a: {  	v60 =	vld [tilespmem:s14+$0xFFFFFE70];
	vm1 =	vgt.s32 v1, $0x0;
	v30 =	vcvt.f32.s32 v30;
	v37 =	vmul.f32 v53, v9  }
0x59b: {  	v49 =	vld [tilespmem:s31+$0xFFFFFFC0];
	v23 =	vmin.u32 v23, $0xFFF;
	v1 =	vnsel vm1, $0x0, v1  }
0x59c: {  	[tilespmem:v54+s17+$0x0] =	vst.idx.add.f32.msk $0xffff, v45;
	v57 =	vmin.u32 v1, $0xFFF;
	vm1 =	vgt.s32 v30, $0x0;
	v1 =	vsub.f32 v37, v3  }
0x59d: {  	[tilespmem:v54+s18+$0x0] =	vst.idx.add.f32.msk $0xffff, v46;
	v32 =	vmul.f32 v55, v28;
	v30 =	vnsel vm1, $0x0, v30  }
0x59e: {  	v36 =	vmul.f32 v56, v26;
	v58 =	vld [tilespmem:s23+$0x140];
	v30 =	vmin.u32 v30, $0xFFF;
	v1 =	vmul.f32 v1, v5  }
0x59f: {  	v61 =	vsel vm0, v27, v8;
	v27 =	vld [tilespmem:s20+$0xFFFFFFE0];
	v59 =	vsub.f32 v32, v3  }
0x5a0: {  	[tilespmem:v23+s17+$0x0] =	vst.idx.add.f32.msk $0xffff, v45;
	v62 =	vsub.f32 v36, v3;
	v1 =	vtrunc.f32 v1  }
0x5a1: {  	v38 =	vmul.f32 v59, v5;
	[tilespmem:v57+s17+$0x0] =	vst.idx.add.f32.msk $0xffff, v45;
	v63 =	vcvt.f32.s32 v1  }
0x5a2: {  	v46 =	vmul.f32 v62, v5;
	[tilespmem:v57+s18+$0x0] =	vst.idx.add.f32.msk $0xffff, v31  }
0x5a3: {  	v31 =	vmul.f32 v58, v25;
	v44 =	vtrunc.f32 v38;
	[tilespmem:v30+s17+$0x0] =	vst.idx.add.f32.msk $0xffff, v45;
	vm1 =	vgt.s32 v63, $0x0  }
0x5a4: {  	v34 =	vcvt.f32.s32 v44;
	[tilespmem:v30+s18+$0x0] =	vst.idx.add.f32.msk $0xffff, v24;
	v24 =	vnsel vm1, $0x0, v63  }
0x5a5: {  	[tilespmem:v23+s18+$0x0] =	vst.idx.add.f32.msk $0xffff, v33;
	v35 =	vtrunc.f32 v46;
	v47 =	vsub.f32 v31, v3;
	v24 =	vmin.u32 v24, $0xFFF  }
0x5a6: {  	v23 =	vld [tilespmem:s20+$0xFFFFFFF0];
	v1 =	vmul.f32 v49, v6;
	v35 =	vcvt.f32.s32 v35;
	vm1 =	vgt.s32 v34, $0x0  }
0x5a7: {  	v49 =	vld [tilespmem:s25+$0xFFFFFF30];
	v30 =	vmul.f32 v60, v27;
	v38 =	vmul.f32 v47, v5;
	v51 =	vnsel vm1, $0x0, v34  }
0x5a8: {  	v48 =	vld [tilespmem:s28+$0x70];
	vm1 =	vgt.s32 v35, $0x0;
	v33 =	vmin.u32 v51, $0xFFF  }
0x5a9: {  	v53 =	vld [tilespmem:s23+$0xFFFFFF80];
	v52 =	vsub.f32 v30, v3;
	v38 =	vtrunc.f32 v38;
	v35 =	vnsel vm1, $0x0, v35  }
0x5aa: {  	v50 =	vsub.f32 v1, v3;
	v38 =	vcvt.f32.s32 v38;
	v35 =	vmin.u32 v35, $0xFFF;
	[tilespmem:v24+s17+$0x0] =	vst.idx.add.f32.msk $0xffff, v45  }
0x5ab: {  	v34 =	vmul.f32 v52, v5;
	[tilespmem:v24+s18+$0x0] =	vst.idx.add.f32.msk $0xffff, v37  }
0x5ac: {  	v42 =	vmul.f32 v50, v5;
	v40 =	vmul.f32 v49, v61;
	vm1 =	vgt.s32 v38, $0x0;
	v55 =	vld [tilespmem:s25+$0xE0]  }
0x5ad: {  	v39 =	vmul.f32 v48, v29;
	v34 =	vtrunc.f32 v34;
	v24 =	vnsel vm1, $0x0, v38;
	[tilespmem:v33+s17+$0x0] =	vst.idx.add.f32.msk $0xffff, v45  }
0x5ae: {  	v58 =	vsub.f32 v40, v3;
	v34 =	vcvt.f32.s32 v34;
	v57 =	vmin.u32 v24, $0xFFF;
	v24 =	vld [tilespmem:s20+$0x10]  }
0x5af: {  	v56 =	vtrunc.f32 v42;
	[tilespmem:v35+s17+$0x0] =	vst.idx.add.f32.msk $0xffff, v45  }
0x5b0: {  	v54 =	vsub.f32 v39, v3;
	v44 =	vmul.f32 v58, v5;
	vm1 =	vgt.s32 v34, $0x0;
	[tilespmem:v33+s18+$0x0] =	vst.idx.add.f32.msk $0xffff, v32  }
0x5b1: {  	v41 =	vcvt.f32.s32 v56;
	v34 =	vnsel vm1, $0x0, v34;
	[tilespmem:v35+s18+$0x0] =	vst.idx.add.f32.msk $0xffff, v36  }
0x5b2: {  	v37 =	vmul.f32 v54, v5;
	v60 =	vtrunc.f32 v44;
	v34 =	vmin.u32 v34, $0xFFF;
	v33 =	vld [tilespmem:s28+$0xFFFFFEE0]  }
0x5b3: {  	v38 =	vmul.f32 v53, v7;
	v61 =	vcvt.f32.s32 v60;
	v36 =	vld [tilespmem:s14+$0x10]  }
0x5b4: {  	v59 =	vtrunc.f32 v37;
	v37 =	vmul.f32 v55, v9;
	[tilespmem:v57+s17+$0x0] =	vst.idx.add.f32.msk $0xffff, v45  }
0x5b5: {  	vm1 =	vgt.s32 v41, $0x0;
	v62 =	vsub.f32 v38, v3;
	v35 =	vcvt.f32.s32 v59;
	[tilespmem:v57+s18+$0x0] =	vst.idx.add.f32.msk $0xffff, v31  }
0x5b6: {  	v41 =	vnsel vm1, $0x0, v41;
	vm1 =	vgt.s32 v61, $0x0;
	v31 =	vsub.f32 v37, v3;
	v63 =	vld [tilespmem:s23+$0x150]  }
0x5b7: {  	v48 =	vnsel vm1, $0x0, v61;
	vm2 =	vgt.s32 v35, $0x0;
	[tilespmem:v34+s17+$0x0] =	vst.idx.add.f32.msk $0xffff, v45  }
0x5b8: {  	v51 =	vmin.u32 v48, $0xFFF;
	[tilespmem:v34+s18+$0x0] =	vst.idx.add.f32.msk $0xffff, v30;
	v30 =	vmul.f32 v62, v5;
	v31 =	vmul.f32 v31, v5  }
0x5b9: {  	v35 =	vnsel vm2, $0x0, v35;
	v34 =	vmul.f32 v36, v26;
	v49 =	vld [tilespmem:s14+$0xFFFFFE80]  }
0x5ba: {  	v35 =	vmin.u32 v35, $0xFFF;
	v30 =	vtrunc.f32 v30;
	v31 =	vtrunc.f32 v31  }
0x5bb: {  	v50 =	vsub.f32 v34, v3;
	v30 =	vcvt.f32.s32 v30;
	v31 =	vcvt.f32.s32 v31  }
0x5bc: {  	v14 =	vld [tilespmem:s0+$0xFFFFFFE0];
	v33 =	vmul.f32 v33, v28;
	v36 =	vmin.u32 v41, $0xFFF;
	v41 =	vmul.f32 v63, v25  }
0x5bd: {  	[tilespmem:v51+s17+$0x0] =	vst.idx.add.f32.msk $0xffff, v45;
	v43 =	vmul.f32 v50, v5;
	vm2 =	vgt.s32 v30, $0x0;
	vm1 =	vgt.s32 v31, $0x0  }
0x5be: {  	[tilespmem:v51+s18+$0x0] =	vst.idx.add.f32.msk $0xffff, v40;
	v52 =	vsub.f32 v41, v3;
	v53 =	vmul.f32 v49, v27;
	v30 =	vnsel vm2, $0x0, v30  }
0x5bf: {  	s21 =	simm.s32 $0xE10;
	[tilespmem:v35+s17+$0x0] =	vst.idx.add.f32.msk $0xffff, v45;
	v54 =	vtrunc.f32 v43;
	v31 =	vnsel vm1, $0x0, v31;
	v30 =	vmin.u32 v30, $0xFFF  }
0x5c0: {  	s0 =	sand.u32 $0x1FFF0, s21;
	[tilespmem:v35+s18+$0x0] =	vst.idx.add.f32.msk $0xffff, v39;
	v42 =	vcvt.f32.s32 v54;
	v31 =	vmin.u32 v31, $0xFFF;
	v35 =	vmul.f32 v52, v5  }
0x5c1: {  	v55 =	vld [tilespmem:s0+$0x80];
	v56 =	vsub.f32 v53, v3  }
0x5c2: {  	v60 =	vsub.f32 v33, v3;
	v58 =	vld [tilespmem:s25+$0xFFFFFF40];
	vm1 =	vgt.s32 v42, $0x0;
	v57 =	vtrunc.f32 v35  }
0x5c3: {  	v59 =	vmul.f32 v56, v5;
	v42 =	vnsel vm1, $0x0, v42;
	v32 =	vcvt.f32.s32 v57  }
0x5c4: {  	v42 =	vmin.u32 v42, $0xFFF;
	[tilespmem:v30+s17+$0x0] =	vst.idx.add.f32.msk $0xffff, v45  }
0x5c5: {  	v61 =	vmul.f32 v60, v5;
	v40 =	vtrunc.f32 v59;
	[tilespmem:v31+s17+$0x0] =	vst.idx.add.f32.msk $0xffff, v45;
	vm1 =	vgt.s32 v32, $0x0  }
0x5c6: {  	v43 =	vmul.f32 v55, v29;
	[tilespmem:v31+s18+$0x0] =	vst.idx.add.f32.msk $0xffff, v37;
	v31 =	vcvt.f32.s32 v40;
	v32 =	vnsel vm1, $0x0, v32  }
0x5c7: {  	v47 =	vtrunc.f32 v61;
	[tilespmem:v30+s18+$0x0] =	vst.idx.add.f32.msk $0xffff, v38;
	v30 =	vmul.f32 v58, v8;
	v32 =	vmin.u32 v32, $0xFFF  }
0x5c8: {  	v35 =	vcvt.f32.s32 v47;
	v62 =	vsub.f32 v43, v3;
	v63 =	vld [tilespmem:s25+$0xF0];
	vm1 =	vgt.s32 v31, $0x0  }
0x5c9: {  	v49 =	vsub.f32 v30, v3;
	[tilespmem:v42+s17+$0x0] =	vst.idx.add.f32.msk $0xffff, v45;
	v31 =	vnsel vm1, $0x0, v31  }
0x5ca: {  	v48 =	vmul.f32 v62, v5;
	[tilespmem:v42+s18+$0x0] =	vst.idx.add.f32.msk $0xffff, v34;
	vm1 =	vgt.s32 v35, $0x0;
	v31 =	vmin.u32 v31, $0xFFF  }
0x5cb: {  	v50 =	vld [tilespmem:s14+$0x20];
	v35 =	vnsel vm1, $0x0, v35  }
0x5cc: {  	v34 =	vmul.f32 v49, v5;
	v37 =	vtrunc.f32 v48;
	v35 =	vmin.u32 v35, $0xFFF;
	[tilespmem:v32+s17+$0x0] =	vst.idx.add.f32.msk $0xffff, v45  }
0x5cd: {  	v37 =	vcvt.f32.s32 v37;
	v40 =	vmul.f32 v63, v9;
	[tilespmem:v32+s18+$0x0] =	vst.idx.add.f32.msk $0xffff, v41  }
0x5ce: {  	v14 =	vmul.f32 v14, v0;
	v41 =	vld [tilespmem:s23+$0x160]  }
0x5cf: {  	v34 =	vtrunc.f32 v34;
	vm1 =	vgt.s32 v37, $0x0;
	v52 =	vsub.f32 v40, v3;
	[tilespmem:v31+s17+$0x0] =	vst.idx.add.f32.msk $0xffff, v45  }
0x5d0: {  	v51 =	vsub.f32 v14, v3;
	v34 =	vcvt.f32.s32 v34;
	v37 =	vnsel vm1, $0x0, v37;
	[tilespmem:v31+s18+$0x0] =	vst.idx.add.f32.msk $0xffff, v53  }
0x5d1: {  	v37 =	vmin.u32 v37, $0xFFF;
	v31 =	vmul.f32 v50, v26;
	v32 =	vmul.f32 v52, v5;
	[tilespmem:v35+s17+$0x0] =	vst.idx.add.f32.msk $0xffff, v45  }
0x5d2: {  	s21 =	simm.s32 $0xC80;
	v42 =	vmul.f32 v51, v5;
	v53 =	vld [tilespmem:s14+$0xFFFFFE90]  }
0x5d3: {  	s11 =	sand.u32 $0x1FFE0, s21;
	vm1 =	vgt.s32 v34, $0x0;
	[tilespmem:v35+s18+$0x0] =	vst.idx.add.f32.msk $0xffff, v33;
	v55 =	vsub.f32 v31, v3;
	v32 =	vtrunc.f32 v32  }
0x5d4: {  	v54 =	vtrunc.f32 v42;
	v34 =	vnsel vm1, $0x0, v34;
	v58 =	vld [tilespmem:s11+$0x80];
	v32 =	vcvt.f32.s32 v32  }
0x5d5: {  	[tilespmem:v36+s17+$0x0] =	vst.idx.add.f32.msk $0xffff, v45;
	v34 =	vmin.u32 v34, $0xFFF;
	v33 =	vmul.f32 v41, v25;
	v57 =	vmul.f32 v55, v5  }
0x5d6: {  	v56 =	vcvt.f32.s32 v54;
	[tilespmem:v37+s17+$0x0] =	vst.idx.add.f32.msk $0xffff, v45;
	vm1 =	vgt.s32 v32, $0x0  }
0x5d7: {  	v59 =	vsub.f32 v33, v3;
	[tilespmem:v37+s18+$0x0] =	vst.idx.add.f32.msk $0xffff, v43;
	v38 =	vmul.f32 v53, v27;
	v39 =	vtrunc.f32 v57  }
0x5d8: {  	v32 =	vnsel vm1, $0x0, v32;
	vm1 =	vgt.s32 v56, $0x0;
	v61 =	vld [tilespmem:s28+$0x90];
	v60 =	vcvt.f32.s32 v39  }
0x5d9: {  	[tilespmem:v36+s18+$0x0] =	vst.idx.add.f32.msk $0xffff, v1;
	v32 =	vmin.u32 v32, $0xFFF;
	v42 =	vmul.f32 v59, v5;
	v46 =	vmul.f32 v58, v28  }
0x5da: {  	[tilespmem:v34+s17+$0x0] =	vst.idx.add.f32.msk $0xffff, v45;
	v35 =	vnsel vm1, $0x0, v56;
	v63 =	vsub.f32 v38, v3  }
0x5db: {  	[tilespmem:v34+s18+$0x0] =	vst.idx.add.f32.msk $0xffff, v30;
	vm1 =	vgt.s32 v60, $0x0;
	v47 =	vtrunc.f32 v42;
	v30 =	vsub.f32 v46, v3  }
0x5dc: {  	v62 =	vld [tilespmem:s23+$0xFFFFFF90];
	v48 =	vmul.f32 v63, v5;
	v37 =	vnsel vm1, $0x0, v60;
	v36 =	vcvt.f32.s32 v47  }
0x5dd: {  	v54 =	vld [tilespmem:s25+$0xFFFFFF50];
	v37 =	vmin.u32 v37, $0xFFF;
	v39 =	vmul.f32 v61, v29  }
0x5de: {  	v30 =	vmul.f32 v30, v5;
	v49 =	vtrunc.f32 v48;
	[tilespmem:v32+s17+$0x0] =	vst.idx.add.f32.msk $0xffff, v45;
	vm1 =	vgt.s32 v36, $0x0  }
0x5df: {  	v34 =	vcvt.f32.s32 v49;
	[tilespmem:v32+s18+$0x0] =	vst.idx.add.f32.msk $0xffff, v40;
	v51 =	vnsel vm1, $0x0, v36  }
0x5e0: {  	v52 =	vsub.f32 v39, v3;
	v30 =	vtrunc.f32 v30;
	v40 =	vld [tilespmem:s29+$0x100];
	v32 =	vmin.u32 v51, $0xFFF  }
0x5e1: {  	v63 =	vld [tilespmem:s31+$0xFFFFFFD0];
	v30 =	vcvt.f32.s32 v30;
	vm1 =	vgt.s32 v34, $0x0  }
0x5e2: {  	v50 =	vmul.f32 v62, v7;
	v36 =	vmul.f32 v52, v5;
	[tilespmem:v37+s17+$0x0] =	vst.idx.add.f32.msk $0xffff, v45;
	v34 =	vnsel vm1, $0x0, v34  }
0x5e3: {  	vm1 =	vgt.s32 v30, $0x0;
	[tilespmem:v37+s18+$0x0] =	vst.idx.add.f32.msk $0xffff, v31;
	v34 =	vmin.u32 v34, $0xFFF  }
0x5e4: {  	v53 =	vsub.f32 v50, v3;
	v36 =	vtrunc.f32 v36;
	v30 =	vnsel vm1, $0x0, v30;
	v55 =	vld [tilespmem:s14+$0x30]  }
0x5e5: {  	v36 =	vcvt.f32.s32 v36;
	v30 =	vmin.u32 v30, $0xFFF;
	v40 =	vmul.f32 v40, v9;
	[tilespmem:v32+s17+$0x0] =	vst.idx.add.f32.msk $0xffff, v45  }
0x5e6: {  	v31 =	vmul.f32 v53, v5;
	[tilespmem:v32+s18+$0x0] =	vst.idx.add.f32.msk $0xffff, v33  }
0x5e7: {  	vm1 =	vgt.s32 v36, $0x0;
	v56 =	vsub.f32 v40, v3;
	v33 =	vld [tilespmem:s23+$0x170]  }
0x5e8: {  	v37 =	vmul.f32 v54, v8;
	v31 =	vtrunc.f32 v31;
	v36 =	vnsel vm1, $0x0, v36;
	[tilespmem:v34+s17+$0x0] =	vst.idx.add.f32.msk $0xffff, v45  }
0x5e9: {  	v31 =	vcvt.f32.s32 v31;
	v36 =	vmin.u32 v36, $0xFFF;
	v32 =	vmul.f32 v56, v5;
	[tilespmem:v34+s18+$0x0] =	vst.idx.add.f32.msk $0xffff, v38  }
0x5ea: {  	v1 =	vmin.u32 v35, $0xFFF;
	[tilespmem:v30+s17+$0x0] =	vst.idx.add.f32.msk $0xffff, v45  }
0x5eb: {  	v57 =	vsub.f32 v37, v3;
	vm1 =	vgt.s32 v31, $0x0;
	v38 =	vld [tilespmem:s14+$0xFFFFFEA0];
	v32 =	vtrunc.f32 v32  }
0x5ec: {  	v31 =	vnsel vm1, $0x0, v31;
	v42 =	vmul.f32 v55, v26;
	[tilespmem:v30+s18+$0x0] =	vst.idx.add.f32.msk $0xffff, v46;
	v32 =	vcvt.f32.s32 v32  }
0x5ed: {  	v34 =	vmul.f32 v57, v5;
	v31 =	vmin.u32 v31, $0xFFF;
	v60 =	vld [tilespmem:s28+$0xFFFFFF00]  }
0x5ee: {  	v58 =	vsub.f32 v42, v3;
	[tilespmem:v36+s17+$0x0] =	vst.idx.add.f32.msk $0xffff, v45;
	vm1 =	vgt.s32 v32, $0x0  }
0x5ef: {  	v34 =	vtrunc.f32 v34;
	v30 =	vmul.f32 v33, v25;
	[tilespmem:v36+s18+$0x0] =	vst.idx.add.f32.msk $0xffff, v39;
	v32 =	vnsel vm1, $0x0, v32  }
0x5f0: {  	v34 =	vcvt.f32.s32 v34;
	v36 =	vld [tilespmem:s28+$0xA0];
	v32 =	vmin.u32 v32, $0xFFF  }
0x5f1: {  	v22 =	vand.u32 $0x7FFFFFFF, v22;
	[tilespmem:v1+s17+$0x0] =	vst.idx.add.f32.msk $0xffff, v45;
	v33 =	vmul.f32 v58, v5;
	v59 =	vsub.f32 v30, v3  }
0x5f2: {  	v18 =	vsub.f32 v16, v18;
	v38 =	vmul.f32 v38, v27;
	[tilespmem:v31+s17+$0x0] =	vst.idx.add.f32.msk $0xffff, v45;
	vm1 =	vgt.s32 v34, $0x0  }
0x5f3: {  	v33 =	vtrunc.f32 v33;
	v35 =	vmul.f32 v59, v5;
	[tilespmem:v31+s18+$0x0] =	vst.idx.add.f32.msk $0xffff, v50;
	v34 =	vnsel vm1, $0x0, v34  }
0x5f4: {  	v33 =	vcvt.f32.s32 v33;
	v39 =	vmul.f32 v60, v28;
	v31 =	vsub.f32 v38, v3;
	v41 =	vld [tilespmem:s23+$0xFFFFFFA0]  }
0x5f5: {  	v34 =	vmin.u32 v34, $0xFFF;
	v35 =	vtrunc.f32 v35;
	v36 =	vmul.f32 v36, v29;
	[tilespmem:v32+s17+$0x0] =	vst.idx.add.f32.msk $0xffff, v45  }
0x5f6: {  	vm1 =	vgt.s32 v33, $0x0;
	v35 =	vcvt.f32.s32 v35;
	v31 =	vmul.f32 v31, v5;
	[tilespmem:v32+s18+$0x0] =	vst.idx.add.f32.msk $0xffff, v40  }
0x5f7: {  	v43 =	vsub.f32 v39, v3;
	v61 =	vnsel vm1, $0x0, v33;
	v62 =	vsub.f32 v36, v3;
	v40 =	vld [tilespmem:s25+$0x110]  }
0x5f8: {  	[tilespmem:v1+s18+$0x0] =	vst.idx.add.f32.msk $0xffff, v14;
	v14 =	vmin.u32 v61, $0xFFF;
	vm1 =	vgt.s32 v35, $0x0;
	v1 =	vtrunc.f32 v31  }
0x5f9: {  	v31 =	vnsel vm1, $0x0, v35;
	v1 =	vcvt.f32.s32 v1;
	v33 =	vmul.f32 v62, v5  }
0x5fa: {  	v21 =	vadd.f32 v22, v21;
	v44 =	vmul.f32 v43, v5;
	[tilespmem:v34+s17+$0x0] =	vst.idx.add.f32.msk $0xffff, v45;
	v22 =	vmin.u32 v31, $0xFFF  }
0x5fb: {  	v31 =	vmul.f32 v41, v7;
	[tilespmem:v34+s18+$0x0] =	vst.idx.add.f32.msk $0xffff, v37;
	vm1 =	vgt.s32 v1, $0x0;
	v33 =	vtrunc.f32 v33  }
0x5fc: {  	v46 =	vld [tilespmem:s25+$0xFFFFFF60];
	v1 =	vnsel vm1, $0x0, v1;
	v33 =	vcvt.f32.s32 v33;
	v47 =	vmul.f32 v40, v9  }
0x5fd: {  	v32 =	vmul.f32 v63, v6;
	v48 =	vsub.f32 v31, v3;
	[tilespmem:v14+s17+$0x0] =	vst.idx.add.f32.msk $0xffff, v45;
	v1 =	vmin.u32 v1, $0xFFF  }
0x5fe: {  	v34 =	vtrunc.f32 v44;
	[tilespmem:v14+s18+$0x0] =	vst.idx.add.f32.msk $0xffff, v42;
	vm1 =	vgt.s32 v33, $0x0;
	v14 =	vsub.f32 v47, v3  }
0x5ff: {  	v34 =	vcvt.f32.s32 v34;
	v49 =	vld [tilespmem:s14+$0x40];
	v40 =	vmul.f32 v48, v5;
	v33 =	vnsel vm1, $0x0, v33  }
0x600: {  	v19 =	vadd.f32 v19, v20;
	[tilespmem:v22+s17+$0x0] =	vst.idx.add.f32.msk $0xffff, v45;
	v33 =	vmin.u32 v33, $0xFFF;
	v14 =	vmul.f32 v14, v5  }
0x601: {  	v50 =	vsub.f32 v32, v3;
	[tilespmem:v22+s18+$0x0] =	vst.idx.add.f32.msk $0xffff, v30;
	vm1 =	vgt.s32 v34, $0x0;
	v30 =	vtrunc.f32 v40  }
0x602: {  	v34 =	vnsel vm1, $0x0, v34;
	[tilespmem:v1+s17+$0x0] =	vst.idx.add.f32.msk $0xffff, v45;
	v30 =	vcvt.f32.s32 v30;
	v14 =	vtrunc.f32 v14  }
0x603: {  	v22 =	vmul.f32 v46, v8;
	[tilespmem:v1+s18+$0x0] =	vst.idx.add.f32.msk $0xffff, v38;
	v1 =	vmin.u32 v34, $0xFFF;
	v14 =	vcvt.f32.s32 v14  }
0x604: {  	v20 =	vmul.f32 v50, v5;
	v53 =	vmul.f32 v49, v26;
	v52 =	vld [tilespmem:s14+$0xFFFFFEB0];
	vm1 =	vgt.s32 v30, $0x0  }
0x605: {  	v51 =	vsub.f32 v22, v3;
	v30 =	vnsel vm1, $0x0, v30;
	[tilespmem:v33+s17+$0x0] =	vst.idx.add.f32.msk $0xffff, v45;
	vm1 =	vgt.s32 v14, $0x0  }
0x606: {  	v54 =	vsub.f32 v53, v3;
	v30 =	vmin.u32 v30, $0xFFF;
	[tilespmem:v33+s18+$0x0] =	vst.idx.add.f32.msk $0xffff, v36;
	v14 =	vnsel vm1, $0x0, v14  }
0x607: {  	v20 =	vtrunc.f32 v20;
	v34 =	vmul.f32 v51, v5;
	v36 =	vld [tilespmem:s28+$0xB0];
	v14 =	vmin.u32 v14, $0xFFF  }
0x608: {  	v20 =	vcvt.f32.s32 v20;
	[tilespmem:v1+s17+$0x0] =	vst.idx.add.f32.msk $0xffff, v45;
	v33 =	vmul.f32 v54, v5  }
0x609: {  	v34 =	vtrunc.f32 v34;
	v35 =	vmul.f32 v52, v27;
	[tilespmem:v1+s18+$0x0] =	vst.idx.add.f32.msk $0xffff, v39;
	v1 =	vand.u32 $0x7FFFFFFF, v18  }
0x60a: {  	vm1 =	vgt.s32 v20, $0x0;
	v18 =	vcvt.f32.s32 v34;
	v55 =	vld [tilespmem:s28+$0xFFFFFF10];
	v33 =	vtrunc.f32 v33  }
0x60b: {  	v20 =	vnsel vm1, $0x0, v20;
	v56 =	vsub.f32 v35, v3;
	[tilespmem:v30+s17+$0x0] =	vst.idx.add.f32.msk $0xffff, v45;
	v33 =	vcvt.f32.s32 v33  }
0x60c: {  	vm1 =	vgt.s32 v18, $0x0;
	v20 =	vmin.u32 v20, $0xFFF;
	v36 =	vmul.f32 v36, v29;
	[tilespmem:v14+s17+$0x0] =	vst.idx.add.f32.msk $0xffff, v45  }
0x60d: {  	v18 =	vnsel vm1, $0x0, v18;
	v39 =	vmul.f32 v56, v5;
	vm1 =	vgt.s32 v33, $0x0;
	[tilespmem:v14+s18+$0x0] =	vst.idx.add.f32.msk $0xffff, v47  }
0x60e: {  	v33 =	vnsel vm1, $0x0, v33;
	v14 =	vmin.u32 v18, $0xFFF;
	v18 =	vsub.f32 v36, v3;
	v37 =	vld [tilespmem:s25+$0x120]  }
0x60f: {  	[tilespmem:v30+s18+$0x0] =	vst.idx.add.f32.msk $0xffff, v31;
	v39 =	vtrunc.f32 v39;
	v34 =	vmul.f32 v55, v28;
	v33 =	vmin.u32 v33, $0xFFF  }
0x610: {  	v30 =	vld [tilespmem:s12+$0x180];
	v31 =	vcvt.f32.s32 v39;
	v18 =	vmul.f32 v18, v5  }
0x611: {  	v16 =	vmul.f32 v16, v16;
	v17 =	vsub.f32 v13, v17;
	v1 =	vadd.f32 v1, v21;
	v21 =	vld [tilespmem:s23+$0xFFFFFFB0]  }
0x612: {  	[tilespmem:v20+s17+$0x0] =	vst.idx.add.f32.msk $0xffff, v45;
	v57 =	vsub.f32 v34, v3;
	vm1 =	vgt.s32 v31, $0x0;
	v18 =	vtrunc.f32 v18  }
0x613: {  	[tilespmem:v20+s18+$0x0] =	vst.idx.add.f32.msk $0xffff, v32;
	v20 =	vnsel vm1, $0x0, v31;
	v18 =	vcvt.f32.s32 v18;
	v31 =	vmul.f32 v37, v9  }
0x614: {  	v16 =	vadd.f32 v16, v19;
	v19 =	vmin.u32 v20, $0xFFF;
	v20 =	vmul.f32 v57, v5;
	[tilespmem:v33+s17+$0x0] =	vst.idx.add.f32.msk $0xffff, v45  }
0x615: {  	v30 =	vmul.f32 v30, v25;
	[tilespmem:v14+s17+$0x0] =	vst.idx.add.f32.msk $0xffff, v45;
	vm1 =	vgt.s32 v18, $0x0;
	v25 =	vsub.f32 v31, v3  }
0x616: {  	v21 =	vmul.f32 v21, v7;
	[tilespmem:v33+s18+$0x0] =	vst.idx.add.f32.msk $0xffff, v53;
	v20 =	vtrunc.f32 v20;
	v18 =	vnsel vm1, $0x0, v18  }
0x617: {  	v58 =	vld [tilespmem:s14+$0x50];
	v20 =	vcvt.f32.s32 v20;
	v18 =	vmin.u32 v18, $0xFFF;
	v25 =	vmul.f32 v25, v5  }
0x618: {  	v13 =	vmul.f32 v13, v13;
	v17 =	vand.u32 $0x7FFFFFFF, v17;
	[tilespmem:v14+s18+$0x0] =	vst.idx.add.f32.msk $0xffff, v22;
	v14 =	vsub.f32 v21, v3  }
0x619: {  	v22 =	vsub.f32 v30, v3;
	[tilespmem:v19+s17+$0x0] =	vst.idx.add.f32.msk $0xffff, v45;
	vm1 =	vgt.s32 v20, $0x0;
	v25 =	vtrunc.f32 v25  }
0x61a: {  	v14 =	vmul.f32 v14, v5;
	[tilespmem:v19+s18+$0x0] =	vst.idx.add.f32.msk $0xffff, v35;
	v19 =	vnsel vm1, $0x0, v20;
	v20 =	vcvt.f32.s32 v25  }
0x61b: {  	v15 =	vsub.f32 v12, v15;
	v22 =	vmul.f32 v22, v5;
	v19 =	vmin.u32 v19, $0xFFF;
	v25 =	vld [tilespmem:s14+$0xFFFFFEC0]  }
0x61c: {  	v14 =	vtrunc.f32 v14;
	v32 =	vmul.f32 v58, v26;
	[tilespmem:v18+s17+$0x0] =	vst.idx.add.f32.msk $0xffff, v45;
	vm1 =	vgt.s32 v20, $0x0  }
0x61d: {  	v1 =	vadd.f32 v17, v1;
	v14 =	vcvt.f32.s32 v14;
	[tilespmem:v18+s18+$0x0] =	vst.idx.add.f32.msk $0xffff, v36;
	v17 =	vnsel vm1, $0x0, v20  }
0x61e: {  	v18 =	vtrunc.f32 v22;
	v20 =	vsub.f32 v32, v3;
	v22 =	vld [tilespmem:s28+$0xC0];
	v17 =	vmin.u32 v17, $0xFFF  }
0x61f: {  	v13 =	vadd.f32 v13, v16;
	v16 =	vcvt.f32.s32 v18;
	v18 =	vld [tilespmem:s30+$0x100];
	vm1 =	vgt.s32 v14, $0x0  }
0x620: {  	[tilespmem:v19+s17+$0x0] =	vst.idx.add.f32.msk $0xffff, v45;
	v14 =	vnsel vm1, $0x0, v14;
	v59 =	vmul.f32 v25, v27;
	v20 =	vmul.f32 v20, v5  }
0x621: {  	v15 =	vand.u32 $0x7FFFFFFF, v15;
	[tilespmem:v19+s18+$0x0] =	vst.idx.add.f32.msk $0xffff, v34;
	v25 =	vmul.f32 v12, v12;
	v12 =	vmin.u32 v14, $0xFFF  }
0x622: {  	v29 =	vsel vm0, v29, v11;
	v14 =	vsub.f32 v59, v3;
	v19 =	vtrunc.f32 v20;
	v20 =	vld [tilespmem:s28+$0xFFFFFF20]  }
0x623: {  	vm1 =	vgt.s32 v16, $0x0;
	v19 =	vcvt.f32.s32 v19;
	v22 =	vmul.f32 v22, v29;
	[tilespmem:v17+s17+$0x0] =	vst.idx.add.f32.msk $0xffff, v45  }
0x624: {  	v16 =	vnsel vm1, $0x0, v16;
	v61 =	vmul.f32 v18, v8;
	v14 =	vmul.f32 v14, v5;
	[tilespmem:v17+s18+$0x0] =	vst.idx.add.f32.msk $0xffff, v31  }
0x625: {  	v60 =	vmin.u32 v16, $0xFFF;
	vm1 =	vgt.s32 v19, $0x0;
	v16 =	vsub.f32 v22, v3;
	v17 =	vld [tilespmem:s25+$0x130]  }
0x626: {  	[tilespmem:v12+s17+$0x0] =	vst.idx.add.f32.msk $0xffff, v45;
	v14 =	vtrunc.f32 v14;
	v18 =	vnsel vm1, $0x0, v19;
	v19 =	vsub.f32 v61, v3  }
0x627: {  	[tilespmem:v12+s18+$0x0] =	vst.idx.add.f32.msk $0xffff, v21;
	v14 =	vcvt.f32.s32 v14;
	v18 =	vmin.u32 v18, $0xFFF;
	v16 =	vmul.f32 v16, v5  }
0x628: {  	v13 =	vadd.f32 v25, v13;
	v12 =	vadd.f32 v15, v1;
	v29 =	vmul.f32 v20, v28;
	v1 =	vld [tilespmem:s23+$0xFFFFFFC0]  }
0x629: {  	v21 =	vld [tilespmem:s1+$0x180];
	v15 =	vmul.f32 v19, v5;
	vm1 =	vgt.s32 v14, $0x0;
	v16 =	vtrunc.f32 v16  }
0x62a: {  	[tilespmem:v60+s17+$0x0] =	vst.idx.add.f32.msk $0xffff, v45;
	v14 =	vnsel vm1, $0x0, v14;
	v16 =	vcvt.f32.s32 v16;
	v25 =	vmul.f32 v17, v9  }
0x62b: {  	v20 =	vld [tilespmem:s31+$0xFFFFFFE0];
	v15 =	vtrunc.f32 v15;
	v14 =	vmin.u32 v14, $0xFFF;
	v17 =	vsub.f32 v29, v3  }
0x62c: {  	v15 =	vcvt.f32.s32 v15;
	[tilespmem:v18+s17+$0x0] =	vst.idx.add.f32.msk $0xffff, v45;
	vm1 =	vgt.s32 v16, $0x0;
	v31 =	vsub.f32 v25, v3  }
0x62d: {  	v19 =	vmul.f32 v1, v7;
	[tilespmem:v18+s18+$0x0] =	vst.idx.add.f32.msk $0xffff, v32;
	v17 =	vmul.f32 v17, v5;
	v16 =	vnsel vm1, $0x0, v16  }
0x62e: {  	vm1 =	vgt.s32 v15, $0x0;
	v1 =	vld [tilespmem:s14+$0x60];
	v18 =	vmin.u32 v16, $0xFFF;
	v31 =	vmul.f32 v31, v5  }
0x62f: {  	[tilespmem:v60+s18+$0x0] =	vst.idx.add.f32.msk $0xffff, v30;
	v16 =	vsel vm0, v28, v10;
	v15 =	vnsel vm1, $0x0, v15;
	v17 =	vtrunc.f32 v17  }
0x630: {  	v28 =	vsub.f32 v19, v3;
	[tilespmem:v14+s17+$0x0] =	vst.idx.add.f32.msk $0xffff, v45;
	v30 =	vcvt.f32.s32 v17;
	v31 =	vtrunc.f32 v31  }
0x631: {  	v0 =	vmul.f32 v21, v0;
	v62 =	vmin.u32 v15, $0xFFF;
	[tilespmem:v14+s18+$0x0] =	vst.idx.add.f32.msk $0xffff, v59;
	v14 =	vcvt.f32.s32 v31  }
0x632: {  	v15 =	vmul.f32 v20, v6;
	v28 =	vmul.f32 v28, v5;
	v63 =	vld [tilespmem:s14+$0xFFFFFED0];
	vm1 =	vgt.s32 v30, $0x0  }
0x633: {  	v31 =	vmul.f32 v1, v26;
	v1 =	vnsel vm1, $0x0, v30;
	[tilespmem:v18+s17+$0x0] =	vst.idx.add.f32.msk $0xffff, v45;
	vm1 =	vgt.s32 v14, $0x0  }
0x634: {  	v17 =	vsel vm0, v27, v23;
	[tilespmem:v18+s18+$0x0] =	vst.idx.add.f32.msk $0xffff, v22;
	v18 =	vtrunc.f32 v28;
	v20 =	vnsel vm1, $0x0, v14  }
0x635: {  	v21 =	vsub.f32 v31, v3;
	v14 =	vld [tilespmem:s28+$0xD0];
	v22 =	vcvt.f32.s32 v18;
	v28 =	vmin.u32 v20, $0xFFF  }
0x636: {  	v1 =	vmin.u32 v1, $0xFFF;
	[tilespmem:v62+s17+$0x0] =	vst.idx.add.f32.msk $0xffff, v45;
	v18 =	vsub.f32 v0, v3;
	v20 =	vsub.f32 v15, v3  }
0x637: {  	s12 =	simm.s32 $0xA;
	s1 =	simm.s32 $0x1130;
	s31 =	simm.s32 $0x196A0;
	[tilespmem:v62+s18+$0x0] =	vst.idx.add.f32.msk $0xffff, v61;
	v30 =	vmul.f32 v63, v27;
	v32 =	vmul.f32 v21, v5;
	vm1 =	vgt.s32 v22, $0x0  }
.LBB2_10:
0x638: {  	v21 =	vld [tilespmem:s31+$0x0];
	s14 =	sadd.s32 $0x320, s14;
	v22 =	vnsel vm1, $0x0, v22;
	v20 =	vmul.f32 v20, v5;
	v18 =	vmul.f32 v18, v5  }
0x639: {  	v33 =	vld [tilespmem:s14+$0x0];
	v34 =	vsub.f32 v30, v3;
	v32 =	vtrunc.f32 v32;
	v22 =	vmin.u32 v22, $0xFFF  }
0x63a: {  	v32 =	vcvt.f32.s32 v32;
	v14 =	vmul.f32 v14, v11;
	[tilespmem:v28+s17+$0x0] =	vst.idx.add.f32.msk $0xffff, v45  }
0x63b: {  	v20 =	vtrunc.f32 v20;
	v34 =	vmul.f32 v34, v5;
	[tilespmem:v28+s18+$0x0] =	vst.idx.add.f32.msk $0xffff, v25  }
0x63c: {  	v35 =	vcvt.f32.s32 v20;
	vm1 =	vgt.s32 v32, $0x0;
	v25 =	vsub.f32 v14, v3;
	v28 =	vld [tilespmem:s25+$0x140]  }
0x63d: {  	v37 =	vtrunc.f32 v18;
	v36 =	vld [tilespmem:s14+$0xFFFFFE70];
	v34 =	vtrunc.f32 v34;
	v32 =	vnsel vm1, $0x0, v32  }
0x63e: {  	v20 =	vld [tilespmem:s31+$0xFFFFFFE0];
	v33 =	vmul.f32 v33, v21;
	v32 =	vmin.u32 v32, $0xFFF;
	v25 =	vmul.f32 v25, v5  }
0x63f: {  	v37 =	vcvt.f32.s32 v37;
	vm1 =	vgt.s32 v35, $0x0;
	v34 =	vcvt.f32.s32 v34;
	v18 =	vld [tilespmem:s31+$0xFFFFFFF0]  }
0x640: {  	v35 =	vnsel vm1, $0x0, v35;
	v38 =	vsub.f32 v33, v3;
	[tilespmem:v1+s17+$0x0] =	vst.idx.add.f32.msk $0xffff, v45;
	v25 =	vtrunc.f32 v25  }
0x641: {  	vm1 =	vgt.s32 v34, $0x0;
	[tilespmem:v1+s18+$0x0] =	vst.idx.add.f32.msk $0xffff, v29;
	v1 =	vcvt.f32.s32 v25;
	v28 =	vmul.f32 v28, v9  }
0x642: {  	v34 =	vnsel vm1, $0x0, v34;
	v25 =	vmin.u32 v35, $0xFFF;
	v29 =	vmul.f32 v38, v5;
	v38 =	vld [tilespmem:s28+$0xFFFFFF30]  }
0x643: {  	v35 =	vmul.f32 v36, v20;
	[tilespmem:v32+s17+$0x0] =	vst.idx.add.f32.msk $0xffff, v45;
	vm1 =	vgt.s32 v1, $0x0;
	v36 =	vsub.f32 v28, v3  }
0x644: {  	v34 =	vmin.u32 v34, $0xFFF;
	v29 =	vtrunc.f32 v29;
	[tilespmem:v32+s18+$0x0] =	vst.idx.add.f32.msk $0xffff, v31;
	v1 =	vnsel vm1, $0x0, v1  }
0x645: {  	v29 =	vcvt.f32.s32 v29;
	v31 =	vld [tilespmem:s1+$0x70];
	v1 =	vmin.u32 v1, $0xFFF;
	v32 =	vmul.f32 v36, v5  }
0x646: {  	vm1 =	vgt.s32 v37, $0x0;
	v36 =	vsel vm0, v20, v18;
	v39 =	vsub.f32 v35, v3;
	v40 =	vld [tilespmem:s25+$0xFFFFFF80]  }
0x647: {  	vm2 =	vgt.s32 v29, $0x0;
	v38 =	vmul.f32 v38, v16;
	v32 =	vtrunc.f32 v32;
	[tilespmem:v22+s17+$0x0] =	vst.idx.add.f32.msk $0xffff, v45;
	v16 =	vmovc v17  }
0x648: {  	v39 =	vmul.f32 v39, v5;
	v17 =	vmovc v36;
	v29 =	vnsel vm2, $0x0, v29;
	v32 =	vcvt.f32.s32 v32;
	[tilespmem:v22+s18+$0x0] =	vst.idx.add.f32.msk $0xffff, v19  }
0x649: {  	v22 =	vnsel vm1, $0x0, v37;
	v29 =	vmin.u32 v29, $0xFFF;
	[tilespmem:v34+s17+$0x0] =	vst.idx.add.f32.msk $0xffff, v45;
	v19 =	vsub.f32 v38, v3  }
0x64a: {  	v36 =	vtrunc.f32 v39;
	v31 =	vmul.f32 v31, v26;
	[tilespmem:v1+s17+$0x0] =	vst.idx.add.f32.msk $0xffff, v45;
	vm1 =	vgt.s32 v32, $0x0  }
0x64b: {  	v36 =	vcvt.f32.s32 v36;
	v37 =	vmul.f32 v19, v5;
	[tilespmem:v1+s18+$0x0] =	vst.idx.add.f32.msk $0xffff, v14;
	v1 =	vnsel vm1, $0x0, v32  }
0x64c: {  	v39 =	vmul.f32 v40, v8;
	v14 =	vsub.f32 v31, v3;
	v32 =	vld [tilespmem:s28+$0xE0];
	v1 =	vmin.u32 v1, $0xFFF  }
0x64d: {  	v22 =	vmin.u32 v22, $0xFFF;
	vm1 =	vgt.s32 v36, $0x0;
	v19 =	vld [tilespmem:s31+$0x10];
	v37 =	vtrunc.f32 v37  }
0x64e: {  	v36 =	vnsel vm1, $0x0, v36;
	[tilespmem:v29+s17+$0x0] =	vst.idx.add.f32.msk $0xffff, v45;
	v14 =	vmul.f32 v14, v5;
	v37 =	vcvt.f32.s32 v37  }
0x64f: {  	v36 =	vmin.u32 v36, $0xFFF;
	[tilespmem:v29+s18+$0x0] =	vst.idx.add.f32.msk $0xffff, v33;
	v29 =	vsub.f32 v39, v3  }
0x650: {  	v33 =	vld [tilespmem:s14+$0x10];
	v14 =	vtrunc.f32 v14;
	vm1 =	vgt.s32 v37, $0x0  }
0x651: {  	v14 =	vcvt.f32.s32 v14;
	v37 =	vnsel vm1, $0x0, v37;
	v32 =	vmul.f32 v32, v11;
	[tilespmem:v1+s17+$0x0] =	vst.idx.add.f32.msk $0xffff, v45  }
0x652: {  	v29 =	vmul.f32 v29, v5;
	v37 =	vmin.u32 v37, $0xFFF;
	[tilespmem:v1+s18+$0x0] =	vst.idx.add.f32.msk $0xffff, v28  }
0x653: {  	vm1 =	vgt.s32 v14, $0x0;
	v1 =	vsub.f32 v32, v3;
	v28 =	vld [tilespmem:s25+$0x150]  }
0x654: {  	v29 =	vtrunc.f32 v29;
	[tilespmem:v36+s17+$0x0] =	vst.idx.add.f32.msk $0xffff, v45;
	v14 =	vnsel vm1, $0x0, v14  }
0x655: {  	[tilespmem:v36+s18+$0x0] =	vst.idx.add.f32.msk $0xffff, v35;
	v33 =	vmul.f32 v33, v21;
	v14 =	vmin.u32 v14, $0xFFF;
	v1 =	vmul.f32 v1, v5  }
0x656: {  	v29 =	vcvt.f32.s32 v29;
	v35 =	vld [tilespmem:s14+$0xFFFFFE80]  }
0x657: {  	s12 =	sadd.s32 $0x2, s12;
	v36 =	vsub.f32 v33, v3;
	[tilespmem:v34+s18+$0x0] =	vst.idx.add.f32.msk $0xffff, v30;
	v1 =	vtrunc.f32 v1  }
0x658: {  	p0 =	slt.u32 s12, $0xFE;
	vm1 =	vgt.s32 v29, $0x0;
	v30 =	vld [tilespmem:s1+$0xFFFFFEE0];
	v1 =	vcvt.f32.s32 v1;
	v28 =	vmul.f32 v28, v9  }
0x659: {  	s21 =	sadd.s32 $0x320, s21;
	v29 =	vnsel vm1, $0x0, v29;
	v34 =	vmul.f32 v36, v5;
	[tilespmem:v37+s17+$0x0] =	vst.idx.add.f32.msk $0xffff, v45  }
0x65a: {  	s19 =	sand.u32 $0x1FFE0, s21;
	s20 =	sadd.s32 $0x190, s21;
	v29 =	vmin.u32 v29, $0xFFF;
	[tilespmem:v14+s17+$0x0] =	vst.idx.add.f32.msk $0xffff, v45;
	vm1 =	vgt.s32 v1, $0x0;
	v36 =	vsub.f32 v28, v3  }
0x65b: {  	s20 =	sand.u32 $0x1FFF0, s20;
	v35 =	vmul.f32 v35, v20;
	v34 =	vtrunc.f32 v34;
	[tilespmem:v14+s18+$0x0] =	vst.idx.add.f32.msk $0xffff, v31;
	v1 =	vnsel vm1, $0x0, v1  }
0x65c: {  	v14 =	vcvt.f32.s32 v34;
	v31 =	vld [tilespmem:s20+$0x80];
	v1 =	vmin.u32 v1, $0xFFF;
	v34 =	vmul.f32 v36, v5  }
0x65d: {  	v36 =	vsub.f32 v35, v3;
	v30 =	vmul.f32 v30, v27;
	[tilespmem:v37+s18+$0x0] =	vst.idx.add.f32.msk $0xffff, v38  }
0x65e: {  	vm1 =	vgt.s32 v14, $0x0;
	v37 =	vld [tilespmem:s28+$0xFFFFFF40];
	v34 =	vtrunc.f32 v34  }
0x65f: {  	v36 =	vmul.f32 v36, v5;
	v14 =	vnsel vm1, $0x0, v14;
	[tilespmem:v29+s17+$0x0] =	vst.idx.add.f32.msk $0xffff, v45;
	v34 =	vcvt.f32.s32 v34  }
0x660: {  	v38 =	vsub.f32 v30, v3;
	v14 =	vmin.u32 v14, $0xFFF;
	[tilespmem:v29+s18+$0x0] =	vst.idx.add.f32.msk $0xffff, v39  }
0x661: {  	v29 =	vtrunc.f32 v36;
	v31 =	vmul.f32 v31, v26;
	[tilespmem:v1+s17+$0x0] =	vst.idx.add.f32.msk $0xffff, v45;
	vm1 =	vgt.s32 v34, $0x0  }
0x662: {  	v36 =	vmul.f32 v38, v5;
	v29 =	vcvt.f32.s32 v29;
	[tilespmem:v1+s18+$0x0] =	vst.idx.add.f32.msk $0xffff, v32;
	v1 =	vnsel vm1, $0x0, v34  }
0x663: {  	v32 =	vsub.f32 v31, v3;
	v34 =	vmul.f32 v37, v10;
	v37 =	vld [tilespmem:s28+$0xF0];
	v1 =	vmin.u32 v1, $0xFFF  }
0x664: {  	v36 =	vtrunc.f32 v36;
	vm1 =	vgt.s32 v29, $0x0;
	v38 =	vld [tilespmem:s25+$0xFFFFFF90]  }
0x665: {  	v36 =	vcvt.f32.s32 v36;
	v29 =	vnsel vm1, $0x0, v29;
	[tilespmem:v14+s17+$0x0] =	vst.idx.add.f32.msk $0xffff, v45;
	v32 =	vmul.f32 v32, v5  }
0x666: {  	v29 =	vmin.u32 v29, $0xFFF;
	[tilespmem:v14+s18+$0x0] =	vst.idx.add.f32.msk $0xffff, v33;
	v14 =	vsub.f32 v34, v3  }
0x667: {  	vm1 =	vgt.s32 v36, $0x0;
	v33 =	vld [tilespmem:s14+$0x20];
	v32 =	vtrunc.f32 v32  }
0x668: {  	v36 =	vnsel vm1, $0x0, v36;
	v32 =	vcvt.f32.s32 v32;
	v37 =	vmul.f32 v37, v11;
	[tilespmem:v1+s17+$0x0] =	vst.idx.add.f32.msk $0xffff, v45  }
0x669: {  	v36 =	vmin.u32 v36, $0xFFF;
	v39 =	vmul.f32 v14, v5;
	v14 =	vmul.f32 v38, v8;
	[tilespmem:v1+s18+$0x0] =	vst.idx.add.f32.msk $0xffff, v28  }
0x66a: {  	vm1 =	vgt.s32 v32, $0x0;
	v1 =	vsub.f32 v37, v3;
	v28 =	vld [tilespmem:s25+$0x160]  }
0x66b: {  	v38 =	vtrunc.f32 v39;
	[tilespmem:v29+s17+$0x0] =	vst.idx.add.f32.msk $0xffff, v45;
	v32 =	vnsel vm1, $0x0, v32;
	v39 =	vsub.f32 v14, v3  }
0x66c: {  	[tilespmem:v29+s18+$0x0] =	vst.idx.add.f32.msk $0xffff, v35;
	v29 =	vmul.f32 v33, v21;
	v32 =	vmin.u32 v32, $0xFFF;
	v1 =	vmul.f32 v1, v5  }
0x66d: {  	v35 =	vcvt.f32.s32 v38;
	v33 =	vld [tilespmem:s14+$0xFFFFFE90];
	v38 =	vmul.f32 v39, v5  }
0x66e: {  	v39 =	vsub.f32 v29, v3;
	[tilespmem:v36+s17+$0x0] =	vst.idx.add.f32.msk $0xffff, v45;
	v1 =	vtrunc.f32 v1  }
0x66f: {  	vm1 =	vgt.s32 v35, $0x0;
	[tilespmem:v36+s18+$0x0] =	vst.idx.add.f32.msk $0xffff, v30;
	v1 =	vcvt.f32.s32 v1;
	v28 =	vmul.f32 v28, v9  }
0x670: {  	v35 =	vnsel vm1, $0x0, v35;
	v38 =	vtrunc.f32 v38;
	v30 =	vmul.f32 v39, v5;
	v36 =	vld [tilespmem:s19+$0x80]  }
0x671: {  	v35 =	vmin.u32 v35, $0xFFF;
	[tilespmem:v32+s17+$0x0] =	vst.idx.add.f32.msk $0xffff, v45;
	vm1 =	vgt.s32 v1, $0x0;
	v39 =	vsub.f32 v28, v3  }
0x672: {  	v33 =	vmul.f32 v33, v20;
	v30 =	vtrunc.f32 v30;
	[tilespmem:v32+s18+$0x0] =	vst.idx.add.f32.msk $0xffff, v31;
	v1 =	vnsel vm1, $0x0, v1  }
0x673: {  	v30 =	vcvt.f32.s32 v30;
	v31 =	vld [tilespmem:s1+$0x90];
	v1 =	vmin.u32 v1, $0xFFF;
	v32 =	vmul.f32 v39, v5  }
0x674: {  	v38 =	vcvt.f32.s32 v38;
	v39 =	vsub.f32 v33, v3;
	v40 =	vld [tilespmem:s23+$0xFFFFFFD0]  }
0x675: {  	vm1 =	vgt.s32 v30, $0x0;
	v36 =	vmul.f32 v36, v27;
	v32 =	vtrunc.f32 v32;
	[tilespmem:v25+s17+$0x0] =	vst.idx.add.f32.msk $0xffff, v45  }
0x676: {  	v39 =	vmul.f32 v39, v5;
	v30 =	vnsel vm1, $0x0, v30;
	[tilespmem:v35+s17+$0x0] =	vst.idx.add.f32.msk $0xffff, v45;
	v32 =	vcvt.f32.s32 v32  }
0x677: {  	vm1 =	vgt.s32 v38, $0x0;
	v30 =	vmin.u32 v30, $0xFFF;
	v41 =	vsub.f32 v36, v3;
	[tilespmem:v35+s18+$0x0] =	vst.idx.add.f32.msk $0xffff, v34  }
0x678: {  	v34 =	vtrunc.f32 v39;
	v31 =	vmul.f32 v31, v26;
	[tilespmem:v1+s17+$0x0] =	vst.idx.add.f32.msk $0xffff, v45;
	vm2 =	vgt.s32 v32, $0x0  }
0x679: {  	v34 =	vcvt.f32.s32 v34;
	v35 =	vmul.f32 v41, v5;
	[tilespmem:v1+s18+$0x0] =	vst.idx.add.f32.msk $0xffff, v37;
	v1 =	vnsel vm2, $0x0, v32  }
0x67a: {  	v38 =	vnsel vm1, $0x0, v38;
	v32 =	vsub.f32 v31, v3;
	v37 =	vld [tilespmem:s0+$0x100];
	v39 =	vmin.u32 v1, $0xFFF  }
0x67b: {  	v38 =	vmin.u32 v38, $0xFFF;
	vm1 =	vgt.s32 v34, $0x0;
	v1 =	vtrunc.f32 v35;
	v35 =	vld [tilespmem:s28+$0xFFFFFF50]  }
0x67c: {  	v34 =	vnsel vm1, $0x0, v34;
	[tilespmem:v30+s17+$0x0] =	vst.idx.add.f32.msk $0xffff, v45;
	v41 =	vcvt.f32.s32 v1;
	v32 =	vmul.f32 v32, v5  }
0x67d: {  	v1 =	vmul.f32 v40, v7;
	v34 =	vmin.u32 v34, $0xFFF;
	[tilespmem:v30+s18+$0x0] =	vst.idx.add.f32.msk $0xffff, v29  }
0x67e: {  	v29 =	vld [tilespmem:s14+$0x30];
	vm1 =	vgt.s32 v41, $0x0;
	v30 =	vtrunc.f32 v32  }
0x67f: {  	v32 =	vnsel vm1, $0x0, v41;
	v30 =	vcvt.f32.s32 v30;
	v37 =	vmul.f32 v37, v11;
	[tilespmem:v39+s17+$0x0] =	vst.idx.add.f32.msk $0xffff, v45  }
0x680: {  	v32 =	vmin.u32 v32, $0xFFF;
	v35 =	vmul.f32 v35, v10;
	[tilespmem:v39+s18+$0x0] =	vst.idx.add.f32.msk $0xffff, v28;
	v28 =	vsub.f32 v1, v3  }
0x681: {  	vm1 =	vgt.s32 v30, $0x0;
	v39 =	vsub.f32 v37, v3;
	v40 =	vld [tilespmem:s25+$0x170]  }
0x682: {  	[tilespmem:v34+s17+$0x0] =	vst.idx.add.f32.msk $0xffff, v45;
	v30 =	vnsel vm1, $0x0, v30;
	v41 =	vsub.f32 v35, v3;
	v28 =	vmul.f32 v28, v5  }
0x683: {  	[tilespmem:v34+s18+$0x0] =	vst.idx.add.f32.msk $0xffff, v33;
	v30 =	vmin.u32 v30, $0xFFF;
	v33 =	vmul.f32 v39, v5  }
0x684: {  	v34 =	vld [tilespmem:s14+$0xFFFFFEA0];
	v39 =	vmul.f32 v41, v5;
	v28 =	vtrunc.f32 v28  }
0x685: {  	v29 =	vmul.f32 v29, v21;
	[tilespmem:v32+s17+$0x0] =	vst.idx.add.f32.msk $0xffff, v45;
	v33 =	vtrunc.f32 v33  }
0x686: {  	[tilespmem:v32+s18+$0x0] =	vst.idx.add.f32.msk $0xffff, v36;
	v32 =	vcvt.f32.s32 v33;
	v33 =	vmul.f32 v40, v9  }
0x687: {  	v28 =	vcvt.f32.s32 v28;
	v36 =	vsub.f32 v29, v3;
	v39 =	vtrunc.f32 v39;
	v40 =	vld [tilespmem:s1+$0xFFFFFF00]  }
0x688: {  	v39 =	vcvt.f32.s32 v39;
	[tilespmem:v30+s17+$0x0] =	vst.idx.add.f32.msk $0xffff, v45;
	vm1 =	vgt.s32 v32, $0x0;
	v41 =	vsub.f32 v33, v3  }
0x689: {  	v36 =	vmul.f32 v36, v5;
	v34 =	vmul.f32 v34, v20;
	[tilespmem:v30+s18+$0x0] =	vst.idx.add.f32.msk $0xffff, v31;
	v30 =	vnsel vm1, $0x0, v32  }
0x68a: {  	vm1 =	vgt.s32 v39, $0x0;
	v31 =	vld [tilespmem:s1+$0xA0];
	v30 =	vmin.u32 v30, $0xFFF;
	v32 =	vmul.f32 v41, v5  }
0x68b: {  	v36 =	vtrunc.f32 v36;
	v39 =	vnsel vm1, $0x0, v39;
	v41 =	vsub.f32 v34, v3;
	[tilespmem:v38+s17+$0x0] =	vst.idx.add.f32.msk $0xffff, v45  }
0x68c: {  	v36 =	vcvt.f32.s32 v36;
	v39 =	vmin.u32 v39, $0xFFF;
	[tilespmem:v38+s18+$0x0] =	vst.idx.add.f32.msk $0xffff, v14;
	v14 =	vtrunc.f32 v32  }
0x68d: {  	vm1 =	vgt.s32 v28, $0x0;
	v32 =	vmul.f32 v41, v5;
	v38 =	vld [tilespmem:s25+$0xFFFFFFA0];
	v14 =	vcvt.f32.s32 v14  }
0x68e: {  	v28 =	vnsel vm1, $0x0, v28;
	v40 =	vmul.f32 v40, v27;
	vm2 =	vgt.s32 v36, $0x0;
	[tilespmem:v25+s18+$0x0] =	vst.idx.add.f32.msk $0xffff, v15  }
0x68f: {  	v15 =	vnsel vm2, $0x0, v36;
	v25 =	vmul.f32 v31, v26;
	[tilespmem:v30+s17+$0x0] =	vst.idx.add.f32.msk $0xffff, v45;
	vm1 =	vgt.s32 v14, $0x0  }
0x690: {  	v31 =	vtrunc.f32 v32;
	v15 =	vmin.u32 v15, $0xFFF;
	[tilespmem:v30+s18+$0x0] =	vst.idx.add.f32.msk $0xffff, v37;
	v14 =	vnsel vm1, $0x0, v14  }
0x691: {  	v30 =	vcvt.f32.s32 v31;
	v31 =	vsub.f32 v25, v3;
	v32 =	vld [tilespmem:s28+$0x110];
	v14 =	vmin.u32 v14, $0xFFF  }
0x692: {  	v28 =	vmin.u32 v28, $0xFFF;
	v36 =	vsub.f32 v40, v3;
	[tilespmem:v39+s17+$0x0] =	vst.idx.add.f32.msk $0xffff, v45;
	v37 =	vmul.f32 v38, v8  }
0x693: {  	vm1 =	vgt.s32 v30, $0x0;
	v31 =	vmul.f32 v31, v5;
	[tilespmem:v39+s18+$0x0] =	vst.idx.add.f32.msk $0xffff, v35  }
0x694: {  	v30 =	vnsel vm1, $0x0, v30;
	v35 =	vmul.f32 v36, v5;
	v36 =	vld [tilespmem:s28+$0xFFFFFF60];
	v38 =	vsub.f32 v37, v3  }
0x695: {  	v30 =	vmin.u32 v30, $0xFFF;
	[tilespmem:v15+s17+$0x0] =	vst.idx.add.f32.msk $0xffff, v45;
	v31 =	vtrunc.f32 v31  }
0x696: {  	v31 =	vcvt.f32.s32 v31;
	v32 =	vmul.f32 v32, v11;
	[tilespmem:v14+s17+$0x0] =	vst.idx.add.f32.msk $0xffff, v45  }
0x697: {  	v35 =	vtrunc.f32 v35;
	v38 =	vmul.f32 v38, v5;
	[tilespmem:v14+s18+$0x0] =	vst.idx.add.f32.msk $0xffff, v33  }
0x698: {  	v14 =	vcvt.f32.s32 v35;
	vm1 =	vgt.s32 v31, $0x0;
	v33 =	vsub.f32 v32, v3;
	v35 =	vld [tilespmem:s29+$0x180];
	s29 =	smov.u32 s0;
	s0 =	smov.u32 s20  }
0x699: {  	[tilespmem:v15+s18+$0x0] =	vst.idx.add.f32.msk $0xffff, v29;
	v15 =	vnsel vm1, $0x0, v31;
	v29 =	vmul.f32 v36, v10;
	v31 =	vtrunc.f32 v38  }
0x69a: {  	vm1 =	vgt.s32 v14, $0x0;
	v36 =	vld [tilespmem:s14+$0x40];
	v15 =	vmin.u32 v15, $0xFFF;
	v33 =	vmul.f32 v33, v5  }
0x69b: {  	v14 =	vnsel vm1, $0x0, v14;
	v31 =	vcvt.f32.s32 v31;
	[tilespmem:v30+s17+$0x0] =	vst.idx.add.f32.msk $0xffff, v45;
	v38 =	vsub.f32 v29, v3  }
0x69c: {  	v14 =	vmin.u32 v14, $0xFFF;
	[tilespmem:v30+s18+$0x0] =	vst.idx.add.f32.msk $0xffff, v34;
	v30 =	vtrunc.f32 v33  }
0x69d: {  	vm1 =	vgt.s32 v31, $0x0;
	v33 =	vld [tilespmem:s14+$0xFFFFFEB0];
	v30 =	vcvt.f32.s32 v30;
	v34 =	vmul.f32 v35, v9;
	v9 =	vmovc v11;
	v11 =	vmovc v24  }
0x69e: {  	v35 =	vmul.f32 v38, v5;
	v31 =	vnsel vm1, $0x0, v31;
	v24 =	vmov v19;
	[tilespmem:v28+s17+$0x0] =	vst.idx.add.f32.msk $0xffff, v45  }
0x69f: {  	v19 =	vmul.f32 v36, v21;
	[tilespmem:v15+s17+$0x0] =	vst.idx.add.f32.msk $0xffff, v45;
	vm1 =	vgt.s32 v30, $0x0;
	v36 =	vsub.f32 v34, v3  }
0x6a0: {  	[tilespmem:v15+s18+$0x0] =	vst.idx.add.f32.msk $0xffff, v25;
	v15 =	vtrunc.f32 v35;
	v25 =	vnsel vm1, $0x0, v30;
	v30 =	vmin.u32 v31, $0xFFF  }
0x6a1: {  	v31 =	vsub.f32 v19, v3;
	v35 =	vld [tilespmem:s1+$0xB0];
	v25 =	vmin.u32 v25, $0xFFF;
	v36 =	vmul.f32 v36, v5  }
0x6a2: {  	v15 =	vcvt.f32.s32 v15;
	v33 =	vmul.f32 v33, v20;
	[tilespmem:v14+s17+$0x0] =	vst.idx.add.f32.msk $0xffff, v45  }
0x6a3: {  	v31 =	vmul.f32 v31, v5;
	[tilespmem:v14+s18+$0x0] =	vst.idx.add.f32.msk $0xffff, v40;
	v14 =	vtrunc.f32 v36  }
0x6a4: {  	vm1 =	vgt.s32 v15, $0x0;
	v36 =	vsub.f32 v33, v3;
	v38 =	vld [tilespmem:s1+$0xFFFFFF10];
	v14 =	vcvt.f32.s32 v14  }
0x6a5: {  	v15 =	vnsel vm1, $0x0, v15;
	v31 =	vtrunc.f32 v31;
	[tilespmem:v30+s17+$0x0] =	vst.idx.add.f32.msk $0xffff, v45  }
0x6a6: {  	v31 =	vcvt.f32.s32 v31;
	v35 =	vmul.f32 v35, v26;
	[tilespmem:v25+s17+$0x0] =	vst.idx.add.f32.msk $0xffff, v45;
	vm1 =	vgt.s32 v14, $0x0  }
0x6a7: {  	v15 =	vmin.u32 v15, $0xFFF;
	v36 =	vmul.f32 v36, v5;
	[tilespmem:v25+s18+$0x0] =	vst.idx.add.f32.msk $0xffff, v32;
	v14 =	vnsel vm1, $0x0, v14  }
0x6a8: {  	vm1 =	vgt.s32 v31, $0x0;
	v25 =	vsub.f32 v35, v3;
	v32 =	vld [tilespmem:s28+$0x120];
	v14 =	vmin.u32 v14, $0xFFF  }
0x6a9: {  	v36 =	vtrunc.f32 v36;
	v31 =	vnsel vm1, $0x0, v31;
	v38 =	vmul.f32 v38, v27;
	[tilespmem:v30+s18+$0x0] =	vst.idx.add.f32.msk $0xffff, v37  }
0x6aa: {  	v30 =	vcvt.f32.s32 v36;
	v31 =	vmin.u32 v31, $0xFFF;
	v25 =	vmul.f32 v25, v5;
	v36 =	vld [tilespmem:s25+$0xFFFFFFB0]  }
0x6ab: {  	v37 =	vsub.f32 v38, v3;
	[tilespmem:v28+s18+$0x0] =	vst.idx.add.f32.msk $0xffff, v1  }
0x6ac: {  	vm1 =	vgt.s32 v30, $0x0;
	v1 =	vtrunc.f32 v25;
	[tilespmem:v15+s17+$0x0] =	vst.idx.add.f32.msk $0xffff, v45  }
0x6ad: {  	v25 =	vnsel vm1, $0x0, v30;
	v1 =	vcvt.f32.s32 v1;
	v28 =	vmul.f32 v32, v9;
	[tilespmem:v14+s17+$0x0] =	vst.idx.add.f32.msk $0xffff, v45  }
0x6ae: {  	v25 =	vmin.u32 v25, $0xFFF;
	v30 =	vmul.f32 v37, v5;
	[tilespmem:v14+s18+$0x0] =	vst.idx.add.f32.msk $0xffff, v34  }
0x6af: {  	[tilespmem:v31+s17+$0x0] =	vst.idx.add.f32.msk $0xffff, v45;
	vm1 =	vgt.s32 v1, $0x0;
	v14 =	vsub.f32 v28, v3;
	v32 =	vmul.f32 v36, v8  }
0x6b0: {  	[tilespmem:v31+s18+$0x0] =	vst.idx.add.f32.msk $0xffff, v19;
	v19 =	vtrunc.f32 v30;
	v1 =	vnsel vm1, $0x0, v1  }
0x6b1: {  	v30 =	vld [tilespmem:s14+$0x50];
	v19 =	vcvt.f32.s32 v19;
	v1 =	vmin.u32 v1, $0xFFF;
	v14 =	vmul.f32 v14, v5  }
0x6b2: {  	[tilespmem:v15+s18+$0x0] =	vst.idx.add.f32.msk $0xffff, v29;
	v15 =	vsub.f32 v32, v3  }
0x6b3: {  	[tilespmem:v25+s17+$0x0] =	vst.idx.add.f32.msk $0xffff, v45;
	vm1 =	vgt.s32 v19, $0x0;
	v14 =	vtrunc.f32 v14  }
0x6b4: {  	[tilespmem:v25+s18+$0x0] =	vst.idx.add.f32.msk $0xffff, v33;
	v19 =	vnsel vm1, $0x0, v19;
	v14 =	vcvt.f32.s32 v14;
	v15 =	vmul.f32 v15, v5  }
0x6b5: {  	v25 =	vld [tilespmem:s14+$0xFFFFFEC0];
	v19 =	vmin.u32 v19, $0xFFF  }
0x6b6: {  	v30 =	vmul.f32 v30, v21;
	[tilespmem:v1+s17+$0x0] =	vst.idx.add.f32.msk $0xffff, v45;
	vm1 =	vgt.s32 v14, $0x0;
	v15 =	vtrunc.f32 v15  }
0x6b7: {  	[tilespmem:v1+s18+$0x0] =	vst.idx.add.f32.msk $0xffff, v35;
	v1 =	vnsel vm1, $0x0, v14;
	v14 =	vcvt.f32.s32 v15  }
0x6b8: {  	v15 =	vsub.f32 v30, v3;
	v29 =	vld [tilespmem:s1+$0xC0];
	v1 =	vmin.u32 v1, $0xFFF  }
0x6b9: {  	v31 =	vld [tilespmem:s11+$0x100];
	vm1 =	vgt.s32 v14, $0x0  }
0x6ba: {  	v33 =	vmul.f32 v25, v20;
	v15 =	vmul.f32 v15, v5;
	[tilespmem:v19+s17+$0x0] =	vst.idx.add.f32.msk $0xffff, v45;
	v14 =	vnsel vm1, $0x0, v14  }
0x6bb: {  	[tilespmem:v19+s18+$0x0] =	vst.idx.add.f32.msk $0xffff, v38;
	v14 =	vmin.u32 v14, $0xFFF  }
0x6bc: {  	v34 =	vsel vm0, v26, v11;
	v26 =	vmovc v21;
	v19 =	vsub.f32 v33, v3;
	v15 =	vtrunc.f32 v15;
	v25 =	vld [tilespmem:s1+$0xFFFFFF20]  }
0x6bd: {  	v15 =	vcvt.f32.s32 v15;
	v21 =	vmul.f32 v29, v34;
	[tilespmem:v1+s17+$0x0] =	vst.idx.add.f32.msk $0xffff, v45  }
0x6be: {  	v19 =	vmul.f32 v19, v5;
	v34 =	vmul.f32 v31, v10;
	[tilespmem:v1+s18+$0x0] =	vst.idx.add.f32.msk $0xffff, v28  }
0x6bf: {  	vm1 =	vgt.s32 v15, $0x0;
	v1 =	vsub.f32 v21, v3;
	v28 =	vld [tilespmem:s28+$0x130]  }
0x6c0: {  	v19 =	vtrunc.f32 v19;
	v15 =	vnsel vm1, $0x0, v15;
	v31 =	vsub.f32 v34, v3;
	[tilespmem:v14+s17+$0x0] =	vst.idx.add.f32.msk $0xffff, v45  }
0x6c1: {  	v19 =	vcvt.f32.s32 v19;
	v15 =	vmin.u32 v15, $0xFFF;
	v1 =	vmul.f32 v1, v5;
	[tilespmem:v14+s18+$0x0] =	vst.idx.add.f32.msk $0xffff, v32  }
0x6c2: {  	v29 =	vmul.f32 v25, v27;
	v27 =	vmov v20;
	v14 =	vmul.f32 v31, v5;
	v31 =	vld [tilespmem:s25+$0xFFFFFFC0]  }
0x6c3: {  	vm1 =	vgt.s32 v19, $0x0;
	v1 =	vtrunc.f32 v1;
	v20 =	vld [tilespmem:s23+$0xFFFFFFE0];
	s23 =	smov.u32 s25;
	s25 =	smov.u32 s28;
	s28 =	smov.u32 s1  }
0x6c4: {  	s1 =	smov.u32 s14;
	v19 =	vnsel vm1, $0x0, v19;
	v1 =	vcvt.f32.s32 v1;
	v25 =	vmul.f32 v28, v9;
	v28 =	vld [tilespmem:s24+$0x180];
	s24 =	smov.u32 s26;
	s26 =	smov.u32 s30  }
0x6c5: {  	v14 =	vtrunc.f32 v14;
	s30 =	smov.u32 s11;
	s11 =	smov.u32 s19;
	v32 =	vmin.u32 v19, $0xFFF;
	v19 =	vsub.f32 v29, v3;
	[tilespmem:v22+s17+$0x0] =	vst.idx.add.f32.msk $0xffff, v45  }
0x6c6: {  	v14 =	vcvt.f32.s32 v14;
	[tilespmem:v15+s17+$0x0] =	vst.idx.add.f32.msk $0xffff, v45;
	vm1 =	vgt.s32 v1, $0x0;
	v35 =	vsub.f32 v25, v3  }
0x6c7: {  	[tilespmem:v15+s18+$0x0] =	vst.idx.add.f32.msk $0xffff, v30;
	v15 =	vmul.f32 v19, v5;
	v1 =	vnsel vm1, $0x0, v1;
	v19 =	vmul.f32 v31, v8  }
0x6c8: {  	vm1 =	vgt.s32 v14, $0x0;
	v30 =	vld [tilespmem:s14+$0x60];
	v36 =	vmin.u32 v1, $0xFFF;
	v1 =	vmul.f32 v35, v5  }
0x6c9: {  	v14 =	vnsel vm1, $0x0, v14;
	v15 =	vtrunc.f32 v15;
	v31 =	vsub.f32 v19, v3;
	[tilespmem:v22+s18+$0x0] =	vst.idx.add.f32.msk $0xffff, v0  }
0x6ca: {  	v35 =	vmin.u32 v14, $0xFFF;
	[tilespmem:v32+s17+$0x0] =	vst.idx.add.f32.msk $0xffff, v45;
	v22 =	vcvt.f32.s32 v15;
	v0 =	vtrunc.f32 v1  }
0x6cb: {  	[tilespmem:v32+s18+$0x0] =	vst.idx.add.f32.msk $0xffff, v33;
	v14 =	vcvt.f32.s32 v0;
	v32 =	vmul.f32 v31, v5  }
0x6cc: {  	v15 =	vmul.f32 v20, v7;
	v0 =	vmul.f32 v28, v6;
	v6 =	vmovc v7;
	v7 =	vmovc v8;
	v33 =	vld [tilespmem:s14+$0xFFFFFED0];
	vm1 =	vgt.s32 v22, $0x0  }
.Ltmp4:
0x6cd: {  	v8 =	vmovc v10;
	v31 =	vmul.f32 v30, v26;
	v1 =	vnsel vm1, $0x0, v22;
	[tilespmem:v36+s17+$0x0] =	vst.idx.add.f32.msk $0xffff, v45;
	vm1 =	vgt.s32 v14, $0x0;
	(pc) =	sbr.rel @p0 .LBB2_10-.Ltmp4, $4  }
0x6ce: {  	v10 =	vmovc v23;
	v23 =	vmovc v18;
	v1 =	vmin.u32 v1, $0xFFF;
	[tilespmem:v36+s18+$0x0] =	vst.idx.add.f32.msk $0xffff, v21;
	v20 =	vnsel vm1, $0x0, v14;
	v21 =	vtrunc.f32 v32  }
0x6cf: {  	v32 =	vsub.f32 v31, v3;
	v14 =	vld [tilespmem:s28+$0xD0];
	v28 =	vmin.u32 v20, $0xFFF;
	v22 =	vcvt.f32.s32 v21  }
0x6d0: {  	v18 =	vsub.f32 v0, v3;
	v20 =	vsub.f32 v15, v3;
	[tilespmem:v35+s17+$0x0] =	vst.idx.add.f32.msk $0xffff, v45  }
0x6d1: {  	s31 =	sadd.s32 $0x40, s31;
	v30 =	vmul.f32 v33, v27;
	v32 =	vmul.f32 v32, v5;
	[tilespmem:v35+s18+$0x0] =	vst.idx.add.f32.msk $0xffff, v34;
	vm1 =	vgt.s32 v22, $0x0  }
0x6d2: {  	_ = 	snop  }
0x6d3: {  	v21 =	vtrunc.f32 v32  }
0x6d4: {  	v21 =	vcvt.f32.s32 v21;
	_ =	sdelay $0x1  }
0x6d5: {  	vm2 =	vgt.s32 v21, $0x0  }
0x6d6: {  	v21 =	vnsel vm2, $0x0, v21  }
0x6d7: {  	v21 =	vmin.u32 v21, $0xFFF;
	_ =	sdelay $0x1  }
0x6d8: {  	v55 =	vsub.f32 v30, v3;
	_ =	sdelay $0x1  }
0x6d9: {  	v32 =	vmul.f32 v55, v5  }
0x6da: {  	[tilespmem:v21+s17+$0x0] =	vst.idx.add.f32.msk $0xffff, v45  }
0x6db: {  	v32 =	vtrunc.f32 v32;
	[tilespmem:v21+s18+$0x0] =	vst.idx.add.f32.msk $0xffff, v31  }
0x6dc: {  	v32 =	vcvt.f32.s32 v32;
	v21 =	vld [tilespmem:s1+$0x70];
	_ =	sdelay $0x1  }
0x6dd: {  	vm2 =	vgt.s32 v32, $0x0  }
0x6de: {  	v56 =	vnsel vm2, $0x0, v32  }
0x6df: {  	v31 =	vmin.u32 v56, $0xFFF  }
0x6e0: {  	v21 =	vmul.f32 v21, v26;
	_ =	sdelay $0x1  }
0x6e1: {  	v57 =	vsub.f32 v21, v3;
	_ =	sdelay $0x1  }
0x6e2: {  	[tilespmem:v31+s17+$0x0] =	vst.idx.add.f32.msk $0xffff, v45;
	v32 =	vmul.f32 v57, v5  }
0x6e3: {  	[tilespmem:v31+s18+$0x0] =	vst.idx.add.f32.msk $0xffff, v30  }
0x6e4: {  	v30 =	vld [tilespmem:s1+$0xFFFFFEE0];
	v58 =	vtrunc.f32 v32  }
0x6e5: {  	v31 =	vcvt.f32.s32 v58;
	_ =	sdelay $0x1  }
0x6e6: {  	vm2 =	vgt.s32 v31, $0x0  }
0x6e7: {  	v31 =	vnsel vm2, $0x0, v31  }
0x6e8: {  	v30 =	vmul.f32 v30, v27;
	v31 =	vmin.u32 v31, $0xFFF;
	_ =	sdelay $0x1  }
0x6e9: {  	v59 =	vsub.f32 v30, v3;
	_ =	sdelay $0x1  }
0x6ea: {  	s12 =	sadd.s32 $0x320, s21;
	v32 =	vmul.f32 v59, v5  }
0x6eb: {  	s14 =	sadd.s32 $0x190, s12;
	[tilespmem:v31+s17+$0x0] =	vst.idx.add.f32.msk $0xffff, v45  }
0x6ec: {  	s14 =	sand.u32 $0x1FFF0, s14;
	v32 =	vtrunc.f32 v32;
	[tilespmem:v31+s18+$0x0] =	vst.idx.add.f32.msk $0xffff, v21  }
0x6ed: {  	v60 =	vcvt.f32.s32 v32;
	v31 =	vld [tilespmem:s14+$0x80];
	_ =	sdelay $0x1  }
0x6ee: {  	vm2 =	vgt.s32 v60, $0x0  }
0x6ef: {  	v21 =	vnsel vm2, $0x0, v60  }
0x6f0: {  	v21 =	vmin.u32 v21, $0xFFF  }
0x6f1: {  	v31 =	vmul.f32 v31, v26;
	_ =	sdelay $0x1  }
0x6f2: {  	v61 =	vsub.f32 v31, v3;
	_ =	sdelay $0x1  }
0x6f3: {  	[tilespmem:v21+s17+$0x0] =	vst.idx.add.f32.msk $0xffff, v45;
	v32 =	vmul.f32 v61, v5  }
0x6f4: {  	s12 =	sand.u32 $0x1FFE0, s12;
	[tilespmem:v21+s18+$0x0] =	vst.idx.add.f32.msk $0xffff, v30  }
0x6f5: {  	v21 =	vld [tilespmem:s12+$0x80];
	v62 =	vtrunc.f32 v32  }
0x6f6: {  	v30 =	vcvt.f32.s32 v62;
	_ =	sdelay $0x1  }
0x6f7: {  	vm2 =	vgt.s32 v30, $0x0  }
0x6f8: {  	v30 =	vnsel vm2, $0x0, v30  }
0x6f9: {  	v21 =	vmul.f32 v21, v27;
	v30 =	vmin.u32 v30, $0xFFF;
	_ =	sdelay $0x1  }
0x6fa: {  	v63 =	vsub.f32 v21, v3;
	_ =	sdelay $0x1  }
0x6fb: {  	v32 =	vmul.f32 v63, v5  }
0x6fc: {  	[tilespmem:v30+s17+$0x0] =	vst.idx.add.f32.msk $0xffff, v45  }
0x6fd: {  	v32 =	vtrunc.f32 v32;
	[tilespmem:v30+s18+$0x0] =	vst.idx.add.f32.msk $0xffff, v31  }
0x6fe: {  	v35 =	vcvt.f32.s32 v32;
	v31 =	vld [tilespmem:s1+$0x90];
	_ =	sdelay $0x1  }
0x6ff: {  	vm2 =	vgt.s32 v35, $0x0  }
0x700: {  	v30 =	vnsel vm2, $0x0, v35  }
0x701: {  	v30 =	vmin.u32 v30, $0xFFF  }
0x702: {  	v31 =	vmul.f32 v31, v26;
	_ =	sdelay $0x1  }
0x703: {  	v36 =	vsub.f32 v31, v3;
	_ =	sdelay $0x1  }
0x704: {  	[tilespmem:v30+s17+$0x0] =	vst.idx.add.f32.msk $0xffff, v45;
	v32 =	vmul.f32 v36, v5  }
0x705: {  	[tilespmem:v30+s18+$0x0] =	vst.idx.add.f32.msk $0xffff, v21  }
0x706: {  	v21 =	vld [tilespmem:s1+$0xFFFFFF00];
	v37 =	vtrunc.f32 v32  }
0x707: {  	v30 =	vcvt.f32.s32 v37;
	_ =	sdelay $0x1  }
0x708: {  	vm2 =	vgt.s32 v30, $0x0  }
0x709: {  	v30 =	vnsel vm2, $0x0, v30  }
0x70a: {  	v21 =	vmul.f32 v21, v27;
	v30 =	vmin.u32 v30, $0xFFF;
	_ =	sdelay $0x1  }
0x70b: {  	v38 =	vsub.f32 v21, v3;
	_ =	sdelay $0x1  }
0x70c: {  	v32 =	vmul.f32 v38, v5  }
0x70d: {  	[tilespmem:v30+s17+$0x0] =	vst.idx.add.f32.msk $0xffff, v45  }
0x70e: {  	v32 =	vtrunc.f32 v32;
	[tilespmem:v30+s18+$0x0] =	vst.idx.add.f32.msk $0xffff, v31  }
0x70f: {  	v39 =	vcvt.f32.s32 v32;
	v31 =	vld [tilespmem:s1+$0xA0];
	_ =	sdelay $0x1  }
0x710: {  	vm2 =	vgt.s32 v39, $0x0  }
0x711: {  	v30 =	vnsel vm2, $0x0, v39  }
0x712: {  	v30 =	vmin.u32 v30, $0xFFF  }
0x713: {  	v31 =	vmul.f32 v31, v26;
	_ =	sdelay $0x1  }
0x714: {  	v40 =	vsub.f32 v31, v3;
	_ =	sdelay $0x1  }
0x715: {  	[tilespmem:v30+s17+$0x0] =	vst.idx.add.f32.msk $0xffff, v45;
	v32 =	vmul.f32 v40, v5  }
0x716: {  	[tilespmem:v30+s18+$0x0] =	vst.idx.add.f32.msk $0xffff, v21  }
0x717: {  	v21 =	vld [tilespmem:s1+$0xFFFFFF10];
	v41 =	vtrunc.f32 v32  }
0x718: {  	v30 =	vcvt.f32.s32 v41;
	_ =	sdelay $0x1  }
0x719: {  	vm2 =	vgt.s32 v30, $0x0  }
0x71a: {  	v30 =	vnsel vm2, $0x0, v30  }
0x71b: {  	v21 =	vmul.f32 v21, v27;
	v30 =	vmin.u32 v30, $0xFFF;
	_ =	sdelay $0x1  }
0x71c: {  	v42 =	vsub.f32 v21, v3;
	_ =	sdelay $0x1  }
0x71d: {  	v32 =	vmul.f32 v42, v5  }
0x71e: {  	[tilespmem:v30+s17+$0x0] =	vst.idx.add.f32.msk $0xffff, v45  }
0x71f: {  	v32 =	vtrunc.f32 v32;
	[tilespmem:v30+s18+$0x0] =	vst.idx.add.f32.msk $0xffff, v31  }
0x720: {  	v43 =	vcvt.f32.s32 v32;
	v31 =	vld [tilespmem:s1+$0xB0];
	_ =	sdelay $0x1  }
0x721: {  	vm2 =	vgt.s32 v43, $0x0  }
0x722: {  	v30 =	vnsel vm2, $0x0, v43  }
0x723: {  	v30 =	vmin.u32 v30, $0xFFF  }
0x724: {  	v31 =	vmul.f32 v31, v26;
	_ =	sdelay $0x1  }
0x725: {  	v44 =	vsub.f32 v31, v3;
	_ =	sdelay $0x1  }
0x726: {  	[tilespmem:v30+s17+$0x0] =	vst.idx.add.f32.msk $0xffff, v45;
	v32 =	vmul.f32 v44, v5  }
0x727: {  	[tilespmem:v30+s18+$0x0] =	vst.idx.add.f32.msk $0xffff, v21  }
0x728: {  	v21 =	vld [tilespmem:s1+$0xFFFFFF20];
	v46 =	vtrunc.f32 v32  }
0x729: {  	v30 =	vcvt.f32.s32 v46;
	_ =	sdelay $0x1  }
0x72a: {  	vm2 =	vgt.s32 v30, $0x0  }
0x72b: {  	v30 =	vnsel vm2, $0x0, v30  }
0x72c: {  	v21 =	vmul.f32 v21, v27;
	v47 =	vmin.u32 v30, $0xFFF;
	_ =	sdelay $0x1  }
0x72d: {  	v48 =	vsub.f32 v21, v3;
	_ =	sdelay $0x1  }
0x72e: {  	v30 =	vmul.f32 v48, v5  }
0x72f: {  	[tilespmem:v47+s17+$0x0] =	vst.idx.add.f32.msk $0xffff, v45  }
0x730: {  	v30 =	vtrunc.f32 v30;
	[tilespmem:v47+s18+$0x0] =	vst.idx.add.f32.msk $0xffff, v31  }
0x731: {  	v49 =	vcvt.f32.s32 v30;
	v50 =	vld [tilespmem:s1+$0xC0];
	_ =	sdelay $0x1  }
0x732: {  	vm2 =	vgt.s32 v49, $0x0  }
0x733: {  	v27 =	vnsel vm2, $0x0, v49  }
0x734: {  	v51 =	vsel vm0, v26, v24;
	[tilespmem:v1+s17+$0x0] =	vst.idx.add.f32.msk $0xffff, v45;
	v27 =	vmin.u32 v27, $0xFFF  }
0x735: {  	[tilespmem:v1+s18+$0x0] =	vst.idx.add.f32.msk $0xffff, v29;
	v26 =	vmul.f32 v50, v51  }
0x736: {  	v1 =	vld [tilespmem:s28+$0xFFFFFF30]  }
0x737: {  	v52 =	vsub.f32 v26, v3;
	_ =	sdelay $0x1  }
0x738: {  	[tilespmem:v27+s17+$0x0] =	vst.idx.add.f32.msk $0xffff, v45;
	v29 =	vmul.f32 v52, v5  }
0x739: {  	[tilespmem:v27+s18+$0x0] =	vst.idx.add.f32.msk $0xffff, v21  }
0x73a: {  	v1 =	vmul.f32 v1, v16;
	v21 =	vld [tilespmem:s1+$0xFFFFFF30];
	v53 =	vtrunc.f32 v29  }
0x73b: {  	v54 =	vcvt.f32.s32 v53  }
0x73c: {  	v55 =	vsub.f32 v1, v3  }
0x73d: {  	vm2 =	vgt.s32 v54, $0x0  }
0x73e: {  	v56 =	vmul.f32 v55, v5;
	v16 =	vnsel vm2, $0x0, v54  }
0x73f: {  	v17 =	vmul.f32 v21, v17;
	v16 =	vmin.u32 v16, $0xFFF  }
0x740: {  	v21 =	vtrunc.f32 v56  }
0x741: {  	v21 =	vcvt.f32.s32 v21;
	v57 =	vsub.f32 v17, v3;
	_ =	sdelay $0x1  }
0x742: {  	vm2 =	vgt.s32 v21, $0x0;
	v27 =	vmul.f32 v57, v5  }
0x743: {  	v21 =	vnsel vm2, $0x0, v21;
	[tilespmem:v16+s17+$0x0] =	vst.idx.add.f32.msk $0xffff, v45  }
0x744: {  	v21 =	vmin.u32 v21, $0xFFF;
	v27 =	vtrunc.f32 v27;
	[tilespmem:v16+s18+$0x0] =	vst.idx.add.f32.msk $0xffff, v26  }
0x745: {  	v14 =	vmul.f32 v14, v11;
	v58 =	vcvt.f32.s32 v27;
	v26 =	vld [tilespmem:s1+$0xD0];
	_ =	sdelay $0x1  }
0x746: {  	v59 =	vsub.f32 v14, v3;
	vm2 =	vgt.s32 v58, $0x0  }
0x747: {  	v16 =	vnsel vm2, $0x0, v58  }
0x748: {  	v27 =	vmul.f32 v59, v5;
	[tilespmem:v21+s17+$0x0] =	vst.idx.add.f32.msk $0xffff, v45;
	v16 =	vmin.u32 v16, $0xFFF  }
0x749: {  	[tilespmem:v21+s18+$0x0] =	vst.idx.add.f32.msk $0xffff, v1;
	v26 =	vmul.f32 v26, v24  }
0x74a: {  	v1 =	vtrunc.f32 v27;
	v21 =	vld [tilespmem:s28+$0xFFFFFF40]  }
0x74b: {  	v1 =	vcvt.f32.s32 v1;
	v60 =	vsub.f32 v26, v3;
	_ =	sdelay $0x1  }
0x74c: {  	vm2 =	vgt.s32 v1, $0x0;
	[tilespmem:v16+s17+$0x0] =	vst.idx.add.f32.msk $0xffff, v45;
	v27 =	vmul.f32 v60, v5  }
0x74d: {  	v1 =	vnsel vm2, $0x0, v1;
	[tilespmem:v16+s18+$0x0] =	vst.idx.add.f32.msk $0xffff, v17  }
0x74e: {  	v1 =	vmin.u32 v1, $0xFFF;
	v21 =	vmul.f32 v21, v10;
	v16 =	vld [tilespmem:s1+$0xFFFFFF40];
	v61 =	vtrunc.f32 v27  }
0x74f: {  	v17 =	vcvt.f32.s32 v61  }
0x750: {  	v62 =	vsub.f32 v21, v3  }
0x751: {  	vm2 =	vgt.s32 v17, $0x0  }
0x752: {  	v27 =	vmul.f32 v62, v5;
	v17 =	vnsel vm2, $0x0, v17  }
0x753: {  	[tilespmem:v1+s17+$0x0] =	vst.idx.add.f32.msk $0xffff, v45;
	v16 =	vmul.f32 v16, v23;
	v17 =	vmin.u32 v17, $0xFFF  }
0x754: {  	[tilespmem:v1+s18+$0x0] =	vst.idx.add.f32.msk $0xffff, v14;
	v1 =	vtrunc.f32 v27  }
0x755: {  	v14 =	vld [tilespmem:s28+$0xE0];
	v63 =	vsub.f32 v16, v3;
	v1 =	vcvt.f32.s32 v1;
	_ =	sdelay $0x1  }
0x756: {  	v31 =	vmul.f32 v63, v5;
	vm2 =	vgt.s32 v1, $0x0  }
0x757: {  	v1 =	vnsel vm2, $0x0, v1;
	[tilespmem:v17+s17+$0x0] =	vst.idx.add.f32.msk $0xffff, v45  }
0x758: {  	v27 =	vtrunc.f32 v31;
	v1 =	vmin.u32 v1, $0xFFF;
	[tilespmem:v17+s18+$0x0] =	vst.idx.add.f32.msk $0xffff, v26  }
0x759: {  	v14 =	vmul.f32 v14, v11;
	v32 =	vcvt.f32.s32 v27;
	v26 =	vld [tilespmem:s1+$0xE0];
	_ =	sdelay $0x1  }
0x75a: {  	v33 =	vsub.f32 v14, v3;
	vm2 =	vgt.s32 v32, $0x0  }
0x75b: {  	v17 =	vnsel vm2, $0x0, v32  }
0x75c: {  	v27 =	vmul.f32 v33, v5;
	v17 =	vmin.u32 v17, $0xFFF;
	[tilespmem:v1+s17+$0x0] =	vst.idx.add.f32.msk $0xffff, v45  }
0x75d: {  	[tilespmem:v1+s18+$0x0] =	vst.idx.add.f32.msk $0xffff, v21;
	v26 =	vmul.f32 v26, v24  }
0x75e: {  	v1 =	vtrunc.f32 v27;
	v21 =	vld [tilespmem:s28+$0xFFFFFF50]  }
0x75f: {  	v1 =	vcvt.f32.s32 v1;
	v34 =	vsub.f32 v26, v3;
	_ =	sdelay $0x1  }
0x760: {  	vm2 =	vgt.s32 v1, $0x0;
	[tilespmem:v17+s17+$0x0] =	vst.idx.add.f32.msk $0xffff, v45;
	v27 =	vmul.f32 v34, v5  }
0x761: {  	v1 =	vnsel vm2, $0x0, v1;
	[tilespmem:v17+s18+$0x0] =	vst.idx.add.f32.msk $0xffff, v16  }
0x762: {  	v1 =	vmin.u32 v1, $0xFFF;
	v16 =	vld [tilespmem:s1+$0xFFFFFF50];
	v21 =	vmul.f32 v21, v10;
	v35 =	vtrunc.f32 v27  }
0x763: {  	v17 =	vcvt.f32.s32 v35  }
0x764: {  	v36 =	vsub.f32 v21, v3  }
0x765: {  	vm2 =	vgt.s32 v17, $0x0  }
0x766: {  	v27 =	vmul.f32 v36, v5;
	v17 =	vnsel vm2, $0x0, v17  }
0x767: {  	[tilespmem:v1+s17+$0x0] =	vst.idx.add.f32.msk $0xffff, v45;
	v16 =	vmul.f32 v16, v23;
	v17 =	vmin.u32 v17, $0xFFF  }
0x768: {  	[tilespmem:v1+s18+$0x0] =	vst.idx.add.f32.msk $0xffff, v14;
	v1 =	vtrunc.f32 v27  }
0x769: {  	v14 =	vld [tilespmem:s28+$0xF0];
	v37 =	vsub.f32 v16, v3;
	v1 =	vcvt.f32.s32 v1;
	_ =	sdelay $0x1  }
0x76a: {  	v38 =	vmul.f32 v37, v5;
	vm2 =	vgt.s32 v1, $0x0  }
0x76b: {  	v1 =	vnsel vm2, $0x0, v1;
	[tilespmem:v17+s17+$0x0] =	vst.idx.add.f32.msk $0xffff, v45  }
0x76c: {  	v27 =	vtrunc.f32 v38;
	v1 =	vmin.u32 v1, $0xFFF;
	[tilespmem:v17+s18+$0x0] =	vst.idx.add.f32.msk $0xffff, v26  }
0x76d: {  	v14 =	vmul.f32 v14, v11;
	v39 =	vcvt.f32.s32 v27;
	v26 =	vld [tilespmem:s1+$0xF0];
	_ =	sdelay $0x1  }
0x76e: {  	v40 =	vsub.f32 v14, v3;
	vm2 =	vgt.s32 v39, $0x0  }
0x76f: {  	v17 =	vnsel vm2, $0x0, v39  }
0x770: {  	v27 =	vmul.f32 v40, v5;
	v17 =	vmin.u32 v17, $0xFFF;
	[tilespmem:v1+s17+$0x0] =	vst.idx.add.f32.msk $0xffff, v45  }
0x771: {  	[tilespmem:v1+s18+$0x0] =	vst.idx.add.f32.msk $0xffff, v21;
	v26 =	vmul.f32 v26, v24  }
0x772: {  	v1 =	vtrunc.f32 v27;
	v21 =	vld [tilespmem:s28+$0xFFFFFF60]  }
0x773: {  	v1 =	vcvt.f32.s32 v1;
	v41 =	vsub.f32 v26, v3;
	_ =	sdelay $0x1  }
0x774: {  	vm2 =	vgt.s32 v1, $0x0;
	[tilespmem:v17+s17+$0x0] =	vst.idx.add.f32.msk $0xffff, v45;
	v27 =	vmul.f32 v41, v5  }
0x775: {  	v1 =	vnsel vm2, $0x0, v1;
	[tilespmem:v17+s18+$0x0] =	vst.idx.add.f32.msk $0xffff, v16  }
0x776: {  	v1 =	vmin.u32 v1, $0xFFF;
	v16 =	vld [tilespmem:s1+$0xFFFFFF60];
	v21 =	vmul.f32 v21, v10;
	v42 =	vtrunc.f32 v27  }
0x777: {  	v17 =	vcvt.f32.s32 v42  }
0x778: {  	v43 =	vsub.f32 v21, v3  }
0x779: {  	vm2 =	vgt.s32 v17, $0x0  }
0x77a: {  	v27 =	vmul.f32 v43, v5;
	v17 =	vnsel vm2, $0x0, v17  }
0x77b: {  	[tilespmem:v1+s17+$0x0] =	vst.idx.add.f32.msk $0xffff, v45;
	v16 =	vmul.f32 v16, v23;
	v17 =	vmin.u32 v17, $0xFFF  }
0x77c: {  	[tilespmem:v1+s18+$0x0] =	vst.idx.add.f32.msk $0xffff, v14;
	v1 =	vtrunc.f32 v27  }
0x77d: {  	v14 =	vld [tilespmem:s0+$0x100];
	v44 =	vsub.f32 v16, v3;
	v1 =	vcvt.f32.s32 v1;
	_ =	sdelay $0x1  }
0x77e: {  	v46 =	vmul.f32 v44, v5;
	vm2 =	vgt.s32 v1, $0x0  }
0x77f: {  	v1 =	vnsel vm2, $0x0, v1;
	[tilespmem:v17+s17+$0x0] =	vst.idx.add.f32.msk $0xffff, v45  }
0x780: {  	v27 =	vtrunc.f32 v46;
	v1 =	vmin.u32 v1, $0xFFF;
	[tilespmem:v17+s18+$0x0] =	vst.idx.add.f32.msk $0xffff, v26  }
0x781: {  	v14 =	vmul.f32 v14, v11;
	v47 =	vcvt.f32.s32 v27;
	v26 =	vld [tilespmem:s14+$0x100];
	_ =	sdelay $0x1  }
0x782: {  	v48 =	vsub.f32 v14, v3;
	vm2 =	vgt.s32 v47, $0x0  }
0x783: {  	v17 =	vnsel vm2, $0x0, v47  }
0x784: {  	v27 =	vmul.f32 v48, v5;
	v17 =	vmin.u32 v17, $0xFFF;
	[tilespmem:v1+s17+$0x0] =	vst.idx.add.f32.msk $0xffff, v45  }
0x785: {  	[tilespmem:v1+s18+$0x0] =	vst.idx.add.f32.msk $0xffff, v21;
	v26 =	vmul.f32 v26, v24  }
0x786: {  	v1 =	vtrunc.f32 v27;
	v21 =	vld [tilespmem:s11+$0x100]  }
0x787: {  	v1 =	vcvt.f32.s32 v1;
	v49 =	vsub.f32 v26, v3;
	_ =	sdelay $0x1  }
0x788: {  	vm2 =	vgt.s32 v1, $0x0;
	[tilespmem:v17+s17+$0x0] =	vst.idx.add.f32.msk $0xffff, v45;
	v27 =	vmul.f32 v49, v5  }
0x789: {  	v1 =	vnsel vm2, $0x0, v1;
	[tilespmem:v17+s18+$0x0] =	vst.idx.add.f32.msk $0xffff, v16  }
0x78a: {  	v1 =	vmin.u32 v1, $0xFFF;
	v16 =	vld [tilespmem:s12+$0x100];
	v21 =	vmul.f32 v21, v10;
	v50 =	vtrunc.f32 v27  }
0x78b: {  	v17 =	vcvt.f32.s32 v50  }
0x78c: {  	v51 =	vsub.f32 v21, v3  }
0x78d: {  	vm2 =	vgt.s32 v17, $0x0  }
0x78e: {  	v27 =	vmul.f32 v51, v5;
	v17 =	vnsel vm2, $0x0, v17  }
0x78f: {  	[tilespmem:v1+s17+$0x0] =	vst.idx.add.f32.msk $0xffff, v45;
	v16 =	vmul.f32 v16, v23;
	v17 =	vmin.u32 v17, $0xFFF  }
0x790: {  	[tilespmem:v1+s18+$0x0] =	vst.idx.add.f32.msk $0xffff, v14;
	v1 =	vtrunc.f32 v27  }
0x791: {  	v14 =	vld [tilespmem:s28+$0x110];
	v52 =	vsub.f32 v16, v3;
	v1 =	vcvt.f32.s32 v1;
	_ =	sdelay $0x1  }
0x792: {  	v53 =	vmul.f32 v52, v5;
	vm2 =	vgt.s32 v1, $0x0  }
0x793: {  	v1 =	vnsel vm2, $0x0, v1;
	[tilespmem:v17+s17+$0x0] =	vst.idx.add.f32.msk $0xffff, v45  }
0x794: {  	v27 =	vtrunc.f32 v53;
	v1 =	vmin.u32 v1, $0xFFF;
	[tilespmem:v17+s18+$0x0] =	vst.idx.add.f32.msk $0xffff, v26  }
0x795: {  	v14 =	vmul.f32 v14, v11;
	v54 =	vcvt.f32.s32 v27;
	v26 =	vld [tilespmem:s1+$0x110]  }
0x796: {  	v56 =	vld [tilespmem:s25+$0xFFFFFF80]  }
0x797: {  	v55 =	vsub.f32 v14, v3;
	vm2 =	vgt.s32 v54, $0x0  }
0x798: {  	v17 =	vnsel vm2, $0x0, v54  }
0x799: {  	v27 =	vmul.f32 v55, v5;
	v17 =	vmin.u32 v17, $0xFFF;
	[tilespmem:v1+s17+$0x0] =	vst.idx.add.f32.msk $0xffff, v45  }
0x79a: {  	[tilespmem:v1+s18+$0x0] =	vst.idx.add.f32.msk $0xffff, v21;
	v26 =	vmul.f32 v26, v24  }
0x79b: {  	v29 =	vmul.f32 v56, v8;
	v1 =	vtrunc.f32 v27;
	v21 =	vld [tilespmem:s28+$0xFFFFFF80]  }
0x79c: {  	v1 =	vcvt.f32.s32 v1;
	v57 =	vsub.f32 v26, v3  }
0x79d: {  	v58 =	vsub.f32 v29, v3  }
0x79e: {  	vm2 =	vgt.s32 v1, $0x0;
	[tilespmem:v17+s17+$0x0] =	vst.idx.add.f32.msk $0xffff, v45;
	v27 =	vmul.f32 v57, v5  }
0x79f: {  	v1 =	vnsel vm2, $0x0, v1;
	[tilespmem:v17+s18+$0x0] =	vst.idx.add.f32.msk $0xffff, v16;
	v17 =	vmul.f32 v58, v5  }
0x7a0: {  	v1 =	vmin.u32 v1, $0xFFF;
	v21 =	vmul.f32 v21, v10;
	v27 =	vtrunc.f32 v27  }
0x7a1: {  	v27 =	vcvt.f32.s32 v27  }
0x7a2: {  	v16 =	vld [tilespmem:s1+$0xFFFFFF80];
	v17 =	vtrunc.f32 v17;
	v59 =	vsub.f32 v21, v3  }
0x7a3: {  	v17 =	vcvt.f32.s32 v17;
	vm2 =	vgt.s32 v27, $0x0  }
0x7a4: {  	v30 =	vmul.f32 v59, v5;
	v27 =	vnsel vm2, $0x0, v27  }
0x7a5: {  	[tilespmem:v1+s17+$0x0] =	vst.idx.add.f32.msk $0xffff, v45;
	vm2 =	vgt.s32 v17, $0x0;
	v27 =	vmin.u32 v27, $0xFFF  }
0x7a6: {  	[tilespmem:v1+s18+$0x0] =	vst.idx.add.f32.msk $0xffff, v14;
	v1 =	vtrunc.f32 v30;
	v61 =	vnsel vm2, $0x0, v17  }
0x7a7: {  	v16 =	vmul.f32 v16, v23;
	v1 =	vcvt.f32.s32 v1;
	v14 =	vmin.u32 v61, $0xFFF  }
0x7a8: {  	v62 =	vld [tilespmem:s28+$0x120]  }
0x7a9: {  	v60 =	vsub.f32 v16, v3;
	vm2 =	vgt.s32 v1, $0x0  }
0x7aa: {  	v1 =	vnsel vm2, $0x0, v1;
	[tilespmem:v27+s17+$0x0] =	vst.idx.add.f32.msk $0xffff, v45  }
0x7ab: {  	v63 =	vmul.f32 v60, v5;
	v1 =	vmin.u32 v1, $0xFFF;
	[tilespmem:v27+s18+$0x0] =	vst.idx.add.f32.msk $0xffff, v26  }
0x7ac: {  	[tilespmem:v14+s17+$0x0] =	vst.idx.add.f32.msk $0xffff, v45  }
0x7ad: {  	v30 =	vtrunc.f32 v63;
	v17 =	vmul.f32 v62, v11;
	v27 =	vld [tilespmem:s1+$0x120]  }
0x7ae: {  	v32 =	vcvt.f32.s32 v30;
	[tilespmem:v14+s18+$0x0] =	vst.idx.add.f32.msk $0xffff, v29  }
0x7af: {  	v33 =	vsub.f32 v17, v3;
	v29 =	vld [tilespmem:s25+$0xFFFFFF90]  }
0x7b0: {  	vm2 =	vgt.s32 v32, $0x0;
	[tilespmem:v1+s17+$0x0] =	vst.idx.add.f32.msk $0xffff, v45  }
0x7b1: {  	v26 =	vnsel vm2, $0x0, v32;
	v14 =	vmul.f32 v33, v5;
	[tilespmem:v1+s18+$0x0] =	vst.idx.add.f32.msk $0xffff, v21  }
0x7b2: {  	v26 =	vmin.u32 v26, $0xFFF;
	v34 =	vld [tilespmem:s28+$0xFFFFFF90];
	v27 =	vmul.f32 v27, v24  }
0x7b3: {  	v1 =	vtrunc.f32 v14  }
0x7b4: {  	v1 =	vcvt.f32.s32 v1;
	v29 =	vmul.f32 v29, v8;
	v35 =	vsub.f32 v27, v3;
	_ =	sdelay $0x1  }
0x7b5: {  	[tilespmem:v28+s17+$0x0] =	vst.idx.add.f32.msk $0xffff, v45;
	vm2 =	vgt.s32 v1, $0x0;
	v36 =	vsub.f32 v29, v3;
	v21 =	vmul.f32 v35, v5  }
0x7b6: {  	[tilespmem:v26+s17+$0x0] =	vst.idx.add.f32.msk $0xffff, v45;
	v1 =	vnsel vm2, $0x0, v1;
	v14 =	vmul.f32 v34, v10  }
0x7b7: {  	[tilespmem:v26+s18+$0x0] =	vst.idx.add.f32.msk $0xffff, v16;
	v1 =	vmin.u32 v1, $0xFFF;
	v26 =	vmul.f32 v36, v5;
	v21 =	vtrunc.f32 v21  }
0x7b8: {  	[tilespmem:v28+s18+$0x0] =	vst.idx.add.f32.msk $0xffff, v25;
	v21 =	vcvt.f32.s32 v21  }
0x7b9: {  	v16 =	vld [tilespmem:s1+$0xFFFFFF90];
	v37 =	vsub.f32 v14, v3;
	v26 =	vtrunc.f32 v26  }
0x7ba: {  	v28 =	vld [tilespmem:s25+$0x140];
	v26 =	vcvt.f32.s32 v26;
	vm2 =	vgt.s32 v21, $0x0  }
0x7bb: {  	v25 =	vmul.f32 v37, v5;
	v21 =	vnsel vm2, $0x0, v21  }
0x7bc: {  	[tilespmem:v1+s17+$0x0] =	vst.idx.add.f32.msk $0xffff, v45;
	vm2 =	vgt.s32 v26, $0x0;
	v21 =	vmin.u32 v21, $0xFFF  }
0x7bd: {  	[tilespmem:v1+s18+$0x0] =	vst.idx.add.f32.msk $0xffff, v17;
	v1 =	vtrunc.f32 v25;
	v39 =	vnsel vm2, $0x0, v26  }
0x7be: {  	v16 =	vmul.f32 v16, v23;
	v1 =	vcvt.f32.s32 v1;
	v17 =	vmin.u32 v39, $0xFFF  }
0x7bf: {  	v28 =	vmul.f32 v28, v9;
	v40 =	vld [tilespmem:s28+$0x130]  }
0x7c0: {  	v38 =	vsub.f32 v16, v3;
	vm2 =	vgt.s32 v1, $0x0  }
0x7c1: {  	v42 =	vsub.f32 v28, v3;
	v1 =	vnsel vm2, $0x0, v1;
	[tilespmem:v21+s17+$0x0] =	vst.idx.add.f32.msk $0xffff, v45  }
0x7c2: {  	v41 =	vmul.f32 v38, v5;
	v1 =	vmin.u32 v1, $0xFFF;
	[tilespmem:v21+s18+$0x0] =	vst.idx.add.f32.msk $0xffff, v27  }
0x7c3: {  	v46 =	vmul.f32 v42, v5;
	[tilespmem:v17+s17+$0x0] =	vst.idx.add.f32.msk $0xffff, v45  }
0x7c4: {  	v26 =	vtrunc.f32 v41;
	v25 =	vmul.f32 v40, v11;
	v44 =	vld [tilespmem:s1+$0x130]  }
0x7c5: {  	v43 =	vcvt.f32.s32 v26;
	[tilespmem:v17+s18+$0x0] =	vst.idx.add.f32.msk $0xffff, v29  }
0x7c6: {  	v47 =	vsub.f32 v25, v3;
	v27 =	vtrunc.f32 v46;
	v29 =	vld [tilespmem:s25+$0xFFFFFFA0]  }
0x7c7: {  	vm2 =	vgt.s32 v43, $0x0;
	v27 =	vcvt.f32.s32 v27;
	[tilespmem:v1+s17+$0x0] =	vst.idx.add.f32.msk $0xffff, v45  }
0x7c8: {  	v21 =	vnsel vm2, $0x0, v43;
	v17 =	vmul.f32 v47, v5;
	[tilespmem:v1+s18+$0x0] =	vst.idx.add.f32.msk $0xffff, v14  }
0x7c9: {  	v21 =	vmin.u32 v21, $0xFFF;
	vm2 =	vgt.s32 v27, $0x0;
	v14 =	vld [tilespmem:s28+$0xFFFFFFA0];
	v26 =	vmul.f32 v44, v24  }
0x7ca: {  	v1 =	vtrunc.f32 v17;
	v27 =	vnsel vm2, $0x0, v27  }
0x7cb: {  	v1 =	vcvt.f32.s32 v1;
	v29 =	vmul.f32 v29, v8;
	v48 =	vsub.f32 v26, v3  }
0x7cc: {  	v27 =	vmin.u32 v27, $0xFFF  }
0x7cd: {  	vm2 =	vgt.s32 v1, $0x0;
	v49 =	vsub.f32 v29, v3;
	v17 =	vmul.f32 v48, v5  }
0x7ce: {  	[tilespmem:v21+s17+$0x0] =	vst.idx.add.f32.msk $0xffff, v45;
	v1 =	vnsel vm2, $0x0, v1;
	v14 =	vmul.f32 v14, v10  }
0x7cf: {  	[tilespmem:v21+s18+$0x0] =	vst.idx.add.f32.msk $0xffff, v16;
	v1 =	vmin.u32 v1, $0xFFF;
	v21 =	vmul.f32 v49, v5;
	v17 =	vtrunc.f32 v17  }
0x7d0: {  	v16 =	vld [tilespmem:s1+$0xFFFFFFA0];
	v17 =	vcvt.f32.s32 v17  }
0x7d1: {  	[tilespmem:v27+s17+$0x0] =	vst.idx.add.f32.msk $0xffff, v45;
	v50 =	vsub.f32 v14, v3;
	v21 =	vtrunc.f32 v21  }
0x7d2: {  	[tilespmem:v27+s18+$0x0] =	vst.idx.add.f32.msk $0xffff, v28;
	v21 =	vcvt.f32.s32 v21;
	vm2 =	vgt.s32 v17, $0x0  }
0x7d3: {  	v27 =	vld [tilespmem:s25+$0x150];
	v51 =	vmul.f32 v50, v5;
	v17 =	vnsel vm2, $0x0, v17  }
0x7d4: {  	[tilespmem:v1+s17+$0x0] =	vst.idx.add.f32.msk $0xffff, v45;
	vm2 =	vgt.s32 v21, $0x0;
	v17 =	vmin.u32 v17, $0xFFF  }
0x7d5: {  	v16 =	vmul.f32 v16, v23;
	[tilespmem:v1+s18+$0x0] =	vst.idx.add.f32.msk $0xffff, v25;
	v1 =	vtrunc.f32 v51;
	v21 =	vnsel vm2, $0x0, v21  }
0x7d6: {  	v25 =	vld [tilespmem:s28+$0x140];
	v1 =	vcvt.f32.s32 v1;
	v21 =	vmin.u32 v21, $0xFFF  }
0x7d7: {  	v52 =	vsub.f32 v16, v3  }
0x7d8: {  	vm2 =	vgt.s32 v1, $0x0  }
0x7d9: {  	v53 =	vmul.f32 v52, v5;
	v27 =	vmul.f32 v27, v9;
	v1 =	vnsel vm2, $0x0, v1;
	[tilespmem:v17+s17+$0x0] =	vst.idx.add.f32.msk $0xffff, v45  }
0x7da: {  	v1 =	vmin.u32 v1, $0xFFF;
	[tilespmem:v17+s18+$0x0] =	vst.idx.add.f32.msk $0xffff, v26  }
0x7db: {  	v28 =	vtrunc.f32 v53;
	v55 =	vsub.f32 v27, v3;
	v25 =	vmul.f32 v25, v11;
	[tilespmem:v21+s17+$0x0] =	vst.idx.add.f32.msk $0xffff, v45  }
0x7dc: {  	v54 =	vcvt.f32.s32 v28;
	v56 =	vld [tilespmem:s1+$0x140]  }
0x7dd: {  	v57 =	vsub.f32 v25, v3;
	v26 =	vmul.f32 v55, v5;
	[tilespmem:v21+s18+$0x0] =	vst.idx.add.f32.msk $0xffff, v29  }
0x7de: {  	vm2 =	vgt.s32 v54, $0x0;
	v29 =	vld [tilespmem:s25+$0xFFFFFFB0]  }
0x7df: {  	v17 =	vnsel vm2, $0x0, v54;
	v21 =	vmul.f32 v57, v5;
	[tilespmem:v1+s17+$0x0] =	vst.idx.add.f32.msk $0xffff, v45;
	v26 =	vtrunc.f32 v26  }
0x7e0: {  	v17 =	vmin.u32 v17, $0xFFF;
	[tilespmem:v1+s18+$0x0] =	vst.idx.add.f32.msk $0xffff, v14;
	v26 =	vcvt.f32.s32 v26  }
0x7e1: {  	v1 =	vtrunc.f32 v21;
	v14 =	vld [tilespmem:s28+$0xFFFFFFB0];
	v28 =	vmul.f32 v56, v24  }
0x7e2: {  	v1 =	vcvt.f32.s32 v1  }
0x7e3: {  	vm2 =	vgt.s32 v26, $0x0;
	v29 =	vmul.f32 v29, v8;
	v58 =	vsub.f32 v28, v3  }
0x7e4: {  	v26 =	vnsel vm2, $0x0, v26  }
0x7e5: {  	[tilespmem:v17+s17+$0x0] =	vst.idx.add.f32.msk $0xffff, v45;
	vm2 =	vgt.s32 v1, $0x0;
	v60 =	vsub.f32 v29, v3;
	v21 =	vmul.f32 v58, v5  }
0x7e6: {  	[tilespmem:v17+s18+$0x0] =	vst.idx.add.f32.msk $0xffff, v16;
	v59 =	vmin.u32 v26, $0xFFF;
	v1 =	vnsel vm2, $0x0, v1;
	v14 =	vmul.f32 v14, v10  }
0x7e7: {  	v17 =	vld [tilespmem:s1+$0xFFFFFFB0];
	v1 =	vmin.u32 v1, $0xFFF;
	v26 =	vmul.f32 v60, v5;
	v21 =	vtrunc.f32 v21  }
0x7e8: {  	v21 =	vcvt.f32.s32 v21  }
0x7e9: {  	v61 =	vsub.f32 v14, v3;
	v26 =	vtrunc.f32 v26  }
0x7ea: {  	v26 =	vcvt.f32.s32 v26;
	vm2 =	vgt.s32 v21, $0x0  }
0x7eb: {  	v30 =	vmul.f32 v61, v5;
	v21 =	vnsel vm2, $0x0, v21  }
0x7ec: {  	v17 =	vmul.f32 v17, v23;
	[tilespmem:v1+s17+$0x0] =	vst.idx.add.f32.msk $0xffff, v45;
	vm2 =	vgt.s32 v26, $0x0;
	v21 =	vmin.u32 v21, $0xFFF  }
0x7ed: {  	[tilespmem:v1+s18+$0x0] =	vst.idx.add.f32.msk $0xffff, v25;
	v1 =	vtrunc.f32 v30;
	v63 =	vnsel vm2, $0x0, v26  }
0x7ee: {  	v62 =	vsub.f32 v17, v3;
	v1 =	vcvt.f32.s32 v1;
	v35 =	vmin.u32 v63, $0xFFF  }
0x7ef: {  	v33 =	vld [tilespmem:s28+$0x150]  }
0x7f0: {  	[tilespmem:v59+s17+$0x0] =	vst.idx.add.f32.msk $0xffff, v45;
	v34 =	vmul.f32 v62, v5;
	vm2 =	vgt.s32 v1, $0x0  }
0x7f1: {  	v1 =	vnsel vm2, $0x0, v1;
	[tilespmem:v21+s17+$0x0] =	vst.idx.add.f32.msk $0xffff, v45  }
0x7f2: {  	v36 =	vtrunc.f32 v34;
	v1 =	vmin.u32 v1, $0xFFF;
	[tilespmem:v21+s18+$0x0] =	vst.idx.add.f32.msk $0xffff, v28  }
0x7f3: {  	v37 =	vcvt.f32.s32 v36;
	[tilespmem:v35+s17+$0x0] =	vst.idx.add.f32.msk $0xffff, v45  }
0x7f4: {  	v26 =	vmul.f32 v33, v11;
	v38 =	vld [tilespmem:s1+$0x150]  }
0x7f5: {  	vm2 =	vgt.s32 v37, $0x0;
	[tilespmem:v35+s18+$0x0] =	vst.idx.add.f32.msk $0xffff, v29  }
0x7f6: {  	v39 =	vsub.f32 v26, v3;
	v21 =	vnsel vm2, $0x0, v37;
	v40 =	vld [tilespmem:s25+$0xFFFFFFC0]  }
0x7f7: {  	v21 =	vmin.u32 v21, $0xFFF;
	[tilespmem:v1+s17+$0x0] =	vst.idx.add.f32.msk $0xffff, v45  }
0x7f8: {  	v16 =	vmul.f32 v39, v5;
	[tilespmem:v1+s18+$0x0] =	vst.idx.add.f32.msk $0xffff, v14  }
0x7f9: {  	v1 =	vnsel vm1, $0x0, v22;
	v42 =	vld [tilespmem:s28+$0xFFFFFFC0];
	v25 =	vmul.f32 v38, v24  }
0x7fa: {  	[tilespmem:v59+s18+$0x0] =	vst.idx.add.f32.msk $0xffff, v27;
	v41 =	vtrunc.f32 v16;
	v1 =	vmin.u32 v1, $0xFFF  }
0x7fb: {  	v27 =	vld [tilespmem:s25+$0x160];
	v14 =	vcvt.f32.s32 v41;
	v28 =	vmul.f32 v40, v8;
	v43 =	vsub.f32 v25, v3  }
0x7fc: {  	[tilespmem:v21+s17+$0x0] =	vst.idx.add.f32.msk $0xffff, v45  }
0x7fd: {  	vm1 =	vgt.s32 v14, $0x0;
	[tilespmem:v21+s18+$0x0] =	vst.idx.add.f32.msk $0xffff, v17;
	v44 =	vsub.f32 v28, v3;
	v22 =	vmul.f32 v43, v5  }
0x7fe: {  	v14 =	vnsel vm1, $0x0, v14;
	v17 =	vld [tilespmem:s1+$0xFFFFFFC0];
	v16 =	vmul.f32 v42, v10  }
0x7ff: {  	v14 =	vmin.u32 v14, $0xFFF;
	[tilespmem:v1+s17+$0x0] =	vst.idx.add.f32.msk $0xffff, v45;
	v21 =	vmul.f32 v44, v5;
	v22 =	vtrunc.f32 v22  }
0x800: {  	[tilespmem:v1+s18+$0x0] =	vst.idx.add.f32.msk $0xffff, v19;
	v22 =	vcvt.f32.s32 v22  }
0x801: {  	v46 =	vsub.f32 v16, v3;
	v47 =	vld [tilespmem:s23+$0xFFFFFFD0];
	v21 =	vtrunc.f32 v21  }
0x802: {  	v21 =	vcvt.f32.s32 v21;
	vm1 =	vgt.s32 v22, $0x0  }
0x803: {  	v19 =	vmul.f32 v46, v5;
	v17 =	vmul.f32 v17, v23;
	v22 =	vnsel vm1, $0x0, v22  }
0x804: {  	v1 =	vmul.f32 v27, v9;
	[tilespmem:v14+s17+$0x0] =	vst.idx.add.f32.msk $0xffff, v45;
	vm1 =	vgt.s32 v21, $0x0;
	v22 =	vmin.u32 v22, $0xFFF  }
0x805: {  	[tilespmem:v14+s18+$0x0] =	vst.idx.add.f32.msk $0xffff, v26;
	v50 =	vtrunc.f32 v19;
	v48 =	vsub.f32 v17, v3;
	v51 =	vnsel vm1, $0x0, v21  }
0x806: {  	v52 =	vld [tilespmem:s28+$0x160];
	v14 =	vcvt.f32.s32 v50;
	v27 =	vmul.f32 v47, v7;
	v19 =	vmin.u32 v51, $0xFFF  }
0x807: {  	v49 =	vsub.f32 v1, v3;
	v53 =	vmul.f32 v48, v5  }
0x808: {  	vm1 =	vgt.s32 v14, $0x0;
	v55 =	vsub.f32 v27, v3  }
0x809: {  	v54 =	vmul.f32 v49, v5;
	v14 =	vnsel vm1, $0x0, v14;
	v26 =	vtrunc.f32 v53;
	[tilespmem:v22+s17+$0x0] =	vst.idx.add.f32.msk $0xffff, v45  }
0x80a: {  	v14 =	vmin.u32 v14, $0xFFF;
	v59 =	vmul.f32 v55, v5;
	v56 =	vcvt.f32.s32 v26;
	[tilespmem:v22+s18+$0x0] =	vst.idx.add.f32.msk $0xffff, v25  }
0x80b: {  	v21 =	vmul.f32 v52, v11;
	[tilespmem:v19+s17+$0x0] =	vst.idx.add.f32.msk $0xffff, v45  }
0x80c: {  	v57 =	vtrunc.f32 v54;
	v29 =	vtrunc.f32 v59;
	vm1 =	vgt.s32 v56, $0x0;
	v58 =	vld [tilespmem:s1+$0x160]  }
0x80d: {  	v60 =	vsub.f32 v21, v3;
	v25 =	vcvt.f32.s32 v57;
	v22 =	vnsel vm1, $0x0, v56;
	[tilespmem:v19+s18+$0x0] =	vst.idx.add.f32.msk $0xffff, v28  }
0x80e: {  	v61 =	vcvt.f32.s32 v29;
	v22 =	vmin.u32 v22, $0xFFF;
	v62 =	vld [tilespmem:s25+$0xFFFFFFD0]  }
0x80f: {  	v19 =	vmul.f32 v60, v5;
	[tilespmem:v14+s17+$0x0] =	vst.idx.add.f32.msk $0xffff, v45;
	vm1 =	vgt.s32 v25, $0x0  }
0x810: {  	[tilespmem:v14+s18+$0x0] =	vst.idx.add.f32.msk $0xffff, v16;
	v25 =	vnsel vm1, $0x0, v25;
	vm1 =	vgt.s32 v61, $0x0  }
0x811: {  	v63 =	vtrunc.f32 v19;
	v33 =	vld [tilespmem:s28+$0xFFFFFFD0];
	v25 =	vmin.u32 v25, $0xFFF;
	v26 =	vmul.f32 v58, v24  }
0x812: {  	v20 =	vmul.f32 v20, v5;
	v28 =	vnsel vm1, $0x0, v61;
	v14 =	vcvt.f32.s32 v63  }
0x813: {  	v28 =	vmin.u32 v28, $0xFFF;
	[tilespmem:v22+s17+$0x0] =	vst.idx.add.f32.msk $0xffff, v45;
	v29 =	vmul.f32 v62, v8;
	v32 =	vsub.f32 v26, v3  }
0x814: {  	v20 =	vtrunc.f32 v20;
	[tilespmem:v22+s18+$0x0] =	vst.idx.add.f32.msk $0xffff, v17  }
0x815: {  	vm1 =	vgt.s32 v14, $0x0;
	v35 =	vld [tilespmem:s1+$0xFFFFFFD0];
	v36 =	vsub.f32 v29, v3;
	v16 =	vmul.f32 v32, v5  }
0x816: {  	v34 =	vcvt.f32.s32 v20;
	v14 =	vnsel vm1, $0x0, v14;
	v38 =	vmul.f32 v33, v10;
	[tilespmem:v25+s17+$0x0] =	vst.idx.add.f32.msk $0xffff, v45  }
0x817: {  	[tilespmem:v25+s18+$0x0] =	vst.idx.add.f32.msk $0xffff, v1;
	v1 =	vmin.u32 v14, $0xFFF;
	v22 =	vmul.f32 v36, v5;
	v16 =	vtrunc.f32 v16  }
0x818: {  	vm1 =	vgt.s32 v34, $0x0;
	[tilespmem:v28+s17+$0x0] =	vst.idx.add.f32.msk $0xffff, v45;
	v37 =	vcvt.f32.s32 v16  }
0x819: {  	v17 =	vnsel vm1, $0x0, v34;
	v40 =	vsub.f32 v38, v3;
	v39 =	vld [tilespmem:s25+$0x170];
	v22 =	vtrunc.f32 v22  }
0x81a: {  	v17 =	vmin.u32 v17, $0xFFF;
	[tilespmem:v28+s18+$0x0] =	vst.idx.add.f32.msk $0xffff, v27;
	v22 =	vcvt.f32.s32 v22;
	vm1 =	vgt.s32 v37, $0x0  }
0x81b: {  	v27 =	vld [tilespmem:s23+$0xFFFFFFE0];
	v25 =	vmul.f32 v40, v5;
	v20 =	vmul.f32 v35, v23;
	v14 =	vnsel vm1, $0x0, v37  }
0x81c: {  	[tilespmem:v1+s17+$0x0] =	vst.idx.add.f32.msk $0xffff, v45;
	vm1 =	vgt.s32 v22, $0x0;
	v14 =	vmin.u32 v14, $0xFFF  }
0x81d: {  	v41 =	vsub.f32 v20, v3;
	[tilespmem:v1+s18+$0x0] =	vst.idx.add.f32.msk $0xffff, v21;
	v1 =	vtrunc.f32 v25;
	v22 =	vnsel vm1, $0x0, v22  }
0x81e: {  	v19 =	vmul.f32 v39, v9;
	v1 =	vcvt.f32.s32 v1;
	v22 =	vmin.u32 v22, $0xFFF  }
0x81f: {  	v21 =	vld [tilespmem:s28+$0x170];
	v42 =	vmul.f32 v41, v5  }
0x820: {  	[tilespmem:v17+s17+$0x0] =	vst.idx.add.f32.msk $0xffff, v45;
	v43 =	vsub.f32 v19, v3;
	vm1 =	vgt.s32 v1, $0x0  }
0x821: {  	v27 =	vmul.f32 v27, v7;
	v25 =	vtrunc.f32 v42;
	v1 =	vnsel vm1, $0x0, v1;
	[tilespmem:v14+s17+$0x0] =	vst.idx.add.f32.msk $0xffff, v45  }
0x822: {  	v44 =	vcvt.f32.s32 v25;
	v46 =	vmul.f32 v43, v5;
	v1 =	vmin.u32 v1, $0xFFF;
	[tilespmem:v14+s18+$0x0] =	vst.idx.add.f32.msk $0xffff, v26  }
0x823: {  	v47 =	vsub.f32 v27, v3;
	[tilespmem:v22+s17+$0x0] =	vst.idx.add.f32.msk $0xffff, v45  }
0x824: {  	v21 =	vmul.f32 v21, v11;
	vm1 =	vgt.s32 v44, $0x0;
	v25 =	vtrunc.f32 v46;
	v48 =	vld [tilespmem:s1+$0x170]  }
0x825: {  	v26 =	vmul.f32 v47, v5;
	v14 =	vnsel vm1, $0x0, v44;
	v25 =	vcvt.f32.s32 v25;
	[tilespmem:v22+s18+$0x0] =	vst.idx.add.f32.msk $0xffff, v29  }
0x826: {  	v49 =	vsub.f32 v21, v3;
	v14 =	vmin.u32 v14, $0xFFF;
	v51 =	vld [tilespmem:s25+$0xFFFFFFE0]  }
0x827: {  	v50 =	vtrunc.f32 v26;
	vm1 =	vgt.s32 v25, $0x0;
	[tilespmem:v1+s17+$0x0] =	vst.idx.add.f32.msk $0xffff, v45  }
0x828: {  	v52 =	vmul.f32 v49, v5;
	v25 =	vnsel vm1, $0x0, v25;
	v22 =	vcvt.f32.s32 v50;
	[tilespmem:v1+s18+$0x0] =	vst.idx.add.f32.msk $0xffff, v38  }
0x829: {  	v1 =	vmin.u32 v25, $0xFFF;
	v55 =	vld [tilespmem:s28+$0xFFFFFFE0];
	v28 =	vmul.f32 v48, v24  }
0x82a: {  	[tilespmem:v17+s18+$0x0] =	vst.idx.add.f32.msk $0xffff, v15;
	v53 =	vtrunc.f32 v52;
	vm1 =	vgt.s32 v22, $0x0  }
0x82b: {  	v16 =	vcvt.f32.s32 v53;
	[tilespmem:v14+s17+$0x0] =	vst.idx.add.f32.msk $0xffff, v45;
	v26 =	vmul.f32 v51, v8;
	v54 =	vsub.f32 v28, v3  }
0x82c: {  	v22 =	vnsel vm1, $0x0, v22;
	[tilespmem:v14+s18+$0x0] =	vst.idx.add.f32.msk $0xffff, v20  }
0x82d: {  	v20 =	vld [tilespmem:s1+$0xFFFFFFE0];
	vm1 =	vgt.s32 v16, $0x0;
	v57 =	vsub.f32 v26, v3;
	v25 =	vmul.f32 v54, v5  }
0x82e: {  	v56 =	vmin.u32 v22, $0xFFF;
	[tilespmem:v1+s17+$0x0] =	vst.idx.add.f32.msk $0xffff, v45;
	v16 =	vnsel vm1, $0x0, v16;
	v59 =	vmul.f32 v55, v10  }
0x82f: {  	[tilespmem:v1+s18+$0x0] =	vst.idx.add.f32.msk $0xffff, v19;
	v1 =	vmin.u32 v16, $0xFFF;
	v15 =	vmul.f32 v57, v5;
	v58 =	vtrunc.f32 v25  }
0x830: {  	v17 =	vcvt.f32.s32 v58  }
0x831: {  	v62 =	vld [tilespmem:s24+$0x180];
	v61 =	vsub.f32 v59, v3;
	v15 =	vtrunc.f32 v15  }
0x832: {  	v60 =	vld [tilespmem:s29+$0x180];
	v20 =	vmul.f32 v20, v23;
	v15 =	vcvt.f32.s32 v15;
	vm1 =	vgt.s32 v17, $0x0  }
0x833: {  	[tilespmem:v56+s17+$0x0] =	vst.idx.add.f32.msk $0xffff, v45;
	v19 =	vmul.f32 v61, v5;
	v17 =	vnsel vm1, $0x0, v17  }
0x834: {  	v63 =	vsub.f32 v20, v3;
	[tilespmem:v1+s17+$0x0] =	vst.idx.add.f32.msk $0xffff, v45;
	vm1 =	vgt.s32 v15, $0x0;
	v17 =	vmin.u32 v17, $0xFFF  }
0x835: {  	v19 =	vtrunc.f32 v19;
	[tilespmem:v1+s18+$0x0] =	vst.idx.add.f32.msk $0xffff, v21;
	v1 =	vnsel vm1, $0x0, v15  }
0x836: {  	[tilespmem:v56+s18+$0x0] =	vst.idx.add.f32.msk $0xffff, v27;
	v27 =	vcvt.f32.s32 v19;
	v14 =	vmul.f32 v63, v5;
	v1 =	vmin.u32 v1, $0xFFF  }
0x837: {  	v18 =	vmul.f32 v18, v5;
	v32 =	vld [tilespmem:s26+$0x180]  }
0x838: {  	v29 =	vmul.f32 v60, v9;
	v30 =	vld [tilespmem:s0+$0x180];
	vm1 =	vgt.s32 v27, $0x0;
	v14 =	vtrunc.f32 v14  }
0x839: {  	v6 =	vmul.f32 v62, v6;
	v15 =	vnsel vm1, $0x0, v27;
	v14 =	vcvt.f32.s32 v14;
	[tilespmem:v17+s17+$0x0] =	vst.idx.add.f32.msk $0xffff, v45  }
0x83a: {  	v31 =	vsub.f32 v29, v3;
	v15 =	vmin.u32 v15, $0xFFF;
	[tilespmem:v17+s18+$0x0] =	vst.idx.add.f32.msk $0xffff, v28  }
0x83b: {  	v18 =	vtrunc.f32 v18;
	v25 =	vsub.f32 v6, v3;
	vm1 =	vgt.s32 v14, $0x0;
	[tilespmem:v1+s17+$0x0] =	vst.idx.add.f32.msk $0xffff, v45  }
0x83c: {  	v18 =	vcvt.f32.s32 v18;
	v19 =	vmul.f32 v31, v5;
	v14 =	vnsel vm1, $0x0, v14;
	v17 =	vld [tilespmem:s14+$0x180]  }
0x83d: {  	v35 =	vmul.f32 v25, v5;
	v33 =	vmul.f32 v30, v11;
	[tilespmem:v1+s18+$0x0] =	vst.idx.add.f32.msk $0xffff, v26;
	v1 =	vmin.u32 v14, $0xFFF  }
0x83e: {  	v42 =	vmul.f32 v32, v7;
	v19 =	vtrunc.f32 v19;
	v36 =	vld [tilespmem:s30+$0x180]  }
0x83f: {  	vm1 =	vgt.s32 v18, $0x0;
	v34 =	vcvt.f32.s32 v19;
	v37 =	vsub.f32 v33, v3;
	[tilespmem:v15+s17+$0x0] =	vst.idx.add.f32.msk $0xffff, v45  }
0x840: {  	v38 =	vtrunc.f32 v35;
	v44 =	vsub.f32 v42, v3;
	v18 =	vnsel vm1, $0x0, v18;
	[tilespmem:v15+s18+$0x0] =	vst.idx.add.f32.msk $0xffff, v59  }
0x841: {  	vm1 =	vgt.s32 v34, $0x0;
	v39 =	vmul.f32 v37, v5;
	v41 =	vld [tilespmem:s11+$0x180];
	v17 =	vmul.f32 v17, v24  }
0x842: {  	v18 =	vmin.u32 v18, $0xFFF;
	v14 =	vnsel vm1, $0x0, v34;
	v15 =	vcvt.f32.s32 v38;
	[tilespmem:v1+s17+$0x0] =	vst.idx.add.f32.msk $0xffff, v45  }
0x843: {  	v14 =	vmin.u32 v14, $0xFFF;
	v16 =	vtrunc.f32 v39;
	[tilespmem:v1+s18+$0x0] =	vst.idx.add.f32.msk $0xffff, v20;
	v40 =	vsub.f32 v17, v3  }
0x844: {  	vm1 =	vgt.s32 v15, $0x0;
	v1 =	vcvt.f32.s32 v16;
	v46 =	vmul.f32 v36, v8;
	v20 =	vld [tilespmem:s12+$0x180]  }
0x845: {  	v15 =	vnsel vm1, $0x0, v15;
	v16 =	vmul.f32 v44, v5;
	v43 =	vmul.f32 v40, v5  }
0x846: {  	vm1 =	vgt.s32 v1, $0x0;
	v48 =	vsub.f32 v46, v3;
	v49 =	vmul.f32 v41, v10  }
0x847: {  	v16 =	vtrunc.f32 v16;
	v1 =	vnsel vm1, $0x0, v1;
	v21 =	vtrunc.f32 v43  }
0x848: {  	v1 =	vmin.u32 v1, $0xFFF;
	v50 =	vsub.f32 v49, v3;
	v47 =	vcvt.f32.s32 v21  }
0x849: {  	[tilespmem:v18+s17+$0x0] =	vst.idx.add.f32.msk $0xffff, v45;
	v51 =	vmin.u32 v15, $0xFFF;
	v21 =	vmul.f32 v48, v5;
	v20 =	vmul.f32 v20, v23  }
0x84a: {  	[tilespmem:v18+s18+$0x0] =	vst.idx.add.f32.msk $0xffff, v0;
	v52 =	vcvt.f32.s32 v16;
	v55 =	vmul.f32 v50, v5;
	vm1 =	vgt.s32 v47, $0x0  }
0x84b: {  	[tilespmem:v14+s17+$0x0] =	vst.idx.add.f32.msk $0xffff, v45;
	v54 =	vtrunc.f32 v21;
	v56 =	vsub.f32 v20, v3;
	v53 =	vnsel vm1, $0x0, v47  }
0x84c: {  	[tilespmem:v14+s18+$0x0] =	vst.idx.add.f32.msk $0xffff, v29;
	vm1 =	vgt.s32 v52, $0x0;
	v57 =	vcvt.f32.s32 v54;
	v0 =	vmin.u32 v53, $0xFFF  }
0x84d: {  	[tilespmem:v1+s17+$0x0] =	vst.idx.add.f32.msk $0xffff, v45;
	v58 =	vtrunc.f32 v55;
	v14 =	vnsel vm1, $0x0, v52;
	v59 =	vmul.f32 v56, v5  }
0x84e: {  	[tilespmem:v1+s18+$0x0] =	vst.idx.add.f32.msk $0xffff, v33;
	v60 =	vcvt.f32.s32 v58;
	v1 =	vmin.u32 v14, $0xFFF;
	vm1 =	vgt.s32 v57, $0x0  }
0x84f: {  	[tilespmem:v51+s17+$0x0] =	vst.idx.add.f32.msk $0xffff, v45;
	v61 =	vnsel vm1, $0x0, v57;
	v5 =	vtrunc.f32 v59  }
0x850: {  	[tilespmem:v51+s18+$0x0] =	vst.idx.add.f32.msk $0xffff, v6;
	vm1 =	vgt.s32 v60, $0x0;
	v62 =	vmin.u32 v61, $0xFFF;
	v5 =	vcvt.f32.s32 v5  }
0x851: {  	v63 =	vnsel vm1, $0x0, v60;
	[tilespmem:v0+s17+$0x0] =	vst.idx.add.f32.msk $0xffff, v45  }
0x852: {  	vm1 =	vgt.s32 v5, $0x0;
	[tilespmem:v0+s18+$0x0] =	vst.idx.add.f32.msk $0xffff, v17;
	v0 =	vmin.u32 v63, $0xFFF  }
0x853: {  	[tilespmem:v1+s17+$0x0] =	vst.idx.add.f32.msk $0xffff, v45;
	v5 =	vnsel vm1, $0x0, v5  }
0x854: {  	[tilespmem:v1+s18+$0x0] =	vst.idx.add.f32.msk $0xffff, v42;
	v1 =	vmin.u32 v5, $0xFFF  }
0x855: {  	[tilespmem:v62+s17+$0x0] =	vst.idx.add.f32.msk $0xffff, v45  }
0x856: {  	[tilespmem:v62+s18+$0x0] =	vst.idx.add.f32.msk $0xffff, v46  }
0x857: {  	[tilespmem:v0+s17+$0x0] =	vst.idx.add.f32.msk $0xffff, v45  }
0x858: {  	[tilespmem:v0+s18+$0x0] =	vst.idx.add.f32.msk $0xffff, v49  }
0x859: {  	[tilespmem:v1+s17+$0x0] =	vst.idx.add.f32.msk $0xffff, v45  }
0x85a: {  	[tilespmem:v1+s18+$0x0] =	vst.idx.add.f32.msk $0xffff, v20  }
0x85b: {  	[tilespmem:$0x1D500] =	vst v2  }
0x85c: {  	[tilespmem:$0x1D510] =	vst v12  }
0x85d: {  	[tilespmem:$0x1D520] =	vst v13  }
0x85e: {  	[tilespmem:$0x1D530] =	vst v3  }
0x85f: {  	v0 =	vimm.f32 $0.0e+00;
	[tilespmem:$0x1D540] =	vst v4  }
0x860: {  	[tilespmem:$0x1D550] =	vst v0  }
0x861: {  	[tilespmem:$0x1D560] =	vst v0  }
0x862: {  	s29 =	simm.s32 $0x80;
	s30 =	simm.s32 $0x400;
	[tilespmem:$0x1D570] =	vst v0  }
0x863: {  	[hbm4b:s7+s29] =	stream.strided.scatter [tilespmem:s17], [sflag:$0x3], $0x1000, s30, s29, $0x38;
	[tilespmem:$0x1D580] =	vst v63  }
0x864: {  	_ =	swait.ge [sflag:s13], $0x1000  }
0x865: {  	[sflag:s13] =	ssyncset.done $0x0  }
0x866: {  	[sflag:s13] =	ssyncadd.s32 $0xFFFFF000  }
0x867: {  	[hbm4b:s8+s29] =	stream.strided.scatter [tilespmem:s18], [sflag:$0x3], $0x1000, s30, s29, $0x38;
	[tilespmem:$0x1D580] =	vst v63  }
0x868: {  	s22 =	sadd.s32 $0x1, s22;
	_ =	swait.ge [sflag:s13], $0x1000  }
0x869: {  	p0 =	sne.s32 s22, s10;
	[sflag:s13] =	ssyncset.done $0x0  }
.Ltmp5:
0x86a: {  	s31 =	simm.s32 $0x1D500;
	[sflag:s13] =	ssyncadd.s32 $0xFFFFF000;
	(pc) =	sbr.rel @p0 .LBB2_1-.Ltmp5, $4  }
0x86b: {  	[hbm4b:s9+s2] =	stream.linear.scatter [tilespmem:s31], [sflag:$0x3], $0x80, $0x38;
	[tilespmem:$0x1D580] =	vst v63  }
0x86c: {  	_ =	swait.ge [sflag:s13], $0x80  }
0x86d: {  	[sflag:s13] =	ssyncset.done $0x0  }
0x86e: {  	[sflag:s13] =	ssyncadd.s32 $0xFFFFFF80  }
0x86f: {  	_ =	sfence.sel $0x180000  }
0x870: {  	[bflag:$0x0] =	sbarrier.arrive $0xFFFF  }
0x871: {  	_ =	strace $0x90000047  }
0x872: {  	s0 =	stileid.u32;
	[bflag:$0x2] =	sbarrier.arrive $0xFFFF  }
0x873: {  	p0 =	sne.s32 s0, $0x0;
	s0 =	rddreg [dreg:$0x3]  }
0x874: {  	s0 =	sadd.s32 @!p0 $0x100000, s0  }
0x875: {  	[sflag:s0] =	ssyncadd.tile.s32 @!p0 $0x1;
	_ =	shalt  }
.Lfunc_end2:
_tile_overlayer_lowered:
.L_overlay_start_2:
0x876: {  	(tag) =	ssettag $0x2  }
0x877: {  	s0 =	rddreg [dreg:$0x0];
	s2 =	stileid.u32  }
0x878: {  	s1 =	rddreg [dreg:$0x1];
	p0 =	sne.s32 s2, $0x0  }
0x879: {  	s3 =	rddreg [dreg:$0x2];
	[bflag:$0x3] =	sbarrier.arrive $0xFFFF;
	s2 =	simm.s32 @!p0 $0x1C03  }
0x87a: {  	[timem:s3], [sflag:s2] =	dma.local @!p0 [hbm:s0], s1  }
0x87b: {  	s0 =	simm.s32 @!p0 $0x3  }
0x87c: {  	_ =	swait.ge @!p0 [sflag:s0], s1  }
0x87d: {  	s1 =	ssub.s32 @!p0 $0x0, s1;
	[sflag:s0] =	ssyncset.done @!p0 $0x0  }
0x87e: {  	[sflag:s0] =	ssyncadd.s32 @!p0 s1  }
0x87f: {  	[bflag:$0x3] =	sbarrier.arrive $0xFFFF  }
0x880: {  	_ =	shalt  }

</sc_bundles>
